<compile_context>
chip_gen: v7x
topology: tpu7x:2x2x1
jax: 0.10.2.dev20260603
libtpu: 0.0.44.dev20260713+nightly
codegen_flags: <defaults>
</compile_context>

<pallas_src>
import functools

import jax
import jax.numpy as jnp
from jax import lax
from jax.experimental import pallas as pl
from jax.experimental.pallas import tpu as pltpu
from jax.experimental.pallas import tpu_sc as plsc

VOCAB = 100000
EMBED = 128
HIDDEN = 1024
OUT = 1000
B = 16384
L = 20

NC = 2
NS = 16
NW = NC * NS
ELS_PER_TILE = B // NW
CHUNK_ELS = 16
ROWS_PER_CHUNK = CHUNK_ELS * L
IDX_W = 64
DMAS_PER_CHUNK = ROWS_PER_CHUNK // IDX_W
NCHUNK = ELS_PER_TILE // CHUNK_ELS
IDX_ROWS_PER_TILE = ELS_PER_TILE * L // IDX_W
NVREG = EMBED // 16


def _pool_body(x2d, emb, pooled, idx_v, buf0, buf1, outb0, outb1,
               gsem0, gsem1, osem0, osem1):
    c = lax.axis_index("c")
    s = lax.axis_index("s")
    wid = s * NC + c
    base_el = wid * ELS_PER_TILE
    idx_base = wid * IDX_ROWS_PER_TILE

    pltpu.sync_copy(x2d.at[pl.ds(idx_base, IDX_ROWS_PER_TILE)], idx_v)

    def fire(ch, buf, sem):
        for k in range(DMAS_PER_CHUNK):
            pltpu.async_copy(
                emb.at[idx_v.at[ch * DMAS_PER_CHUNK + k]],
                buf.at[pl.ds(k * IDX_W, IDX_W)],
                sem,
            )

    def drain(buf, sem):
        for k in range(DMAS_PER_CHUNK):
            pltpu.make_async_copy(
                emb.at[pl.ds(0, IDX_W)],
                buf.at[pl.ds(k * IDX_W, IDX_W)],
                sem,
            ).wait()

    def accum(buf, outb, ch, osem, i):
        @pl.when(i > 0)
        def _():
            pltpu.make_async_copy(
                outb, pooled.at[pl.ds(0, CHUNK_ELS)], osem).wait()

        @plsc.parallel_loop(0, CHUNK_ELS, 1, unroll=1)
        def _elem(e):
            row = e * L
            for v in range(NVREG):
                sl = pl.ds(v * 16, 16)
                a = buf[row, sl]
                for l in range(1, L):
                    a = a + buf[row + l, sl]
                outb[e, sl] = a
        pltpu.async_copy(
            outb, pooled.at[pl.ds(base_el + ch * CHUNK_ELS, CHUNK_ELS)],
            osem)

    fire(0, buf0, gsem0)
    fire(1, buf1, gsem1)

    def pair(i, carry):
        c0 = i * 2
        drain(buf0, gsem0)
        accum(buf0, outb0, c0, osem0, i)

        @pl.when(i < (NCHUNK // 2 - 1))
        def _():
            fire(c0 + 2, buf0, gsem0)

        drain(buf1, gsem1)
        accum(buf1, outb1, c0 + 1, osem1, i)

        @pl.when(i < (NCHUNK // 2 - 1))
        def _():
            fire(c0 + 3, buf1, gsem1)

        return carry

    lax.fori_loop(0, NCHUNK // 2, pair, 0, unroll=False)
    pltpu.make_async_copy(outb0, pooled.at[pl.ds(0, CHUNK_ELS)], osem0).wait()
    pltpu.make_async_copy(outb1, pooled.at[pl.ds(0, CHUNK_ELS)], osem1).wait()


@functools.lru_cache(maxsize=None)
def _get_pool():
    return pl.kernel(
        _pool_body,
        out_type=jax.ShapeDtypeStruct((B, EMBED), jnp.float32),
        mesh=plsc.VectorSubcoreMesh(core_axis_name="c", subcore_axis_name="s",
                                    num_cores=NC, num_subcores=NS),
        scratch_types=[
            pltpu.VMEM((IDX_ROWS_PER_TILE, IDX_W), jnp.int32),
            pltpu.VMEM((ROWS_PER_CHUNK, EMBED), jnp.float32),
            pltpu.VMEM((ROWS_PER_CHUNK, EMBED), jnp.float32),
            pltpu.VMEM((CHUNK_ELS, EMBED), jnp.float32),
            pltpu.VMEM((CHUNK_ELS, EMBED), jnp.float32),
            pltpu.SemaphoreType.DMA,
            pltpu.SemaphoreType.DMA,
            pltpu.SemaphoreType.DMA,
            pltpu.SemaphoreType.DMA,
        ],
    )

BM = 512


def _mlp_body(pooled_ref, w1t_ref, b1_ref, w2t_ref, b2_ref, out_ref):
    xb = pooled_ref[...].astype(jnp.bfloat16)
    ht = lax.dot_general(w1t_ref[...], xb, (((1,), (1,)), ((), ())),
                         preferred_element_type=jnp.float32)
    ht = jnp.maximum(ht + b1_ref[...], 0.0).astype(jnp.bfloat16)
    zt = lax.dot_general(w2t_ref[...], ht, (((1,), (0,)), ((), ())),
                         preferred_element_type=jnp.float32)
    zt = zt + b2_ref[...]
    e = jnp.exp(zt)
    out_ref[...] = e * (1.0 / jnp.sum(e, axis=0, keepdims=True))


_mlp = pl.pallas_call(
    _mlp_body,
    grid=(B // BM,),
    in_specs=[
        pl.BlockSpec((BM, EMBED), lambda i: (i, 0)),
        pl.BlockSpec((HIDDEN, EMBED), lambda i: (0, 0)),
        pl.BlockSpec((HIDDEN, 1), lambda i: (0, 0)),
        pl.BlockSpec((OUT, HIDDEN), lambda i: (0, 0)),
        pl.BlockSpec((OUT, 1), lambda i: (0, 0)),
    ],
    out_specs=pl.BlockSpec((OUT, BM), lambda i: (0, i)),
    out_shape=jax.ShapeDtypeStruct((OUT, B), jnp.float32),
)


@jax.jit
def kernel(x, emb, W1, b1, W2, b2):
    x2d = x.reshape(B * L // IDX_W, IDX_W)
    pooled = _get_pool()(x2d, emb)
    w1t = (W1 * (1.0 / L)).T.astype(jnp.bfloat16)
    w2t = W2.T.astype(jnp.bfloat16)
    outT = _mlp(pooled, w1t, b1.reshape(HIDDEN, 1), w2t, b2.reshape(OUT, 1))
    return outT.T

# --- scband reference (transcript-rebuilt; emitter-appended) ---
"""Pipeline reference for scband-text-classifier-72593537237011 (READ-ONLY COPY).

The authoritative reference and input builder live on the scoring server;
editing this copy changes nothing except your own understanding.
"""

import jax, jax.numpy as jnp
import numpy as np

VOCAB = 100000
EMBED = 128
HIDDEN = 1024
OUT = 1000
B = 16384
L = 20


def setup_inputs(seed: int = 0) -> dict:
    key = jax.random.key(seed)
    k1, k2, k3, k4, k5, k6 = jax.random.split(key, 6)
    x = jax.random.randint(k1, (B, L), 0, VOCAB, dtype=jnp.int32)
    emb = jax.random.normal(k2, (VOCAB, EMBED), dtype=jnp.float32) * 0.02
    W1 = jax.random.normal(k3, (EMBED, HIDDEN), dtype=jnp.float32) * (1.0 / np.sqrt(EMBED))
    b1 = jnp.zeros((HIDDEN,), dtype=jnp.float32)
    W2 = jax.random.normal(k4, (HIDDEN, OUT), dtype=jnp.float32) * (1.0 / np.sqrt(HIDDEN))
    b2 = jnp.zeros((OUT,), dtype=jnp.float32)
    return {"x": x, "emb": emb, "W1": W1, "b1": b1, "W2": W2, "b2": b2}


def reference(x, emb, W1, b1, W2, b2):
    # embedding lookup: gather rows of the table, then mean over sequence dim
    embedded = jnp.take(emb, x, axis=0)          # [B, L, EMBED]
    pooled = jnp.mean(embedded, axis=1)           # [B, EMBED]
    hidden = jax.nn.relu(pooled @ W1 + b1)        # [B, HIDDEN]
    logits = hidden @ W2 + b2                     # [B, OUT]
    return jax.nn.softmax(logits, axis=1)

if __name__ == "__main__":
    import jax
    _d = setup_inputs()
    print(jax.jit(kernel)(*tuple(_d.values())))

</pallas_src>

<mosaic_0001>
#map = affine_map<(d0, d1) -> (0, 0)>
module attributes {stable_mosaic.version = 14 : i64} {
  func.func @_pool_body(%arg0: i32, %arg1: i32, %arg2: memref<5120x64xi32, #tpu.memory_space<hbm>>, %arg3: memref<100000x128xf32, #tpu.memory_space<hbm>>, %arg4: memref<16384x128xf32, #tpu.memory_space<hbm>>, %arg5: memref<160x64xi32, #tpu.memory_space<vmem>>, %arg6: memref<320x128xf32, #tpu.memory_space<vmem>>, %arg7: memref<320x128xf32, #tpu.memory_space<vmem>>, %arg8: memref<16x128xf32, #tpu.memory_space<vmem>>, %arg9: memref<16x128xf32, #tpu.memory_space<vmem>>, %arg10: memref<!tpu.dma_semaphore, #tpu.memory_space<semaphore_mem>>, %arg11: memref<!tpu.dma_semaphore, #tpu.memory_space<semaphore_mem>>, %arg12: memref<!tpu.dma_semaphore, #tpu.memory_space<semaphore_mem>>, %arg13: memref<!tpu.dma_semaphore, #tpu.memory_space<semaphore_mem>>) attributes {dimension_semantics = [#tpu.dimension_semantics<core_parallel>, #tpu.dimension_semantics<subcore_parallel>], iteration_bounds = array<i64: 2, 16>, scalar_prefetch = 0 : i64, scratch_operands = 9 : i64, tpu.core_type = #tpu.core_type<sc_vector_subcore>, window_params = [{transform_indices = #map}, {transform_indices = #map}, {transform_indices = #map}]} {
    %mul3A = arith.constant 2 : i32
    %mul3A_0 = arith.muli %arg1, %mul3A : i32
    %add3A = arith.addi %mul3A_0, %arg0 : i32
    %mul3A_1 = arith.constant 512 : i32
    %mul3A_2 = arith.muli %add3A, %mul3A_1 : i32
    %mul3A_3 = arith.constant 160 : i32
    %mul3A_4 = arith.muli %add3A, %mul3A_3 : i32
    "tpu.region"() ({
      %run_scoped3A = tpu.sem_alloc : memref<!tpu.dma_semaphore, #tpu.memory_space<semaphore_mem>>
      %dma_start3A_120 = arith.constant 0 : i32
      %dma_start3A_121 = tpu.memref_slice %arg2[%mul3A_4, %dma_start3A_120] : memref<5120x64xi32, #tpu.memory_space<hbm>> -> memref<160x64xi32, #tpu.memory_space<hbm>>
      %dma_start3A_122 = arith.constant 0 : i32
      %dma_start3A_123 = tpu.memref_slice %arg2[%mul3A_4, %dma_start3A_122] : memref<5120x64xi32, #tpu.memory_space<hbm>> -> memref<160x64xi32, #tpu.memory_space<hbm>>
      tpu.enqueue_dma source(%dma_start3A_123 : memref<160x64xi32, #tpu.memory_space<hbm>>) target(%arg5 : memref<160x64xi32, #tpu.memory_space<vmem>>) target_semaphore(%run_scoped3A : memref<!tpu.dma_semaphore, #tpu.memory_space<semaphore_mem>>)
      %dma_wait3A_124 = arith.constant 0 : i32
      %dma_wait3A_125 = tpu.memref_slice %arg2[%mul3A_4, %dma_wait3A_124] : memref<5120x64xi32, #tpu.memory_space<hbm>> -> memref<160x64xi32, #tpu.memory_space<hbm>>
      %dma_wait3A_126 = arith.constant 0 : i32
      %dma_wait3A_127 = tpu.memref_slice %arg2[%mul3A_4, %dma_wait3A_126] : memref<5120x64xi32, #tpu.memory_space<hbm>> -> memref<160x64xi32, #tpu.memory_space<hbm>>
      tpu.wait_dma2 semaphore(%run_scoped3A : memref<!tpu.dma_semaphore, #tpu.memory_space<semaphore_mem>>) src(%dma_wait3A_127 : memref<160x64xi32, #tpu.memory_space<hbm>>) dst(%arg5 : memref<160x64xi32, #tpu.memory_space<vmem>>)
      tpu.yield
    }) : () -> ()
    %dma_start3A = arith.constant 0 : i32
    %dma_start3A_5 = arith.constant 0 : i32
    %dma_start3A_6 = arith.constant 0 : i32
    %dma_start3A_7 = tpu.memref_slice %arg6[%dma_start3A_5, %dma_start3A_6] : memref<320x128xf32, #tpu.memory_space<vmem>> -> memref<64x128xf32, #tpu.memory_space<vmem>>
    %dma_start3A_8 = arith.constant 0 : i32
    %dma_start3A_9 = tpu.memref_slice %arg5[%dma_start3A, %dma_start3A_8] : memref<160x64xi32, #tpu.memory_space<vmem>> -> memref<1x64xi32, #tpu.memory_space<vmem>>
    %dma_start3A_10 = tpu.memref_squeeze %dma_start3A_9 : memref<1x64xi32, #tpu.memory_space<vmem>> -> memref<64xi32, #tpu.memory_space<vmem>>
    %dma_start3A_11 = arith.constant 0 : i32
    %dma_start3A_12 = arith.constant 0 : i32
    %dma_start3A_13 = tpu.memref_slice %arg3[%dma_start3A_11, %dma_start3A_12] : memref<100000x128xf32, #tpu.memory_space<hbm>> -> memref<100000x128xf32, #tpu.memory_space<hbm>>
    tpu.enqueue_indirect_dma source(%dma_start3A_13 : memref<100000x128xf32, #tpu.memory_space<hbm>>) target(%dma_start3A_7 : memref<64x128xf32, #tpu.memory_space<vmem>>) offsets(%dma_start3A_10 : memref<64xi32, #tpu.memory_space<vmem>>) semaphore(%arg10 : memref<!tpu.dma_semaphore, #tpu.memory_space<semaphore_mem>>)
    %dma_start3A_14 = arith.constant 1 : i32
    %dma_start3A_15 = arith.constant 64 : i32
    %dma_start3A_16 = arith.constant 0 : i32
    %dma_start3A_17 = tpu.memref_slice %arg6[%dma_start3A_15, %dma_start3A_16] : memref<320x128xf32, #tpu.memory_space<vmem>> -> memref<64x128xf32, #tpu.memory_space<vmem>>
    %dma_start3A_18 = arith.constant 0 : i32
    %dma_start3A_19 = tpu.memref_slice %arg5[%dma_start3A_14, %dma_start3A_18] : memref<160x64xi32, #tpu.memory_space<vmem>> -> memref<1x64xi32, #tpu.memory_space<vmem>>
    %dma_start3A_20 = tpu.memref_squeeze %dma_start3A_19 : memref<1x64xi32, #tpu.memory_space<vmem>> -> memref<64xi32, #tpu.memory_space<vmem>>
    %dma_start3A_21 = arith.constant 0 : i32
    %dma_start3A_22 = arith.constant 0 : i32
    %dma_start3A_23 = tpu.memref_slice %arg3[%dma_start3A_21, %dma_start3A_22] : memref<100000x128xf32, #tpu.memory_space<hbm>> -> memref<100000x128xf32, #tpu.memory_space<hbm>>
    tpu.enqueue_indirect_dma source(%dma_start3A_23 : memref<100000x128xf32, #tpu.memory_space<hbm>>) target(%dma_start3A_17 : memref<64x128xf32, #tpu.memory_space<vmem>>) offsets(%dma_start3A_20 : memref<64xi32, #tpu.memory_space<vmem>>) semaphore(%arg10 : memref<!tpu.dma_semaphore, #tpu.memory_space<semaphore_mem>>)
    %dma_start3A_24 = arith.constant 2 : i32
    %dma_start3A_25 = arith.constant 128 : i32
    %dma_start3A_26 = arith.constant 0 : i32
    %dma_start3A_27 = tpu.memref_slice %arg6[%dma_start3A_25, %dma_start3A_26] : memref<320x128xf32, #tpu.memory_space<vmem>> -> memref<64x128xf32, #tpu.memory_space<vmem>>
    %dma_start3A_28 = arith.constant 0 : i32
    %dma_start3A_29 = tpu.memref_slice %arg5[%dma_start3A_24, %dma_start3A_28] : memref<160x64xi32, #tpu.memory_space<vmem>> -> memref<1x64xi32, #tpu.memory_space<vmem>>
    %dma_start3A_30 = tpu.memref_squeeze %dma_start3A_29 : memref<1x64xi32, #tpu.memory_space<vmem>> -> memref<64xi32, #tpu.memory_space<vmem>>
    %dma_start3A_31 = arith.constant 0 : i32
    %dma_start3A_32 = arith.constant 0 : i32
    %dma_start3A_33 = tpu.memref_slice %arg3[%dma_start3A_31, %dma_start3A_32] : memref<100000x128xf32, #tpu.memory_space<hbm>> -> memref<100000x128xf32, #tpu.memory_space<hbm>>
    tpu.enqueue_indirect_dma source(%dma_start3A_33 : memref<100000x128xf32, #tpu.memory_space<hbm>>) target(%dma_start3A_27 : memref<64x128xf32, #tpu.memory_space<vmem>>) offsets(%dma_start3A_30 : memref<64xi32, #tpu.memory_space<vmem>>) semaphore(%arg10 : memref<!tpu.dma_semaphore, #tpu.memory_space<semaphore_mem>>)
    %dma_start3A_34 = arith.constant 3 : i32
    %dma_start3A_35 = arith.constant 192 : i32
    %dma_start3A_36 = arith.constant 0 : i32
    %dma_start3A_37 = tpu.memref_slice %arg6[%dma_start3A_35, %dma_start3A_36] : memref<320x128xf32, #tpu.memory_space<vmem>> -> memref<64x128xf32, #tpu.memory_space<vmem>>
    %dma_start3A_38 = arith.constant 0 : i32
    %dma_start3A_39 = tpu.memref_slice %arg5[%dma_start3A_34, %dma_start3A_38] : memref<160x64xi32, #tpu.memory_space<vmem>> -> memref<1x64xi32, #tpu.memory_space<vmem>>
    %dma_start3A_40 = tpu.memref_squeeze %dma_start3A_39 : memref<1x64xi32, #tpu.memory_space<vmem>> -> memref<64xi32, #tpu.memory_space<vmem>>
    %dma_start3A_41 = arith.constant 0 : i32
    %dma_start3A_42 = arith.constant 0 : i32
    %dma_start3A_43 = tpu.memref_slice %arg3[%dma_start3A_41, %dma_start3A_42] : memref<100000x128xf32, #tpu.memory_space<hbm>> -> memref<100000x128xf32, #tpu.memory_space<hbm>>
    tpu.enqueue_indirect_dma source(%dma_start3A_43 : memref<100000x128xf32, #tpu.memory_space<hbm>>) target(%dma_start3A_37 : memref<64x128xf32, #tpu.memory_space<vmem>>) offsets(%dma_start3A_40 : memref<64xi32, #tpu.memory_space<vmem>>) semaphore(%arg10 : memref<!tpu.dma_semaphore, #tpu.memory_space<semaphore_mem>>)
    %dma_start3A_44 = arith.constant 4 : i32
    %dma_start3A_45 = arith.constant 256 : i32
    %dma_start3A_46 = arith.constant 0 : i32
    %dma_start3A_47 = tpu.memref_slice %arg6[%dma_start3A_45, %dma_start3A_46] : memref<320x128xf32, #tpu.memory_space<vmem>> -> memref<64x128xf32, #tpu.memory_space<vmem>>
    %dma_start3A_48 = arith.constant 0 : i32
    %dma_start3A_49 = tpu.memref_slice %arg5[%dma_start3A_44, %dma_start3A_48] : memref<160x64xi32, #tpu.memory_space<vmem>> -> memref<1x64xi32, #tpu.memory_space<vmem>>
    %dma_start3A_50 = tpu.memref_squeeze %dma_start3A_49 : memref<1x64xi32, #tpu.memory_space<vmem>> -> memref<64xi32, #tpu.memory_space<vmem>>
    %dma_start3A_51 = arith.constant 0 : i32
    %dma_start3A_52 = arith.constant 0 : i32
    %dma_start3A_53 = tpu.memref_slice %arg3[%dma_start3A_51, %dma_start3A_52] : memref<100000x128xf32, #tpu.memory_space<hbm>> -> memref<100000x128xf32, #tpu.memory_space<hbm>>
    tpu.enqueue_indirect_dma source(%dma_start3A_53 : memref<100000x128xf32, #tpu.memory_space<hbm>>) target(%dma_start3A_47 : memref<64x128xf32, #tpu.memory_space<vmem>>) offsets(%dma_start3A_50 : memref<64xi32, #tpu.memory_space<vmem>>) semaphore(%arg10 : memref<!tpu.dma_semaphore, #tpu.memory_space<semaphore_mem>>)
    %dma_start3A_54 = arith.constant 5 : i32
    %dma_start3A_55 = arith.constant 0 : i32
    %dma_start3A_56 = arith.constant 0 : i32
    %dma_start3A_57 = tpu.memref_slice %arg7[%dma_start3A_55, %dma_start3A_56] : memref<320x128xf32, #tpu.memory_space<vmem>> -> memref<64x128xf32, #tpu.memory_space<vmem>>
    %dma_start3A_58 = arith.constant 0 : i32
    %dma_start3A_59 = tpu.memref_slice %arg5[%dma_start3A_54, %dma_start3A_58] : memref<160x64xi32, #tpu.memory_space<vmem>> -> memref<1x64xi32, #tpu.memory_space<vmem>>
    %dma_start3A_60 = tpu.memref_squeeze %dma_start3A_59 : memref<1x64xi32, #tpu.memory_space<vmem>> -> memref<64xi32, #tpu.memory_space<vmem>>
    %dma_start3A_61 = arith.constant 0 : i32
    %dma_start3A_62 = arith.constant 0 : i32
    %dma_start3A_63 = tpu.memref_slice %arg3[%dma_start3A_61, %dma_start3A_62] : memref<100000x128xf32, #tpu.memory_space<hbm>> -> memref<100000x128xf32, #tpu.memory_space<hbm>>
    tpu.enqueue_indirect_dma source(%dma_start3A_63 : memref<100000x128xf32, #tpu.memory_space<hbm>>) target(%dma_start3A_57 : memref<64x128xf32, #tpu.memory_space<vmem>>) offsets(%dma_start3A_60 : memref<64xi32, #tpu.memory_space<vmem>>) semaphore(%arg11 : memref<!tpu.dma_semaphore, #tpu.memory_space<semaphore_mem>>)
    %dma_start3A_64 = arith.constant 6 : i32
    %dma_start3A_65 = arith.constant 64 : i32
    %dma_start3A_66 = arith.constant 0 : i32
    %dma_start3A_67 = tpu.memref_slice %arg7[%dma_start3A_65, %dma_start3A_66] : memref<320x128xf32, #tpu.memory_space<vmem>> -> memref<64x128xf32, #tpu.memory_space<vmem>>
    %dma_start3A_68 = arith.constant 0 : i32
    %dma_start3A_69 = tpu.memref_slice %arg5[%dma_start3A_64, %dma_start3A_68] : memref<160x64xi32, #tpu.memory_space<vmem>> -> memref<1x64xi32, #tpu.memory_space<vmem>>
    %dma_start3A_70 = tpu.memref_squeeze %dma_start3A_69 : memref<1x64xi32, #tpu.memory_space<vmem>> -> memref<64xi32, #tpu.memory_space<vmem>>
    %dma_start3A_71 = arith.constant 0 : i32
    %dma_start3A_72 = arith.constant 0 : i32
    %dma_start3A_73 = tpu.memref_slice %arg3[%dma_start3A_71, %dma_start3A_72] : memref<100000x128xf32, #tpu.memory_space<hbm>> -> memref<100000x128xf32, #tpu.memory_space<hbm>>
    tpu.enqueue_indirect_dma source(%dma_start3A_73 : memref<100000x128xf32, #tpu.memory_space<hbm>>) target(%dma_start3A_67 : memref<64x128xf32, #tpu.memory_space<vmem>>) offsets(%dma_start3A_70 : memref<64xi32, #tpu.memory_space<vmem>>) semaphore(%arg11 : memref<!tpu.dma_semaphore, #tpu.memory_space<semaphore_mem>>)
    %dma_start3A_74 = arith.constant 7 : i32
    %dma_start3A_75 = arith.constant 128 : i32
    %dma_start3A_76 = arith.constant 0 : i32
    %dma_start3A_77 = tpu.memref_slice %arg7[%dma_start3A_75, %dma_start3A_76] : memref<320x128xf32, #tpu.memory_space<vmem>> -> memref<64x128xf32, #tpu.memory_space<vmem>>
    %dma_start3A_78 = arith.constant 0 : i32
    %dma_start3A_79 = tpu.memref_slice %arg5[%dma_start3A_74, %dma_start3A_78] : memref<160x64xi32, #tpu.memory_space<vmem>> -> memref<1x64xi32, #tpu.memory_space<vmem>>
    %dma_start3A_80 = tpu.memref_squeeze %dma_start3A_79 : memref<1x64xi32, #tpu.memory_space<vmem>> -> memref<64xi32, #tpu.memory_space<vmem>>
    %dma_start3A_81 = arith.constant 0 : i32
    %dma_start3A_82 = arith.constant 0 : i32
    %dma_start3A_83 = tpu.memref_slice %arg3[%dma_start3A_81, %dma_start3A_82] : memref<100000x128xf32, #tpu.memory_space<hbm>> -> memref<100000x128xf32, #tpu.memory_space<hbm>>
    tpu.enqueue_indirect_dma source(%dma_start3A_83 : memref<100000x128xf32, #tpu.memory_space<hbm>>) target(%dma_start3A_77 : memref<64x128xf32, #tpu.memory_space<vmem>>) offsets(%dma_start3A_80 : memref<64xi32, #tpu.memory_space<vmem>>) semaphore(%arg11 : memref<!tpu.dma_semaphore, #tpu.memory_space<semaphore_mem>>)
    %dma_start3A_84 = arith.constant 8 : i32
    %dma_start3A_85 = arith.constant 192 : i32
    %dma_start3A_86 = arith.constant 0 : i32
    %dma_start3A_87 = tpu.memref_slice %arg7[%dma_start3A_85, %dma_start3A_86] : memref<320x128xf32, #tpu.memory_space<vmem>> -> memref<64x128xf32, #tpu.memory_space<vmem>>
    %dma_start3A_88 = arith.constant 0 : i32
    %dma_start3A_89 = tpu.memref_slice %arg5[%dma_start3A_84, %dma_start3A_88] : memref<160x64xi32, #tpu.memory_space<vmem>> -> memref<1x64xi32, #tpu.memory_space<vmem>>
    %dma_start3A_90 = tpu.memref_squeeze %dma_start3A_89 : memref<1x64xi32, #tpu.memory_space<vmem>> -> memref<64xi32, #tpu.memory_space<vmem>>
    %dma_start3A_91 = arith.constant 0 : i32
    %dma_start3A_92 = arith.constant 0 : i32
    %dma_start3A_93 = tpu.memref_slice %arg3[%dma_start3A_91, %dma_start3A_92] : memref<100000x128xf32, #tpu.memory_space<hbm>> -> memref<100000x128xf32, #tpu.memory_space<hbm>>
    tpu.enqueue_indirect_dma source(%dma_start3A_93 : memref<100000x128xf32, #tpu.memory_space<hbm>>) target(%dma_start3A_87 : memref<64x128xf32, #tpu.memory_space<vmem>>) offsets(%dma_start3A_90 : memref<64xi32, #tpu.memory_space<vmem>>) semaphore(%arg11 : memref<!tpu.dma_semaphore, #tpu.memory_space<semaphore_mem>>)
    %dma_start3A_94 = arith.constant 9 : i32
    %dma_start3A_95 = arith.constant 256 : i32
    %dma_start3A_96 = arith.constant 0 : i32
    %dma_start3A_97 = tpu.memref_slice %arg7[%dma_start3A_95, %dma_start3A_96] : memref<320x128xf32, #tpu.memory_space<vmem>> -> memref<64x128xf32, #tpu.memory_space<vmem>>
    %dma_start3A_98 = arith.constant 0 : i32
    %dma_start3A_99 = tpu.memref_slice %arg5[%dma_start3A_94, %dma_start3A_98] : memref<160x64xi32, #tpu.memory_space<vmem>> -> memref<1x64xi32, #tpu.memory_space<vmem>>
    %dma_start3A_100 = tpu.memref_squeeze %dma_start3A_99 : memref<1x64xi32, #tpu.memory_space<vmem>> -> memref<64xi32, #tpu.memory_space<vmem>>
    %dma_start3A_101 = arith.constant 0 : i32
    %dma_start3A_102 = arith.constant 0 : i32
    %dma_start3A_103 = tpu.memref_slice %arg3[%dma_start3A_101, %dma_start3A_102] : memref<100000x128xf32, #tpu.memory_space<hbm>> -> memref<100000x128xf32, #tpu.memory_space<hbm>>
    tpu.enqueue_indirect_dma source(%dma_start3A_103 : memref<100000x128xf32, #tpu.memory_space<hbm>>) target(%dma_start3A_97 : memref<64x128xf32, #tpu.memory_space<vmem>>) offsets(%dma_start3A_100 : memref<64xi32, #tpu.memory_space<vmem>>) semaphore(%arg11 : memref<!tpu.dma_semaphore, #tpu.memory_space<semaphore_mem>>)
    %scan3A = arith.constant 0 : i32
    %scan3A_104 = arith.constant 0 : i32
    %scan3A_105 = arith.constant 16 : i32
    %scan3A_106 = arith.addi %scan3A_104, %scan3A_105 : i32
    %scan3A_107 = arith.constant 1 : i32
    scf.for %scan3A_120 = %scan3A_104 to %scan3A_106 step %scan3A_107  : i32 {
      %mul3A_121 = arith.constant 2 : i32
      %mul3A_122 = arith.muli %scan3A_120, %mul3A_121 : i32
      %dma_wait3A_123 = arith.constant 0 : i32
      %dma_wait3A_124 = arith.constant 0 : i32
      %dma_wait3A_125 = tpu.memref_slice %arg6[%dma_wait3A_123, %dma_wait3A_124] : memref<320x128xf32, #tpu.memory_space<vmem>> -> memref<64x128xf32, #tpu.memory_space<vmem>>
      %dma_wait3A_126 = arith.constant 0 : i32
      %dma_wait3A_127 = arith.constant 0 : i32
      %dma_wait3A_128 = tpu.memref_slice %arg3[%dma_wait3A_126, %dma_wait3A_127] : memref<100000x128xf32, #tpu.memory_space<hbm>> -> memref<64x128xf32, #tpu.memory_space<hbm>>
      %dma_wait3A_129 = arith.constant 0 : i32
      %dma_wait3A_130 = arith.constant 0 : i32
      %dma_wait3A_131 = tpu.memref_slice %arg6[%dma_wait3A_129, %dma_wait3A_130] : memref<320x128xf32, #tpu.memory_space<vmem>> -> memref<64x128xf32, #tpu.memory_space<vmem>>
      %dma_wait3A_132 = arith.constant 0 : i32
      %dma_wait3A_133 = arith.constant 0 : i32
      %dma_wait3A_134 = tpu.memref_slice %arg3[%dma_wait3A_132, %dma_wait3A_133] : memref<100000x128xf32, #tpu.memory_space<hbm>> -> memref<64x128xf32, #tpu.memory_space<hbm>>
      tpu.wait_dma2 semaphore(%arg10 : memref<!tpu.dma_semaphore, #tpu.memory_space<semaphore_mem>>) src(%dma_wait3A_134 : memref<64x128xf32, #tpu.memory_space<hbm>>) dst(%dma_wait3A_131 : memref<64x128xf32, #tpu.memory_space<vmem>>)
      %dma_wait3A_135 = arith.constant 64 : i32
      %dma_wait3A_136 = arith.constant 0 : i32
      %dma_wait3A_137 = tpu.memref_slice %arg6[%dma_wait3A_135, %dma_wait3A_136] : memref<320x128xf32, #tpu.memory_space<vmem>> -> memref<64x128xf32, #tpu.memory_space<vmem>>
      %dma_wait3A_138 = arith.constant 0 : i32
      %dma_wait3A_139 = arith.constant 0 : i32
      %dma_wait3A_140 = tpu.memref_slice %arg3[%dma_wait3A_138, %dma_wait3A_139] : memref<100000x128xf32, #tpu.memory_space<hbm>> -> memref<64x128xf32, #tpu.memory_space<hbm>>
      %dma_wait3A_141 = arith.constant 64 : i32
      %dma_wait3A_142 = arith.constant 0 : i32
      %dma_wait3A_143 = tpu.memref_slice %arg6[%dma_wait3A_141, %dma_wait3A_142] : memref<320x128xf32, #tpu.memory_space<vmem>> -> memref<64x128xf32, #tpu.memory_space<vmem>>
      %dma_wait3A_144 = arith.constant 0 : i32
      %dma_wait3A_145 = arith.constant 0 : i32
      %dma_wait3A_146 = tpu.memref_slice %arg3[%dma_wait3A_144, %dma_wait3A_145] : memref<100000x128xf32, #tpu.memory_space<hbm>> -> memref<64x128xf32, #tpu.memory_space<hbm>>
      tpu.wait_dma2 semaphore(%arg10 : memref<!tpu.dma_semaphore, #tpu.memory_space<semaphore_mem>>) src(%dma_wait3A_146 : memref<64x128xf32, #tpu.memory_space<hbm>>) dst(%dma_wait3A_143 : memref<64x128xf32, #tpu.memory_space<vmem>>)
      %dma_wait3A_147 = arith.constant 128 : i32
      %dma_wait3A_148 = arith.constant 0 : i32
      %dma_wait3A_149 = tpu.memref_slice %arg6[%dma_wait3A_147, %dma_wait3A_148] : memref<320x128xf32, #tpu.memory_space<vmem>> -> memref<64x128xf32, #tpu.memory_space<vmem>>
      %dma_wait3A_150 = arith.constant 0 : i32
      %dma_wait3A_151 = arith.constant 0 : i32
      %dma_wait3A_152 = tpu.memref_slice %arg3[%dma_wait3A_150, %dma_wait3A_151] : memref<100000x128xf32, #tpu.memory_space<hbm>> -> memref<64x128xf32, #tpu.memory_space<hbm>>
      %dma_wait3A_153 = arith.constant 128 : i32
      %dma_wait3A_154 = arith.constant 0 : i32
      %dma_wait3A_155 = tpu.memref_slice %arg6[%dma_wait3A_153, %dma_wait3A_154] : memref<320x128xf32, #tpu.memory_space<vmem>> -> memref<64x128xf32, #tpu.memory_space<vmem>>
      %dma_wait3A_156 = arith.constant 0 : i32
      %dma_wait3A_157 = arith.constant 0 : i32
      %dma_wait3A_158 = tpu.memref_slice %arg3[%dma_wait3A_156, %dma_wait3A_157] : memref<100000x128xf32, #tpu.memory_space<hbm>> -> memref<64x128xf32, #tpu.memory_space<hbm>>
      tpu.wait_dma2 semaphore(%arg10 : memref<!tpu.dma_semaphore, #tpu.memory_space<semaphore_mem>>) src(%dma_wait3A_158 : memref<64x128xf32, #tpu.memory_space<hbm>>) dst(%dma_wait3A_155 : memref<64x128xf32, #tpu.memory_space<vmem>>)
      %dma_wait3A_159 = arith.constant 192 : i32
      %dma_wait3A_160 = arith.constant 0 : i32
      %dma_wait3A_161 = tpu.memref_slice %arg6[%dma_wait3A_159, %dma_wait3A_160] : memref<320x128xf32, #tpu.memory_space<vmem>> -> memref<64x128xf32, #tpu.memory_space<vmem>>
      %dma_wait3A_162 = arith.constant 0 : i32
      %dma_wait3A_163 = arith.constant 0 : i32
      %dma_wait3A_164 = tpu.memref_slice %arg3[%dma_wait3A_162, %dma_wait3A_163] : memref<100000x128xf32, #tpu.memory_space<hbm>> -> memref<64x128xf32, #tpu.memory_space<hbm>>
      %dma_wait3A_165 = arith.constant 192 : i32
      %dma_wait3A_166 = arith.constant 0 : i32
      %dma_wait3A_167 = tpu.memref_slice %arg6[%dma_wait3A_165, %dma_wait3A_166] : memref<320x128xf32, #tpu.memory_space<vmem>> -> memref<64x128xf32, #tpu.memory_space<vmem>>
      %dma_wait3A_168 = arith.constant 0 : i32
      %dma_wait3A_169 = arith.constant 0 : i32
      %dma_wait3A_170 = tpu.memref_slice %arg3[%dma_wait3A_168, %dma_wait3A_169] : memref<100000x128xf32, #tpu.memory_space<hbm>> -> memref<64x128xf32, #tpu.memory_space<hbm>>
      tpu.wait_dma2 semaphore(%arg10 : memref<!tpu.dma_semaphore, #tpu.memory_space<semaphore_mem>>) src(%dma_wait3A_170 : memref<64x128xf32, #tpu.memory_space<hbm>>) dst(%dma_wait3A_167 : memref<64x128xf32, #tpu.memory_space<vmem>>)
      %dma_wait3A_171 = arith.constant 256 : i32
      %dma_wait3A_172 = arith.constant 0 : i32
      %dma_wait3A_173 = tpu.memref_slice %arg6[%dma_wait3A_171, %dma_wait3A_172] : memref<320x128xf32, #tpu.memory_space<vmem>> -> memref<64x128xf32, #tpu.memory_space<vmem>>
      %dma_wait3A_174 = arith.constant 0 : i32
      %dma_wait3A_175 = arith.constant 0 : i32
      %dma_wait3A_176 = tpu.memref_slice %arg3[%dma_wait3A_174, %dma_wait3A_175] : memref<100000x128xf32, #tpu.memory_space<hbm>> -> memref<64x128xf32, #tpu.memory_space<hbm>>
      %dma_wait3A_177 = arith.constant 256 : i32
      %dma_wait3A_178 = arith.constant 0 : i32
      %dma_wait3A_179 = tpu.memref_slice %arg6[%dma_wait3A_177, %dma_wait3A_178] : memref<320x128xf32, #tpu.memory_space<vmem>> -> memref<64x128xf32, #tpu.memory_space<vmem>>
      %dma_wait3A_180 = arith.constant 0 : i32
      %dma_wait3A_181 = arith.constant 0 : i32
      %dma_wait3A_182 = tpu.memref_slice %arg3[%dma_wait3A_180, %dma_wait3A_181] : memref<100000x128xf32, #tpu.memory_space<hbm>> -> memref<64x128xf32, #tpu.memory_space<hbm>>
      tpu.wait_dma2 semaphore(%arg10 : memref<!tpu.dma_semaphore, #tpu.memory_space<semaphore_mem>>) src(%dma_wait3A_182 : memref<64x128xf32, #tpu.memory_space<hbm>>) dst(%dma_wait3A_179 : memref<64x128xf32, #tpu.memory_space<vmem>>)
      %gt3A = arith.constant 0 : i32
      %gt3A_183 = arith.cmpi sgt, %scan3A_120, %gt3A : i32
      %convert_element_type3A = arith.extui %gt3A_183 : i1 to i32
      %cond3A = arith.constant 0 : i32
      %cond3A_184 = arith.cmpi ne, %convert_element_type3A, %cond3A : i32
      scf.if %cond3A_184 {
        %dma_wait3A_280 = arith.constant 0 : i32
        %dma_wait3A_281 = arith.constant 0 : i32
        %dma_wait3A_282 = tpu.memref_slice %arg4[%dma_wait3A_280, %dma_wait3A_281] : memref<16384x128xf32, #tpu.memory_space<hbm>> -> memref<16x128xf32, #tpu.memory_space<hbm>>
        %dma_wait3A_283 = arith.constant 0 : i32
        %dma_wait3A_284 = arith.constant 0 : i32
        %dma_wait3A_285 = tpu.memref_slice %arg4[%dma_wait3A_283, %dma_wait3A_284] : memref<16384x128xf32, #tpu.memory_space<hbm>> -> memref<16x128xf32, #tpu.memory_space<hbm>>
        tpu.wait_dma2 semaphore(%arg12 : memref<!tpu.dma_semaphore, #tpu.memory_space<semaphore_mem>>) src(%arg8 : memref<16x128xf32, #tpu.memory_space<vmem>>) dst(%dma_wait3A_285 : memref<16x128xf32, #tpu.memory_space<hbm>>)
      } else {
      }
      %parallel_loop3A = arith.constant 0 : i32
      %parallel_loop3A_185 = arith.constant 16 : i32
      %parallel_loop3A_186 = arith.constant 1 : i32
      scf.for %parallel_loop3A_280 = %parallel_loop3A to %parallel_loop3A_185 step %parallel_loop3A_186  : i32 {
        %parallel_loop3A_281 = arith.constant 20 : i32
        %parallel_loop3A_282 = arith.muli %parallel_loop3A_280, %parallel_loop3A_281 : i32
        %parallel_loop3A_283 = arith.index_cast %parallel_loop3A_282 : i32 to index
        %parallel_loop3A_284 = arith.constant 0 : index
        %parallel_loop3A_285 = tpu.vector_load %arg6[%parallel_loop3A_283, %parallel_loop3A_284] {strides = array<i32>} : memref<320x128xf32, #tpu.memory_space<vmem>>, vector<1x16xf32>,
        %parallel_loop3A_286 = vector.shape_cast %parallel_loop3A_285 : vector<1x16xf32> to vector<16xf32>
        %parallel_loop3A_287 = arith.constant 1 : i32
        %parallel_loop3A_288 = arith.addi %parallel_loop3A_282, %parallel_loop3A_287 : i32
        %parallel_loop3A_289 = arith.index_cast %parallel_loop3A_288 : i32 to index
        %parallel_loop3A_290 = arith.constant 0 : index
        %parallel_loop3A_291 = tpu.vector_load %arg6[%parallel_loop3A_289, %parallel_loop3A_290] {strides = array<i32>} : memref<320x128xf32, #tpu.memory_space<vmem>>, vector<1x16xf32>,
        %parallel_loop3A_292 = vector.shape_cast %parallel_loop3A_291 : vector<1x16xf32> to vector<16xf32>
        %parallel_loop3A_293 = arith.addf %parallel_loop3A_286, %parallel_loop3A_292 : vector<16xf32>
        %parallel_loop3A_294 = arith.constant 2 : i32
        %parallel_loop3A_295 = arith.addi %parallel_loop3A_282, %parallel_loop3A_294 : i32
        %parallel_loop3A_296 = arith.index_cast %parallel_loop3A_295 : i32 to index
        %parallel_loop3A_297 = arith.constant 0 : index
        %parallel_loop3A_298 = tpu.vector_load %arg6[%parallel_loop3A_296, %parallel_loop3A_297] {strides = array<i32>} : memref<320x128xf32, #tpu.memory_space<vmem>>, vector<1x16xf32>,
        %parallel_loop3A_299 = vector.shape_cast %parallel_loop3A_298 : vector<1x16xf32> to vector<16xf32>
        %parallel_loop3A_300 = arith.addf %parallel_loop3A_293, %parallel_loop3A_299 : vector<16xf32>
        %parallel_loop3A_301 = arith.constant 3 : i32
        %parallel_loop3A_302 = arith.addi %parallel_loop3A_282, %parallel_loop3A_301 : i32
        %parallel_loop3A_303 = arith.index_cast %parallel_loop3A_302 : i32 to index
        %parallel_loop3A_304 = arith.constant 0 : index
        %parallel_loop3A_305 = tpu.vector_load %arg6[%parallel_loop3A_303, %parallel_loop3A_304] {strides = array<i32>} : memref<320x128xf32, #tpu.memory_space<vmem>>, vector<1x16xf32>,
        %parallel_loop3A_306 = vector.shape_cast %parallel_loop3A_305 : vector<1x16xf32> to vector<16xf32>
        %parallel_loop3A_307 = arith.addf %parallel_loop3A_300, %parallel_loop3A_306 : vector<16xf32>
        %parallel_loop3A_308 = arith.constant 4 : i32
        %parallel_loop3A_309 = arith.addi %parallel_loop3A_282, %parallel_loop3A_308 : i32
        %parallel_loop3A_310 = arith.index_cast %parallel_loop3A_309 : i32 to index
        %parallel_loop3A_311 = arith.constant 0 : index
        %parallel_loop3A_312 = tpu.vector_load %arg6[%parallel_loop3A_310, %parallel_loop3A_311] {strides = array<i32>} : memref<320x128xf32, #tpu.memory_space<vmem>>, vector<1x16xf32>,
        %parallel_loop3A_313 = vector.shape_cast %parallel_loop3A_312 : vector<1x16xf32> to vector<16xf32>
        %parallel_loop3A_314 = arith.addf %parallel_loop3A_307, %parallel_loop3A_313 : vector<16xf32>
        %parallel_loop3A_315 = arith.constant 5 : i32
        %parallel_loop3A_316 = arith.addi %parallel_loop3A_282, %parallel_loop3A_315 : i32
        %parallel_loop3A_317 = arith.index_cast %parallel_loop3A_316 : i32 to index
        %parallel_loop3A_318 = arith.constant 0 : index
        %parallel_loop3A_319 = tpu.vector_load %arg6[%parallel_loop3A_317, %parallel_loop3A_318] {strides = array<i32>} : memref<320x128xf32, #tpu.memory_space<vmem>>, vector<1x16xf32>,
        %parallel_loop3A_320 = vector.shape_cast %parallel_loop3A_319 : vector<1x16xf32> to vector<16xf32>
        %parallel_loop3A_321 = arith.addf %parallel_loop3A_314, %parallel_loop3A_320 : vector<16xf32>
        %parallel_loop3A_322 = arith.constant 6 : i32
        %parallel_loop3A_323 = arith.addi %parallel_loop3A_282, %parallel_loop3A_322 : i32
        %parallel_loop3A_324 = arith.index_cast %parallel_loop3A_323 : i32 to index
        %parallel_loop3A_325 = arith.constant 0 : index
        %parallel_loop3A_326 = tpu.vector_load %arg6[%parallel_loop3A_324, %parallel_loop3A_325] {strides = array<i32>} : memref<320x128xf32, #tpu.memory_space<vmem>>, vector<1x16xf32>,
        %parallel_loop3A_327 = vector.shape_cast %parallel_loop3A_326 : vector<1x16xf32> to vector<16xf32>
        %parallel_loop3A_328 = arith.addf %parallel_loop3A_321, %parallel_loop3A_327 : vector<16xf32>
        %parallel_loop3A_329 = arith.constant 7 : i32
        %parallel_loop3A_330 = arith.addi %parallel_loop3A_282, %parallel_loop3A_329 : i32
        %parallel_loop3A_331 = arith.index_cast %parallel_loop3A_330 : i32 to index
        %parallel_loop3A_332 = arith.constant 0 : index
        %parallel_loop3A_333 = tpu.vector_load %arg6[%parallel_loop3A_331, %parallel_loop3A_332] {strides = array<i32>} : memref<320x128xf32, #tpu.memory_space<vmem>>, vector<1x16xf32>,
        %parallel_loop3A_334 = vector.shape_cast %parallel_loop3A_333 : vector<1x16xf32> to vector<16xf32>
        %parallel_loop3A_335 = arith.addf %parallel_loop3A_328, %parallel_loop3A_334 : vector<16xf32>
        %parallel_loop3A_336 = arith.constant 8 : i32
        %parallel_loop3A_337 = arith.addi %parallel_loop3A_282, %parallel_loop3A_336 : i32
        %parallel_loop3A_338 = arith.index_cast %parallel_loop3A_337 : i32 to index
        %parallel_loop3A_339 = arith.constant 0 : index
        %parallel_loop3A_340 = tpu.vector_load %arg6[%parallel_loop3A_338, %parallel_loop3A_339] {strides = array<i32>} : memref<320x128xf32, #tpu.memory_space<vmem>>, vector<1x16xf32>,
        %parallel_loop3A_341 = vector.shape_cast %parallel_loop3A_340 : vector<1x16xf32> to vector<16xf32>
        %parallel_loop3A_342 = arith.addf %parallel_loop3A_335, %parallel_loop3A_341 : vector<16xf32>
        %parallel_loop3A_343 = arith.constant 9 : i32
        %parallel_loop3A_344 = arith.addi %parallel_loop3A_282, %parallel_loop3A_343 : i32
        %parallel_loop3A_345 = arith.index_cast %parallel_loop3A_344 : i32 to index
        %parallel_loop3A_346 = arith.constant 0 : index
        %parallel_loop3A_347 = tpu.vector_load %arg6[%parallel_loop3A_345, %parallel_loop3A_346] {strides = array<i32>} : memref<320x128xf32, #tpu.memory_space<vmem>>, vector<1x16xf32>,
        %parallel_loop3A_348 = vector.shape_cast %parallel_loop3A_347 : vector<1x16xf32> to vector<16xf32>
        %parallel_loop3A_349 = arith.addf %parallel_loop3A_342, %parallel_loop3A_348 : vector<16xf32>
        %parallel_loop3A_350 = arith.constant 10 : i32
        %parallel_loop3A_351 = arith.addi %parallel_loop3A_282, %parallel_loop3A_350 : i32
        %parallel_loop3A_352 = arith.index_cast %parallel_loop3A_351 : i32 to index
        %parallel_loop3A_353 = arith.constant 0 : index
        %parallel_loop3A_354 = tpu.vector_load %arg6[%parallel_loop3A_352, %parallel_loop3A_353] {strides = array<i32>} : memref<320x128xf32, #tpu.memory_space<vmem>>, vector<1x16xf32>,
        %parallel_loop3A_355 = vector.shape_cast %parallel_loop3A_354 : vector<1x16xf32> to vector<16xf32>
        %parallel_loop3A_356 = arith.addf %parallel_loop3A_349, %parallel_loop3A_355 : vector<16xf32>
        %parallel_loop3A_357 = arith.constant 11 : i32
        %parallel_loop3A_358 = arith.addi %parallel_loop3A_282, %parallel_loop3A_357 : i32
        %parallel_loop3A_359 = arith.index_cast %parallel_loop3A_358 : i32 to index
        %parallel_loop3A_360 = arith.constant 0 : index
        %parallel_loop3A_361 = tpu.vector_load %arg6[%parallel_loop3A_359, %parallel_loop3A_360] {strides = array<i32>} : memref<320x128xf32, #tpu.memory_space<vmem>>, vector<1x16xf32>,
        %parallel_loop3A_362 = vector.shape_cast %parallel_loop3A_361 : vector<1x16xf32> to vector<16xf32>
        %parallel_loop3A_363 = arith.addf %parallel_loop3A_356, %parallel_loop3A_362 : vector<16xf32>
        %parallel_loop3A_364 = arith.constant 12 : i32
        %parallel_loop3A_365 = arith.addi %parallel_loop3A_282, %parallel_loop3A_364 : i32
        %parallel_loop3A_366 = arith.index_cast %parallel_loop3A_365 : i32 to index
        %parallel_loop3A_367 = arith.constant 0 : index
        %parallel_loop3A_368 = tpu.vector_load %arg6[%parallel_loop3A_366, %parallel_loop3A_367] {strides = array<i32>} : memref<320x128xf32, #tpu.memory_space<vmem>>, vector<1x16xf32>,
        %parallel_loop3A_369 = vector.shape_cast %parallel_loop3A_368 : vector<1x16xf32> to vector<16xf32>
        %parallel_loop3A_370 = arith.addf %parallel_loop3A_363, %parallel_loop3A_369 : vector<16xf32>
        %parallel_loop3A_371 = arith.constant 13 : i32
        %parallel_loop3A_372 = arith.addi %parallel_loop3A_282, %parallel_loop3A_371 : i32
        %parallel_loop3A_373 = arith.index_cast %parallel_loop3A_372 : i32 to index
        %parallel_loop3A_374 = arith.constant 0 : index
        %parallel_loop3A_375 = tpu.vector_load %arg6[%parallel_loop3A_373, %parallel_loop3A_374] {strides = array<i32>} : memref<320x128xf32, #tpu.memory_space<vmem>>, vector<1x16xf32>,
        %parallel_loop3A_376 = vector.shape_cast %parallel_loop3A_375 : vector<1x16xf32> to vector<16xf32>
        %parallel_loop3A_377 = arith.addf %parallel_loop3A_370, %parallel_loop3A_376 : vector<16xf32>
        %parallel_loop3A_378 = arith.constant 14 : i32
        %parallel_loop3A_379 = arith.addi %parallel_loop3A_282, %parallel_loop3A_378 : i32
        %parallel_loop3A_380 = arith.index_cast %parallel_loop3A_379 : i32 to index
        %parallel_loop3A_381 = arith.constant 0 : index
        %parallel_loop3A_382 = tpu.vector_load %arg6[%parallel_loop3A_380, %parallel_loop3A_381] {strides = array<i32>} : memref<320x128xf32, #tpu.memory_space<vmem>>, vector<1x16xf32>,
        %parallel_loop3A_383 = vector.shape_cast %parallel_loop3A_382 : vector<1x16xf32> to vector<16xf32>
        %parallel_loop3A_384 = arith.addf %parallel_loop3A_377, %parallel_loop3A_383 : vector<16xf32>
        %parallel_loop3A_385 = arith.constant 15 : i32
        %parallel_loop3A_386 = arith.addi %parallel_loop3A_282, %parallel_loop3A_385 : i32
        %parallel_loop3A_387 = arith.index_cast %parallel_loop3A_386 : i32 to index
        %parallel_loop3A_388 = arith.constant 0 : index
        %parallel_loop3A_389 = tpu.vector_load %arg6[%parallel_loop3A_387, %parallel_loop3A_388] {strides = array<i32>} : memref<320x128xf32, #tpu.memory_space<vmem>>, vector<1x16xf32>,
        %parallel_loop3A_390 = vector.shape_cast %parallel_loop3A_389 : vector<1x16xf32> to vector<16xf32>
        %parallel_loop3A_391 = arith.addf %parallel_loop3A_384, %parallel_loop3A_390 : vector<16xf32>
        %parallel_loop3A_392 = arith.constant 16 : i32
        %parallel_loop3A_393 = arith.addi %parallel_loop3A_282, %parallel_loop3A_392 : i32
        %parallel_loop3A_394 = arith.index_cast %parallel_loop3A_393 : i32 to index
        %parallel_loop3A_395 = arith.constant 0 : index
        %parallel_loop3A_396 = tpu.vector_load %arg6[%parallel_loop3A_394, %parallel_loop3A_395] {strides = array<i32>} : memref<320x128xf32, #tpu.memory_space<vmem>>, vector<1x16xf32>,
        %parallel_loop3A_397 = vector.shape_cast %parallel_loop3A_396 : vector<1x16xf32> to vector<16xf32>
        %parallel_loop3A_398 = arith.addf %parallel_loop3A_391, %parallel_loop3A_397 : vector<16xf32>
        %parallel_loop3A_399 = arith.constant 17 : i32
        %parallel_loop3A_400 = arith.addi %parallel_loop3A_282, %parallel_loop3A_399 : i32
        %parallel_loop3A_401 = arith.index_cast %parallel_loop3A_400 : i32 to index
        %parallel_loop3A_402 = arith.constant 0 : index
        %parallel_loop3A_403 = tpu.vector_load %arg6[%parallel_loop3A_401, %parallel_loop3A_402] {strides = array<i32>} : memref<320x128xf32, #tpu.memory_space<vmem>>, vector<1x16xf32>,
        %parallel_loop3A_404 = vector.shape_cast %parallel_loop3A_403 : vector<1x16xf32> to vector<16xf32>
        %parallel_loop3A_405 = arith.addf %parallel_loop3A_398, %parallel_loop3A_404 : vector<16xf32>
        %parallel_loop3A_406 = arith.constant 18 : i32
        %parallel_loop3A_407 = arith.addi %parallel_loop3A_282, %parallel_loop3A_406 : i32
        %parallel_loop3A_408 = arith.index_cast %parallel_loop3A_407 : i32 to index
        %parallel_loop3A_409 = arith.constant 0 : index
        %parallel_loop3A_410 = tpu.vector_load %arg6[%parallel_loop3A_408, %parallel_loop3A_409] {strides = array<i32>} : memref<320x128xf32, #tpu.memory_space<vmem>>, vector<1x16xf32>,
        %parallel_loop3A_411 = vector.shape_cast %parallel_loop3A_410 : vector<1x16xf32> to vector<16xf32>
        %parallel_loop3A_412 = arith.addf %parallel_loop3A_405, %parallel_loop3A_411 : vector<16xf32>
        %parallel_loop3A_413 = arith.constant 19 : i32
        %parallel_loop3A_414 = arith.addi %parallel_loop3A_282, %parallel_loop3A_413 : i32
        %parallel_loop3A_415 = arith.index_cast %parallel_loop3A_414 : i32 to index
        %parallel_loop3A_416 = arith.constant 0 : index
        %parallel_loop3A_417 = tpu.vector_load %arg6[%parallel_loop3A_415, %parallel_loop3A_416] {strides = array<i32>} : memref<320x128xf32, #tpu.memory_space<vmem>>, vector<1x16xf32>,
        %parallel_loop3A_418 = vector.shape_cast %parallel_loop3A_417 : vector<1x16xf32> to vector<16xf32>
        %parallel_loop3A_419 = arith.addf %parallel_loop3A_412, %parallel_loop3A_418 : vector<16xf32>
        %parallel_loop3A_420 = arith.index_cast %parallel_loop3A_280 : i32 to index
        %parallel_loop3A_421 = arith.constant 0 : index
        %parallel_loop3A_422 = tpu.vector_load %arg8[%parallel_loop3A_420, %parallel_loop3A_421] {strides = array<i32>} : memref<16x128xf32, #tpu.memory_space<vmem>>, vector<1x16xf32>,
        %parallel_loop3A_423 = vector.shape_cast %parallel_loop3A_422 : vector<1x16xf32> to vector<16xf32>
        %parallel_loop3A_424 = vector.shape_cast %parallel_loop3A_419 : vector<16xf32> to vector<1x16xf32>
        tpu.vector_store %arg8[%parallel_loop3A_420, %parallel_loop3A_421], %parallel_loop3A_424 {strides = array<i32>} : memref<16x128xf32, #tpu.memory_space<vmem>>, vector<1x16xf32>,
        %parallel_loop3A_425 = arith.index_cast %parallel_loop3A_282 : i32 to index
        %parallel_loop3A_426 = arith.constant 16 : index
        %parallel_loop3A_427 = tpu.vector_load %arg6[%parallel_loop3A_425, %parallel_loop3A_426] {strides = array<i32>} : memref<320x128xf32, #tpu.memory_space<vmem>>, vector<1x16xf32>,
        %parallel_loop3A_428 = vector.shape_cast %parallel_loop3A_427 : vector<1x16xf32> to vector<16xf32>
        %parallel_loop3A_429 = arith.constant 1 : i32
        %parallel_loop3A_430 = arith.addi %parallel_loop3A_282, %parallel_loop3A_429 : i32
        %parallel_loop3A_431 = arith.index_cast %parallel_loop3A_430 : i32 to index
        %parallel_loop3A_432 = arith.constant 16 : index
        %parallel_loop3A_433 = tpu.vector_load %arg6[%parallel_loop3A_431, %parallel_loop3A_432] {strides = array<i32>} : memref<320x128xf32, #tpu.memory_space<vmem>>, vector<1x16xf32>,
        %parallel_loop3A_434 = vector.shape_cast %parallel_loop3A_433 : vector<1x16xf32> to vector<16xf32>
        %parallel_loop3A_435 = arith.addf %parallel_loop3A_428, %parallel_loop3A_434 : vector<16xf32>
        %parallel_loop3A_436 = arith.constant 2 : i32
        %parallel_loop3A_437 = arith.addi %parallel_loop3A_282, %parallel_loop3A_436 : i32
        %parallel_loop3A_438 = arith.index_cast %parallel_loop3A_437 : i32 to index
        %parallel_loop3A_439 = arith.constant 16 : index
        %parallel_loop3A_440 = tpu.vector_load %arg6[%parallel_loop3A_438, %parallel_loop3A_439] {strides = array<i32>} : memref<320x128xf32, #tpu.memory_space<vmem>>, vector<1x16xf32>,
        %parallel_loop3A_441 = vector.shape_cast %parallel_loop3A_440 : vector<1x16xf32> to vector<16xf32>
        %parallel_loop3A_442 = arith.addf %parallel_loop3A_435, %parallel_loop3A_441 : vector<16xf32>
        %parallel_loop3A_443 = arith.constant 3 : i32
        %parallel_loop3A_444 = arith.addi %parallel_loop3A_282, %parallel_loop3A_443 : i32
        %parallel_loop3A_445 = arith.index_cast %parallel_loop3A_444 : i32 to index
        %parallel_loop3A_446 = arith.constant 16 : index
        %parallel_loop3A_447 = tpu.vector_load %arg6[%parallel_loop3A_445, %parallel_loop3A_446] {strides = array<i32>} : memref<320x128xf32, #tpu.memory_space<vmem>>, vector<1x16xf32>,
        %parallel_loop3A_448 = vector.shape_cast %parallel_loop3A_447 : vector<1x16xf32> to vector<16xf32>
        %parallel_loop3A_449 = arith.addf %parallel_loop3A_442, %parallel_loop3A_448 : vector<16xf32>
        %parallel_loop3A_450 = arith.constant 4 : i32
        %parallel_loop3A_451 = arith.addi %parallel_loop3A_282, %parallel_loop3A_450 : i32
        %parallel_loop3A_452 = arith.index_cast %parallel_loop3A_451 : i32 to index
        %parallel_loop3A_453 = arith.constant 16 : index
        %parallel_loop3A_454 = tpu.vector_load %arg6[%parallel_loop3A_452, %parallel_loop3A_453] {strides = array<i32>} : memref<320x128xf32, #tpu.memory_space<vmem>>, vector<1x16xf32>,
        %parallel_loop3A_455 = vector.shape_cast %parallel_loop3A_454 : vector<1x16xf32> to vector<16xf32>
        %parallel_loop3A_456 = arith.addf %parallel_loop3A_449, %parallel_loop3A_455 : vector<16xf32>
        %parallel_loop3A_457 = arith.constant 5 : i32
        %parallel_loop3A_458 = arith.addi %parallel_loop3A_282, %parallel_loop3A_457 : i32
        %parallel_loop3A_459 = arith.index_cast %parallel_loop3A_458 : i32 to index
        %parallel_loop3A_460 = arith.constant 16 : index
        %parallel_loop3A_461 = tpu.vector_load %arg6[%parallel_loop3A_459, %parallel_loop3A_460] {strides = array<i32>} : memref<320x128xf32, #tpu.memory_space<vmem>>, vector<1x16xf32>,
        %parallel_loop3A_462 = vector.shape_cast %parallel_loop3A_461 : vector<1x16xf32> to vector<16xf32>
        %parallel_loop3A_463 = arith.addf %parallel_loop3A_456, %parallel_loop3A_462 : vector<16xf32>
        %parallel_loop3A_464 = arith.constant 6 : i32
        %parallel_loop3A_465 = arith.addi %parallel_loop3A_282, %parallel_loop3A_464 : i32
        %parallel_loop3A_466 = arith.index_cast %parallel_loop3A_465 : i32 to index
        %parallel_loop3A_467 = arith.constant 16 : index
        %parallel_loop3A_468 = tpu.vector_load %arg6[%parallel_loop3A_466, %parallel_loop3A_467] {strides = array<i32>} : memref<320x128xf32, #tpu.memory_space<vmem>>, vector<1x16xf32>,
        %parallel_loop3A_469 = vector.shape_cast %parallel_loop3A_468 : vector<1x16xf32> to vector<16xf32>
        %parallel_loop3A_470 = arith.addf %parallel_loop3A_463, %parallel_loop3A_469 : vector<16xf32>
        %parallel_loop3A_471 = arith.constant 7 : i32
        %parallel_loop3A_472 = arith.addi %parallel_loop3A_282, %parallel_loop3A_471 : i32
        %parallel_loop3A_473 = arith.index_cast %parallel_loop3A_472 : i32 to index
        %parallel_loop3A_474 = arith.constant 16 : index
        %parallel_loop3A_475 = tpu.vector_load %arg6[%parallel_loop3A_473, %parallel_loop3A_474] {strides = array<i32>} : memref<320x128xf32, #tpu.memory_space<vmem>>, vector<1x16xf32>,
        %parallel_loop3A_476 = vector.shape_cast %parallel_loop3A_475 : vector<1x16xf32> to vector<16xf32>
        %parallel_loop3A_477 = arith.addf %parallel_loop3A_470, %parallel_loop3A_476 : vector<16xf32>
        %parallel_loop3A_478 = arith.constant 8 : i32
        %parallel_loop3A_479 = arith.addi %parallel_loop3A_282, %parallel_loop3A_478 : i32
        %parallel_loop3A_480 = arith.index_cast %parallel_loop3A_479 : i32 to index
        %parallel_loop3A_481 = arith.constant 16 : index
        %parallel_loop3A_482 = tpu.vector_load %arg6[%parallel_loop3A_480, %parallel_loop3A_481] {strides = array<i32>} : memref<320x128xf32, #tpu.memory_space<vmem>>, vector<1x16xf32>,
        %parallel_loop3A_483 = vector.shape_cast %parallel_loop3A_482 : vector<1x16xf32> to vector<16xf32>
        %parallel_loop3A_484 = arith.addf %parallel_loop3A_477, %parallel_loop3A_483 : vector<16xf32>
        %parallel_loop3A_485 = arith.constant 9 : i32
        %parallel_loop3A_486 = arith.addi %parallel_loop3A_282, %parallel_loop3A_485 : i32
        %parallel_loop3A_487 = arith.index_cast %parallel_loop3A_486 : i32 to index
        %parallel_loop3A_488 = arith.constant 16 : index
        %parallel_loop3A_489 = tpu.vector_load %arg6[%parallel_loop3A_487, %parallel_loop3A_488] {strides = array<i32>} : memref<320x128xf32, #tpu.memory_space<vmem>>, vector<1x16xf32>,
        %parallel_loop3A_490 = vector.shape_cast %parallel_loop3A_489 : vector<1x16xf32> to vector<16xf32>
        %parallel_loop3A_491 = arith.addf %parallel_loop3A_484, %parallel_loop3A_490 : vector<16xf32>
        %parallel_loop3A_492 = arith.constant 10 : i32
        %parallel_loop3A_493 = arith.addi %parallel_loop3A_282, %parallel_loop3A_492 : i32
        %parallel_loop3A_494 = arith.index_cast %parallel_loop3A_493 : i32 to index
        %parallel_loop3A_495 = arith.constant 16 : index
        %parallel_loop3A_496 = tpu.vector_load %arg6[%parallel_loop3A_494, %parallel_loop3A_495] {strides = array<i32>} : memref<320x128xf32, #tpu.memory_space<vmem>>, vector<1x16xf32>,
        %parallel_loop3A_497 = vector.shape_cast %parallel_loop3A_496 : vector<1x16xf32> to vector<16xf32>
        %parallel_loop3A_498 = arith.addf %parallel_loop3A_491, %parallel_loop3A_497 : vector<16xf32>
        %parallel_loop3A_499 = arith.constant 11 : i32
        %parallel_loop3A_500 = arith.addi %parallel_loop3A_282, %parallel_loop3A_499 : i32
        %parallel_loop3A_501 = arith.index_cast %parallel_loop3A_500 : i32 to index
        %parallel_loop3A_502 = arith.constant 16 : index
        %parallel_loop3A_503 = tpu.vector_load %arg6[%parallel_loop3A_501, %parallel_loop3A_502] {strides = array<i32>} : memref<320x128xf32, #tpu.memory_space<vmem>>, vector<1x16xf32>,
        %parallel_loop3A_504 = vector.shape_cast %parallel_loop3A_503 : vector<1x16xf32> to vector<16xf32>
        %parallel_loop3A_505 = arith.addf %parallel_loop3A_498, %parallel_loop3A_504 : vector<16xf32>
        %parallel_loop3A_506 = arith.constant 12 : i32
        %parallel_loop3A_507 = arith.addi %parallel_loop3A_282, %parallel_loop3A_506 : i32
        %parallel_loop3A_508 = arith.index_cast %parallel_loop3A_507 : i32 to index
        %parallel_loop3A_509 = arith.constant 16 : index
        %parallel_loop3A_510 = tpu.vector_load %arg6[%parallel_loop3A_508, %parallel_loop3A_509] {strides = array<i32>} : memref<320x128xf32, #tpu.memory_space<vmem>>, vector<1x16xf32>,
        %parallel_loop3A_511 = vector.shape_cast %parallel_loop3A_510 : vector<1x16xf32> to vector<16xf32>
        %parallel_loop3A_512 = arith.addf %parallel_loop3A_505, %parallel_loop3A_511 : vector<16xf32>
        %parallel_loop3A_513 = arith.constant 13 : i32
        %parallel_loop3A_514 = arith.addi %parallel_loop3A_282, %parallel_loop3A_513 : i32
        %parallel_loop3A_515 = arith.index_cast %parallel_loop3A_514 : i32 to index
        %parallel_loop3A_516 = arith.constant 16 : index
        %parallel_loop3A_517 = tpu.vector_load %arg6[%parallel_loop3A_515, %parallel_loop3A_516] {strides = array<i32>} : memref<320x128xf32, #tpu.memory_space<vmem>>, vector<1x16xf32>,
        %parallel_loop3A_518 = vector.shape_cast %parallel_loop3A_517 : vector<1x16xf32> to vector<16xf32>
        %parallel_loop3A_519 = arith.addf %parallel_loop3A_512, %parallel_loop3A_518 : vector<16xf32>
        %parallel_loop3A_520 = arith.constant 14 : i32
        %parallel_loop3A_521 = arith.addi %parallel_loop3A_282, %parallel_loop3A_520 : i32
        %parallel_loop3A_522 = arith.index_cast %parallel_loop3A_521 : i32 to index
        %parallel_loop3A_523 = arith.constant 16 : index
        %parallel_loop3A_524 = tpu.vector_load %arg6[%parallel_loop3A_522, %parallel_loop3A_523] {strides = array<i32>} : memref<320x128xf32, #tpu.memory_space<vmem>>, vector<1x16xf32>,
        %parallel_loop3A_525 = vector.shape_cast %parallel_loop3A_524 : vector<1x16xf32> to vector<16xf32>
        %parallel_loop3A_526 = arith.addf %parallel_loop3A_519, %parallel_loop3A_525 : vector<16xf32>
        %parallel_loop3A_527 = arith.constant 15 : i32
        %parallel_loop3A_528 = arith.addi %parallel_loop3A_282, %parallel_loop3A_527 : i32
        %parallel_loop3A_529 = arith.index_cast %parallel_loop3A_528 : i32 to index
        %parallel_loop3A_530 = arith.constant 16 : index
        %parallel_loop3A_531 = tpu.vector_load %arg6[%parallel_loop3A_529, %parallel_loop3A_530] {strides = array<i32>} : memref<320x128xf32, #tpu.memory_space<vmem>>, vector<1x16xf32>,
        %parallel_loop3A_532 = vector.shape_cast %parallel_loop3A_531 : vector<1x16xf32> to vector<16xf32>
        %parallel_loop3A_533 = arith.addf %parallel_loop3A_526, %parallel_loop3A_532 : vector<16xf32>
        %parallel_loop3A_534 = arith.constant 16 : i32
        %parallel_loop3A_535 = arith.addi %parallel_loop3A_282, %parallel_loop3A_534 : i32
        %parallel_loop3A_536 = arith.index_cast %parallel_loop3A_535 : i32 to index
        %parallel_loop3A_537 = arith.constant 16 : index
        %parallel_loop3A_538 = tpu.vector_load %arg6[%parallel_loop3A_536, %parallel_loop3A_537] {strides = array<i32>} : memref<320x128xf32, #tpu.memory_space<vmem>>, vector<1x16xf32>,
        %parallel_loop3A_539 = vector.shape_cast %parallel_loop3A_538 : vector<1x16xf32> to vector<16xf32>
        %parallel_loop3A_540 = arith.addf %parallel_loop3A_533, %parallel_loop3A_539 : vector<16xf32>
        %parallel_loop3A_541 = arith.constant 17 : i32
        %parallel_loop3A_542 = arith.addi %parallel_loop3A_282, %parallel_loop3A_541 : i32
        %parallel_loop3A_543 = arith.index_cast %parallel_loop3A_542 : i32 to index
        %parallel_loop3A_544 = arith.constant 16 : index
        %parallel_loop3A_545 = tpu.vector_load %arg6[%parallel_loop3A_543, %parallel_loop3A_544] {strides = array<i32>} : memref<320x128xf32, #tpu.memory_space<vmem>>, vector<1x16xf32>,
        %parallel_loop3A_546 = vector.shape_cast %parallel_loop3A_545 : vector<1x16xf32> to vector<16xf32>
        %parallel_loop3A_547 = arith.addf %parallel_loop3A_540, %parallel_loop3A_546 : vector<16xf32>
        %parallel_loop3A_548 = arith.constant 18 : i32
        %parallel_loop3A_549 = arith.addi %parallel_loop3A_282, %parallel_loop3A_548 : i32
        %parallel_loop3A_550 = arith.index_cast %parallel_loop3A_549 : i32 to index
        %parallel_loop3A_551 = arith.constant 16 : index
        %parallel_loop3A_552 = tpu.vector_load %arg6[%parallel_loop3A_550, %parallel_loop3A_551] {strides = array<i32>} : memref<320x128xf32, #tpu.memory_space<vmem>>, vector<1x16xf32>,
        %parallel_loop3A_553 = vector.shape_cast %parallel_loop3A_552 : vector<1x16xf32> to vector<16xf32>
        %parallel_loop3A_554 = arith.addf %parallel_loop3A_547, %parallel_loop3A_553 : vector<16xf32>
        %parallel_loop3A_555 = arith.constant 19 : i32
        %parallel_loop3A_556 = arith.addi %parallel_loop3A_282, %parallel_loop3A_555 : i32
        %parallel_loop3A_557 = arith.index_cast %parallel_loop3A_556 : i32 to index
        %parallel_loop3A_558 = arith.constant 16 : index
        %parallel_loop3A_559 = tpu.vector_load %arg6[%parallel_loop3A_557, %parallel_loop3A_558] {strides = array<i32>} : memref<320x128xf32, #tpu.memory_space<vmem>>, vector<1x16xf32>,
        %parallel_loop3A_560 = vector.shape_cast %parallel_loop3A_559 : vector<1x16xf32> to vector<16xf32>
        %parallel_loop3A_561 = arith.addf %parallel_loop3A_554, %parallel_loop3A_560 : vector<16xf32>
        %parallel_loop3A_562 = arith.index_cast %parallel_loop3A_280 : i32 to index
        %parallel_loop3A_563 = arith.constant 16 : index
        %parallel_loop3A_564 = tpu.vector_load %arg8[%parallel_loop3A_562, %parallel_loop3A_563] {strides = array<i32>} : memref<16x128xf32, #tpu.memory_space<vmem>>, vector<1x16xf32>,
        %parallel_loop3A_565 = vector.shape_cast %parallel_loop3A_564 : vector<1x16xf32> to vector<16xf32>
        %parallel_loop3A_566 = vector.shape_cast %parallel_loop3A_561 : vector<16xf32> to vector<1x16xf32>
        tpu.vector_store %arg8[%parallel_loop3A_562, %parallel_loop3A_563], %parallel_loop3A_566 {strides = array<i32>} : memref<16x128xf32, #tpu.memory_space<vmem>>, vector<1x16xf32>,
        %parallel_loop3A_567 = arith.index_cast %parallel_loop3A_282 : i32 to index
        %parallel_loop3A_568 = arith.constant 32 : index
        %parallel_loop3A_569 = tpu.vector_load %arg6[%parallel_loop3A_567, %parallel_loop3A_568] {strides = array<i32>} : memref<320x128xf32, #tpu.memory_space<vmem>>, vector<1x16xf32>,
        %parallel_loop3A_570 = vector.shape_cast %parallel_loop3A_569 : vector<1x16xf32> to vector<16xf32>
        %parallel_loop3A_571 = arith.constant 1 : i32
        %parallel_loop3A_572 = arith.addi %parallel_loop3A_282, %parallel_loop3A_571 : i32
        %parallel_loop3A_573 = arith.index_cast %parallel_loop3A_572 : i32 to index
        %parallel_loop3A_574 = arith.constant 32 : index
        %parallel_loop3A_575 = tpu.vector_load %arg6[%parallel_loop3A_573, %parallel_loop3A_574] {strides = array<i32>} : memref<320x128xf32, #tpu.memory_space<vmem>>, vector<1x16xf32>,
        %parallel_loop3A_576 = vector.shape_cast %parallel_loop3A_575 : vector<1x16xf32> to vector<16xf32>
        %parallel_loop3A_577 = arith.addf %parallel_loop3A_570, %parallel_loop3A_576 : vector<16xf32>
        %parallel_loop3A_578 = arith.constant 2 : i32
        %parallel_loop3A_579 = arith.addi %parallel_loop3A_282, %parallel_loop3A_578 : i32
        %parallel_loop3A_580 = arith.index_cast %parallel_loop3A_579 : i32 to index
        %parallel_loop3A_581 = arith.constant 32 : index
        %parallel_loop3A_582 = tpu.vector_load %arg6[%parallel_loop3A_580, %parallel_loop3A_581] {strides = array<i32>} : memref<320x128xf32, #tpu.memory_space<vmem>>, vector<1x16xf32>,
        %parallel_loop3A_583 = vector.shape_cast %parallel_loop3A_582 : vector<1x16xf32> to vector<16xf32>
        %parallel_loop3A_584 = arith.addf %parallel_loop3A_577, %parallel_loop3A_583 : vector<16xf32>
        %parallel_loop3A_585 = arith.constant 3 : i32
        %parallel_loop3A_586 = arith.addi %parallel_loop3A_282, %parallel_loop3A_585 : i32
        %parallel_loop3A_587 = arith.index_cast %parallel_loop3A_586 : i32 to index
        %parallel_loop3A_588 = arith.constant 32 : index
        %parallel_loop3A_589 = tpu.vector_load %arg6[%parallel_loop3A_587, %parallel_loop3A_588] {strides = array<i32>} : memref<320x128xf32, #tpu.memory_space<vmem>>, vector<1x16xf32>,
        %parallel_loop3A_590 = vector.shape_cast %parallel_loop3A_589 : vector<1x16xf32> to vector<16xf32>
        %parallel_loop3A_591 = arith.addf %parallel_loop3A_584, %parallel_loop3A_590 : vector<16xf32>
        %parallel_loop3A_592 = arith.constant 4 : i32
        %parallel_loop3A_593 = arith.addi %parallel_loop3A_282, %parallel_loop3A_592 : i32
        %parallel_loop3A_594 = arith.index_cast %parallel_loop3A_593 : i32 to index
        %parallel_loop3A_595 = arith.constant 32 : index
        %parallel_loop3A_596 = tpu.vector_load %arg6[%parallel_loop3A_594, %parallel_loop3A_595] {strides = array<i32>} : memref<320x128xf32, #tpu.memory_space<vmem>>, vector<1x16xf32>,
        %parallel_loop3A_597 = vector.shape_cast %parallel_loop3A_596 : vector<1x16xf32> to vector<16xf32>
        %parallel_loop3A_598 = arith.addf %parallel_loop3A_591, %parallel_loop3A_597 : vector<16xf32>
        %parallel_loop3A_599 = arith.constant 5 : i32
        %parallel_loop3A_600 = arith.addi %parallel_loop3A_282, %parallel_loop3A_599 : i32
        %parallel_loop3A_601 = arith.index_cast %parallel_loop3A_600 : i32 to index
        %parallel_loop3A_602 = arith.constant 32 : index
        %parallel_loop3A_603 = tpu.vector_load %arg6[%parallel_loop3A_601, %parallel_loop3A_602] {strides = array<i32>} : memref<320x128xf32, #tpu.memory_space<vmem>>, vector<1x16xf32>,
        %parallel_loop3A_604 = vector.shape_cast %parallel_loop3A_603 : vector<1x16xf32> to vector<16xf32>
        %parallel_loop3A_605 = arith.addf %parallel_loop3A_598, %parallel_loop3A_604 : vector<16xf32>
        %parallel_loop3A_606 = arith.constant 6 : i32
        %parallel_loop3A_607 = arith.addi %parallel_loop3A_282, %parallel_loop3A_606 : i32
        %parallel_loop3A_608 = arith.index_cast %parallel_loop3A_607 : i32 to index
        %parallel_loop3A_609 = arith.constant 32 : index
        %parallel_loop3A_610 = tpu.vector_load %arg6[%parallel_loop3A_608, %parallel_loop3A_609] {strides = array<i32>} : memref<320x128xf32, #tpu.memory_space<vmem>>, vector<1x16xf32>,
        %parallel_loop3A_611 = vector.shape_cast %parallel_loop3A_610 : vector<1x16xf32> to vector<16xf32>
        %parallel_loop3A_612 = arith.addf %parallel_loop3A_605, %parallel_loop3A_611 : vector<16xf32>
        %parallel_loop3A_613 = arith.constant 7 : i32
        %parallel_loop3A_614 = arith.addi %parallel_loop3A_282, %parallel_loop3A_613 : i32
        %parallel_loop3A_615 = arith.index_cast %parallel_loop3A_614 : i32 to index
        %parallel_loop3A_616 = arith.constant 32 : index
        %parallel_loop3A_617 = tpu.vector_load %arg6[%parallel_loop3A_615, %parallel_loop3A_616] {strides = array<i32>} : memref<320x128xf32, #tpu.memory_space<vmem>>, vector<1x16xf32>,
        %parallel_loop3A_618 = vector.shape_cast %parallel_loop3A_617 : vector<1x16xf32> to vector<16xf32>
        %parallel_loop3A_619 = arith.addf %parallel_loop3A_612, %parallel_loop3A_618 : vector<16xf32>
        %parallel_loop3A_620 = arith.constant 8 : i32
        %parallel_loop3A_621 = arith.addi %parallel_loop3A_282, %parallel_loop3A_620 : i32
        %parallel_loop3A_622 = arith.index_cast %parallel_loop3A_621 : i32 to index
        %parallel_loop3A_623 = arith.constant 32 : index
        %parallel_loop3A_624 = tpu.vector_load %arg6[%parallel_loop3A_622, %parallel_loop3A_623] {strides = array<i32>} : memref<320x128xf32, #tpu.memory_space<vmem>>, vector<1x16xf32>,
        %parallel_loop3A_625 = vector.shape_cast %parallel_loop3A_624 : vector<1x16xf32> to vector<16xf32>
        %parallel_loop3A_626 = arith.addf %parallel_loop3A_619, %parallel_loop3A_625 : vector<16xf32>
        %parallel_loop3A_627 = arith.constant 9 : i32
        %parallel_loop3A_628 = arith.addi %parallel_loop3A_282, %parallel_loop3A_627 : i32
        %parallel_loop3A_629 = arith.index_cast %parallel_loop3A_628 : i32 to index
        %parallel_loop3A_630 = arith.constant 32 : index
        %parallel_loop3A_631 = tpu.vector_load %arg6[%parallel_loop3A_629, %parallel_loop3A_630] {strides = array<i32>} : memref<320x128xf32, #tpu.memory_space<vmem>>, vector<1x16xf32>,
        %parallel_loop3A_632 = vector.shape_cast %parallel_loop3A_631 : vector<1x16xf32> to vector<16xf32>
        %parallel_loop3A_633 = arith.addf %parallel_loop3A_626, %parallel_loop3A_632 : vector<16xf32>
        %parallel_loop3A_634 = arith.constant 10 : i32
        %parallel_loop3A_635 = arith.addi %parallel_loop3A_282, %parallel_loop3A_634 : i32
        %parallel_loop3A_636 = arith.index_cast %parallel_loop3A_635 : i32 to index
        %parallel_loop3A_637 = arith.constant 32 : index
        %parallel_loop3A_638 = tpu.vector_load %arg6[%parallel_loop3A_636, %parallel_loop3A_637] {strides = array<i32>} : memref<320x128xf32, #tpu.memory_space<vmem>>, vector<1x16xf32>,
        %parallel_loop3A_639 = vector.shape_cast %parallel_loop3A_638 : vector<1x16xf32> to vector<16xf32>
        %parallel_loop3A_640 = arith.addf %parallel_loop3A_633, %parallel_loop3A_639 : vector<16xf32>
        %parallel_loop3A_641 = arith.constant 11 : i32
        %parallel_loop3A_642 = arith.addi %parallel_loop3A_282, %parallel_loop3A_641 : i32
        %parallel_loop3A_643 = arith.index_cast %parallel_loop3A_642 : i32 to index
        %parallel_loop3A_644 = arith.constant 32 : index
        %parallel_loop3A_645 = tpu.vector_load %arg6[%parallel_loop3A_643, %parallel_loop3A_644] {strides = array<i32>} : memref<320x128xf32, #tpu.memory_space<vmem>>, vector<1x16xf32>,
        %parallel_loop3A_646 = vector.shape_cast %parallel_loop3A_645 : vector<1x16xf32> to vector<16xf32>
        %parallel_loop3A_647 = arith.addf %parallel_loop3A_640, %parallel_loop3A_646 : vector<16xf32>
        %parallel_loop3A_648 = arith.constant 12 : i32
        %parallel_loop3A_649 = arith.addi %parallel_loop3A_282, %parallel_loop3A_648 : i32
        %parallel_loop3A_650 = arith.index_cast %parallel_loop3A_649 : i32 to index
        %parallel_loop3A_651 = arith.constant 32 : index
        %parallel_loop3A_652 = tpu.vector_load %arg6[%parallel_loop3A_650, %parallel_loop3A_651] {strides = array<i32>} : memref<320x128xf32, #tpu.memory_space<vmem>>, vector<1x16xf32>,
        %parallel_loop3A_653 = vector.shape_cast %parallel_loop3A_652 : vector<1x16xf32> to vector<16xf32>
        %parallel_loop3A_654 = arith.addf %parallel_loop3A_647, %parallel_loop3A_653 : vector<16xf32>
        %parallel_loop3A_655 = arith.constant 13 : i32
        %parallel_loop3A_656 = arith.addi %parallel_loop3A_282, %parallel_loop3A_655 : i32
        %parallel_loop3A_657 = arith.index_cast %parallel_loop3A_656 : i32 to index
        %parallel_loop3A_658 = arith.constant 32 : index
        %parallel_loop3A_659 = tpu.vector_load %arg6[%parallel_loop3A_657, %parallel_loop3A_658] {strides = array<i32>} : memref<320x128xf32, #tpu.memory_space<vmem>>, vector<1x16xf32>,
        %parallel_loop3A_660 = vector.shape_cast %parallel_loop3A_659 : vector<1x16xf32> to vector<16xf32>
        %parallel_loop3A_661 = arith.addf %parallel_loop3A_654, %parallel_loop3A_660 : vector<16xf32>
        %parallel_loop3A_662 = arith.constant 14 : i32
        %parallel_loop3A_663 = arith.addi %parallel_loop3A_282, %parallel_loop3A_662 : i32
        %parallel_loop3A_664 = arith.index_cast %parallel_loop3A_663 : i32 to index
        %parallel_loop3A_665 = arith.constant 32 : index
        %parallel_loop3A_666 = tpu.vector_load %arg6[%parallel_loop3A_664, %parallel_loop3A_665] {strides = array<i32>} : memref<320x128xf32, #tpu.memory_space<vmem>>, vector<1x16xf32>,
        %parallel_loop3A_667 = vector.shape_cast %parallel_loop3A_666 : vector<1x16xf32> to vector<16xf32>
        %parallel_loop3A_668 = arith.addf %parallel_loop3A_661, %parallel_loop3A_667 : vector<16xf32>
        %parallel_loop3A_669 = arith.constant 15 : i32
        %parallel_loop3A_670 = arith.addi %parallel_loop3A_282, %parallel_loop3A_669 : i32
        %parallel_loop3A_671 = arith.index_cast %parallel_loop3A_670 : i32 to index
        %parallel_loop3A_672 = arith.constant 32 : index
        %parallel_loop3A_673 = tpu.vector_load %arg6[%parallel_loop3A_671, %parallel_loop3A_672] {strides = array<i32>} : memref<320x128xf32, #tpu.memory_space<vmem>>, vector<1x16xf32>,
        %parallel_loop3A_674 = vector.shape_cast %parallel_loop3A_673 : vector<1x16xf32> to vector<16xf32>
        %parallel_loop3A_675 = arith.addf %parallel_loop3A_668, %parallel_loop3A_674 : vector<16xf32>
        %parallel_loop3A_676 = arith.constant 16 : i32
        %parallel_loop3A_677 = arith.addi %parallel_loop3A_282, %parallel_loop3A_676 : i32
        %parallel_loop3A_678 = arith.index_cast %parallel_loop3A_677 : i32 to index
        %parallel_loop3A_679 = arith.constant 32 : index
        %parallel_loop3A_680 = tpu.vector_load %arg6[%parallel_loop3A_678, %parallel_loop3A_679] {strides = array<i32>} : memref<320x128xf32, #tpu.memory_space<vmem>>, vector<1x16xf32>,
        %parallel_loop3A_681 = vector.shape_cast %parallel_loop3A_680 : vector<1x16xf32> to vector<16xf32>
        %parallel_loop3A_682 = arith.addf %parallel_loop3A_675, %parallel_loop3A_681 : vector<16xf32>
        %parallel_loop3A_683 = arith.constant 17 : i32
        %parallel_loop3A_684 = arith.addi %parallel_loop3A_282, %parallel_loop3A_683 : i32
        %parallel_loop3A_685 = arith.index_cast %parallel_loop3A_684 : i32 to index
        %parallel_loop3A_686 = arith.constant 32 : index
        %parallel_loop3A_687 = tpu.vector_load %arg6[%parallel_loop3A_685, %parallel_loop3A_686] {strides = array<i32>} : memref<320x128xf32, #tpu.memory_space<vmem>>, vector<1x16xf32>,
        %parallel_loop3A_688 = vector.shape_cast %parallel_loop3A_687 : vector<1x16xf32> to vector<16xf32>
        %parallel_loop3A_689 = arith.addf %parallel_loop3A_682, %parallel_loop3A_688 : vector<16xf32>
        %parallel_loop3A_690 = arith.constant 18 : i32
        %parallel_loop3A_691 = arith.addi %parallel_loop3A_282, %parallel_loop3A_690 : i32
        %parallel_loop3A_692 = arith.index_cast %parallel_loop3A_691 : i32 to index
        %parallel_loop3A_693 = arith.constant 32 : index
        %parallel_loop3A_694 = tpu.vector_load %arg6[%parallel_loop3A_692, %parallel_loop3A_693] {strides = array<i32>} : memref<320x128xf32, #tpu.memory_space<vmem>>, vector<1x16xf32>,
        %parallel_loop3A_695 = vector.shape_cast %parallel_loop3A_694 : vector<1x16xf32> to vector<16xf32>
        %parallel_loop3A_696 = arith.addf %parallel_loop3A_689, %parallel_loop3A_695 : vector<16xf32>
        %parallel_loop3A_697 = arith.constant 19 : i32
        %parallel_loop3A_698 = arith.addi %parallel_loop3A_282, %parallel_loop3A_697 : i32
        %parallel_loop3A_699 = arith.index_cast %parallel_loop3A_698 : i32 to index
        %parallel_loop3A_700 = arith.constant 32 : index
        %parallel_loop3A_701 = tpu.vector_load %arg6[%parallel_loop3A_699, %parallel_loop3A_700] {strides = array<i32>} : memref<320x128xf32, #tpu.memory_space<vmem>>, vector<1x16xf32>,
        %parallel_loop3A_702 = vector.shape_cast %parallel_loop3A_701 : vector<1x16xf32> to vector<16xf32>
        %parallel_loop3A_703 = arith.addf %parallel_loop3A_696, %parallel_loop3A_702 : vector<16xf32>
        %parallel_loop3A_704 = arith.index_cast %parallel_loop3A_280 : i32 to index
        %parallel_loop3A_705 = arith.constant 32 : index
        %parallel_loop3A_706 = tpu.vector_load %arg8[%parallel_loop3A_704, %parallel_loop3A_705] {strides = array<i32>} : memref<16x128xf32, #tpu.memory_space<vmem>>, vector<1x16xf32>,
        %parallel_loop3A_707 = vector.shape_cast %parallel_loop3A_706 : vector<1x16xf32> to vector<16xf32>
        %parallel_loop3A_708 = vector.shape_cast %parallel_loop3A_703 : vector<16xf32> to vector<1x16xf32>
        tpu.vector_store %arg8[%parallel_loop3A_704, %parallel_loop3A_705], %parallel_loop3A_708 {strides = array<i32>} : memref<16x128xf32, #tpu.memory_space<vmem>>, vector<1x16xf32>,
        %parallel_loop3A_709 = arith.index_cast %parallel_loop3A_282 : i32 to index
        %parallel_loop3A_710 = arith.constant 48 : index
        %parallel_loop3A_711 = tpu.vector_load %arg6[%parallel_loop3A_709, %parallel_loop3A_710] {strides = array<i32>} : memref<320x128xf32, #tpu.memory_space<vmem>>, vector<1x16xf32>,
        %parallel_loop3A_712 = vector.shape_cast %parallel_loop3A_711 : vector<1x16xf32> to vector<16xf32>
        %parallel_loop3A_713 = arith.constant 1 : i32
        %parallel_loop3A_714 = arith.addi %parallel_loop3A_282, %parallel_loop3A_713 : i32
        %parallel_loop3A_715 = arith.index_cast %parallel_loop3A_714 : i32 to index
        %parallel_loop3A_716 = arith.constant 48 : index
        %parallel_loop3A_717 = tpu.vector_load %arg6[%parallel_loop3A_715, %parallel_loop3A_716] {strides = array<i32>} : memref<320x128xf32, #tpu.memory_space<vmem>>, vector<1x16xf32>,
        %parallel_loop3A_718 = vector.shape_cast %parallel_loop3A_717 : vector<1x16xf32> to vector<16xf32>
        %parallel_loop3A_719 = arith.addf %parallel_loop3A_712, %parallel_loop3A_718 : vector<16xf32>
        %parallel_loop3A_720 = arith.constant 2 : i32
        %parallel_loop3A_721 = arith.addi %parallel_loop3A_282, %parallel_loop3A_720 : i32
        %parallel_loop3A_722 = arith.index_cast %parallel_loop3A_721 : i32 to index
        %parallel_loop3A_723 = arith.constant 48 : index
        %parallel_loop3A_724 = tpu.vector_load %arg6[%parallel_loop3A_722, %parallel_loop3A_723] {strides = array<i32>} : memref<320x128xf32, #tpu.memory_space<vmem>>, vector<1x16xf32>,
        %parallel_loop3A_725 = vector.shape_cast %parallel_loop3A_724 : vector<1x16xf32> to vector<16xf32>
        %parallel_loop3A_726 = arith.addf %parallel_loop3A_719, %parallel_loop3A_725 : vector<16xf32>
        %parallel_loop3A_727 = arith.constant 3 : i32
        %parallel_loop3A_728 = arith.addi %parallel_loop3A_282, %parallel_loop3A_727 : i32
        %parallel_loop3A_729 = arith.index_cast %parallel_loop3A_728 : i32 to index
        %parallel_loop3A_730 = arith.constant 48 : index
        %parallel_loop3A_731 = tpu.vector_load %arg6[%parallel_loop3A_729, %parallel_loop3A_730] {strides = array<i32>} : memref<320x128xf32, #tpu.memory_space<vmem>>, vector<1x16xf32>,
        %parallel_loop3A_732 = vector.shape_cast %parallel_loop3A_731 : vector<1x16xf32> to vector<16xf32>
        %parallel_loop3A_733 = arith.addf %parallel_loop3A_726, %parallel_loop3A_732 : vector<16xf32>
        %parallel_loop3A_734 = arith.constant 4 : i32
        %parallel_loop3A_735 = arith.addi %parallel_loop3A_282, %parallel_loop3A_734 : i32
        %parallel_loop3A_736 = arith.index_cast %parallel_loop3A_735 : i32 to index
        %parallel_loop3A_737 = arith.constant 48 : index
        %parallel_loop3A_738 = tpu.vector_load %arg6[%parallel_loop3A_736, %parallel_loop3A_737] {strides = array<i32>} : memref<320x128xf32, #tpu.memory_space<vmem>>, vector<1x16xf32>,
        %parallel_loop3A_739 = vector.shape_cast %parallel_loop3A_738 : vector<1x16xf32> to vector<16xf32>
        %parallel_loop3A_740 = arith.addf %parallel_loop3A_733, %parallel_loop3A_739 : vector<16xf32>
        %parallel_loop3A_741 = arith.constant 5 : i32
        %parallel_loop3A_742 = arith.addi %parallel_loop3A_282, %parallel_loop3A_741 : i32
        %parallel_loop3A_743 = arith.index_cast %parallel_loop3A_742 : i32 to index
        %parallel_loop3A_744 = arith.constant 48 : index
        %parallel_loop3A_745 = tpu.vector_load %arg6[%parallel_loop3A_743, %parallel_loop3A_744] {strides = array<i32>} : memref<320x128xf32, #tpu.memory_space<vmem>>, vector<1x16xf32>,
        %parallel_loop3A_746 = vector.shape_cast %parallel_loop3A_745 : vector<1x16xf32> to vector<16xf32>
        %parallel_loop3A_747 = arith.addf %parallel_loop3A_740, %parallel_loop3A_746 : vector<16xf32>
        %parallel_loop3A_748 = arith.constant 6 : i32
        %parallel_loop3A_749 = arith.addi %parallel_loop3A_282, %parallel_loop3A_748 : i32
        %parallel_loop3A_750 = arith.index_cast %parallel_loop3A_749 : i32 to index
        %parallel_loop3A_751 = arith.constant 48 : index
        %parallel_loop3A_752 = tpu.vector_load %arg6[%parallel_loop3A_750, %parallel_loop3A_751] {strides = array<i32>} : memref<320x128xf32, #tpu.memory_space<vmem>>, vector<1x16xf32>,
        %parallel_loop3A_753 = vector.shape_cast %parallel_loop3A_752 : vector<1x16xf32> to vector<16xf32>
        %parallel_loop3A_754 = arith.addf %parallel_loop3A_747, %parallel_loop3A_753 : vector<16xf32>
        %parallel_loop3A_755 = arith.constant 7 : i32
        %parallel_loop3A_756 = arith.addi %parallel_loop3A_282, %parallel_loop3A_755 : i32
        %parallel_loop3A_757 = arith.index_cast %parallel_loop3A_756 : i32 to index
        %parallel_loop3A_758 = arith.constant 48 : index
        %parallel_loop3A_759 = tpu.vector_load %arg6[%parallel_loop3A_757, %parallel_loop3A_758] {strides = array<i32>} : memref<320x128xf32, #tpu.memory_space<vmem>>, vector<1x16xf32>,
        %parallel_loop3A_760 = vector.shape_cast %parallel_loop3A_759 : vector<1x16xf32> to vector<16xf32>
        %parallel_loop3A_761 = arith.addf %parallel_loop3A_754, %parallel_loop3A_760 : vector<16xf32>
        %parallel_loop3A_762 = arith.constant 8 : i32
        %parallel_loop3A_763 = arith.addi %parallel_loop3A_282, %parallel_loop3A_762 : i32
        %parallel_loop3A_764 = arith.index_cast %parallel_loop3A_763 : i32 to index
        %parallel_loop3A_765 = arith.constant 48 : index
        %parallel_loop3A_766 = tpu.vector_load %arg6[%parallel_loop3A_764, %parallel_loop3A_765] {strides = array<i32>} : memref<320x128xf32, #tpu.memory_space<vmem>>, vector<1x16xf32>,
        %parallel_loop3A_767 = vector.shape_cast %parallel_loop3A_766 : vector<1x16xf32> to vector<16xf32>
        %parallel_loop3A_768 = arith.addf %parallel_loop3A_761, %parallel_loop3A_767 : vector<16xf32>
        %parallel_loop3A_769 = arith.constant 9 : i32
        %parallel_loop3A_770 = arith.addi %parallel_loop3A_282, %parallel_loop3A_769 : i32
        %parallel_loop3A_771 = arith.index_cast %parallel_loop3A_770 : i32 to index
        %parallel_loop3A_772 = arith.constant 48 : index
        %parallel_loop3A_773 = tpu.vector_load %arg6[%parallel_loop3A_771, %parallel_loop3A_772] {strides = array<i32>} : memref<320x128xf32, #tpu.memory_space<vmem>>, vector<1x16xf32>,
        %parallel_loop3A_774 = vector.shape_cast %parallel_loop3A_773 : vector<1x16xf32> to vector<16xf32>
        %parallel_loop3A_775 = arith.addf %parallel_loop3A_768, %parallel_loop3A_774 : vector<16xf32>
        %parallel_loop3A_776 = arith.constant 10 : i32
        %parallel_loop3A_777 = arith.addi %parallel_loop3A_282, %parallel_loop3A_776 : i32
        %parallel_loop3A_778 = arith.index_cast %parallel_loop3A_777 : i32 to index
        %parallel_loop3A_779 = arith.constant 48 : index
        %parallel_loop3A_780 = tpu.vector_load %arg6[%parallel_loop3A_778, %parallel_loop3A_779] {strides = array<i32>} : memref<320x128xf32, #tpu.memory_space<vmem>>, vector<1x16xf32>,
        %parallel_loop3A_781 = vector.shape_cast %parallel_loop3A_780 : vector<1x16xf32> to vector<16xf32>
        %parallel_loop3A_782 = arith.addf %parallel_loop3A_775, %parallel_loop3A_781 : vector<16xf32>
        %parallel_loop3A_783 = arith.constant 11 : i32
        %parallel_loop3A_784 = arith.addi %parallel_loop3A_282, %parallel_loop3A_783 : i32
        %parallel_loop3A_785 = arith.index_cast %parallel_loop3A_784 : i32 to index
        %parallel_loop3A_786 = arith.constant 48 : index
        %parallel_loop3A_787 = tpu.vector_load %arg6[%parallel_loop3A_785, %parallel_loop3A_786] {strides = array<i32>} : memref<320x128xf32, #tpu.memory_space<vmem>>, vector<1x16xf32>,
        %parallel_loop3A_788 = vector.shape_cast %parallel_loop3A_787 : vector<1x16xf32> to vector<16xf32>
        %parallel_loop3A_789 = arith.addf %parallel_loop3A_782, %parallel_loop3A_788 : vector<16xf32>
        %parallel_loop3A_790 = arith.constant 12 : i32
        %parallel_loop3A_791 = arith.addi %parallel_loop3A_282, %parallel_loop3A_790 : i32
        %parallel_loop3A_792 = arith.index_cast %parallel_loop3A_791 : i32 to index
        %parallel_loop3A_793 = arith.constant 48 : index
        %parallel_loop3A_794 = tpu.vector_load %arg6[%parallel_loop3A_792, %parallel_loop3A_793] {strides = array<i32>} : memref<320x128xf32, #tpu.memory_space<vmem>>, vector<1x16xf32>,
        %parallel_loop3A_795 = vector.shape_cast %parallel_loop3A_794 : vector<1x16xf32> to vector<16xf32>
        %parallel_loop3A_796 = arith.addf %parallel_loop3A_789, %parallel_loop3A_795 : vector<16xf32>
        %parallel_loop3A_797 = arith.constant 13 : i32
        %parallel_loop3A_798 = arith.addi %parallel_loop3A_282, %parallel_loop3A_797 : i32
        %parallel_loop3A_799 = arith.index_cast %parallel_loop3A_798 : i32 to index
        %parallel_loop3A_800 = arith.constant 48 : index
        %parallel_loop3A_801 = tpu.vector_load %arg6[%parallel_loop3A_799, %parallel_loop3A_800] {strides = array<i32>} : memref<320x128xf32, #tpu.memory_space<vmem>>, vector<1x16xf32>,
        %parallel_loop3A_802 = vector.shape_cast %parallel_loop3A_801 : vector<1x16xf32> to vector<16xf32>
        %parallel_loop3A_803 = arith.addf %parallel_loop3A_796, %parallel_loop3A_802 : vector<16xf32>
        %parallel_loop3A_804 = arith.constant 14 : i32
        %parallel_loop3A_805 = arith.addi %parallel_loop3A_282, %parallel_loop3A_804 : i32
        %parallel_loop3A_806 = arith.index_cast %parallel_loop3A_805 : i32 to index
        %parallel_loop3A_807 = arith.constant 48 : index
        %parallel_loop3A_808 = tpu.vector_load %arg6[%parallel_loop3A_806, %parallel_loop3A_807] {strides = array<i32>} : memref<320x128xf32, #tpu.memory_space<vmem>>, vector<1x16xf32>,
        %parallel_loop3A_809 = vector.shape_cast %parallel_loop3A_808 : vector<1x16xf32> to vector<16xf32>
        %parallel_loop3A_810 = arith.addf %parallel_loop3A_803, %parallel_loop3A_809 : vector<16xf32>
        %parallel_loop3A_811 = arith.constant 15 : i32
        %parallel_loop3A_812 = arith.addi %parallel_loop3A_282, %parallel_loop3A_811 : i32
        %parallel_loop3A_813 = arith.index_cast %parallel_loop3A_812 : i32 to index
        %parallel_loop3A_814 = arith.constant 48 : index
        %parallel_loop3A_815 = tpu.vector_load %arg6[%parallel_loop3A_813, %parallel_loop3A_814] {strides = array<i32>} : memref<320x128xf32, #tpu.memory_space<vmem>>, vector<1x16xf32>,
        %parallel_loop3A_816 = vector.shape_cast %parallel_loop3A_815 : vector<1x16xf32> to vector<16xf32>
        %parallel_loop3A_817 = arith.addf %parallel_loop3A_810, %parallel_loop3A_816 : vector<16xf32>
        %parallel_loop3A_818 = arith.constant 16 : i32
        %parallel_loop3A_819 = arith.addi %parallel_loop3A_282, %parallel_loop3A_818 : i32
        %parallel_loop3A_820 = arith.index_cast %parallel_loop3A_819 : i32 to index
        %parallel_loop3A_821 = arith.constant 48 : index
        %parallel_loop3A_822 = tpu.vector_load %arg6[%parallel_loop3A_820, %parallel_loop3A_821] {strides = array<i32>} : memref<320x128xf32, #tpu.memory_space<vmem>>, vector<1x16xf32>,
        %parallel_loop3A_823 = vector.shape_cast %parallel_loop3A_822 : vector<1x16xf32> to vector<16xf32>
        %parallel_loop3A_824 = arith.addf %parallel_loop3A_817, %parallel_loop3A_823 : vector<16xf32>
        %parallel_loop3A_825 = arith.constant 17 : i32
        %parallel_loop3A_826 = arith.addi %parallel_loop3A_282, %parallel_loop3A_825 : i32
        %parallel_loop3A_827 = arith.index_cast %parallel_loop3A_826 : i32 to index
        %parallel_loop3A_828 = arith.constant 48 : index
        %parallel_loop3A_829 = tpu.vector_load %arg6[%parallel_loop3A_827, %parallel_loop3A_828] {strides = array<i32>} : memref<320x128xf32, #tpu.memory_space<vmem>>, vector<1x16xf32>,
        %parallel_loop3A_830 = vector.shape_cast %parallel_loop3A_829 : vector<1x16xf32> to vector<16xf32>
        %parallel_loop3A_831 = arith.addf %parallel_loop3A_824, %parallel_loop3A_830 : vector<16xf32>
        %parallel_loop3A_832 = arith.constant 18 : i32
        %parallel_loop3A_833 = arith.addi %parallel_loop3A_282, %parallel_loop3A_832 : i32
        %parallel_loop3A_834 = arith.index_cast %parallel_loop3A_833 : i32 to index
        %parallel_loop3A_835 = arith.constant 48 : index
        %parallel_loop3A_836 = tpu.vector_load %arg6[%parallel_loop3A_834, %parallel_loop3A_835] {strides = array<i32>} : memref<320x128xf32, #tpu.memory_space<vmem>>, vector<1x16xf32>,
        %parallel_loop3A_837 = vector.shape_cast %parallel_loop3A_836 : vector<1x16xf32> to vector<16xf32>
        %parallel_loop3A_838 = arith.addf %parallel_loop3A_831, %parallel_loop3A_837 : vector<16xf32>
        %parallel_loop3A_839 = arith.constant 19 : i32
        %parallel_loop3A_840 = arith.addi %parallel_loop3A_282, %parallel_loop3A_839 : i32
        %parallel_loop3A_841 = arith.index_cast %parallel_loop3A_840 : i32 to index
        %parallel_loop3A_842 = arith.constant 48 : index
        %parallel_loop3A_843 = tpu.vector_load %arg6[%parallel_loop3A_841, %parallel_loop3A_842] {strides = array<i32>} : memref<320x128xf32, #tpu.memory_space<vmem>>, vector<1x16xf32>,
        %parallel_loop3A_844 = vector.shape_cast %parallel_loop3A_843 : vector<1x16xf32> to vector<16xf32>
        %parallel_loop3A_845 = arith.addf %parallel_loop3A_838, %parallel_loop3A_844 : vector<16xf32>
        %parallel_loop3A_846 = arith.index_cast %parallel_loop3A_280 : i32 to index
        %parallel_loop3A_847 = arith.constant 48 : index
        %parallel_loop3A_848 = tpu.vector_load %arg8[%parallel_loop3A_846, %parallel_loop3A_847] {strides = array<i32>} : memref<16x128xf32, #tpu.memory_space<vmem>>, vector<1x16xf32>,
        %parallel_loop3A_849 = vector.shape_cast %parallel_loop3A_848 : vector<1x16xf32> to vector<16xf32>
        %parallel_loop3A_850 = vector.shape_cast %parallel_loop3A_845 : vector<16xf32> to vector<1x16xf32>
        tpu.vector_store %arg8[%parallel_loop3A_846, %parallel_loop3A_847], %parallel_loop3A_850 {strides = array<i32>} : memref<16x128xf32, #tpu.memory_space<vmem>>, vector<1x16xf32>,
        %parallel_loop3A_851 = arith.index_cast %parallel_loop3A_282 : i32 to index
        %parallel_loop3A_852 = arith.constant 64 : index
        %parallel_loop3A_853 = tpu.vector_load %arg6[%parallel_loop3A_851, %parallel_loop3A_852] {strides = array<i32>} : memref<320x128xf32, #tpu.memory_space<vmem>>, vector<1x16xf32>,
        %parallel_loop3A_854 = vector.shape_cast %parallel_loop3A_853 : vector<1x16xf32> to vector<16xf32>
        %parallel_loop3A_855 = arith.constant 1 : i32
        %parallel_loop3A_856 = arith.addi %parallel_loop3A_282, %parallel_loop3A_855 : i32
        %parallel_loop3A_857 = arith.index_cast %parallel_loop3A_856 : i32 to index
        %parallel_loop3A_858 = arith.constant 64 : index
        %parallel_loop3A_859 = tpu.vector_load %arg6[%parallel_loop3A_857, %parallel_loop3A_858] {strides = array<i32>} : memref<320x128xf32, #tpu.memory_space<vmem>>, vector<1x16xf32>,
        %parallel_loop3A_860 = vector.shape_cast %parallel_loop3A_859 : vector<1x16xf32> to vector<16xf32>
        %parallel_loop3A_861 = arith.addf %parallel_loop3A_854, %parallel_loop3A_860 : vector<16xf32>
        %parallel_loop3A_862 = arith.constant 2 : i32
        %parallel_loop3A_863 = arith.addi %parallel_loop3A_282, %parallel_loop3A_862 : i32
        %parallel_loop3A_864 = arith.index_cast %parallel_loop3A_863 : i32 to index
        %parallel_loop3A_865 = arith.constant 64 : index
        %parallel_loop3A_866 = tpu.vector_load %arg6[%parallel_loop3A_864, %parallel_loop3A_865] {strides = array<i32>} : memref<320x128xf32, #tpu.memory_space<vmem>>, vector<1x16xf32>,
        %parallel_loop3A_867 = vector.shape_cast %parallel_loop3A_866 : vector<1x16xf32> to vector<16xf32>
        %parallel_loop3A_868 = arith.addf %parallel_loop3A_861, %parallel_loop3A_867 : vector<16xf32>
        %parallel_loop3A_869 = arith.constant 3 : i32
        %parallel_loop3A_870 = arith.addi %parallel_loop3A_282, %parallel_loop3A_869 : i32
        %parallel_loop3A_871 = arith.index_cast %parallel_loop3A_870 : i32 to index
        %parallel_loop3A_872 = arith.constant 64 : index
        %parallel_loop3A_873 = tpu.vector_load %arg6[%parallel_loop3A_871, %parallel_loop3A_872] {strides = array<i32>} : memref<320x128xf32, #tpu.memory_space<vmem>>, vector<1x16xf32>,
        %parallel_loop3A_874 = vector.shape_cast %parallel_loop3A_873 : vector<1x16xf32> to vector<16xf32>
        %parallel_loop3A_875 = arith.addf %parallel_loop3A_868, %parallel_loop3A_874 : vector<16xf32>
        %parallel_loop3A_876 = arith.constant 4 : i32
        %parallel_loop3A_877 = arith.addi %parallel_loop3A_282, %parallel_loop3A_876 : i32
        %parallel_loop3A_878 = arith.index_cast %parallel_loop3A_877 : i32 to index
        %parallel_loop3A_879 = arith.constant 64 : index
        %parallel_loop3A_880 = tpu.vector_load %arg6[%parallel_loop3A_878, %parallel_loop3A_879] {strides = array<i32>} : memref<320x128xf32, #tpu.memory_space<vmem>>, vector<1x16xf32>,
        %parallel_loop3A_881 = vector.shape_cast %parallel_loop3A_880 : vector<1x16xf32> to vector<16xf32>
        %parallel_loop3A_882 = arith.addf %parallel_loop3A_875, %parallel_loop3A_881 : vector<16xf32>
        %parallel_loop3A_883 = arith.constant 5 : i32
        %parallel_loop3A_884 = arith.addi %parallel_loop3A_282, %parallel_loop3A_883 : i32
        %parallel_loop3A_885 = arith.index_cast %parallel_loop3A_884 : i32 to index
        %parallel_loop3A_886 = arith.constant 64 : index
        %parallel_loop3A_887 = tpu.vector_load %arg6[%parallel_loop3A_885, %parallel_loop3A_886] {strides = array<i32>} : memref<320x128xf32, #tpu.memory_space<vmem>>, vector<1x16xf32>,
        %parallel_loop3A_888 = vector.shape_cast %parallel_loop3A_887 : vector<1x16xf32> to vector<16xf32>
        %parallel_loop3A_889 = arith.addf %parallel_loop3A_882, %parallel_loop3A_888 : vector<16xf32>
        %parallel_loop3A_890 = arith.constant 6 : i32
        %parallel_loop3A_891 = arith.addi %parallel_loop3A_282, %parallel_loop3A_890 : i32
        %parallel_loop3A_892 = arith.index_cast %parallel_loop3A_891 : i32 to index
        %parallel_loop3A_893 = arith.constant 64 : index
        %parallel_loop3A_894 = tpu.vector_load %arg6[%parallel_loop3A_892, %parallel_loop3A_893] {strides = array<i32>} : memref<320x128xf32, #tpu.memory_space<vmem>>, vector<1x16xf32>,
        %parallel_loop3A_895 = vector.shape_cast %parallel_loop3A_894 : vector<1x16xf32> to vector<16xf32>
        %parallel_loop3A_896 = arith.addf %parallel_loop3A_889, %parallel_loop3A_895 : vector<16xf32>
        %parallel_loop3A_897 = arith.constant 7 : i32
        %parallel_loop3A_898 = arith.addi %parallel_loop3A_282, %parallel_loop3A_897 : i32
        %parallel_loop3A_899 = arith.index_cast %parallel_loop3A_898 : i32 to index
        %parallel_loop3A_900 = arith.constant 64 : index
        %parallel_loop3A_901 = tpu.vector_load %arg6[%parallel_loop3A_899, %parallel_loop3A_900] {strides = array<i32>} : memref<320x128xf32, #tpu.memory_space<vmem>>, vector<1x16xf32>,
        %parallel_loop3A_902 = vector.shape_cast %parallel_loop3A_901 : vector<1x16xf32> to vector<16xf32>
        %parallel_loop3A_903 = arith.addf %parallel_loop3A_896, %parallel_loop3A_902 : vector<16xf32>
        %parallel_loop3A_904 = arith.constant 8 : i32
        %parallel_loop3A_905 = arith.addi %parallel_loop3A_282, %parallel_loop3A_904 : i32
        %parallel_loop3A_906 = arith.index_cast %parallel_loop3A_905 : i32 to index
        %parallel_loop3A_907 = arith.constant 64 : index
        %parallel_loop3A_908 = tpu.vector_load %arg6[%parallel_loop3A_906, %parallel_loop3A_907] {strides = array<i32>} : memref<320x128xf32, #tpu.memory_space<vmem>>, vector<1x16xf32>,
        %parallel_loop3A_909 = vector.shape_cast %parallel_loop3A_908 : vector<1x16xf32> to vector<16xf32>
        %parallel_loop3A_910 = arith.addf %parallel_loop3A_903, %parallel_loop3A_909 : vector<16xf32>
        %parallel_loop3A_911 = arith.constant 9 : i32
        %parallel_loop3A_912 = arith.addi %parallel_loop3A_282, %parallel_loop3A_911 : i32
        %parallel_loop3A_913 = arith.index_cast %parallel_loop3A_912 : i32 to index
        %parallel_loop3A_914 = arith.constant 64 : index
        %parallel_loop3A_915 = tpu.vector_load %arg6[%parallel_loop3A_913, %parallel_loop3A_914] {strides = array<i32>} : memref<320x128xf32, #tpu.memory_space<vmem>>, vector<1x16xf32>,
        %parallel_loop3A_916 = vector.shape_cast %parallel_loop3A_915 : vector<1x16xf32> to vector<16xf32>
        %parallel_loop3A_917 = arith.addf %parallel_loop3A_910, %parallel_loop3A_916 : vector<16xf32>
        %parallel_loop3A_918 = arith.constant 10 : i32
        %parallel_loop3A_919 = arith.addi %parallel_loop3A_282, %parallel_loop3A_918 : i32
        %parallel_loop3A_920 = arith.index_cast %parallel_loop3A_919 : i32 to index
        %parallel_loop3A_921 = arith.constant 64 : index
        %parallel_loop3A_922 = tpu.vector_load %arg6[%parallel_loop3A_920, %parallel_loop3A_921] {strides = array<i32>} : memref<320x128xf32, #tpu.memory_space<vmem>>, vector<1x16xf32>,
        %parallel_loop3A_923 = vector.shape_cast %parallel_loop3A_922 : vector<1x16xf32> to vector<16xf32>
        %parallel_loop3A_924 = arith.addf %parallel_loop3A_917, %parallel_loop3A_923 : vector<16xf32>
        %parallel_loop3A_925 = arith.constant 11 : i32
        %parallel_loop3A_926 = arith.addi %parallel_loop3A_282, %parallel_loop3A_925 : i32
        %parallel_loop3A_927 = arith.index_cast %parallel_loop3A_926 : i32 to index
        %parallel_loop3A_928 = arith.constant 64 : index
        %parallel_loop3A_929 = tpu.vector_load %arg6[%parallel_loop3A_927, %parallel_loop3A_928] {strides = array<i32>} : memref<320x128xf32, #tpu.memory_space<vmem>>, vector<1x16xf32>,
        %parallel_loop3A_930 = vector.shape_cast %parallel_loop3A_929 : vector<1x16xf32> to vector<16xf32>
        %parallel_loop3A_931 = arith.addf %parallel_loop3A_924, %parallel_loop3A_930 : vector<16xf32>
        %parallel_loop3A_932 = arith.constant 12 : i32
        %parallel_loop3A_933 = arith.addi %parallel_loop3A_282, %parallel_loop3A_932 : i32
        %parallel_loop3A_934 = arith.index_cast %parallel_loop3A_933 : i32 to index
        %parallel_loop3A_935 = arith.constant 64 : index
        %parallel_loop3A_936 = tpu.vector_load %arg6[%parallel_loop3A_934, %parallel_loop3A_935] {strides = array<i32>} : memref<320x128xf32, #tpu.memory_space<vmem>>, vector<1x16xf32>,
        %parallel_loop3A_937 = vector.shape_cast %parallel_loop3A_936 : vector<1x16xf32> to vector<16xf32>
        %parallel_loop3A_938 = arith.addf %parallel_loop3A_931, %parallel_loop3A_937 : vector<16xf32>
        %parallel_loop3A_939 = arith.constant 13 : i32
        %parallel_loop3A_940 = arith.addi %parallel_loop3A_282, %parallel_loop3A_939 : i32
        %parallel_loop3A_941 = arith.index_cast %parallel_loop3A_940 : i32 to index
        %parallel_loop3A_942 = arith.constant 64 : index
        %parallel_loop3A_943 = tpu.vector_load %arg6[%parallel_loop3A_941, %parallel_loop3A_942] {strides = array<i32>} : memref<320x128xf32, #tpu.memory_space<vmem>>, vector<1x16xf32>,
        %parallel_loop3A_944 = vector.shape_cast %parallel_loop3A_943 : vector<1x16xf32> to vector<16xf32>
        %parallel_loop3A_945 = arith.addf %parallel_loop3A_938, %parallel_loop3A_944 : vector<16xf32>
        %parallel_loop3A_946 = arith.constant 14 : i32
        %parallel_loop3A_947 = arith.addi %parallel_loop3A_282, %parallel_loop3A_946 : i32
        %parallel_loop3A_948 = arith.index_cast %parallel_loop3A_947 : i32 to index
        %parallel_loop3A_949 = arith.constant 64 : index
        %parallel_loop3A_950 = tpu.vector_load %arg6[%parallel_loop3A_948, %parallel_loop3A_949] {strides = array<i32>} : memref<320x128xf32, #tpu.memory_space<vmem>>, vector<1x16xf32>,
        %parallel_loop3A_951 = vector.shape_cast %parallel_loop3A_950 : vector<1x16xf32> to vector<16xf32>
        %parallel_loop3A_952 = arith.addf %parallel_loop3A_945, %parallel_loop3A_951 : vector<16xf32>
        %parallel_loop3A_953 = arith.constant 15 : i32
        %parallel_loop3A_954 = arith.addi %parallel_loop3A_282, %parallel_loop3A_953 : i32
        %parallel_loop3A_955 = arith.index_cast %parallel_loop3A_954 : i32 to index
        %parallel_loop3A_956 = arith.constant 64 : index
        %parallel_loop3A_957 = tpu.vector_load %arg6[%parallel_loop3A_955, %parallel_loop3A_956] {strides = array<i32>} : memref<320x128xf32, #tpu.memory_space<vmem>>, vector<1x16xf32>,
        %parallel_loop3A_958 = vector.shape_cast %parallel_loop3A_957 : vector<1x16xf32> to vector<16xf32>
        %parallel_loop3A_959 = arith.addf %parallel_loop3A_952, %parallel_loop3A_958 : vector<16xf32>
        %parallel_loop3A_960 = arith.constant 16 : i32
        %parallel_loop3A_961 = arith.addi %parallel_loop3A_282, %parallel_loop3A_960 : i32
        %parallel_loop3A_962 = arith.index_cast %parallel_loop3A_961 : i32 to index
        %parallel_loop3A_963 = arith.constant 64 : index
        %parallel_loop3A_964 = tpu.vector_load %arg6[%parallel_loop3A_962, %parallel_loop3A_963] {strides = array<i32>} : memref<320x128xf32, #tpu.memory_space<vmem>>, vector<1x16xf32>,
        %parallel_loop3A_965 = vector.shape_cast %parallel_loop3A_964 : vector<1x16xf32> to vector<16xf32>
        %parallel_loop3A_966 = arith.addf %parallel_loop3A_959, %parallel_loop3A_965 : vector<16xf32>
        %parallel_loop3A_967 = arith.constant 17 : i32
        %parallel_loop3A_968 = arith.addi %parallel_loop3A_282, %parallel_loop3A_967 : i32
        %parallel_loop3A_969 = arith.index_cast %parallel_loop3A_968 : i32 to index
        %parallel_loop3A_970 = arith.constant 64 : index
        %parallel_loop3A_971 = tpu.vector_load %arg6[%parallel_loop3A_969, %parallel_loop3A_970] {strides = array<i32>} : memref<320x128xf32, #tpu.memory_space<vmem>>, vector<1x16xf32>,
        %parallel_loop3A_972 = vector.shape_cast %parallel_loop3A_971 : vector<1x16xf32> to vector<16xf32>
        %parallel_loop3A_973 = arith.addf %parallel_loop3A_966, %parallel_loop3A_972 : vector<16xf32>
        %parallel_loop3A_974 = arith.constant 18 : i32
        %parallel_loop3A_975 = arith.addi %parallel_loop3A_282, %parallel_loop3A_974 : i32
        %parallel_loop3A_976 = arith.index_cast %parallel_loop3A_975 : i32 to index
        %parallel_loop3A_977 = arith.constant 64 : index
        %parallel_loop3A_978 = tpu.vector_load %arg6[%parallel_loop3A_976, %parallel_loop3A_977] {strides = array<i32>} : memref<320x128xf32, #tpu.memory_space<vmem>>, vector<1x16xf32>,
        %parallel_loop3A_979 = vector.shape_cast %parallel_loop3A_978 : vector<1x16xf32> to vector<16xf32>
        %parallel_loop3A_980 = arith.addf %parallel_loop3A_973, %parallel_loop3A_979 : vector<16xf32>
        %parallel_loop3A_981 = arith.constant 19 : i32
        %parallel_loop3A_982 = arith.addi %parallel_loop3A_282, %parallel_loop3A_981 : i32
        %parallel_loop3A_983 = arith.index_cast %parallel_loop3A_982 : i32 to index
        %parallel_loop3A_984 = arith.constant 64 : index
        %parallel_loop3A_985 = tpu.vector_load %arg6[%parallel_loop3A_983, %parallel_loop3A_984] {strides = array<i32>} : memref<320x128xf32, #tpu.memory_space<vmem>>, vector<1x16xf32>,
        %parallel_loop3A_986 = vector.shape_cast %parallel_loop3A_985 : vector<1x16xf32> to vector<16xf32>
        %parallel_loop3A_987 = arith.addf %parallel_loop3A_980, %parallel_loop3A_986 : vector<16xf32>
        %parallel_loop3A_988 = arith.index_cast %parallel_loop3A_280 : i32 to index
        %parallel_loop3A_989 = arith.constant 64 : index
        %parallel_loop3A_990 = tpu.vector_load %arg8[%parallel_loop3A_988, %parallel_loop3A_989] {strides = array<i32>} : memref<16x128xf32, #tpu.memory_space<vmem>>, vector<1x16xf32>,
        %parallel_loop3A_991 = vector.shape_cast %parallel_loop3A_990 : vector<1x16xf32> to vector<16xf32>
        %parallel_loop3A_992 = vector.shape_cast %parallel_loop3A_987 : vector<16xf32> to vector<1x16xf32>
        tpu.vector_store %arg8[%parallel_loop3A_988, %parallel_loop3A_989], %parallel_loop3A_992 {strides = array<i32>} : memref<16x128xf32, #tpu.memory_space<vmem>>, vector<1x16xf32>,
        %parallel_loop3A_993 = arith.index_cast %parallel_loop3A_282 : i32 to index
        %parallel_loop3A_994 = arith.constant 80 : index
        %parallel_loop3A_995 = tpu.vector_load %arg6[%parallel_loop3A_993, %parallel_loop3A_994] {strides = array<i32>} : memref<320x128xf32, #tpu.memory_space<vmem>>, vector<1x16xf32>,
        %parallel_loop3A_996 = vector.shape_cast %parallel_loop3A_995 : vector<1x16xf32> to vector<16xf32>
        %parallel_loop3A_997 = arith.constant 1 : i32
        %parallel_loop3A_998 = arith.addi %parallel_loop3A_282, %parallel_loop3A_997 : i32
        %parallel_loop3A_999 = arith.index_cast %parallel_loop3A_998 : i32 to index
        %parallel_loop3A_1000 = arith.constant 80 : index
        %parallel_loop3A_1001 = tpu.vector_load %arg6[%parallel_loop3A_999, %parallel_loop3A_1000] {strides = array<i32>} : memref<320x128xf32, #tpu.memory_space<vmem>>, vector<1x16xf32>,
        %parallel_loop3A_1002 = vector.shape_cast %parallel_loop3A_1001 : vector<1x16xf32> to vector<16xf32>
        %parallel_loop3A_1003 = arith.addf %parallel_loop3A_996, %parallel_loop3A_1002 : vector<16xf32>
        %parallel_loop3A_1004 = arith.constant 2 : i32
        %parallel_loop3A_1005 = arith.addi %parallel_loop3A_282, %parallel_loop3A_1004 : i32
        %parallel_loop3A_1006 = arith.index_cast %parallel_loop3A_1005 : i32 to index
        %parallel_loop3A_1007 = arith.constant 80 : index
        %parallel_loop3A_1008 = tpu.vector_load %arg6[%parallel_loop3A_1006, %parallel_loop3A_1007] {strides = array<i32>} : memref<320x128xf32, #tpu.memory_space<vmem>>, vector<1x16xf32>,
        %parallel_loop3A_1009 = vector.shape_cast %parallel_loop3A_1008 : vector<1x16xf32> to vector<16xf32>
        %parallel_loop3A_1010 = arith.addf %parallel_loop3A_1003, %parallel_loop3A_1009 : vector<16xf32>
        %parallel_loop3A_1011 = arith.constant 3 : i32
        %parallel_loop3A_1012 = arith.addi %parallel_loop3A_282, %parallel_loop3A_1011 : i32
        %parallel_loop3A_1013 = arith.index_cast %parallel_loop3A_1012 : i32 to index
        %parallel_loop3A_1014 = arith.constant 80 : index
        %parallel_loop3A_1015 = tpu.vector_load %arg6[%parallel_loop3A_1013, %parallel_loop3A_1014] {strides = array<i32>} : memref<320x128xf32, #tpu.memory_space<vmem>>, vector<1x16xf32>,
        %parallel_loop3A_1016 = vector.shape_cast %parallel_loop3A_1015 : vector<1x16xf32> to vector<16xf32>
        %parallel_loop3A_1017 = arith.addf %parallel_loop3A_1010, %parallel_loop3A_1016 : vector<16xf32>
        %parallel_loop3A_1018 = arith.constant 4 : i32
        %parallel_loop3A_1019 = arith.addi %parallel_loop3A_282, %parallel_loop3A_1018 : i32
        %parallel_loop3A_1020 = arith.index_cast %parallel_loop3A_1019 : i32 to index
        %parallel_loop3A_1021 = arith.constant 80 : index
        %parallel_loop3A_1022 = tpu.vector_load %arg6[%parallel_loop3A_1020, %parallel_loop3A_1021] {strides = array<i32>} : memref<320x128xf32, #tpu.memory_space<vmem>>, vector<1x16xf32>,
        %parallel_loop3A_1023 = vector.shape_cast %parallel_loop3A_1022 : vector<1x16xf32> to vector<16xf32>
        %parallel_loop3A_1024 = arith.addf %parallel_loop3A_1017, %parallel_loop3A_1023 : vector<16xf32>
        %parallel_loop3A_1025 = arith.constant 5 : i32
        %parallel_loop3A_1026 = arith.addi %parallel_loop3A_282, %parallel_loop3A_1025 : i32
        %parallel_loop3A_1027 = arith.index_cast %parallel_loop3A_1026 : i32 to index
        %parallel_loop3A_1028 = arith.constant 80 : index
        %parallel_loop3A_1029 = tpu.vector_load %arg6[%parallel_loop3A_1027, %parallel_loop3A_1028] {strides = array<i32>} : memref<320x128xf32, #tpu.memory_space<vmem>>, vector<1x16xf32>,
        %parallel_loop3A_1030 = vector.shape_cast %parallel_loop3A_1029 : vector<1x16xf32> to vector<16xf32>
        %parallel_loop3A_1031 = arith.addf %parallel_loop3A_1024, %parallel_loop3A_1030 : vector<16xf32>
        %parallel_loop3A_1032 = arith.constant 6 : i32
        %parallel_loop3A_1033 = arith.addi %parallel_loop3A_282, %parallel_loop3A_1032 : i32
        %parallel_loop3A_1034 = arith.index_cast %parallel_loop3A_1033 : i32 to index
        %parallel_loop3A_1035 = arith.constant 80 : index
        %parallel_loop3A_1036 = tpu.vector_load %arg6[%parallel_loop3A_1034, %parallel_loop3A_1035] {strides = array<i32>} : memref<320x128xf32, #tpu.memory_space<vmem>>, vector<1x16xf32>,
        %parallel_loop3A_1037 = vector.shape_cast %parallel_loop3A_1036 : vector<1x16xf32> to vector<16xf32>
        %parallel_loop3A_1038 = arith.addf %parallel_loop3A_1031, %parallel_loop3A_1037 : vector<16xf32>
        %parallel_loop3A_1039 = arith.constant 7 : i32
        %parallel_loop3A_1040 = arith.addi %parallel_loop3A_282, %parallel_loop3A_1039 : i32
        %parallel_loop3A_1041 = arith.index_cast %parallel_loop3A_1040 : i32 to index
        %parallel_loop3A_1042 = arith.constant 80 : index
        %parallel_loop3A_1043 = tpu.vector_load %arg6[%parallel_loop3A_1041, %parallel_loop3A_1042] {strides = array<i32>} : memref<320x128xf32, #tpu.memory_space<vmem>>, vector<1x16xf32>,
        %parallel_loop3A_1044 = vector.shape_cast %parallel_loop3A_1043 : vector<1x16xf32> to vector<16xf32>
        %parallel_loop3A_1045 = arith.addf %parallel_loop3A_1038, %parallel_loop3A_1044 : vector<16xf32>
        %parallel_loop3A_1046 = arith.constant 8 : i32
        %parallel_loop3A_1047 = arith.addi %parallel_loop3A_282, %parallel_loop3A_1046 : i32
        %parallel_loop3A_1048 = arith.index_cast %parallel_loop3A_1047 : i32 to index
        %parallel_loop3A_1049 = arith.constant 80 : index
        %parallel_loop3A_1050 = tpu.vector_load %arg6[%parallel_loop3A_1048, %parallel_loop3A_1049] {strides = array<i32>} : memref<320x128xf32, #tpu.memory_space<vmem>>, vector<1x16xf32>,
        %parallel_loop3A_1051 = vector.shape_cast %parallel_loop3A_1050 : vector<1x16xf32> to vector<16xf32>
        %parallel_loop3A_1052 = arith.addf %parallel_loop3A_1045, %parallel_loop3A_1051 : vector<16xf32>
        %parallel_loop3A_1053 = arith.constant 9 : i32
        %parallel_loop3A_1054 = arith.addi %parallel_loop3A_282, %parallel_loop3A_1053 : i32
        %parallel_loop3A_1055 = arith.index_cast %parallel_loop3A_1054 : i32 to index
        %parallel_loop3A_1056 = arith.constant 80 : index
        %parallel_loop3A_1057 = tpu.vector_load %arg6[%parallel_loop3A_1055, %parallel_loop3A_1056] {strides = array<i32>} : memref<320x128xf32, #tpu.memory_space<vmem>>, vector<1x16xf32>,
        %parallel_loop3A_1058 = vector.shape_cast %parallel_loop3A_1057 : vector<1x16xf32> to vector<16xf32>
        %parallel_loop3A_1059 = arith.addf %parallel_loop3A_1052, %parallel_loop3A_1058 : vector<16xf32>
        %parallel_loop3A_1060 = arith.constant 10 : i32
        %parallel_loop3A_1061 = arith.addi %parallel_loop3A_282, %parallel_loop3A_1060 : i32
        %parallel_loop3A_1062 = arith.index_cast %parallel_loop3A_1061 : i32 to index
        %parallel_loop3A_1063 = arith.constant 80 : index
        %parallel_loop3A_1064 = tpu.vector_load %arg6[%parallel_loop3A_1062, %parallel_loop3A_1063] {strides = array<i32>} : memref<320x128xf32, #tpu.memory_space<vmem>>, vector<1x16xf32>,
        %parallel_loop3A_1065 = vector.shape_cast %parallel_loop3A_1064 : vector<1x16xf32> to vector<16xf32>
        %parallel_loop3A_1066 = arith.addf %parallel_loop3A_1059, %parallel_loop3A_1065 : vector<16xf32>
        %parallel_loop3A_1067 = arith.constant 11 : i32
        %parallel_loop3A_1068 = arith.addi %parallel_loop3A_282, %parallel_loop3A_1067 : i32
        %parallel_loop3A_1069 = arith.index_cast %parallel_loop3A_1068 : i32 to index
        %parallel_loop3A_1070 = arith.constant 80 : index
        %parallel_loop3A_1071 = tpu.vector_load %arg6[%parallel_loop3A_1069, %parallel_loop3A_1070] {strides = array<i32>} : memref<320x128xf32, #tpu.memory_space<vmem>>, vector<1x16xf32>,
        %parallel_loop3A_1072 = vector.shape_cast %parallel_loop3A_1071 : vector<1x16xf32> to vector<16xf32>
        %parallel_loop3A_1073 = arith.addf %parallel_loop3A_1066, %parallel_loop3A_1072 : vector<16xf32>
        %parallel_loop3A_1074 = arith.constant 12 : i32
        %parallel_loop3A_1075 = arith.addi %parallel_loop3A_282, %parallel_loop3A_1074 : i32
        %parallel_loop3A_1076 = arith.index_cast %parallel_loop3A_1075 : i32 to index
        %parallel_loop3A_1077 = arith.constant 80 : index
        %parallel_loop3A_1078 = tpu.vector_load %arg6[%parallel_loop3A_1076, %parallel_loop3A_1077] {strides = array<i32>} : memref<320x128xf32, #tpu.memory_space<vmem>>, vector<1x16xf32>,
        %parallel_loop3A_1079 = vector.shape_cast %parallel_loop3A_1078 : vector<1x16xf32> to vector<16xf32>
        %parallel_loop3A_1080 = arith.addf %parallel_loop3A_1073, %parallel_loop3A_1079 : vector<16xf32>
        %parallel_loop3A_1081 = arith.constant 13 : i32
        %parallel_loop3A_1082 = arith.addi %parallel_loop3A_282, %parallel_loop3A_1081 : i32
        %parallel_loop3A_1083 = arith.index_cast %parallel_loop3A_1082 : i32 to index
        %parallel_loop3A_1084 = arith.constant 80 : index
        %parallel_loop3A_1085 = tpu.vector_load %arg6[%parallel_loop3A_1083, %parallel_loop3A_1084] {strides = array<i32>} : memref<320x128xf32, #tpu.memory_space<vmem>>, vector<1x16xf32>,
        %parallel_loop3A_1086 = vector.shape_cast %parallel_loop3A_1085 : vector<1x16xf32> to vector<16xf32>
        %parallel_loop3A_1087 = arith.addf %parallel_loop3A_1080, %parallel_loop3A_1086 : vector<16xf32>
        %parallel_loop3A_1088 = arith.constant 14 : i32
        %parallel_loop3A_1089 = arith.addi %parallel_loop3A_282, %parallel_loop3A_1088 : i32
        %parallel_loop3A_1090 = arith.index_cast %parallel_loop3A_1089 : i32 to index
        %parallel_loop3A_1091 = arith.constant 80 : index
        %parallel_loop3A_1092 = tpu.vector_load %arg6[%parallel_loop3A_1090, %parallel_loop3A_1091] {strides = array<i32>} : memref<320x128xf32, #tpu.memory_space<vmem>>, vector<1x16xf32>,
        %parallel_loop3A_1093 = vector.shape_cast %parallel_loop3A_1092 : vector<1x16xf32> to vector<16xf32>
        %parallel_loop3A_1094 = arith.addf %parallel_loop3A_1087, %parallel_loop3A_1093 : vector<16xf32>
        %parallel_loop3A_1095 = arith.constant 15 : i32
        %parallel_loop3A_1096 = arith.addi %parallel_loop3A_282, %parallel_loop3A_1095 : i32
        %parallel_loop3A_1097 = arith.index_cast %parallel_loop3A_1096 : i32 to index
        %parallel_loop3A_1098 = arith.constant 80 : index
        %parallel_loop3A_1099 = tpu.vector_load %arg6[%parallel_loop3A_1097, %parallel_loop3A_1098] {strides = array<i32>} : memref<320x128xf32, #tpu.memory_space<vmem>>, vector<1x16xf32>,
        %parallel_loop3A_1100 = vector.shape_cast %parallel_loop3A_1099 : vector<1x16xf32> to vector<16xf32>
        %parallel_loop3A_1101 = arith.addf %parallel_loop3A_1094, %parallel_loop3A_1100 : vector<16xf32>
        %parallel_loop3A_1102 = arith.constant 16 : i32
        %parallel_loop3A_1103 = arith.addi %parallel_loop3A_282, %parallel_loop3A_1102 : i32
        %parallel_loop3A_1104 = arith.index_cast %parallel_loop3A_1103 : i32 to index
        %parallel_loop3A_1105 = arith.constant 80 : index
        %parallel_loop3A_1106 = tpu.vector_load %arg6[%parallel_loop3A_1104, %parallel_loop3A_1105] {strides = array<i32>} : memref<320x128xf32, #tpu.memory_space<vmem>>, vector<1x16xf32>,
        %parallel_loop3A_1107 = vector.shape_cast %parallel_loop3A_1106 : vector<1x16xf32> to vector<16xf32>
        %parallel_loop3A_1108 = arith.addf %parallel_loop3A_1101, %parallel_loop3A_1107 : vector<16xf32>
        %parallel_loop3A_1109 = arith.constant 17 : i32
        %parallel_loop3A_1110 = arith.addi %parallel_loop3A_282, %parallel_loop3A_1109 : i32
        %parallel_loop3A_1111 = arith.index_cast %parallel_loop3A_1110 : i32 to index
        %parallel_loop3A_1112 = arith.constant 80 : index
        %parallel_loop3A_1113 = tpu.vector_load %arg6[%parallel_loop3A_1111, %parallel_loop3A_1112] {strides = array<i32>} : memref<320x128xf32, #tpu.memory_space<vmem>>, vector<1x16xf32>,
        %parallel_loop3A_1114 = vector.shape_cast %parallel_loop3A_1113 : vector<1x16xf32> to vector<16xf32>
        %parallel_loop3A_1115 = arith.addf %parallel_loop3A_1108, %parallel_loop3A_1114 : vector<16xf32>
        %parallel_loop3A_1116 = arith.constant 18 : i32
        %parallel_loop3A_1117 = arith.addi %parallel_loop3A_282, %parallel_loop3A_1116 : i32
        %parallel_loop3A_1118 = arith.index_cast %parallel_loop3A_1117 : i32 to index
        %parallel_loop3A_1119 = arith.constant 80 : index
        %parallel_loop3A_1120 = tpu.vector_load %arg6[%parallel_loop3A_1118, %parallel_loop3A_1119] {strides = array<i32>} : memref<320x128xf32, #tpu.memory_space<vmem>>, vector<1x16xf32>,
        %parallel_loop3A_1121 = vector.shape_cast %parallel_loop3A_1120 : vector<1x16xf32> to vector<16xf32>
        %parallel_loop3A_1122 = arith.addf %parallel_loop3A_1115, %parallel_loop3A_1121 : vector<16xf32>
        %parallel_loop3A_1123 = arith.constant 19 : i32
        %parallel_loop3A_1124 = arith.addi %parallel_loop3A_282, %parallel_loop3A_1123 : i32
        %parallel_loop3A_1125 = arith.index_cast %parallel_loop3A_1124 : i32 to index
        %parallel_loop3A_1126 = arith.constant 80 : index
        %parallel_loop3A_1127 = tpu.vector_load %arg6[%parallel_loop3A_1125, %parallel_loop3A_1126] {strides = array<i32>} : memref<320x128xf32, #tpu.memory_space<vmem>>, vector<1x16xf32>,
        %parallel_loop3A_1128 = vector.shape_cast %parallel_loop3A_1127 : vector<1x16xf32> to vector<16xf32>
        %parallel_loop3A_1129 = arith.addf %parallel_loop3A_1122, %parallel_loop3A_1128 : vector<16xf32>
        %parallel_loop3A_1130 = arith.index_cast %parallel_loop3A_280 : i32 to index
        %parallel_loop3A_1131 = arith.constant 80 : index
        %parallel_loop3A_1132 = tpu.vector_load %arg8[%parallel_loop3A_1130, %parallel_loop3A_1131] {strides = array<i32>} : memref<16x128xf32, #tpu.memory_space<vmem>>, vector<1x16xf32>,
        %parallel_loop3A_1133 = vector.shape_cast %parallel_loop3A_1132 : vector<1x16xf32> to vector<16xf32>
        %parallel_loop3A_1134 = vector.shape_cast %parallel_loop3A_1129 : vector<16xf32> to vector<1x16xf32>
        tpu.vector_store %arg8[%parallel_loop3A_1130, %parallel_loop3A_1131], %parallel_loop3A_1134 {strides = array<i32>} : memref<16x128xf32, #tpu.memory_space<vmem>>, vector<1x16xf32>,
        %parallel_loop3A_1135 = arith.index_cast %parallel_loop3A_282 : i32 to index
        %parallel_loop3A_1136 = arith.constant 96 : index
        %parallel_loop3A_1137 = tpu.vector_load %arg6[%parallel_loop3A_1135, %parallel_loop3A_1136] {strides = array<i32>} : memref<320x128xf32, #tpu.memory_space<vmem>>, vector<1x16xf32>,
        %parallel_loop3A_1138 = vector.shape_cast %parallel_loop3A_1137 : vector<1x16xf32> to vector<16xf32>
        %parallel_loop3A_1139 = arith.constant 1 : i32
        %parallel_loop3A_1140 = arith.addi %parallel_loop3A_282, %parallel_loop3A_1139 : i32
        %parallel_loop3A_1141 = arith.index_cast %parallel_loop3A_1140 : i32 to index
        %parallel_loop3A_1142 = arith.constant 96 : index
        %parallel_loop3A_1143 = tpu.vector_load %arg6[%parallel_loop3A_1141, %parallel_loop3A_1142] {strides = array<i32>} : memref<320x128xf32, #tpu.memory_space<vmem>>, vector<1x16xf32>,
        %parallel_loop3A_1144 = vector.shape_cast %parallel_loop3A_1143 : vector<1x16xf32> to vector<16xf32>
        %parallel_loop3A_1145 = arith.addf %parallel_loop3A_1138, %parallel_loop3A_1144 : vector<16xf32>
        %parallel_loop3A_1146 = arith.constant 2 : i32
        %parallel_loop3A_1147 = arith.addi %parallel_loop3A_282, %parallel_loop3A_1146 : i32
        %parallel_loop3A_1148 = arith.index_cast %parallel_loop3A_1147 : i32 to index
        %parallel_loop3A_1149 = arith.constant 96 : index
        %parallel_loop3A_1150 = tpu.vector_load %arg6[%parallel_loop3A_1148, %parallel_loop3A_1149] {strides = array<i32>} : memref<320x128xf32, #tpu.memory_space<vmem>>, vector<1x16xf32>,
        %parallel_loop3A_1151 = vector.shape_cast %parallel_loop3A_1150 : vector<1x16xf32> to vector<16xf32>
        %parallel_loop3A_1152 = arith.addf %parallel_loop3A_1145, %parallel_loop3A_1151 : vector<16xf32>
        %parallel_loop3A_1153 = arith.constant 3 : i32
        %parallel_loop3A_1154 = arith.addi %parallel_loop3A_282, %parallel_loop3A_1153 : i32
        %parallel_loop3A_1155 = arith.index_cast %parallel_loop3A_1154 : i32 to index
        %parallel_loop3A_1156 = arith.constant 96 : index
        %parallel_loop3A_1157 = tpu.vector_load %arg6[%parallel_loop3A_1155, %parallel_loop3A_1156] {strides = array<i32>} : memref<320x128xf32, #tpu.memory_space<vmem>>, vector<1x16xf32>,
        %parallel_loop3A_1158 = vector.shape_cast %parallel_loop3A_1157 : vector<1x16xf32> to vector<16xf32>
        %parallel_loop3A_1159 = arith.addf %parallel_loop3A_1152, %parallel_loop3A_1158 : vector<16xf32>
        %parallel_loop3A_1160 = arith.constant 4 : i32
        %parallel_loop3A_1161 = arith.addi %parallel_loop3A_282, %parallel_loop3A_1160 : i32
        %parallel_loop3A_1162 = arith.index_cast %parallel_loop3A_1161 : i32 to index
        %parallel_loop3A_1163 = arith.constant 96 : index
        %parallel_loop3A_1164 = tpu.vector_load %arg6[%parallel_loop3A_1162, %parallel_loop3A_1163] {strides = array<i32>} : memref<320x128xf32, #tpu.memory_space<vmem>>, vector<1x16xf32>,
        %parallel_loop3A_1165 = vector.shape_cast %parallel_loop3A_1164 : vector<1x16xf32> to vector<16xf32>
        %parallel_loop3A_1166 = arith.addf %parallel_loop3A_1159, %parallel_loop3A_1165 : vector<16xf32>
        %parallel_loop3A_1167 = arith.constant 5 : i32
        %parallel_loop3A_1168 = arith.addi %parallel_loop3A_282, %parallel_loop3A_1167 : i32
        %parallel_loop3A_1169 = arith.index_cast %parallel_loop3A_1168 : i32 to index
        %parallel_loop3A_1170 = arith.constant 96 : index
        %parallel_loop3A_1171 = tpu.vector_load %arg6[%parallel_loop3A_1169, %parallel_loop3A_1170] {strides = array<i32>} : memref<320x128xf32, #tpu.memory_space<vmem>>, vector<1x16xf32>,
        %parallel_loop3A_1172 = vector.shape_cast %parallel_loop3A_1171 : vector<1x16xf32> to vector<16xf32>
        %parallel_loop3A_1173 = arith.addf %parallel_loop3A_1166, %parallel_loop3A_1172 : vector<16xf32>
        %parallel_loop3A_1174 = arith.constant 6 : i32
        %parallel_loop3A_1175 = arith.addi %parallel_loop3A_282, %parallel_loop3A_1174 : i32
        %parallel_loop3A_1176 = arith.index_cast %parallel_loop3A_1175 : i32 to index
        %parallel_loop3A_1177 = arith.constant 96 : index
        %parallel_loop3A_1178 = tpu.vector_load %arg6[%parallel_loop3A_1176, %parallel_loop3A_1177] {strides = array<i32>} : memref<320x128xf32, #tpu.memory_space<vmem>>, vector<1x16xf32>,
        %parallel_loop3A_1179 = vector.shape_cast %parallel_loop3A_1178 : vector<1x16xf32> to vector<16xf32>
        %parallel_loop3A_1180 = arith.addf %parallel_loop3A_1173, %parallel_loop3A_1179 : vector<16xf32>
        %parallel_loop3A_1181 = arith.constant 7 : i32
        %parallel_loop3A_1182 = arith.addi %parallel_loop3A_282, %parallel_loop3A_1181 : i32
        %parallel_loop3A_1183 = arith.index_cast %parallel_loop3A_1182 : i32 to index
        %parallel_loop3A_1184 = arith.constant 96 : index
        %parallel_loop3A_1185 = tpu.vector_load %arg6[%parallel_loop3A_1183, %parallel_loop3A_1184] {strides = array<i32>} : memref<320x128xf32, #tpu.memory_space<vmem>>, vector<1x16xf32>,
        %parallel_loop3A_1186 = vector.shape_cast %parallel_loop3A_1185 : vector<1x16xf32> to vector<16xf32>
        %parallel_loop3A_1187 = arith.addf %parallel_loop3A_1180, %parallel_loop3A_1186 : vector<16xf32>
        %parallel_loop3A_1188 = arith.constant 8 : i32
        %parallel_loop3A_1189 = arith.addi %parallel_loop3A_282, %parallel_loop3A_1188 : i32
        %parallel_loop3A_1190 = arith.index_cast %parallel_loop3A_1189 : i32 to index
        %parallel_loop3A_1191 = arith.constant 96 : index
        %parallel_loop3A_1192 = tpu.vector_load %arg6[%parallel_loop3A_1190, %parallel_loop3A_1191] {strides = array<i32>} : memref<320x128xf32, #tpu.memory_space<vmem>>, vector<1x16xf32>,
        %parallel_loop3A_1193 = vector.shape_cast %parallel_loop3A_1192 : vector<1x16xf32> to vector<16xf32>
        %parallel_loop3A_1194 = arith.addf %parallel_loop3A_1187, %parallel_loop3A_1193 : vector<16xf32>
        %parallel_loop3A_1195 = arith.constant 9 : i32
        %parallel_loop3A_1196 = arith.addi %parallel_loop3A_282, %parallel_loop3A_1195 : i32
        %parallel_loop3A_1197 = arith.index_cast %parallel_loop3A_1196 : i32 to index
        %parallel_loop3A_1198 = arith.constant 96 : index
        %parallel_loop3A_1199 = tpu.vector_load %arg6[%parallel_loop3A_1197, %parallel_loop3A_1198] {strides = array<i32>} : memref<320x128xf32, #tpu.memory_space<vmem>>, vector<1x16xf32>,
        %parallel_loop3A_1200 = vector.shape_cast %parallel_loop3A_1199 : vector<1x16xf32> to vector<16xf32>
        %parallel_loop3A_1201 = arith.addf %parallel_loop3A_1194, %parallel_loop3A_1200 : vector<16xf32>
        %parallel_loop3A_1202 = arith.constant 10 : i32
        %parallel_loop3A_1203 = arith.addi %parallel_loop3A_282, %parallel_loop3A_1202 : i32
        %parallel_loop3A_1204 = arith.index_cast %parallel_loop3A_1203 : i32 to index
        %parallel_loop3A_1205 = arith.constant 96 : index
        %parallel_loop3A_1206 = tpu.vector_load %arg6[%parallel_loop3A_1204, %parallel_loop3A_1205] {strides = array<i32>} : memref<320x128xf32, #tpu.memory_space<vmem>>, vector<1x16xf32>,
        %parallel_loop3A_1207 = vector.shape_cast %parallel_loop3A_1206 : vector<1x16xf32> to vector<16xf32>
        %parallel_loop3A_1208 = arith.addf %parallel_loop3A_1201, %parallel_loop3A_1207 : vector<16xf32>
        %parallel_loop3A_1209 = arith.constant 11 : i32
        %parallel_loop3A_1210 = arith.addi %parallel_loop3A_282, %parallel_loop3A_1209 : i32
        %parallel_loop3A_1211 = arith.index_cast %parallel_loop3A_1210 : i32 to index
        %parallel_loop3A_1212 = arith.constant 96 : index
        %parallel_loop3A_1213 = tpu.vector_load %arg6[%parallel_loop3A_1211, %parallel_loop3A_1212] {strides = array<i32>} : memref<320x128xf32, #tpu.memory_space<vmem>>, vector<1x16xf32>,
        %parallel_loop3A_1214 = vector.shape_cast %parallel_loop3A_1213 : vector<1x16xf32> to vector<16xf32>
        %parallel_loop3A_1215 = arith.addf %parallel_loop3A_1208, %parallel_loop3A_1214 : vector<16xf32>
        %parallel_loop3A_1216 = arith.constant 12 : i32
        %parallel_loop3A_1217 = arith.addi %parallel_loop3A_282, %parallel_loop3A_1216 : i32
        %parallel_loop3A_1218 = arith.index_cast %parallel_loop3A_1217 : i32 to index
        %parallel_loop3A_1219 = arith.constant 96 : index
        %parallel_loop3A_1220 = tpu.vector_load %arg6[%parallel_loop3A_1218, %parallel_loop3A_1219] {strides = array<i32>} : memref<320x128xf32, #tpu.memory_space<vmem>>, vector<1x16xf32>,
        %parallel_loop3A_1221 = vector.shape_cast %parallel_loop3A_1220 : vector<1x16xf32> to vector<16xf32>
        %parallel_loop3A_1222 = arith.addf %parallel_loop3A_1215, %parallel_loop3A_1221 : vector<16xf32>
        %parallel_loop3A_1223 = arith.constant 13 : i32
        %parallel_loop3A_1224 = arith.addi %parallel_loop3A_282, %parallel_loop3A_1223 : i32
        %parallel_loop3A_1225 = arith.index_cast %parallel_loop3A_1224 : i32 to index
        %parallel_loop3A_1226 = arith.constant 96 : index
        %parallel_loop3A_1227 = tpu.vector_load %arg6[%parallel_loop3A_1225, %parallel_loop3A_1226] {strides = array<i32>} : memref<320x128xf32, #tpu.memory_space<vmem>>, vector<1x16xf32>,
        %parallel_loop3A_1228 = vector.shape_cast %parallel_loop3A_1227 : vector<1x16xf32> to vector<16xf32>
        %parallel_loop3A_1229 = arith.addf %parallel_loop3A_1222, %parallel_loop3A_1228 : vector<16xf32>
        %parallel_loop3A_1230 = arith.constant 14 : i32
        %parallel_loop3A_1231 = arith.addi %parallel_loop3A_282, %parallel_loop3A_1230 : i32
        %parallel_loop3A_1232 = arith.index_cast %parallel_loop3A_1231 : i32 to index
        %parallel_loop3A_1233 = arith.constant 96 : index
        %parallel_loop3A_1234 = tpu.vector_load %arg6[%parallel_loop3A_1232, %parallel_loop3A_1233] {strides = array<i32>} : memref<320x128xf32, #tpu.memory_space<vmem>>, vector<1x16xf32>,
        %parallel_loop3A_1235 = vector.shape_cast %parallel_loop3A_1234 : vector<1x16xf32> to vector<16xf32>
        %parallel_loop3A_1236 = arith.addf %parallel_loop3A_1229, %parallel_loop3A_1235 : vector<16xf32>
        %parallel_loop3A_1237 = arith.constant 15 : i32
        %parallel_loop3A_1238 = arith.addi %parallel_loop3A_282, %parallel_loop3A_1237 : i32
        %parallel_loop3A_1239 = arith.index_cast %parallel_loop3A_1238 : i32 to index
        %parallel_loop3A_1240 = arith.constant 96 : index
        %parallel_loop3A_1241 = tpu.vector_load %arg6[%parallel_loop3A_1239, %parallel_loop3A_1240] {strides = array<i32>} : memref<320x128xf32, #tpu.memory_space<vmem>>, vector<1x16xf32>,
        %parallel_loop3A_1242 = vector.shape_cast %parallel_loop3A_1241 : vector<1x16xf32> to vector<16xf32>
        %parallel_loop3A_1243 = arith.addf %parallel_loop3A_1236, %parallel_loop3A_1242 : vector<16xf32>
        %parallel_loop3A_1244 = arith.constant 16 : i32
        %parallel_loop3A_1245 = arith.addi %parallel_loop3A_282, %parallel_loop3A_1244 : i32
        %parallel_loop3A_1246 = arith.index_cast %parallel_loop3A_1245 : i32 to index
        %parallel_loop3A_1247 = arith.constant 96 : index
        %parallel_loop3A_1248 = tpu.vector_load %arg6[%parallel_loop3A_1246, %parallel_loop3A_1247] {strides = array<i32>} : memref<320x128xf32, #tpu.memory_space<vmem>>, vector<1x16xf32>,
        %parallel_loop3A_1249 = vector.shape_cast %parallel_loop3A_1248 : vector<1x16xf32> to vector<16xf32>
        %parallel_loop3A_1250 = arith.addf %parallel_loop3A_1243, %parallel_loop3A_1249 : vector<16xf32>
        %parallel_loop3A_1251 = arith.constant 17 : i32
        %parallel_loop3A_1252 = arith.addi %parallel_loop3A_282, %parallel_loop3A_1251 : i32
        %parallel_loop3A_1253 = arith.index_cast %parallel_loop3A_1252 : i32 to index
        %parallel_loop3A_1254 = arith.constant 96 : index
        %parallel_loop3A_1255 = tpu.vector_load %arg6[%parallel_loop3A_1253, %parallel_loop3A_1254] {strides = array<i32>} : memref<320x128xf32, #tpu.memory_space<vmem>>, vector<1x16xf32>,
        %parallel_loop3A_1256 = vector.shape_cast %parallel_loop3A_1255 : vector<1x16xf32> to vector<16xf32>
        %parallel_loop3A_1257 = arith.addf %parallel_loop3A_1250, %parallel_loop3A_1256 : vector<16xf32>
        %parallel_loop3A_1258 = arith.constant 18 : i32
        %parallel_loop3A_1259 = arith.addi %parallel_loop3A_282, %parallel_loop3A_1258 : i32
        %parallel_loop3A_1260 = arith.index_cast %parallel_loop3A_1259 : i32 to index
        %parallel_loop3A_1261 = arith.constant 96 : index
        %parallel_loop3A_1262 = tpu.vector_load %arg6[%parallel_loop3A_1260, %parallel_loop3A_1261] {strides = array<i32>} : memref<320x128xf32, #tpu.memory_space<vmem>>, vector<1x16xf32>,
        %parallel_loop3A_1263 = vector.shape_cast %parallel_loop3A_1262 : vector<1x16xf32> to vector<16xf32>
        %parallel_loop3A_1264 = arith.addf %parallel_loop3A_1257, %parallel_loop3A_1263 : vector<16xf32>
        %parallel_loop3A_1265 = arith.constant 19 : i32
        %parallel_loop3A_1266 = arith.addi %parallel_loop3A_282, %parallel_loop3A_1265 : i32
        %parallel_loop3A_1267 = arith.index_cast %parallel_loop3A_1266 : i32 to index
        %parallel_loop3A_1268 = arith.constant 96 : index
        %parallel_loop3A_1269 = tpu.vector_load %arg6[%parallel_loop3A_1267, %parallel_loop3A_1268] {strides = array<i32>} : memref<320x128xf32, #tpu.memory_space<vmem>>, vector<1x16xf32>,
        %parallel_loop3A_1270 = vector.shape_cast %parallel_loop3A_1269 : vector<1x16xf32> to vector<16xf32>
        %parallel_loop3A_1271 = arith.addf %parallel_loop3A_1264, %parallel_loop3A_1270 : vector<16xf32>
        %parallel_loop3A_1272 = arith.index_cast %parallel_loop3A_280 : i32 to index
        %parallel_loop3A_1273 = arith.constant 96 : index
        %parallel_loop3A_1274 = tpu.vector_load %arg8[%parallel_loop3A_1272, %parallel_loop3A_1273] {strides = array<i32>} : memref<16x128xf32, #tpu.memory_space<vmem>>, vector<1x16xf32>,
        %parallel_loop3A_1275 = vector.shape_cast %parallel_loop3A_1274 : vector<1x16xf32> to vector<16xf32>
        %parallel_loop3A_1276 = vector.shape_cast %parallel_loop3A_1271 : vector<16xf32> to vector<1x16xf32>
        tpu.vector_store %arg8[%parallel_loop3A_1272, %parallel_loop3A_1273], %parallel_loop3A_1276 {strides = array<i32>} : memref<16x128xf32, #tpu.memory_space<vmem>>, vector<1x16xf32>,
        %parallel_loop3A_1277 = arith.index_cast %parallel_loop3A_282 : i32 to index
        %parallel_loop3A_1278 = arith.constant 112 : index
        %parallel_loop3A_1279 = tpu.vector_load %arg6[%parallel_loop3A_1277, %parallel_loop3A_1278] {strides = array<i32>} : memref<320x128xf32, #tpu.memory_space<vmem>>, vector<1x16xf32>,
        %parallel_loop3A_1280 = vector.shape_cast %parallel_loop3A_1279 : vector<1x16xf32> to vector<16xf32>
        %parallel_loop3A_1281 = arith.constant 1 : i32
        %parallel_loop3A_1282 = arith.addi %parallel_loop3A_282, %parallel_loop3A_1281 : i32
        %parallel_loop3A_1283 = arith.index_cast %parallel_loop3A_1282 : i32 to index
        %parallel_loop3A_1284 = arith.constant 112 : index
        %parallel_loop3A_1285 = tpu.vector_load %arg6[%parallel_loop3A_1283, %parallel_loop3A_1284] {strides = array<i32>} : memref<320x128xf32, #tpu.memory_space<vmem>>, vector<1x16xf32>,
        %parallel_loop3A_1286 = vector.shape_cast %parallel_loop3A_1285 : vector<1x16xf32> to vector<16xf32>
        %parallel_loop3A_1287 = arith.addf %parallel_loop3A_1280, %parallel_loop3A_1286 : vector<16xf32>
        %parallel_loop3A_1288 = arith.constant 2 : i32
        %parallel_loop3A_1289 = arith.addi %parallel_loop3A_282, %parallel_loop3A_1288 : i32
        %parallel_loop3A_1290 = arith.index_cast %parallel_loop3A_1289 : i32 to index
        %parallel_loop3A_1291 = arith.constant 112 : index
        %parallel_loop3A_1292 = tpu.vector_load %arg6[%parallel_loop3A_1290, %parallel_loop3A_1291] {strides = array<i32>} : memref<320x128xf32, #tpu.memory_space<vmem>>, vector<1x16xf32>,
        %parallel_loop3A_1293 = vector.shape_cast %parallel_loop3A_1292 : vector<1x16xf32> to vector<16xf32>
        %parallel_loop3A_1294 = arith.addf %parallel_loop3A_1287, %parallel_loop3A_1293 : vector<16xf32>
        %parallel_loop3A_1295 = arith.constant 3 : i32
        %parallel_loop3A_1296 = arith.addi %parallel_loop3A_282, %parallel_loop3A_1295 : i32
        %parallel_loop3A_1297 = arith.index_cast %parallel_loop3A_1296 : i32 to index
        %parallel_loop3A_1298 = arith.constant 112 : index
        %parallel_loop3A_1299 = tpu.vector_load %arg6[%parallel_loop3A_1297, %parallel_loop3A_1298] {strides = array<i32>} : memref<320x128xf32, #tpu.memory_space<vmem>>, vector<1x16xf32>,
        %parallel_loop3A_1300 = vector.shape_cast %parallel_loop3A_1299 : vector<1x16xf32> to vector<16xf32>
        %parallel_loop3A_1301 = arith.addf %parallel_loop3A_1294, %parallel_loop3A_1300 : vector<16xf32>
        %parallel_loop3A_1302 = arith.constant 4 : i32
        %parallel_loop3A_1303 = arith.addi %parallel_loop3A_282, %parallel_loop3A_1302 : i32
        %parallel_loop3A_1304 = arith.index_cast %parallel_loop3A_1303 : i32 to index
        %parallel_loop3A_1305 = arith.constant 112 : index
        %parallel_loop3A_1306 = tpu.vector_load %arg6[%parallel_loop3A_1304, %parallel_loop3A_1305] {strides = array<i32>} : memref<320x128xf32, #tpu.memory_space<vmem>>, vector<1x16xf32>,
        %parallel_loop3A_1307 = vector.shape_cast %parallel_loop3A_1306 : vector<1x16xf32> to vector<16xf32>
        %parallel_loop3A_1308 = arith.addf %parallel_loop3A_1301, %parallel_loop3A_1307 : vector<16xf32>
        %parallel_loop3A_1309 = arith.constant 5 : i32
        %parallel_loop3A_1310 = arith.addi %parallel_loop3A_282, %parallel_loop3A_1309 : i32
        %parallel_loop3A_1311 = arith.index_cast %parallel_loop3A_1310 : i32 to index
        %parallel_loop3A_1312 = arith.constant 112 : index
        %parallel_loop3A_1313 = tpu.vector_load %arg6[%parallel_loop3A_1311, %parallel_loop3A_1312] {strides = array<i32>} : memref<320x128xf32, #tpu.memory_space<vmem>>, vector<1x16xf32>,
        %parallel_loop3A_1314 = vector.shape_cast %parallel_loop3A_1313 : vector<1x16xf32> to vector<16xf32>
        %parallel_loop3A_1315 = arith.addf %parallel_loop3A_1308, %parallel_loop3A_1314 : vector<16xf32>
        %parallel_loop3A_1316 = arith.constant 6 : i32
        %parallel_loop3A_1317 = arith.addi %parallel_loop3A_282, %parallel_loop3A_1316 : i32
        %parallel_loop3A_1318 = arith.index_cast %parallel_loop3A_1317 : i32 to index
        %parallel_loop3A_1319 = arith.constant 112 : index
        %parallel_loop3A_1320 = tpu.vector_load %arg6[%parallel_loop3A_1318, %parallel_loop3A_1319] {strides = array<i32>} : memref<320x128xf32, #tpu.memory_space<vmem>>, vector<1x16xf32>,
        %parallel_loop3A_1321 = vector.shape_cast %parallel_loop3A_1320 : vector<1x16xf32> to vector<16xf32>
        %parallel_loop3A_1322 = arith.addf %parallel_loop3A_1315, %parallel_loop3A_1321 : vector<16xf32>
        %parallel_loop3A_1323 = arith.constant 7 : i32
        %parallel_loop3A_1324 = arith.addi %parallel_loop3A_282, %parallel_loop3A_1323 : i32
        %parallel_loop3A_1325 = arith.index_cast %parallel_loop3A_1324 : i32 to index
        %parallel_loop3A_1326 = arith.constant 112 : index
        %parallel_loop3A_1327 = tpu.vector_load %arg6[%parallel_loop3A_1325, %parallel_loop3A_1326] {strides = array<i32>} : memref<320x128xf32, #tpu.memory_space<vmem>>, vector<1x16xf32>,
        %parallel_loop3A_1328 = vector.shape_cast %parallel_loop3A_1327 : vector<1x16xf32> to vector<16xf32>
        %parallel_loop3A_1329 = arith.addf %parallel_loop3A_1322, %parallel_loop3A_1328 : vector<16xf32>
        %parallel_loop3A_1330 = arith.constant 8 : i32
        %parallel_loop3A_1331 = arith.addi %parallel_loop3A_282, %parallel_loop3A_1330 : i32
        %parallel_loop3A_1332 = arith.index_cast %parallel_loop3A_1331 : i32 to index
        %parallel_loop3A_1333 = arith.constant 112 : index
        %parallel_loop3A_1334 = tpu.vector_load %arg6[%parallel_loop3A_1332, %parallel_loop3A_1333] {strides = array<i32>} : memref<320x128xf32, #tpu.memory_space<vmem>>, vector<1x16xf32>,
        %parallel_loop3A_1335 = vector.shape_cast %parallel_loop3A_1334 : vector<1x16xf32> to vector<16xf32>
        %parallel_loop3A_1336 = arith.addf %parallel_loop3A_1329, %parallel_loop3A_1335 : vector<16xf32>
        %parallel_loop3A_1337 = arith.constant 9 : i32
        %parallel_loop3A_1338 = arith.addi %parallel_loop3A_282, %parallel_loop3A_1337 : i32
        %parallel_loop3A_1339 = arith.index_cast %parallel_loop3A_1338 : i32 to index
        %parallel_loop3A_1340 = arith.constant 112 : index
        %parallel_loop3A_1341 = tpu.vector_load %arg6[%parallel_loop3A_1339, %parallel_loop3A_1340] {strides = array<i32>} : memref<320x128xf32, #tpu.memory_space<vmem>>, vector<1x16xf32>,
        %parallel_loop3A_1342 = vector.shape_cast %parallel_loop3A_1341 : vector<1x16xf32> to vector<16xf32>
        %parallel_loop3A_1343 = arith.addf %parallel_loop3A_1336, %parallel_loop3A_1342 : vector<16xf32>
        %parallel_loop3A_1344 = arith.constant 10 : i32
        %parallel_loop3A_1345 = arith.addi %parallel_loop3A_282, %parallel_loop3A_1344 : i32
        %parallel_loop3A_1346 = arith.index_cast %parallel_loop3A_1345 : i32 to index
        %parallel_loop3A_1347 = arith.constant 112 : index
        %parallel_loop3A_1348 = tpu.vector_load %arg6[%parallel_loop3A_1346, %parallel_loop3A_1347] {strides = array<i32>} : memref<320x128xf32, #tpu.memory_space<vmem>>, vector<1x16xf32>,
        %parallel_loop3A_1349 = vector.shape_cast %parallel_loop3A_1348 : vector<1x16xf32> to vector<16xf32>
        %parallel_loop3A_1350 = arith.addf %parallel_loop3A_1343, %parallel_loop3A_1349 : vector<16xf32>
        %parallel_loop3A_1351 = arith.constant 11 : i32
        %parallel_loop3A_1352 = arith.addi %parallel_loop3A_282, %parallel_loop3A_1351 : i32
        %parallel_loop3A_1353 = arith.index_cast %parallel_loop3A_1352 : i32 to index
        %parallel_loop3A_1354 = arith.constant 112 : index
        %parallel_loop3A_1355 = tpu.vector_load %arg6[%parallel_loop3A_1353, %parallel_loop3A_1354] {strides = array<i32>} : memref<320x128xf32, #tpu.memory_space<vmem>>, vector<1x16xf32>,
        %parallel_loop3A_1356 = vector.shape_cast %parallel_loop3A_1355 : vector<1x16xf32> to vector<16xf32>
        %parallel_loop3A_1357 = arith.addf %parallel_loop3A_1350, %parallel_loop3A_1356 : vector<16xf32>
        %parallel_loop3A_1358 = arith.constant 12 : i32
        %parallel_loop3A_1359 = arith.addi %parallel_loop3A_282, %parallel_loop3A_1358 : i32
        %parallel_loop3A_1360 = arith.index_cast %parallel_loop3A_1359 : i32 to index
        %parallel_loop3A_1361 = arith.constant 112 : index
        %parallel_loop3A_1362 = tpu.vector_load %arg6[%parallel_loop3A_1360, %parallel_loop3A_1361] {strides = array<i32>} : memref<320x128xf32, #tpu.memory_space<vmem>>, vector<1x16xf32>,
        %parallel_loop3A_1363 = vector.shape_cast %parallel_loop3A_1362 : vector<1x16xf32> to vector<16xf32>
        %parallel_loop3A_1364 = arith.addf %parallel_loop3A_1357, %parallel_loop3A_1363 : vector<16xf32>
        %parallel_loop3A_1365 = arith.constant 13 : i32
        %parallel_loop3A_1366 = arith.addi %parallel_loop3A_282, %parallel_loop3A_1365 : i32
        %parallel_loop3A_1367 = arith.index_cast %parallel_loop3A_1366 : i32 to index
        %parallel_loop3A_1368 = arith.constant 112 : index
        %parallel_loop3A_1369 = tpu.vector_load %arg6[%parallel_loop3A_1367, %parallel_loop3A_1368] {strides = array<i32>} : memref<320x128xf32, #tpu.memory_space<vmem>>, vector<1x16xf32>,
        %parallel_loop3A_1370 = vector.shape_cast %parallel_loop3A_1369 : vector<1x16xf32> to vector<16xf32>
        %parallel_loop3A_1371 = arith.addf %parallel_loop3A_1364, %parallel_loop3A_1370 : vector<16xf32>
        %parallel_loop3A_1372 = arith.constant 14 : i32
        %parallel_loop3A_1373 = arith.addi %parallel_loop3A_282, %parallel_loop3A_1372 : i32
        %parallel_loop3A_1374 = arith.index_cast %parallel_loop3A_1373 : i32 to index
        %parallel_loop3A_1375 = arith.constant 112 : index
        %parallel_loop3A_1376 = tpu.vector_load %arg6[%parallel_loop3A_1374, %parallel_loop3A_1375] {strides = array<i32>} : memref<320x128xf32, #tpu.memory_space<vmem>>, vector<1x16xf32>,
        %parallel_loop3A_1377 = vector.shape_cast %parallel_loop3A_1376 : vector<1x16xf32> to vector<16xf32>
        %parallel_loop3A_1378 = arith.addf %parallel_loop3A_1371, %parallel_loop3A_1377 : vector<16xf32>
        %parallel_loop3A_1379 = arith.constant 15 : i32
        %parallel_loop3A_1380 = arith.addi %parallel_loop3A_282, %parallel_loop3A_1379 : i32
        %parallel_loop3A_1381 = arith.index_cast %parallel_loop3A_1380 : i32 to index
        %parallel_loop3A_1382 = arith.constant 112 : index
        %parallel_loop3A_1383 = tpu.vector_load %arg6[%parallel_loop3A_1381, %parallel_loop3A_1382] {strides = array<i32>} : memref<320x128xf32, #tpu.memory_space<vmem>>, vector<1x16xf32>,
        %parallel_loop3A_1384 = vector.shape_cast %parallel_loop3A_1383 : vector<1x16xf32> to vector<16xf32>
        %parallel_loop3A_1385 = arith.addf %parallel_loop3A_1378, %parallel_loop3A_1384 : vector<16xf32>
        %parallel_loop3A_1386 = arith.constant 16 : i32
        %parallel_loop3A_1387 = arith.addi %parallel_loop3A_282, %parallel_loop3A_1386 : i32
        %parallel_loop3A_1388 = arith.index_cast %parallel_loop3A_1387 : i32 to index
        %parallel_loop3A_1389 = arith.constant 112 : index
        %parallel_loop3A_1390 = tpu.vector_load %arg6[%parallel_loop3A_1388, %parallel_loop3A_1389] {strides = array<i32>} : memref<320x128xf32, #tpu.memory_space<vmem>>, vector<1x16xf32>,
        %parallel_loop3A_1391 = vector.shape_cast %parallel_loop3A_1390 : vector<1x16xf32> to vector<16xf32>
        %parallel_loop3A_1392 = arith.addf %parallel_loop3A_1385, %parallel_loop3A_1391 : vector<16xf32>
        %parallel_loop3A_1393 = arith.constant 17 : i32
        %parallel_loop3A_1394 = arith.addi %parallel_loop3A_282, %parallel_loop3A_1393 : i32
        %parallel_loop3A_1395 = arith.index_cast %parallel_loop3A_1394 : i32 to index
        %parallel_loop3A_1396 = arith.constant 112 : index
        %parallel_loop3A_1397 = tpu.vector_load %arg6[%parallel_loop3A_1395, %parallel_loop3A_1396] {strides = array<i32>} : memref<320x128xf32, #tpu.memory_space<vmem>>, vector<1x16xf32>,
        %parallel_loop3A_1398 = vector.shape_cast %parallel_loop3A_1397 : vector<1x16xf32> to vector<16xf32>
        %parallel_loop3A_1399 = arith.addf %parallel_loop3A_1392, %parallel_loop3A_1398 : vector<16xf32>
        %parallel_loop3A_1400 = arith.constant 18 : i32
        %parallel_loop3A_1401 = arith.addi %parallel_loop3A_282, %parallel_loop3A_1400 : i32
        %parallel_loop3A_1402 = arith.index_cast %parallel_loop3A_1401 : i32 to index
        %parallel_loop3A_1403 = arith.constant 112 : index
        %parallel_loop3A_1404 = tpu.vector_load %arg6[%parallel_loop3A_1402, %parallel_loop3A_1403] {strides = array<i32>} : memref<320x128xf32, #tpu.memory_space<vmem>>, vector<1x16xf32>,
        %parallel_loop3A_1405 = vector.shape_cast %parallel_loop3A_1404 : vector<1x16xf32> to vector<16xf32>
        %parallel_loop3A_1406 = arith.addf %parallel_loop3A_1399, %parallel_loop3A_1405 : vector<16xf32>
        %parallel_loop3A_1407 = arith.constant 19 : i32
        %parallel_loop3A_1408 = arith.addi %parallel_loop3A_282, %parallel_loop3A_1407 : i32
        %parallel_loop3A_1409 = arith.index_cast %parallel_loop3A_1408 : i32 to index
        %parallel_loop3A_1410 = arith.constant 112 : index
        %parallel_loop3A_1411 = tpu.vector_load %arg6[%parallel_loop3A_1409, %parallel_loop3A_1410] {strides = array<i32>} : memref<320x128xf32, #tpu.memory_space<vmem>>, vector<1x16xf32>,
        %parallel_loop3A_1412 = vector.shape_cast %parallel_loop3A_1411 : vector<1x16xf32> to vector<16xf32>
        %parallel_loop3A_1413 = arith.addf %parallel_loop3A_1406, %parallel_loop3A_1412 : vector<16xf32>
        %parallel_loop3A_1414 = arith.index_cast %parallel_loop3A_280 : i32 to index
        %parallel_loop3A_1415 = arith.constant 112 : index
        %parallel_loop3A_1416 = tpu.vector_load %arg8[%parallel_loop3A_1414, %parallel_loop3A_1415] {strides = array<i32>} : memref<16x128xf32, #tpu.memory_space<vmem>>, vector<1x16xf32>,
        %parallel_loop3A_1417 = vector.shape_cast %parallel_loop3A_1416 : vector<1x16xf32> to vector<16xf32>
        %parallel_loop3A_1418 = vector.shape_cast %parallel_loop3A_1413 : vector<16xf32> to vector<1x16xf32>
        tpu.vector_store %arg8[%parallel_loop3A_1414, %parallel_loop3A_1415], %parallel_loop3A_1418 {strides = array<i32>} : memref<16x128xf32, #tpu.memory_space<vmem>>, vector<1x16xf32>,
      } {sc.loop_unroll_factor = 1 : i64, sc.parallel_access}
      %mul3A_187 = arith.constant 16 : i32
      %mul3A_188 = arith.muli %mul3A_122, %mul3A_187 : i32
      %add3A_189 = arith.addi %mul3A_2, %mul3A_188 : i32
      %dma_start3A_190 = arith.constant 0 : i32
      %dma_start3A_191 = tpu.memref_slice %arg4[%add3A_189, %dma_start3A_190] : memref<16384x128xf32, #tpu.memory_space<hbm>> -> memref<16x128xf32, #tpu.memory_space<hbm>>
      %dma_start3A_192 = arith.constant 0 : i32
      %dma_start3A_193 = tpu.memref_slice %arg4[%add3A_189, %dma_start3A_192] : memref<16384x128xf32, #tpu.memory_space<hbm>> -> memref<16x128xf32, #tpu.memory_space<hbm>>
      tpu.enqueue_dma source(%arg8 : memref<16x128xf32, #tpu.memory_space<vmem>>) target(%dma_start3A_193 : memref<16x128xf32, #tpu.memory_space<hbm>>) target_semaphore(%arg12 : memref<!tpu.dma_semaphore, #tpu.memory_space<semaphore_mem>>)
      %lt3A = arith.constant 15 : i32
      %lt3A_194 = arith.cmpi slt, %scan3A_120, %lt3A : i32
      %convert_element_type3A_195 = arith.extui %lt3A_194 : i1 to i32
      %cond3A_196 = arith.constant 0 : i32
      %cond3A_197 = arith.cmpi ne, %convert_element_type3A_195, %cond3A_196 : i32
      scf.if %cond3A_197 {
        %add3A_280 = arith.constant 2 : i32
        %add3A_281 = arith.addi %mul3A_122, %add3A_280 : i32
        %mul3A_282 = arith.constant 5 : i32
        %mul3A_283 = arith.muli %add3A_281, %mul3A_282 : i32
        %add3A_284 = arith.constant 0 : i32
        %add3A_285 = arith.addi %mul3A_283, %add3A_284 : i32
        %dma_start3A_286 = arith.constant 0 : i32
        %dma_start3A_287 = arith.constant 0 : i32
        %dma_start3A_288 = tpu.memref_slice %arg6[%dma_start3A_286, %dma_start3A_287] : memref<320x128xf32, #tpu.memory_space<vmem>> -> memref<64x128xf32, #tpu.memory_space<vmem>>
        %dma_start3A_289 = arith.constant 0 : i32
        %dma_start3A_290 = tpu.memref_slice %arg5[%add3A_285, %dma_start3A_289] : memref<160x64xi32, #tpu.memory_space<vmem>> -> memref<1x64xi32, #tpu.memory_space<vmem>>
        %dma_start3A_291 = tpu.memref_squeeze %dma_start3A_290 : memref<1x64xi32, #tpu.memory_space<vmem>> -> memref<64xi32, #tpu.memory_space<vmem>>
        %dma_start3A_292 = arith.constant 0 : i32
        %dma_start3A_293 = arith.constant 0 : i32
        %dma_start3A_294 = tpu.memref_slice %arg3[%dma_start3A_292, %dma_start3A_293] : memref<100000x128xf32, #tpu.memory_space<hbm>> -> memref<100000x128xf32, #tpu.memory_space<hbm>>
        tpu.enqueue_indirect_dma source(%dma_start3A_294 : memref<100000x128xf32, #tpu.memory_space<hbm>>) target(%dma_start3A_288 : memref<64x128xf32, #tpu.memory_space<vmem>>) offsets(%dma_start3A_291 : memref<64xi32, #tpu.memory_space<vmem>>) semaphore(%arg10 : memref<!tpu.dma_semaphore, #tpu.memory_space<semaphore_mem>>)
        %mul3A_295 = arith.constant 5 : i32
        %mul3A_296 = arith.muli %add3A_281, %mul3A_295 : i32
        %add3A_297 = arith.constant 1 : i32
        %add3A_298 = arith.addi %mul3A_296, %add3A_297 : i32
        %dma_start3A_299 = arith.constant 64 : i32
        %dma_start3A_300 = arith.constant 0 : i32
        %dma_start3A_301 = tpu.memref_slice %arg6[%dma_start3A_299, %dma_start3A_300] : memref<320x128xf32, #tpu.memory_space<vmem>> -> memref<64x128xf32, #tpu.memory_space<vmem>>
        %dma_start3A_302 = arith.constant 0 : i32
        %dma_start3A_303 = tpu.memref_slice %arg5[%add3A_298, %dma_start3A_302] : memref<160x64xi32, #tpu.memory_space<vmem>> -> memref<1x64xi32, #tpu.memory_space<vmem>>
        %dma_start3A_304 = tpu.memref_squeeze %dma_start3A_303 : memref<1x64xi32, #tpu.memory_space<vmem>> -> memref<64xi32, #tpu.memory_space<vmem>>
        %dma_start3A_305 = arith.constant 0 : i32
        %dma_start3A_306 = arith.constant 0 : i32
        %dma_start3A_307 = tpu.memref_slice %arg3[%dma_start3A_305, %dma_start3A_306] : memref<100000x128xf32, #tpu.memory_space<hbm>> -> memref<100000x128xf32, #tpu.memory_space<hbm>>
        tpu.enqueue_indirect_dma source(%dma_start3A_307 : memref<100000x128xf32, #tpu.memory_space<hbm>>) target(%dma_start3A_301 : memref<64x128xf32, #tpu.memory_space<vmem>>) offsets(%dma_start3A_304 : memref<64xi32, #tpu.memory_space<vmem>>) semaphore(%arg10 : memref<!tpu.dma_semaphore, #tpu.memory_space<semaphore_mem>>)
        %mul3A_308 = arith.constant 5 : i32
        %mul3A_309 = arith.muli %add3A_281, %mul3A_308 : i32
        %add3A_310 = arith.constant 2 : i32
        %add3A_311 = arith.addi %mul3A_309, %add3A_310 : i32
        %dma_start3A_312 = arith.constant 128 : i32
        %dma_start3A_313 = arith.constant 0 : i32
        %dma_start3A_314 = tpu.memref_slice %arg6[%dma_start3A_312, %dma_start3A_313] : memref<320x128xf32, #tpu.memory_space<vmem>> -> memref<64x128xf32, #tpu.memory_space<vmem>>
        %dma_start3A_315 = arith.constant 0 : i32
        %dma_start3A_316 = tpu.memref_slice %arg5[%add3A_311, %dma_start3A_315] : memref<160x64xi32, #tpu.memory_space<vmem>> -> memref<1x64xi32, #tpu.memory_space<vmem>>
        %dma_start3A_317 = tpu.memref_squeeze %dma_start3A_316 : memref<1x64xi32, #tpu.memory_space<vmem>> -> memref<64xi32, #tpu.memory_space<vmem>>
        %dma_start3A_318 = arith.constant 0 : i32
        %dma_start3A_319 = arith.constant 0 : i32
        %dma_start3A_320 = tpu.memref_slice %arg3[%dma_start3A_318, %dma_start3A_319] : memref<100000x128xf32, #tpu.memory_space<hbm>> -> memref<100000x128xf32, #tpu.memory_space<hbm>>
        tpu.enqueue_indirect_dma source(%dma_start3A_320 : memref<100000x128xf32, #tpu.memory_space<hbm>>) target(%dma_start3A_314 : memref<64x128xf32, #tpu.memory_space<vmem>>) offsets(%dma_start3A_317 : memref<64xi32, #tpu.memory_space<vmem>>) semaphore(%arg10 : memref<!tpu.dma_semaphore, #tpu.memory_space<semaphore_mem>>)
        %mul3A_321 = arith.constant 5 : i32
        %mul3A_322 = arith.muli %add3A_281, %mul3A_321 : i32
        %add3A_323 = arith.constant 3 : i32
        %add3A_324 = arith.addi %mul3A_322, %add3A_323 : i32
        %dma_start3A_325 = arith.constant 192 : i32
        %dma_start3A_326 = arith.constant 0 : i32
        %dma_start3A_327 = tpu.memref_slice %arg6[%dma_start3A_325, %dma_start3A_326] : memref<320x128xf32, #tpu.memory_space<vmem>> -> memref<64x128xf32, #tpu.memory_space<vmem>>
        %dma_start3A_328 = arith.constant 0 : i32
        %dma_start3A_329 = tpu.memref_slice %arg5[%add3A_324, %dma_start3A_328] : memref<160x64xi32, #tpu.memory_space<vmem>> -> memref<1x64xi32, #tpu.memory_space<vmem>>
        %dma_start3A_330 = tpu.memref_squeeze %dma_start3A_329 : memref<1x64xi32, #tpu.memory_space<vmem>> -> memref<64xi32, #tpu.memory_space<vmem>>
        %dma_start3A_331 = arith.constant 0 : i32
        %dma_start3A_332 = arith.constant 0 : i32
        %dma_start3A_333 = tpu.memref_slice %arg3[%dma_start3A_331, %dma_start3A_332] : memref<100000x128xf32, #tpu.memory_space<hbm>> -> memref<100000x128xf32, #tpu.memory_space<hbm>>
        tpu.enqueue_indirect_dma source(%dma_start3A_333 : memref<100000x128xf32, #tpu.memory_space<hbm>>) target(%dma_start3A_327 : memref<64x128xf32, #tpu.memory_space<vmem>>) offsets(%dma_start3A_330 : memref<64xi32, #tpu.memory_space<vmem>>) semaphore(%arg10 : memref<!tpu.dma_semaphore, #tpu.memory_space<semaphore_mem>>)
        %mul3A_334 = arith.constant 5 : i32
        %mul3A_335 = arith.muli %add3A_281, %mul3A_334 : i32
        %add3A_336 = arith.constant 4 : i32
        %add3A_337 = arith.addi %mul3A_335, %add3A_336 : i32
        %dma_start3A_338 = arith.constant 256 : i32
        %dma_start3A_339 = arith.constant 0 : i32
        %dma_start3A_340 = tpu.memref_slice %arg6[%dma_start3A_338, %dma_start3A_339] : memref<320x128xf32, #tpu.memory_space<vmem>> -> memref<64x128xf32, #tpu.memory_space<vmem>>
        %dma_start3A_341 = arith.constant 0 : i32
        %dma_start3A_342 = tpu.memref_slice %arg5[%add3A_337, %dma_start3A_341] : memref<160x64xi32, #tpu.memory_space<vmem>> -> memref<1x64xi32, #tpu.memory_space<vmem>>
        %dma_start3A_343 = tpu.memref_squeeze %dma_start3A_342 : memref<1x64xi32, #tpu.memory_space<vmem>> -> memref<64xi32, #tpu.memory_space<vmem>>
        %dma_start3A_344 = arith.constant 0 : i32
        %dma_start3A_345 = arith.constant 0 : i32
        %dma_start3A_346 = tpu.memref_slice %arg3[%dma_start3A_344, %dma_start3A_345] : memref<100000x128xf32, #tpu.memory_space<hbm>> -> memref<100000x128xf32, #tpu.memory_space<hbm>>
        tpu.enqueue_indirect_dma source(%dma_start3A_346 : memref<100000x128xf32, #tpu.memory_space<hbm>>) target(%dma_start3A_340 : memref<64x128xf32, #tpu.memory_space<vmem>>) offsets(%dma_start3A_343 : memref<64xi32, #tpu.memory_space<vmem>>) semaphore(%arg10 : memref<!tpu.dma_semaphore, #tpu.memory_space<semaphore_mem>>)
      } else {
      }
      %dma_wait3A_198 = arith.constant 0 : i32
      %dma_wait3A_199 = arith.constant 0 : i32
      %dma_wait3A_200 = tpu.memref_slice %arg7[%dma_wait3A_198, %dma_wait3A_199] : memref<320x128xf32, #tpu.memory_space<vmem>> -> memref<64x128xf32, #tpu.memory_space<vmem>>
      %dma_wait3A_201 = arith.constant 0 : i32
      %dma_wait3A_202 = arith.constant 0 : i32
      %dma_wait3A_203 = tpu.memref_slice %arg3[%dma_wait3A_201, %dma_wait3A_202] : memref<100000x128xf32, #tpu.memory_space<hbm>> -> memref<64x128xf32, #tpu.memory_space<hbm>>
      %dma_wait3A_204 = arith.constant 0 : i32
      %dma_wait3A_205 = arith.constant 0 : i32
      %dma_wait3A_206 = tpu.memref_slice %arg7[%dma_wait3A_204, %dma_wait3A_205] : memref<320x128xf32, #tpu.memory_space<vmem>> -> memref<64x128xf32, #tpu.memory_space<vmem>>
      %dma_wait3A_207 = arith.constant 0 : i32
      %dma_wait3A_208 = arith.constant 0 : i32
      %dma_wait3A_209 = tpu.memref_slice %arg3[%dma_wait3A_207, %dma_wait3A_208] : memref<100000x128xf32, #tpu.memory_space<hbm>> -> memref<64x128xf32, #tpu.memory_space<hbm>>
      tpu.wait_dma2 semaphore(%arg11 : memref<!tpu.dma_semaphore, #tpu.memory_space<semaphore_mem>>) src(%dma_wait3A_209 : memref<64x128xf32, #tpu.memory_space<hbm>>) dst(%dma_wait3A_206 : memref<64x128xf32, #tpu.memory_space<vmem>>)
      %dma_wait3A_210 = arith.constant 64 : i32
      %dma_wait3A_211 = arith.constant 0 : i32
      %dma_wait3A_212 = tpu.memref_slice %arg7[%dma_wait3A_210, %dma_wait3A_211] : memref<320x128xf32, #tpu.memory_space<vmem>> -> memref<64x128xf32, #tpu.memory_space<vmem>>
      %dma_wait3A_213 = arith.constant 0 : i32
      %dma_wait3A_214 = arith.constant 0 : i32
      %dma_wait3A_215 = tpu.memref_slice %arg3[%dma_wait3A_213, %dma_wait3A_214] : memref<100000x128xf32, #tpu.memory_space<hbm>> -> memref<64x128xf32, #tpu.memory_space<hbm>>
      %dma_wait3A_216 = arith.constant 64 : i32
      %dma_wait3A_217 = arith.constant 0 : i32
      %dma_wait3A_218 = tpu.memref_slice %arg7[%dma_wait3A_216, %dma_wait3A_217] : memref<320x128xf32, #tpu.memory_space<vmem>> -> memref<64x128xf32, #tpu.memory_space<vmem>>
      %dma_wait3A_219 = arith.constant 0 : i32
      %dma_wait3A_220 = arith.constant 0 : i32
      %dma_wait3A_221 = tpu.memref_slice %arg3[%dma_wait3A_219, %dma_wait3A_220] : memref<100000x128xf32, #tpu.memory_space<hbm>> -> memref<64x128xf32, #tpu.memory_space<hbm>>
      tpu.wait_dma2 semaphore(%arg11 : memref<!tpu.dma_semaphore, #tpu.memory_space<semaphore_mem>>) src(%dma_wait3A_221 : memref<64x128xf32, #tpu.memory_space<hbm>>) dst(%dma_wait3A_218 : memref<64x128xf32, #tpu.memory_space<vmem>>)
      %dma_wait3A_222 = arith.constant 128 : i32
      %dma_wait3A_223 = arith.constant 0 : i32
      %dma_wait3A_224 = tpu.memref_slice %arg7[%dma_wait3A_222, %dma_wait3A_223] : memref<320x128xf32, #tpu.memory_space<vmem>> -> memref<64x128xf32, #tpu.memory_space<vmem>>
      %dma_wait3A_225 = arith.constant 0 : i32
      %dma_wait3A_226 = arith.constant 0 : i32
      %dma_wait3A_227 = tpu.memref_slice %arg3[%dma_wait3A_225, %dma_wait3A_226] : memref<100000x128xf32, #tpu.memory_space<hbm>> -> memref<64x128xf32, #tpu.memory_space<hbm>>
      %dma_wait3A_228 = arith.constant 128 : i32
      %dma_wait3A_229 = arith.constant 0 : i32
      %dma_wait3A_230 = tpu.memref_slice %arg7[%dma_wait3A_228, %dma_wait3A_229] : memref<320x128xf32, #tpu.memory_space<vmem>> -> memref<64x128xf32, #tpu.memory_space<vmem>>
      %dma_wait3A_231 = arith.constant 0 : i32
      %dma_wait3A_232 = arith.constant 0 : i32
      %dma_wait3A_233 = tpu.memref_slice %arg3[%dma_wait3A_231, %dma_wait3A_232] : memref<100000x128xf32, #tpu.memory_space<hbm>> -> memref<64x128xf32, #tpu.memory_space<hbm>>
      tpu.wait_dma2 semaphore(%arg11 : memref<!tpu.dma_semaphore, #tpu.memory_space<semaphore_mem>>) src(%dma_wait3A_233 : memref<64x128xf32, #tpu.memory_space<hbm>>) dst(%dma_wait3A_230 : memref<64x128xf32, #tpu.memory_space<vmem>>)
      %dma_wait3A_234 = arith.constant 192 : i32
      %dma_wait3A_235 = arith.constant 0 : i32
      %dma_wait3A_236 = tpu.memref_slice %arg7[%dma_wait3A_234, %dma_wait3A_235] : memref<320x128xf32, #tpu.memory_space<vmem>> -> memref<64x128xf32, #tpu.memory_space<vmem>>
      %dma_wait3A_237 = arith.constant 0 : i32
      %dma_wait3A_238 = arith.constant 0 : i32
      %dma_wait3A_239 = tpu.memref_slice %arg3[%dma_wait3A_237, %dma_wait3A_238] : memref<100000x128xf32, #tpu.memory_space<hbm>> -> memref<64x128xf32, #tpu.memory_space<hbm>>
      %dma_wait3A_240 = arith.constant 192 : i32
      %dma_wait3A_241 = arith.constant 0 : i32
      %dma_wait3A_242 = tpu.memref_slice %arg7[%dma_wait3A_240, %dma_wait3A_241] : memref<320x128xf32, #tpu.memory_space<vmem>> -> memref<64x128xf32, #tpu.memory_space<vmem>>
      %dma_wait3A_243 = arith.constant 0 : i32
      %dma_wait3A_244 = arith.constant 0 : i32
      %dma_wait3A_245 = tpu.memref_slice %arg3[%dma_wait3A_243, %dma_wait3A_244] : memref<100000x128xf32, #tpu.memory_space<hbm>> -> memref<64x128xf32, #tpu.memory_space<hbm>>
      tpu.wait_dma2 semaphore(%arg11 : memref<!tpu.dma_semaphore, #tpu.memory_space<semaphore_mem>>) src(%dma_wait3A_245 : memref<64x128xf32, #tpu.memory_space<hbm>>) dst(%dma_wait3A_242 : memref<64x128xf32, #tpu.memory_space<vmem>>)
      %dma_wait3A_246 = arith.constant 256 : i32
      %dma_wait3A_247 = arith.constant 0 : i32
      %dma_wait3A_248 = tpu.memref_slice %arg7[%dma_wait3A_246, %dma_wait3A_247] : memref<320x128xf32, #tpu.memory_space<vmem>> -> memref<64x128xf32, #tpu.memory_space<vmem>>
      %dma_wait3A_249 = arith.constant 0 : i32
      %dma_wait3A_250 = arith.constant 0 : i32
      %dma_wait3A_251 = tpu.memref_slice %arg3[%dma_wait3A_249, %dma_wait3A_250] : memref<100000x128xf32, #tpu.memory_space<hbm>> -> memref<64x128xf32, #tpu.memory_space<hbm>>
      %dma_wait3A_252 = arith.constant 256 : i32
      %dma_wait3A_253 = arith.constant 0 : i32
      %dma_wait3A_254 = tpu.memref_slice %arg7[%dma_wait3A_252, %dma_wait3A_253] : memref<320x128xf32, #tpu.memory_space<vmem>> -> memref<64x128xf32, #tpu.memory_space<vmem>>
      %dma_wait3A_255 = arith.constant 0 : i32
      %dma_wait3A_256 = arith.constant 0 : i32
      %dma_wait3A_257 = tpu.memref_slice %arg3[%dma_wait3A_255, %dma_wait3A_256] : memref<100000x128xf32, #tpu.memory_space<hbm>> -> memref<64x128xf32, #tpu.memory_space<hbm>>
      tpu.wait_dma2 semaphore(%arg11 : memref<!tpu.dma_semaphore, #tpu.memory_space<semaphore_mem>>) src(%dma_wait3A_257 : memref<64x128xf32, #tpu.memory_space<hbm>>) dst(%dma_wait3A_254 : memref<64x128xf32, #tpu.memory_space<vmem>>)
      %add3A_258 = arith.constant 1 : i32
      %add3A_259 = arith.addi %mul3A_122, %add3A_258 : i32
      %gt3A_260 = arith.constant 0 : i32
      %gt3A_261 = arith.cmpi sgt, %scan3A_120, %gt3A_260 : i32
      %convert_element_type3A_262 = arith.extui %gt3A_261 : i1 to i32
      %cond3A_263 = arith.constant 0 : i32
      %cond3A_264 = arith.cmpi ne, %convert_element_type3A_262, %cond3A_263 : i32
      scf.if %cond3A_264 {
        %dma_wait3A_280 = arith.constant 0 : i32
        %dma_wait3A_281 = arith.constant 0 : i32
        %dma_wait3A_282 = tpu.memref_slice %arg4[%dma_wait3A_280, %dma_wait3A_281] : memref<16384x128xf32, #tpu.memory_space<hbm>> -> memref<16x128xf32, #tpu.memory_space<hbm>>
        %dma_wait3A_283 = arith.constant 0 : i32
        %dma_wait3A_284 = arith.constant 0 : i32
        %dma_wait3A_285 = tpu.memref_slice %arg4[%dma_wait3A_283, %dma_wait3A_284] : memref<16384x128xf32, #tpu.memory_space<hbm>> -> memref<16x128xf32, #tpu.memory_space<hbm>>
        tpu.wait_dma2 semaphore(%arg13 : memref<!tpu.dma_semaphore, #tpu.memory_space<semaphore_mem>>) src(%arg9 : memref<16x128xf32, #tpu.memory_space<vmem>>) dst(%dma_wait3A_285 : memref<16x128xf32, #tpu.memory_space<hbm>>)
      } else {
      }
      %parallel_loop3A_265 = arith.constant 0 : i32
      %parallel_loop3A_266 = arith.constant 16 : i32
      %parallel_loop3A_267 = arith.constant 1 : i32
      scf.for %parallel_loop3A_280 = %parallel_loop3A_265 to %parallel_loop3A_266 step %parallel_loop3A_267  : i32 {
        %parallel_loop3A_281 = arith.constant 20 : i32
        %parallel_loop3A_282 = arith.muli %parallel_loop3A_280, %parallel_loop3A_281 : i32
        %parallel_loop3A_283 = arith.index_cast %parallel_loop3A_282 : i32 to index
        %parallel_loop3A_284 = arith.constant 0 : index
        %parallel_loop3A_285 = tpu.vector_load %arg7[%parallel_loop3A_283, %parallel_loop3A_284] {strides = array<i32>} : memref<320x128xf32, #tpu.memory_space<vmem>>, vector<1x16xf32>,
        %parallel_loop3A_286 = vector.shape_cast %parallel_loop3A_285 : vector<1x16xf32> to vector<16xf32>
        %parallel_loop3A_287 = arith.constant 1 : i32
        %parallel_loop3A_288 = arith.addi %parallel_loop3A_282, %parallel_loop3A_287 : i32
        %parallel_loop3A_289 = arith.index_cast %parallel_loop3A_288 : i32 to index
        %parallel_loop3A_290 = arith.constant 0 : index
        %parallel_loop3A_291 = tpu.vector_load %arg7[%parallel_loop3A_289, %parallel_loop3A_290] {strides = array<i32>} : memref<320x128xf32, #tpu.memory_space<vmem>>, vector<1x16xf32>,
        %parallel_loop3A_292 = vector.shape_cast %parallel_loop3A_291 : vector<1x16xf32> to vector<16xf32>
        %parallel_loop3A_293 = arith.addf %parallel_loop3A_286, %parallel_loop3A_292 : vector<16xf32>
        %parallel_loop3A_294 = arith.constant 2 : i32
        %parallel_loop3A_295 = arith.addi %parallel_loop3A_282, %parallel_loop3A_294 : i32
        %parallel_loop3A_296 = arith.index_cast %parallel_loop3A_295 : i32 to index
        %parallel_loop3A_297 = arith.constant 0 : index
        %parallel_loop3A_298 = tpu.vector_load %arg7[%parallel_loop3A_296, %parallel_loop3A_297] {strides = array<i32>} : memref<320x128xf32, #tpu.memory_space<vmem>>, vector<1x16xf32>,
        %parallel_loop3A_299 = vector.shape_cast %parallel_loop3A_298 : vector<1x16xf32> to vector<16xf32>
        %parallel_loop3A_300 = arith.addf %parallel_loop3A_293, %parallel_loop3A_299 : vector<16xf32>
        %parallel_loop3A_301 = arith.constant 3 : i32
        %parallel_loop3A_302 = arith.addi %parallel_loop3A_282, %parallel_loop3A_301 : i32
        %parallel_loop3A_303 = arith.index_cast %parallel_loop3A_302 : i32 to index
        %parallel_loop3A_304 = arith.constant 0 : index
        %parallel_loop3A_305 = tpu.vector_load %arg7[%parallel_loop3A_303, %parallel_loop3A_304] {strides = array<i32>} : memref<320x128xf32, #tpu.memory_space<vmem>>, vector<1x16xf32>,
        %parallel_loop3A_306 = vector.shape_cast %parallel_loop3A_305 : vector<1x16xf32> to vector<16xf32>
        %parallel_loop3A_307 = arith.addf %parallel_loop3A_300, %parallel_loop3A_306 : vector<16xf32>
        %parallel_loop3A_308 = arith.constant 4 : i32
        %parallel_loop3A_309 = arith.addi %parallel_loop3A_282, %parallel_loop3A_308 : i32
        %parallel_loop3A_310 = arith.index_cast %parallel_loop3A_309 : i32 to index
        %parallel_loop3A_311 = arith.constant 0 : index
        %parallel_loop3A_312 = tpu.vector_load %arg7[%parallel_loop3A_310, %parallel_loop3A_311] {strides = array<i32>} : memref<320x128xf32, #tpu.memory_space<vmem>>, vector<1x16xf32>,
        %parallel_loop3A_313 = vector.shape_cast %parallel_loop3A_312 : vector<1x16xf32> to vector<16xf32>
        %parallel_loop3A_314 = arith.addf %parallel_loop3A_307, %parallel_loop3A_313 : vector<16xf32>
        %parallel_loop3A_315 = arith.constant 5 : i32
        %parallel_loop3A_316 = arith.addi %parallel_loop3A_282, %parallel_loop3A_315 : i32
        %parallel_loop3A_317 = arith.index_cast %parallel_loop3A_316 : i32 to index
        %parallel_loop3A_318 = arith.constant 0 : index
        %parallel_loop3A_319 = tpu.vector_load %arg7[%parallel_loop3A_317, %parallel_loop3A_318] {strides = array<i32>} : memref<320x128xf32, #tpu.memory_space<vmem>>, vector<1x16xf32>,
        %parallel_loop3A_320 = vector.shape_cast %parallel_loop3A_319 : vector<1x16xf32> to vector<16xf32>
        %parallel_loop3A_321 = arith.addf %parallel_loop3A_314, %parallel_loop3A_320 : vector<16xf32>
        %parallel_loop3A_322 = arith.constant 6 : i32
        %parallel_loop3A_323 = arith.addi %parallel_loop3A_282, %parallel_loop3A_322 : i32
        %parallel_loop3A_324 = arith.index_cast %parallel_loop3A_323 : i32 to index
        %parallel_loop3A_325 = arith.constant 0 : index
        %parallel_loop3A_326 = tpu.vector_load %arg7[%parallel_loop3A_324, %parallel_loop3A_325] {strides = array<i32>} : memref<320x128xf32, #tpu.memory_space<vmem>>, vector<1x16xf32>,
        %parallel_loop3A_327 = vector.shape_cast %parallel_loop3A_326 : vector<1x16xf32> to vector<16xf32>
        %parallel_loop3A_328 = arith.addf %parallel_loop3A_321, %parallel_loop3A_327 : vector<16xf32>
        %parallel_loop3A_329 = arith.constant 7 : i32
        %parallel_loop3A_330 = arith.addi %parallel_loop3A_282, %parallel_loop3A_329 : i32
        %parallel_loop3A_331 = arith.index_cast %parallel_loop3A_330 : i32 to index
        %parallel_loop3A_332 = arith.constant 0 : index
        %parallel_loop3A_333 = tpu.vector_load %arg7[%parallel_loop3A_331, %parallel_loop3A_332] {strides = array<i32>} : memref<320x128xf32, #tpu.memory_space<vmem>>, vector<1x16xf32>,
        %parallel_loop3A_334 = vector.shape_cast %parallel_loop3A_333 : vector<1x16xf32> to vector<16xf32>
        %parallel_loop3A_335 = arith.addf %parallel_loop3A_328, %parallel_loop3A_334 : vector<16xf32>
        %parallel_loop3A_336 = arith.constant 8 : i32
        %parallel_loop3A_337 = arith.addi %parallel_loop3A_282, %parallel_loop3A_336 : i32
        %parallel_loop3A_338 = arith.index_cast %parallel_loop3A_337 : i32 to index
        %parallel_loop3A_339 = arith.constant 0 : index
        %parallel_loop3A_340 = tpu.vector_load %arg7[%parallel_loop3A_338, %parallel_loop3A_339] {strides = array<i32>} : memref<320x128xf32, #tpu.memory_space<vmem>>, vector<1x16xf32>,
        %parallel_loop3A_341 = vector.shape_cast %parallel_loop3A_340 : vector<1x16xf32> to vector<16xf32>
        %parallel_loop3A_342 = arith.addf %parallel_loop3A_335, %parallel_loop3A_341 : vector<16xf32>
        %parallel_loop3A_343 = arith.constant 9 : i32
        %parallel_loop3A_344 = arith.addi %parallel_loop3A_282, %parallel_loop3A_343 : i32
        %parallel_loop3A_345 = arith.index_cast %parallel_loop3A_344 : i32 to index
        %parallel_loop3A_346 = arith.constant 0 : index
        %parallel_loop3A_347 = tpu.vector_load %arg7[%parallel_loop3A_345, %parallel_loop3A_346] {strides = array<i32>} : memref<320x128xf32, #tpu.memory_space<vmem>>, vector<1x16xf32>,
        %parallel_loop3A_348 = vector.shape_cast %parallel_loop3A_347 : vector<1x16xf32> to vector<16xf32>
        %parallel_loop3A_349 = arith.addf %parallel_loop3A_342, %parallel_loop3A_348 : vector<16xf32>
        %parallel_loop3A_350 = arith.constant 10 : i32
        %parallel_loop3A_351 = arith.addi %parallel_loop3A_282, %parallel_loop3A_350 : i32
        %parallel_loop3A_352 = arith.index_cast %parallel_loop3A_351 : i32 to index
        %parallel_loop3A_353 = arith.constant 0 : index
        %parallel_loop3A_354 = tpu.vector_load %arg7[%parallel_loop3A_352, %parallel_loop3A_353] {strides = array<i32>} : memref<320x128xf32, #tpu.memory_space<vmem>>, vector<1x16xf32>,
        %parallel_loop3A_355 = vector.shape_cast %parallel_loop3A_354 : vector<1x16xf32> to vector<16xf32>
        %parallel_loop3A_356 = arith.addf %parallel_loop3A_349, %parallel_loop3A_355 : vector<16xf32>
        %parallel_loop3A_357 = arith.constant 11 : i32
        %parallel_loop3A_358 = arith.addi %parallel_loop3A_282, %parallel_loop3A_357 : i32
        %parallel_loop3A_359 = arith.index_cast %parallel_loop3A_358 : i32 to index
        %parallel_loop3A_360 = arith.constant 0 : index
        %parallel_loop3A_361 = tpu.vector_load %arg7[%parallel_loop3A_359, %parallel_loop3A_360] {strides = array<i32>} : memref<320x128xf32, #tpu.memory_space<vmem>>, vector<1x16xf32>,
        %parallel_loop3A_362 = vector.shape_cast %parallel_loop3A_361 : vector<1x16xf32> to vector<16xf32>
        %parallel_loop3A_363 = arith.addf %parallel_loop3A_356, %parallel_loop3A_362 : vector<16xf32>
        %parallel_loop3A_364 = arith.constant 12 : i32
        %parallel_loop3A_365 = arith.addi %parallel_loop3A_282, %parallel_loop3A_364 : i32
        %parallel_loop3A_366 = arith.index_cast %parallel_loop3A_365 : i32 to index
        %parallel_loop3A_367 = arith.constant 0 : index
        %parallel_loop3A_368 = tpu.vector_load %arg7[%parallel_loop3A_366, %parallel_loop3A_367] {strides = array<i32>} : memref<320x128xf32, #tpu.memory_space<vmem>>, vector<1x16xf32>,
        %parallel_loop3A_369 = vector.shape_cast %parallel_loop3A_368 : vector<1x16xf32> to vector<16xf32>
        %parallel_loop3A_370 = arith.addf %parallel_loop3A_363, %parallel_loop3A_369 : vector<16xf32>
        %parallel_loop3A_371 = arith.constant 13 : i32
        %parallel_loop3A_372 = arith.addi %parallel_loop3A_282, %parallel_loop3A_371 : i32
        %parallel_loop3A_373 = arith.index_cast %parallel_loop3A_372 : i32 to index
        %parallel_loop3A_374 = arith.constant 0 : index
        %parallel_loop3A_375 = tpu.vector_load %arg7[%parallel_loop3A_373, %parallel_loop3A_374] {strides = array<i32>} : memref<320x128xf32, #tpu.memory_space<vmem>>, vector<1x16xf32>,
        %parallel_loop3A_376 = vector.shape_cast %parallel_loop3A_375 : vector<1x16xf32> to vector<16xf32>
        %parallel_loop3A_377 = arith.addf %parallel_loop3A_370, %parallel_loop3A_376 : vector<16xf32>
        %parallel_loop3A_378 = arith.constant 14 : i32
        %parallel_loop3A_379 = arith.addi %parallel_loop3A_282, %parallel_loop3A_378 : i32
        %parallel_loop3A_380 = arith.index_cast %parallel_loop3A_379 : i32 to index
        %parallel_loop3A_381 = arith.constant 0 : index
        %parallel_loop3A_382 = tpu.vector_load %arg7[%parallel_loop3A_380, %parallel_loop3A_381] {strides = array<i32>} : memref<320x128xf32, #tpu.memory_space<vmem>>, vector<1x16xf32>,
        %parallel_loop3A_383 = vector.shape_cast %parallel_loop3A_382 : vector<1x16xf32> to vector<16xf32>
        %parallel_loop3A_384 = arith.addf %parallel_loop3A_377, %parallel_loop3A_383 : vector<16xf32>
        %parallel_loop3A_385 = arith.constant 15 : i32
        %parallel_loop3A_386 = arith.addi %parallel_loop3A_282, %parallel_loop3A_385 : i32
        %parallel_loop3A_387 = arith.index_cast %parallel_loop3A_386 : i32 to index
        %parallel_loop3A_388 = arith.constant 0 : index
        %parallel_loop3A_389 = tpu.vector_load %arg7[%parallel_loop3A_387, %parallel_loop3A_388] {strides = array<i32>} : memref<320x128xf32, #tpu.memory_space<vmem>>, vector<1x16xf32>,
        %parallel_loop3A_390 = vector.shape_cast %parallel_loop3A_389 : vector<1x16xf32> to vector<16xf32>
        %parallel_loop3A_391 = arith.addf %parallel_loop3A_384, %parallel_loop3A_390 : vector<16xf32>
        %parallel_loop3A_392 = arith.constant 16 : i32
        %parallel_loop3A_393 = arith.addi %parallel_loop3A_282, %parallel_loop3A_392 : i32
        %parallel_loop3A_394 = arith.index_cast %parallel_loop3A_393 : i32 to index
        %parallel_loop3A_395 = arith.constant 0 : index
        %parallel_loop3A_396 = tpu.vector_load %arg7[%parallel_loop3A_394, %parallel_loop3A_395] {strides = array<i32>} : memref<320x128xf32, #tpu.memory_space<vmem>>, vector<1x16xf32>,
        %parallel_loop3A_397 = vector.shape_cast %parallel_loop3A_396 : vector<1x16xf32> to vector<16xf32>
        %parallel_loop3A_398 = arith.addf %parallel_loop3A_391, %parallel_loop3A_397 : vector<16xf32>
        %parallel_loop3A_399 = arith.constant 17 : i32
        %parallel_loop3A_400 = arith.addi %parallel_loop3A_282, %parallel_loop3A_399 : i32
        %parallel_loop3A_401 = arith.index_cast %parallel_loop3A_400 : i32 to index
        %parallel_loop3A_402 = arith.constant 0 : index
        %parallel_loop3A_403 = tpu.vector_load %arg7[%parallel_loop3A_401, %parallel_loop3A_402] {strides = array<i32>} : memref<320x128xf32, #tpu.memory_space<vmem>>, vector<1x16xf32>,
        %parallel_loop3A_404 = vector.shape_cast %parallel_loop3A_403 : vector<1x16xf32> to vector<16xf32>
        %parallel_loop3A_405 = arith.addf %parallel_loop3A_398, %parallel_loop3A_404 : vector<16xf32>
        %parallel_loop3A_406 = arith.constant 18 : i32
        %parallel_loop3A_407 = arith.addi %parallel_loop3A_282, %parallel_loop3A_406 : i32
        %parallel_loop3A_408 = arith.index_cast %parallel_loop3A_407 : i32 to index
        %parallel_loop3A_409 = arith.constant 0 : index
        %parallel_loop3A_410 = tpu.vector_load %arg7[%parallel_loop3A_408, %parallel_loop3A_409] {strides = array<i32>} : memref<320x128xf32, #tpu.memory_space<vmem>>, vector<1x16xf32>,
        %parallel_loop3A_411 = vector.shape_cast %parallel_loop3A_410 : vector<1x16xf32> to vector<16xf32>
        %parallel_loop3A_412 = arith.addf %parallel_loop3A_405, %parallel_loop3A_411 : vector<16xf32>
        %parallel_loop3A_413 = arith.constant 19 : i32
        %parallel_loop3A_414 = arith.addi %parallel_loop3A_282, %parallel_loop3A_413 : i32
        %parallel_loop3A_415 = arith.index_cast %parallel_loop3A_414 : i32 to index
        %parallel_loop3A_416 = arith.constant 0 : index
        %parallel_loop3A_417 = tpu.vector_load %arg7[%parallel_loop3A_415, %parallel_loop3A_416] {strides = array<i32>} : memref<320x128xf32, #tpu.memory_space<vmem>>, vector<1x16xf32>,
        %parallel_loop3A_418 = vector.shape_cast %parallel_loop3A_417 : vector<1x16xf32> to vector<16xf32>
        %parallel_loop3A_419 = arith.addf %parallel_loop3A_412, %parallel_loop3A_418 : vector<16xf32>
        %parallel_loop3A_420 = arith.index_cast %parallel_loop3A_280 : i32 to index
        %parallel_loop3A_421 = arith.constant 0 : index
        %parallel_loop3A_422 = tpu.vector_load %arg9[%parallel_loop3A_420, %parallel_loop3A_421] {strides = array<i32>} : memref<16x128xf32, #tpu.memory_space<vmem>>, vector<1x16xf32>,
        %parallel_loop3A_423 = vector.shape_cast %parallel_loop3A_422 : vector<1x16xf32> to vector<16xf32>
        %parallel_loop3A_424 = vector.shape_cast %parallel_loop3A_419 : vector<16xf32> to vector<1x16xf32>
        tpu.vector_store %arg9[%parallel_loop3A_420, %parallel_loop3A_421], %parallel_loop3A_424 {strides = array<i32>} : memref<16x128xf32, #tpu.memory_space<vmem>>, vector<1x16xf32>,
        %parallel_loop3A_425 = arith.index_cast %parallel_loop3A_282 : i32 to index
        %parallel_loop3A_426 = arith.constant 16 : index
        %parallel_loop3A_427 = tpu.vector_load %arg7[%parallel_loop3A_425, %parallel_loop3A_426] {strides = array<i32>} : memref<320x128xf32, #tpu.memory_space<vmem>>, vector<1x16xf32>,
        %parallel_loop3A_428 = vector.shape_cast %parallel_loop3A_427 : vector<1x16xf32> to vector<16xf32>
        %parallel_loop3A_429 = arith.constant 1 : i32
        %parallel_loop3A_430 = arith.addi %parallel_loop3A_282, %parallel_loop3A_429 : i32
        %parallel_loop3A_431 = arith.index_cast %parallel_loop3A_430 : i32 to index
        %parallel_loop3A_432 = arith.constant 16 : index
        %parallel_loop3A_433 = tpu.vector_load %arg7[%parallel_loop3A_431, %parallel_loop3A_432] {strides = array<i32>} : memref<320x128xf32, #tpu.memory_space<vmem>>, vector<1x16xf32>,
        %parallel_loop3A_434 = vector.shape_cast %parallel_loop3A_433 : vector<1x16xf32> to vector<16xf32>
        %parallel_loop3A_435 = arith.addf %parallel_loop3A_428, %parallel_loop3A_434 : vector<16xf32>
        %parallel_loop3A_436 = arith.constant 2 : i32
        %parallel_loop3A_437 = arith.addi %parallel_loop3A_282, %parallel_loop3A_436 : i32
        %parallel_loop3A_438 = arith.index_cast %parallel_loop3A_437 : i32 to index
        %parallel_loop3A_439 = arith.constant 16 : index
        %parallel_loop3A_440 = tpu.vector_load %arg7[%parallel_loop3A_438, %parallel_loop3A_439] {strides = array<i32>} : memref<320x128xf32, #tpu.memory_space<vmem>>, vector<1x16xf32>,
        %parallel_loop3A_441 = vector.shape_cast %parallel_loop3A_440 : vector<1x16xf32> to vector<16xf32>
        %parallel_loop3A_442 = arith.addf %parallel_loop3A_435, %parallel_loop3A_441 : vector<16xf32>
        %parallel_loop3A_443 = arith.constant 3 : i32
        %parallel_loop3A_444 = arith.addi %parallel_loop3A_282, %parallel_loop3A_443 : i32
        %parallel_loop3A_445 = arith.index_cast %parallel_loop3A_444 : i32 to index
        %parallel_loop3A_446 = arith.constant 16 : index
        %parallel_loop3A_447 = tpu.vector_load %arg7[%parallel_loop3A_445, %parallel_loop3A_446] {strides = array<i32>} : memref<320x128xf32, #tpu.memory_space<vmem>>, vector<1x16xf32>,
        %parallel_loop3A_448 = vector.shape_cast %parallel_loop3A_447 : vector<1x16xf32> to vector<16xf32>
        %parallel_loop3A_449 = arith.addf %parallel_loop3A_442, %parallel_loop3A_448 : vector<16xf32>
        %parallel_loop3A_450 = arith.constant 4 : i32
        %parallel_loop3A_451 = arith.addi %parallel_loop3A_282, %parallel_loop3A_450 : i32
        %parallel_loop3A_452 = arith.index_cast %parallel_loop3A_451 : i32 to index
        %parallel_loop3A_453 = arith.constant 16 : index
        %parallel_loop3A_454 = tpu.vector_load %arg7[%parallel_loop3A_452, %parallel_loop3A_453] {strides = array<i32>} : memref<320x128xf32, #tpu.memory_space<vmem>>, vector<1x16xf32>,
        %parallel_loop3A_455 = vector.shape_cast %parallel_loop3A_454 : vector<1x16xf32> to vector<16xf32>
        %parallel_loop3A_456 = arith.addf %parallel_loop3A_449, %parallel_loop3A_455 : vector<16xf32>
        %parallel_loop3A_457 = arith.constant 5 : i32
        %parallel_loop3A_458 = arith.addi %parallel_loop3A_282, %parallel_loop3A_457 : i32
        %parallel_loop3A_459 = arith.index_cast %parallel_loop3A_458 : i32 to index
        %parallel_loop3A_460 = arith.constant 16 : index
        %parallel_loop3A_461 = tpu.vector_load %arg7[%parallel_loop3A_459, %parallel_loop3A_460] {strides = array<i32>} : memref<320x128xf32, #tpu.memory_space<vmem>>, vector<1x16xf32>,
        %parallel_loop3A_462 = vector.shape_cast %parallel_loop3A_461 : vector<1x16xf32> to vector<16xf32>
        %parallel_loop3A_463 = arith.addf %parallel_loop3A_456, %parallel_loop3A_462 : vector<16xf32>
        %parallel_loop3A_464 = arith.constant 6 : i32
        %parallel_loop3A_465 = arith.addi %parallel_loop3A_282, %parallel_loop3A_464 : i32
        %parallel_loop3A_466 = arith.index_cast %parallel_loop3A_465 : i32 to index
        %parallel_loop3A_467 = arith.constant 16 : index
        %parallel_loop3A_468 = tpu.vector_load %arg7[%parallel_loop3A_466, %parallel_loop3A_467] {strides = array<i32>} : memref<320x128xf32, #tpu.memory_space<vmem>>, vector<1x16xf32>,
        %parallel_loop3A_469 = vector.shape_cast %parallel_loop3A_468 : vector<1x16xf32> to vector<16xf32>
        %parallel_loop3A_470 = arith.addf %parallel_loop3A_463, %parallel_loop3A_469 : vector<16xf32>
        %parallel_loop3A_471 = arith.constant 7 : i32
        %parallel_loop3A_472 = arith.addi %parallel_loop3A_282, %parallel_loop3A_471 : i32
        %parallel_loop3A_473 = arith.index_cast %parallel_loop3A_472 : i32 to index
        %parallel_loop3A_474 = arith.constant 16 : index
        %parallel_loop3A_475 = tpu.vector_load %arg7[%parallel_loop3A_473, %parallel_loop3A_474] {strides = array<i32>} : memref<320x128xf32, #tpu.memory_space<vmem>>, vector<1x16xf32>,
        %parallel_loop3A_476 = vector.shape_cast %parallel_loop3A_475 : vector<1x16xf32> to vector<16xf32>
        %parallel_loop3A_477 = arith.addf %parallel_loop3A_470, %parallel_loop3A_476 : vector<16xf32>
        %parallel_loop3A_478 = arith.constant 8 : i32
        %parallel_loop3A_479 = arith.addi %parallel_loop3A_282, %parallel_loop3A_478 : i32
        %parallel_loop3A_480 = arith.index_cast %parallel_loop3A_479 : i32 to index
        %parallel_loop3A_481 = arith.constant 16 : index
        %parallel_loop3A_482 = tpu.vector_load %arg7[%parallel_loop3A_480, %parallel_loop3A_481] {strides = array<i32>} : memref<320x128xf32, #tpu.memory_space<vmem>>, vector<1x16xf32>,
        %parallel_loop3A_483 = vector.shape_cast %parallel_loop3A_482 : vector<1x16xf32> to vector<16xf32>
        %parallel_loop3A_484 = arith.addf %parallel_loop3A_477, %parallel_loop3A_483 : vector<16xf32>
        %parallel_loop3A_485 = arith.constant 9 : i32
        %parallel_loop3A_486 = arith.addi %parallel_loop3A_282, %parallel_loop3A_485 : i32
        %parallel_loop3A_487 = arith.index_cast %parallel_loop3A_486 : i32 to index
        %parallel_loop3A_488 = arith.constant 16 : index
        %parallel_loop3A_489 = tpu.vector_load %arg7[%parallel_loop3A_487, %parallel_loop3A_488] {strides = array<i32>} : memref<320x128xf32, #tpu.memory_space<vmem>>, vector<1x16xf32>,
        %parallel_loop3A_490 = vector.shape_cast %parallel_loop3A_489 : vector<1x16xf32> to vector<16xf32>
        %parallel_loop3A_491 = arith.addf %parallel_loop3A_484, %parallel_loop3A_490 : vector<16xf32>
        %parallel_loop3A_492 = arith.constant 10 : i32
        %parallel_loop3A_493 = arith.addi %parallel_loop3A_282, %parallel_loop3A_492 : i32
        %parallel_loop3A_494 = arith.index_cast %parallel_loop3A_493 : i32 to index
        %parallel_loop3A_495 = arith.constant 16 : index
        %parallel_loop3A_496 = tpu.vector_load %arg7[%parallel_loop3A_494, %parallel_loop3A_495] {strides = array<i32>} : memref<320x128xf32, #tpu.memory_space<vmem>>, vector<1x16xf32>,
        %parallel_loop3A_497 = vector.shape_cast %parallel_loop3A_496 : vector<1x16xf32> to vector<16xf32>
        %parallel_loop3A_498 = arith.addf %parallel_loop3A_491, %parallel_loop3A_497 : vector<16xf32>
        %parallel_loop3A_499 = arith.constant 11 : i32
        %parallel_loop3A_500 = arith.addi %parallel_loop3A_282, %parallel_loop3A_499 : i32
        %parallel_loop3A_501 = arith.index_cast %parallel_loop3A_500 : i32 to index
        %parallel_loop3A_502 = arith.constant 16 : index
        %parallel_loop3A_503 = tpu.vector_load %arg7[%parallel_loop3A_501, %parallel_loop3A_502] {strides = array<i32>} : memref<320x128xf32, #tpu.memory_space<vmem>>, vector<1x16xf32>,
        %parallel_loop3A_504 = vector.shape_cast %parallel_loop3A_503 : vector<1x16xf32> to vector<16xf32>
        %parallel_loop3A_505 = arith.addf %parallel_loop3A_498, %parallel_loop3A_504 : vector<16xf32>
        %parallel_loop3A_506 = arith.constant 12 : i32
        %parallel_loop3A_507 = arith.addi %parallel_loop3A_282, %parallel_loop3A_506 : i32
        %parallel_loop3A_508 = arith.index_cast %parallel_loop3A_507 : i32 to index
        %parallel_loop3A_509 = arith.constant 16 : index
        %parallel_loop3A_510 = tpu.vector_load %arg7[%parallel_loop3A_508, %parallel_loop3A_509] {strides = array<i32>} : memref<320x128xf32, #tpu.memory_space<vmem>>, vector<1x16xf32>,
        %parallel_loop3A_511 = vector.shape_cast %parallel_loop3A_510 : vector<1x16xf32> to vector<16xf32>
        %parallel_loop3A_512 = arith.addf %parallel_loop3A_505, %parallel_loop3A_511 : vector<16xf32>
        %parallel_loop3A_513 = arith.constant 13 : i32
        %parallel_loop3A_514 = arith.addi %parallel_loop3A_282, %parallel_loop3A_513 : i32
        %parallel_loop3A_515 = arith.index_cast %parallel_loop3A_514 : i32 to index
        %parallel_loop3A_516 = arith.constant 16 : index
        %parallel_loop3A_517 = tpu.vector_load %arg7[%parallel_loop3A_515, %parallel_loop3A_516] {strides = array<i32>} : memref<320x128xf32, #tpu.memory_space<vmem>>, vector<1x16xf32>,
        %parallel_loop3A_518 = vector.shape_cast %parallel_loop3A_517 : vector<1x16xf32> to vector<16xf32>
        %parallel_loop3A_519 = arith.addf %parallel_loop3A_512, %parallel_loop3A_518 : vector<16xf32>
        %parallel_loop3A_520 = arith.constant 14 : i32
        %parallel_loop3A_521 = arith.addi %parallel_loop3A_282, %parallel_loop3A_520 : i32
        %parallel_loop3A_522 = arith.index_cast %parallel_loop3A_521 : i32 to index
        %parallel_loop3A_523 = arith.constant 16 : index
        %parallel_loop3A_524 = tpu.vector_load %arg7[%parallel_loop3A_522, %parallel_loop3A_523] {strides = array<i32>} : memref<320x128xf32, #tpu.memory_space<vmem>>, vector<1x16xf32>,
        %parallel_loop3A_525 = vector.shape_cast %parallel_loop3A_524 : vector<1x16xf32> to vector<16xf32>
        %parallel_loop3A_526 = arith.addf %parallel_loop3A_519, %parallel_loop3A_525 : vector<16xf32>
        %parallel_loop3A_527 = arith.constant 15 : i32
        %parallel_loop3A_528 = arith.addi %parallel_loop3A_282, %parallel_loop3A_527 : i32
        %parallel_loop3A_529 = arith.index_cast %parallel_loop3A_528 : i32 to index
        %parallel_loop3A_530 = arith.constant 16 : index
        %parallel_loop3A_531 = tpu.vector_load %arg7[%parallel_loop3A_529, %parallel_loop3A_530] {strides = array<i32>} : memref<320x128xf32, #tpu.memory_space<vmem>>, vector<1x16xf32>,
        %parallel_loop3A_532 = vector.shape_cast %parallel_loop3A_531 : vector<1x16xf32> to vector<16xf32>
        %parallel_loop3A_533 = arith.addf %parallel_loop3A_526, %parallel_loop3A_532 : vector<16xf32>
        %parallel_loop3A_534 = arith.constant 16 : i32
        %parallel_loop3A_535 = arith.addi %parallel_loop3A_282, %parallel_loop3A_534 : i32
        %parallel_loop3A_536 = arith.index_cast %parallel_loop3A_535 : i32 to index
        %parallel_loop3A_537 = arith.constant 16 : index
        %parallel_loop3A_538 = tpu.vector_load %arg7[%parallel_loop3A_536, %parallel_loop3A_537] {strides = array<i32>} : memref<320x128xf32, #tpu.memory_space<vmem>>, vector<1x16xf32>,
        %parallel_loop3A_539 = vector.shape_cast %parallel_loop3A_538 : vector<1x16xf32> to vector<16xf32>
        %parallel_loop3A_540 = arith.addf %parallel_loop3A_533, %parallel_loop3A_539 : vector<16xf32>
        %parallel_loop3A_541 = arith.constant 17 : i32
        %parallel_loop3A_542 = arith.addi %parallel_loop3A_282, %parallel_loop3A_541 : i32
        %parallel_loop3A_543 = arith.index_cast %parallel_loop3A_542 : i32 to index
        %parallel_loop3A_544 = arith.constant 16 : index
        %parallel_loop3A_545 = tpu.vector_load %arg7[%parallel_loop3A_543, %parallel_loop3A_544] {strides = array<i32>} : memref<320x128xf32, #tpu.memory_space<vmem>>, vector<1x16xf32>,
        %parallel_loop3A_546 = vector.shape_cast %parallel_loop3A_545 : vector<1x16xf32> to vector<16xf32>
        %parallel_loop3A_547 = arith.addf %parallel_loop3A_540, %parallel_loop3A_546 : vector<16xf32>
        %parallel_loop3A_548 = arith.constant 18 : i32
        %parallel_loop3A_549 = arith.addi %parallel_loop3A_282, %parallel_loop3A_548 : i32
        %parallel_loop3A_550 = arith.index_cast %parallel_loop3A_549 : i32 to index
        %parallel_loop3A_551 = arith.constant 16 : index
        %parallel_loop3A_552 = tpu.vector_load %arg7[%parallel_loop3A_550, %parallel_loop3A_551] {strides = array<i32>} : memref<320x128xf32, #tpu.memory_space<vmem>>, vector<1x16xf32>,
        %parallel_loop3A_553 = vector.shape_cast %parallel_loop3A_552 : vector<1x16xf32> to vector<16xf32>
        %parallel_loop3A_554 = arith.addf %parallel_loop3A_547, %parallel_loop3A_553 : vector<16xf32>
        %parallel_loop3A_555 = arith.constant 19 : i32
        %parallel_loop3A_556 = arith.addi %parallel_loop3A_282, %parallel_loop3A_555 : i32
        %parallel_loop3A_557 = arith.index_cast %parallel_loop3A_556 : i32 to index
        %parallel_loop3A_558 = arith.constant 16 : index
        %parallel_loop3A_559 = tpu.vector_load %arg7[%parallel_loop3A_557, %parallel_loop3A_558] {strides = array<i32>} : memref<320x128xf32, #tpu.memory_space<vmem>>, vector<1x16xf32>,
        %parallel_loop3A_560 = vector.shape_cast %parallel_loop3A_559 : vector<1x16xf32> to vector<16xf32>
        %parallel_loop3A_561 = arith.addf %parallel_loop3A_554, %parallel_loop3A_560 : vector<16xf32>
        %parallel_loop3A_562 = arith.index_cast %parallel_loop3A_280 : i32 to index
        %parallel_loop3A_563 = arith.constant 16 : index
        %parallel_loop3A_564 = tpu.vector_load %arg9[%parallel_loop3A_562, %parallel_loop3A_563] {strides = array<i32>} : memref<16x128xf32, #tpu.memory_space<vmem>>, vector<1x16xf32>,
        %parallel_loop3A_565 = vector.shape_cast %parallel_loop3A_564 : vector<1x16xf32> to vector<16xf32>
        %parallel_loop3A_566 = vector.shape_cast %parallel_loop3A_561 : vector<16xf32> to vector<1x16xf32>
        tpu.vector_store %arg9[%parallel_loop3A_562, %parallel_loop3A_563], %parallel_loop3A_566 {strides = array<i32>} : memref<16x128xf32, #tpu.memory_space<vmem>>, vector<1x16xf32>,
        %parallel_loop3A_567 = arith.index_cast %parallel_loop3A_282 : i32 to index
        %parallel_loop3A_568 = arith.constant 32 : index
        %parallel_loop3A_569 = tpu.vector_load %arg7[%parallel_loop3A_567, %parallel_loop3A_568] {strides = array<i32>} : memref<320x128xf32, #tpu.memory_space<vmem>>, vector<1x16xf32>,
        %parallel_loop3A_570 = vector.shape_cast %parallel_loop3A_569 : vector<1x16xf32> to vector<16xf32>
        %parallel_loop3A_571 = arith.constant 1 : i32
        %parallel_loop3A_572 = arith.addi %parallel_loop3A_282, %parallel_loop3A_571 : i32
        %parallel_loop3A_573 = arith.index_cast %parallel_loop3A_572 : i32 to index
        %parallel_loop3A_574 = arith.constant 32 : index
        %parallel_loop3A_575 = tpu.vector_load %arg7[%parallel_loop3A_573, %parallel_loop3A_574] {strides = array<i32>} : memref<320x128xf32, #tpu.memory_space<vmem>>, vector<1x16xf32>,
        %parallel_loop3A_576 = vector.shape_cast %parallel_loop3A_575 : vector<1x16xf32> to vector<16xf32>
        %parallel_loop3A_577 = arith.addf %parallel_loop3A_570, %parallel_loop3A_576 : vector<16xf32>
        %parallel_loop3A_578 = arith.constant 2 : i32
        %parallel_loop3A_579 = arith.addi %parallel_loop3A_282, %parallel_loop3A_578 : i32
        %parallel_loop3A_580 = arith.index_cast %parallel_loop3A_579 : i32 to index
        %parallel_loop3A_581 = arith.constant 32 : index
        %parallel_loop3A_582 = tpu.vector_load %arg7[%parallel_loop3A_580, %parallel_loop3A_581] {strides = array<i32>} : memref<320x128xf32, #tpu.memory_space<vmem>>, vector<1x16xf32>,
        %parallel_loop3A_583 = vector.shape_cast %parallel_loop3A_582 : vector<1x16xf32> to vector<16xf32>
        %parallel_loop3A_584 = arith.addf %parallel_loop3A_577, %parallel_loop3A_583 : vector<16xf32>
        %parallel_loop3A_585 = arith.constant 3 : i32
        %parallel_loop3A_586 = arith.addi %parallel_loop3A_282, %parallel_loop3A_585 : i32
        %parallel_loop3A_587 = arith.index_cast %parallel_loop3A_586 : i32 to index
        %parallel_loop3A_588 = arith.constant 32 : index
        %parallel_loop3A_589 = tpu.vector_load %arg7[%parallel_loop3A_587, %parallel_loop3A_588] {strides = array<i32>} : memref<320x128xf32, #tpu.memory_space<vmem>>, vector<1x16xf32>,
        %parallel_loop3A_590 = vector.shape_cast %parallel_loop3A_589 : vector<1x16xf32> to vector<16xf32>
        %parallel_loop3A_591 = arith.addf %parallel_loop3A_584, %parallel_loop3A_590 : vector<16xf32>
        %parallel_loop3A_592 = arith.constant 4 : i32
        %parallel_loop3A_593 = arith.addi %parallel_loop3A_282, %parallel_loop3A_592 : i32
        %parallel_loop3A_594 = arith.index_cast %parallel_loop3A_593 : i32 to index
        %parallel_loop3A_595 = arith.constant 32 : index
        %parallel_loop3A_596 = tpu.vector_load %arg7[%parallel_loop3A_594, %parallel_loop3A_595] {strides = array<i32>} : memref<320x128xf32, #tpu.memory_space<vmem>>, vector<1x16xf32>,
        %parallel_loop3A_597 = vector.shape_cast %parallel_loop3A_596 : vector<1x16xf32> to vector<16xf32>
        %parallel_loop3A_598 = arith.addf %parallel_loop3A_591, %parallel_loop3A_597 : vector<16xf32>
        %parallel_loop3A_599 = arith.constant 5 : i32
        %parallel_loop3A_600 = arith.addi %parallel_loop3A_282, %parallel_loop3A_599 : i32
        %parallel_loop3A_601 = arith.index_cast %parallel_loop3A_600 : i32 to index
        %parallel_loop3A_602 = arith.constant 32 : index
        %parallel_loop3A_603 = tpu.vector_load %arg7[%parallel_loop3A_601, %parallel_loop3A_602] {strides = array<i32>} : memref<320x128xf32, #tpu.memory_space<vmem>>, vector<1x16xf32>,
        %parallel_loop3A_604 = vector.shape_cast %parallel_loop3A_603 : vector<1x16xf32> to vector<16xf32>
        %parallel_loop3A_605 = arith.addf %parallel_loop3A_598, %parallel_loop3A_604 : vector<16xf32>
        %parallel_loop3A_606 = arith.constant 6 : i32
        %parallel_loop3A_607 = arith.addi %parallel_loop3A_282, %parallel_loop3A_606 : i32
        %parallel_loop3A_608 = arith.index_cast %parallel_loop3A_607 : i32 to index
        %parallel_loop3A_609 = arith.constant 32 : index
        %parallel_loop3A_610 = tpu.vector_load %arg7[%parallel_loop3A_608, %parallel_loop3A_609] {strides = array<i32>} : memref<320x128xf32, #tpu.memory_space<vmem>>, vector<1x16xf32>,
        %parallel_loop3A_611 = vector.shape_cast %parallel_loop3A_610 : vector<1x16xf32> to vector<16xf32>
        %parallel_loop3A_612 = arith.addf %parallel_loop3A_605, %parallel_loop3A_611 : vector<16xf32>
        %parallel_loop3A_613 = arith.constant 7 : i32
        %parallel_loop3A_614 = arith.addi %parallel_loop3A_282, %parallel_loop3A_613 : i32
        %parallel_loop3A_615 = arith.index_cast %parallel_loop3A_614 : i32 to index
        %parallel_loop3A_616 = arith.constant 32 : index
        %parallel_loop3A_617 = tpu.vector_load %arg7[%parallel_loop3A_615, %parallel_loop3A_616] {strides = array<i32>} : memref<320x128xf32, #tpu.memory_space<vmem>>, vector<1x16xf32>,
        %parallel_loop3A_618 = vector.shape_cast %parallel_loop3A_617 : vector<1x16xf32> to vector<16xf32>
        %parallel_loop3A_619 = arith.addf %parallel_loop3A_612, %parallel_loop3A_618 : vector<16xf32>
        %parallel_loop3A_620 = arith.constant 8 : i32
        %parallel_loop3A_621 = arith.addi %parallel_loop3A_282, %parallel_loop3A_620 : i32
        %parallel_loop3A_622 = arith.index_cast %parallel_loop3A_621 : i32 to index
        %parallel_loop3A_623 = arith.constant 32 : index
        %parallel_loop3A_624 = tpu.vector_load %arg7[%parallel_loop3A_622, %parallel_loop3A_623] {strides = array<i32>} : memref<320x128xf32, #tpu.memory_space<vmem>>, vector<1x16xf32>,
        %parallel_loop3A_625 = vector.shape_cast %parallel_loop3A_624 : vector<1x16xf32> to vector<16xf32>
        %parallel_loop3A_626 = arith.addf %parallel_loop3A_619, %parallel_loop3A_625 : vector<16xf32>
        %parallel_loop3A_627 = arith.constant 9 : i32
        %parallel_loop3A_628 = arith.addi %parallel_loop3A_282, %parallel_loop3A_627 : i32
        %parallel_loop3A_629 = arith.index_cast %parallel_loop3A_628 : i32 to index
        %parallel_loop3A_630 = arith.constant 32 : index
        %parallel_loop3A_631 = tpu.vector_load %arg7[%parallel_loop3A_629, %parallel_loop3A_630] {strides = array<i32>} : memref<320x128xf32, #tpu.memory_space<vmem>>, vector<1x16xf32>,
        %parallel_loop3A_632 = vector.shape_cast %parallel_loop3A_631 : vector<1x16xf32> to vector<16xf32>
        %parallel_loop3A_633 = arith.addf %parallel_loop3A_626, %parallel_loop3A_632 : vector<16xf32>
        %parallel_loop3A_634 = arith.constant 10 : i32
        %parallel_loop3A_635 = arith.addi %parallel_loop3A_282, %parallel_loop3A_634 : i32
        %parallel_loop3A_636 = arith.index_cast %parallel_loop3A_635 : i32 to index
        %parallel_loop3A_637 = arith.constant 32 : index
        %parallel_loop3A_638 = tpu.vector_load %arg7[%parallel_loop3A_636, %parallel_loop3A_637] {strides = array<i32>} : memref<320x128xf32, #tpu.memory_space<vmem>>, vector<1x16xf32>,
        %parallel_loop3A_639 = vector.shape_cast %parallel_loop3A_638 : vector<1x16xf32> to vector<16xf32>
        %parallel_loop3A_640 = arith.addf %parallel_loop3A_633, %parallel_loop3A_639 : vector<16xf32>
        %parallel_loop3A_641 = arith.constant 11 : i32
        %parallel_loop3A_642 = arith.addi %parallel_loop3A_282, %parallel_loop3A_641 : i32
        %parallel_loop3A_643 = arith.index_cast %parallel_loop3A_642 : i32 to index
        %parallel_loop3A_644 = arith.constant 32 : index
        %parallel_loop3A_645 = tpu.vector_load %arg7[%parallel_loop3A_643, %parallel_loop3A_644] {strides = array<i32>} : memref<320x128xf32, #tpu.memory_space<vmem>>, vector<1x16xf32>,
        %parallel_loop3A_646 = vector.shape_cast %parallel_loop3A_645 : vector<1x16xf32> to vector<16xf32>
        %parallel_loop3A_647 = arith.addf %parallel_loop3A_640, %parallel_loop3A_646 : vector<16xf32>
        %parallel_loop3A_648 = arith.constant 12 : i32
        %parallel_loop3A_649 = arith.addi %parallel_loop3A_282, %parallel_loop3A_648 : i32
        %parallel_loop3A_650 = arith.index_cast %parallel_loop3A_649 : i32 to index
        %parallel_loop3A_651 = arith.constant 32 : index
        %parallel_loop3A_652 = tpu.vector_load %arg7[%parallel_loop3A_650, %parallel_loop3A_651] {strides = array<i32>} : memref<320x128xf32, #tpu.memory_space<vmem>>, vector<1x16xf32>,
        %parallel_loop3A_653 = vector.shape_cast %parallel_loop3A_652 : vector<1x16xf32> to vector<16xf32>
        %parallel_loop3A_654 = arith.addf %parallel_loop3A_647, %parallel_loop3A_653 : vector<16xf32>
        %parallel_loop3A_655 = arith.constant 13 : i32
        %parallel_loop3A_656 = arith.addi %parallel_loop3A_282, %parallel_loop3A_655 : i32
        %parallel_loop3A_657 = arith.index_cast %parallel_loop3A_656 : i32 to index
        %parallel_loop3A_658 = arith.constant 32 : index
        %parallel_loop3A_659 = tpu.vector_load %arg7[%parallel_loop3A_657, %parallel_loop3A_658] {strides = array<i32>} : memref<320x128xf32, #tpu.memory_space<vmem>>, vector<1x16xf32>,
        %parallel_loop3A_660 = vector.shape_cast %parallel_loop3A_659 : vector<1x16xf32> to vector<16xf32>
        %parallel_loop3A_661 = arith.addf %parallel_loop3A_654, %parallel_loop3A_660 : vector<16xf32>
        %parallel_loop3A_662 = arith.constant 14 : i32
        %parallel_loop3A_663 = arith.addi %parallel_loop3A_282, %parallel_loop3A_662 : i32
        %parallel_loop3A_664 = arith.index_cast %parallel_loop3A_663 : i32 to index
        %parallel_loop3A_665 = arith.constant 32 : index
        %parallel_loop3A_666 = tpu.vector_load %arg7[%parallel_loop3A_664, %parallel_loop3A_665] {strides = array<i32>} : memref<320x128xf32, #tpu.memory_space<vmem>>, vector<1x16xf32>,
        %parallel_loop3A_667 = vector.shape_cast %parallel_loop3A_666 : vector<1x16xf32> to vector<16xf32>
        %parallel_loop3A_668 = arith.addf %parallel_loop3A_661, %parallel_loop3A_667 : vector<16xf32>
        %parallel_loop3A_669 = arith.constant 15 : i32
        %parallel_loop3A_670 = arith.addi %parallel_loop3A_282, %parallel_loop3A_669 : i32
        %parallel_loop3A_671 = arith.index_cast %parallel_loop3A_670 : i32 to index
        %parallel_loop3A_672 = arith.constant 32 : index
        %parallel_loop3A_673 = tpu.vector_load %arg7[%parallel_loop3A_671, %parallel_loop3A_672] {strides = array<i32>} : memref<320x128xf32, #tpu.memory_space<vmem>>, vector<1x16xf32>,
        %parallel_loop3A_674 = vector.shape_cast %parallel_loop3A_673 : vector<1x16xf32> to vector<16xf32>
        %parallel_loop3A_675 = arith.addf %parallel_loop3A_668, %parallel_loop3A_674 : vector<16xf32>
        %parallel_loop3A_676 = arith.constant 16 : i32
        %parallel_loop3A_677 = arith.addi %parallel_loop3A_282, %parallel_loop3A_676 : i32
        %parallel_loop3A_678 = arith.index_cast %parallel_loop3A_677 : i32 to index
        %parallel_loop3A_679 = arith.constant 32 : index
        %parallel_loop3A_680 = tpu.vector_load %arg7[%parallel_loop3A_678, %parallel_loop3A_679] {strides = array<i32>} : memref<320x128xf32, #tpu.memory_space<vmem>>, vector<1x16xf32>,
        %parallel_loop3A_681 = vector.shape_cast %parallel_loop3A_680 : vector<1x16xf32> to vector<16xf32>
        %parallel_loop3A_682 = arith.addf %parallel_loop3A_675, %parallel_loop3A_681 : vector<16xf32>
        %parallel_loop3A_683 = arith.constant 17 : i32
        %parallel_loop3A_684 = arith.addi %parallel_loop3A_282, %parallel_loop3A_683 : i32
        %parallel_loop3A_685 = arith.index_cast %parallel_loop3A_684 : i32 to index
        %parallel_loop3A_686 = arith.constant 32 : index
        %parallel_loop3A_687 = tpu.vector_load %arg7[%parallel_loop3A_685, %parallel_loop3A_686] {strides = array<i32>} : memref<320x128xf32, #tpu.memory_space<vmem>>, vector<1x16xf32>,
        %parallel_loop3A_688 = vector.shape_cast %parallel_loop3A_687 : vector<1x16xf32> to vector<16xf32>
        %parallel_loop3A_689 = arith.addf %parallel_loop3A_682, %parallel_loop3A_688 : vector<16xf32>
        %parallel_loop3A_690 = arith.constant 18 : i32
        %parallel_loop3A_691 = arith.addi %parallel_loop3A_282, %parallel_loop3A_690 : i32
        %parallel_loop3A_692 = arith.index_cast %parallel_loop3A_691 : i32 to index
        %parallel_loop3A_693 = arith.constant 32 : index
        %parallel_loop3A_694 = tpu.vector_load %arg7[%parallel_loop3A_692, %parallel_loop3A_693] {strides = array<i32>} : memref<320x128xf32, #tpu.memory_space<vmem>>, vector<1x16xf32>,
        %parallel_loop3A_695 = vector.shape_cast %parallel_loop3A_694 : vector<1x16xf32> to vector<16xf32>
        %parallel_loop3A_696 = arith.addf %parallel_loop3A_689, %parallel_loop3A_695 : vector<16xf32>
        %parallel_loop3A_697 = arith.constant 19 : i32
        %parallel_loop3A_698 = arith.addi %parallel_loop3A_282, %parallel_loop3A_697 : i32
        %parallel_loop3A_699 = arith.index_cast %parallel_loop3A_698 : i32 to index
        %parallel_loop3A_700 = arith.constant 32 : index
        %parallel_loop3A_701 = tpu.vector_load %arg7[%parallel_loop3A_699, %parallel_loop3A_700] {strides = array<i32>} : memref<320x128xf32, #tpu.memory_space<vmem>>, vector<1x16xf32>,
        %parallel_loop3A_702 = vector.shape_cast %parallel_loop3A_701 : vector<1x16xf32> to vector<16xf32>
        %parallel_loop3A_703 = arith.addf %parallel_loop3A_696, %parallel_loop3A_702 : vector<16xf32>
        %parallel_loop3A_704 = arith.index_cast %parallel_loop3A_280 : i32 to index
        %parallel_loop3A_705 = arith.constant 32 : index
        %parallel_loop3A_706 = tpu.vector_load %arg9[%parallel_loop3A_704, %parallel_loop3A_705] {strides = array<i32>} : memref<16x128xf32, #tpu.memory_space<vmem>>, vector<1x16xf32>,
        %parallel_loop3A_707 = vector.shape_cast %parallel_loop3A_706 : vector<1x16xf32> to vector<16xf32>
        %parallel_loop3A_708 = vector.shape_cast %parallel_loop3A_703 : vector<16xf32> to vector<1x16xf32>
        tpu.vector_store %arg9[%parallel_loop3A_704, %parallel_loop3A_705], %parallel_loop3A_708 {strides = array<i32>} : memref<16x128xf32, #tpu.memory_space<vmem>>, vector<1x16xf32>,
        %parallel_loop3A_709 = arith.index_cast %parallel_loop3A_282 : i32 to index
        %parallel_loop3A_710 = arith.constant 48 : index
        %parallel_loop3A_711 = tpu.vector_load %arg7[%parallel_loop3A_709, %parallel_loop3A_710] {strides = array<i32>} : memref<320x128xf32, #tpu.memory_space<vmem>>, vector<1x16xf32>,
        %parallel_loop3A_712 = vector.shape_cast %parallel_loop3A_711 : vector<1x16xf32> to vector<16xf32>
        %parallel_loop3A_713 = arith.constant 1 : i32
        %parallel_loop3A_714 = arith.addi %parallel_loop3A_282, %parallel_loop3A_713 : i32
        %parallel_loop3A_715 = arith.index_cast %parallel_loop3A_714 : i32 to index
        %parallel_loop3A_716 = arith.constant 48 : index
        %parallel_loop3A_717 = tpu.vector_load %arg7[%parallel_loop3A_715, %parallel_loop3A_716] {strides = array<i32>} : memref<320x128xf32, #tpu.memory_space<vmem>>, vector<1x16xf32>,
        %parallel_loop3A_718 = vector.shape_cast %parallel_loop3A_717 : vector<1x16xf32> to vector<16xf32>
        %parallel_loop3A_719 = arith.addf %parallel_loop3A_712, %parallel_loop3A_718 : vector<16xf32>
        %parallel_loop3A_720 = arith.constant 2 : i32
        %parallel_loop3A_721 = arith.addi %parallel_loop3A_282, %parallel_loop3A_720 : i32
        %parallel_loop3A_722 = arith.index_cast %parallel_loop3A_721 : i32 to index
        %parallel_loop3A_723 = arith.constant 48 : index
        %parallel_loop3A_724 = tpu.vector_load %arg7[%parallel_loop3A_722, %parallel_loop3A_723] {strides = array<i32>} : memref<320x128xf32, #tpu.memory_space<vmem>>, vector<1x16xf32>,
        %parallel_loop3A_725 = vector.shape_cast %parallel_loop3A_724 : vector<1x16xf32> to vector<16xf32>
        %parallel_loop3A_726 = arith.addf %parallel_loop3A_719, %parallel_loop3A_725 : vector<16xf32>
        %parallel_loop3A_727 = arith.constant 3 : i32
        %parallel_loop3A_728 = arith.addi %parallel_loop3A_282, %parallel_loop3A_727 : i32
        %parallel_loop3A_729 = arith.index_cast %parallel_loop3A_728 : i32 to index
        %parallel_loop3A_730 = arith.constant 48 : index
        %parallel_loop3A_731 = tpu.vector_load %arg7[%parallel_loop3A_729, %parallel_loop3A_730] {strides = array<i32>} : memref<320x128xf32, #tpu.memory_space<vmem>>, vector<1x16xf32>,
        %parallel_loop3A_732 = vector.shape_cast %parallel_loop3A_731 : vector<1x16xf32> to vector<16xf32>
        %parallel_loop3A_733 = arith.addf %parallel_loop3A_726, %parallel_loop3A_732 : vector<16xf32>
        %parallel_loop3A_734 = arith.constant 4 : i32
        %parallel_loop3A_735 = arith.addi %parallel_loop3A_282, %parallel_loop3A_734 : i32
        %parallel_loop3A_736 = arith.index_cast %parallel_loop3A_735 : i32 to index
        %parallel_loop3A_737 = arith.constant 48 : index
        %parallel_loop3A_738 = tpu.vector_load %arg7[%parallel_loop3A_736, %parallel_loop3A_737] {strides = array<i32>} : memref<320x128xf32, #tpu.memory_space<vmem>>, vector<1x16xf32>,
        %parallel_loop3A_739 = vector.shape_cast %parallel_loop3A_738 : vector<1x16xf32> to vector<16xf32>
        %parallel_loop3A_740 = arith.addf %parallel_loop3A_733, %parallel_loop3A_739 : vector<16xf32>
        %parallel_loop3A_741 = arith.constant 5 : i32
        %parallel_loop3A_742 = arith.addi %parallel_loop3A_282, %parallel_loop3A_741 : i32
        %parallel_loop3A_743 = arith.index_cast %parallel_loop3A_742 : i32 to index
        %parallel_loop3A_744 = arith.constant 48 : index
        %parallel_loop3A_745 = tpu.vector_load %arg7[%parallel_loop3A_743, %parallel_loop3A_744] {strides = array<i32>} : memref<320x128xf32, #tpu.memory_space<vmem>>, vector<1x16xf32>,
        %parallel_loop3A_746 = vector.shape_cast %parallel_loop3A_745 : vector<1x16xf32> to vector<16xf32>
        %parallel_loop3A_747 = arith.addf %parallel_loop3A_740, %parallel_loop3A_746 : vector<16xf32>
        %parallel_loop3A_748 = arith.constant 6 : i32
        %parallel_loop3A_749 = arith.addi %parallel_loop3A_282, %parallel_loop3A_748 : i32
        %parallel_loop3A_750 = arith.index_cast %parallel_loop3A_749 : i32 to index
        %parallel_loop3A_751 = arith.constant 48 : index
        %parallel_loop3A_752 = tpu.vector_load %arg7[%parallel_loop3A_750, %parallel_loop3A_751] {strides = array<i32>} : memref<320x128xf32, #tpu.memory_space<vmem>>, vector<1x16xf32>,
        %parallel_loop3A_753 = vector.shape_cast %parallel_loop3A_752 : vector<1x16xf32> to vector<16xf32>
        %parallel_loop3A_754 = arith.addf %parallel_loop3A_747, %parallel_loop3A_753 : vector<16xf32>
        %parallel_loop3A_755 = arith.constant 7 : i32
        %parallel_loop3A_756 = arith.addi %parallel_loop3A_282, %parallel_loop3A_755 : i32
        %parallel_loop3A_757 = arith.index_cast %parallel_loop3A_756 : i32 to index
        %parallel_loop3A_758 = arith.constant 48 : index
        %parallel_loop3A_759 = tpu.vector_load %arg7[%parallel_loop3A_757, %parallel_loop3A_758] {strides = array<i32>} : memref<320x128xf32, #tpu.memory_space<vmem>>, vector<1x16xf32>,
        %parallel_loop3A_760 = vector.shape_cast %parallel_loop3A_759 : vector<1x16xf32> to vector<16xf32>
        %parallel_loop3A_761 = arith.addf %parallel_loop3A_754, %parallel_loop3A_760 : vector<16xf32>
        %parallel_loop3A_762 = arith.constant 8 : i32
        %parallel_loop3A_763 = arith.addi %parallel_loop3A_282, %parallel_loop3A_762 : i32
        %parallel_loop3A_764 = arith.index_cast %parallel_loop3A_763 : i32 to index
        %parallel_loop3A_765 = arith.constant 48 : index
        %parallel_loop3A_766 = tpu.vector_load %arg7[%parallel_loop3A_764, %parallel_loop3A_765] {strides = array<i32>} : memref<320x128xf32, #tpu.memory_space<vmem>>, vector<1x16xf32>,
        %parallel_loop3A_767 = vector.shape_cast %parallel_loop3A_766 : vector<1x16xf32> to vector<16xf32>
        %parallel_loop3A_768 = arith.addf %parallel_loop3A_761, %parallel_loop3A_767 : vector<16xf32>
        %parallel_loop3A_769 = arith.constant 9 : i32
        %parallel_loop3A_770 = arith.addi %parallel_loop3A_282, %parallel_loop3A_769 : i32
        %parallel_loop3A_771 = arith.index_cast %parallel_loop3A_770 : i32 to index
        %parallel_loop3A_772 = arith.constant 48 : index
        %parallel_loop3A_773 = tpu.vector_load %arg7[%parallel_loop3A_771, %parallel_loop3A_772] {strides = array<i32>} : memref<320x128xf32, #tpu.memory_space<vmem>>, vector<1x16xf32>,
        %parallel_loop3A_774 = vector.shape_cast %parallel_loop3A_773 : vector<1x16xf32> to vector<16xf32>
        %parallel_loop3A_775 = arith.addf %parallel_loop3A_768, %parallel_loop3A_774 : vector<16xf32>
        %parallel_loop3A_776 = arith.constant 10 : i32
        %parallel_loop3A_777 = arith.addi %parallel_loop3A_282, %parallel_loop3A_776 : i32
        %parallel_loop3A_778 = arith.index_cast %parallel_loop3A_777 : i32 to index
        %parallel_loop3A_779 = arith.constant 48 : index
        %parallel_loop3A_780 = tpu.vector_load %arg7[%parallel_loop3A_778, %parallel_loop3A_779] {strides = array<i32>} : memref<320x128xf32, #tpu.memory_space<vmem>>, vector<1x16xf32>,
        %parallel_loop3A_781 = vector.shape_cast %parallel_loop3A_780 : vector<1x16xf32> to vector<16xf32>
        %parallel_loop3A_782 = arith.addf %parallel_loop3A_775, %parallel_loop3A_781 : vector<16xf32>
        %parallel_loop3A_783 = arith.constant 11 : i32
        %parallel_loop3A_784 = arith.addi %parallel_loop3A_282, %parallel_loop3A_783 : i32
        %parallel_loop3A_785 = arith.index_cast %parallel_loop3A_784 : i32 to index
        %parallel_loop3A_786 = arith.constant 48 : index
        %parallel_loop3A_787 = tpu.vector_load %arg7[%parallel_loop3A_785, %parallel_loop3A_786] {strides = array<i32>} : memref<320x128xf32, #tpu.memory_space<vmem>>, vector<1x16xf32>,
        %parallel_loop3A_788 = vector.shape_cast %parallel_loop3A_787 : vector<1x16xf32> to vector<16xf32>
        %parallel_loop3A_789 = arith.addf %parallel_loop3A_782, %parallel_loop3A_788 : vector<16xf32>
        %parallel_loop3A_790 = arith.constant 12 : i32
        %parallel_loop3A_791 = arith.addi %parallel_loop3A_282, %parallel_loop3A_790 : i32
        %parallel_loop3A_792 = arith.index_cast %parallel_loop3A_791 : i32 to index
        %parallel_loop3A_793 = arith.constant 48 : index
        %parallel_loop3A_794 = tpu.vector_load %arg7[%parallel_loop3A_792, %parallel_loop3A_793] {strides = array<i32>} : memref<320x128xf32, #tpu.memory_space<vmem>>, vector<1x16xf32>,
        %parallel_loop3A_795 = vector.shape_cast %parallel_loop3A_794 : vector<1x16xf32> to vector<16xf32>
        %parallel_loop3A_796 = arith.addf %parallel_loop3A_789, %parallel_loop3A_795 : vector<16xf32>
        %parallel_loop3A_797 = arith.constant 13 : i32
        %parallel_loop3A_798 = arith.addi %parallel_loop3A_282, %parallel_loop3A_797 : i32
        %parallel_loop3A_799 = arith.index_cast %parallel_loop3A_798 : i32 to index
        %parallel_loop3A_800 = arith.constant 48 : index
        %parallel_loop3A_801 = tpu.vector_load %arg7[%parallel_loop3A_799, %parallel_loop3A_800] {strides = array<i32>} : memref<320x128xf32, #tpu.memory_space<vmem>>, vector<1x16xf32>,
        %parallel_loop3A_802 = vector.shape_cast %parallel_loop3A_801 : vector<1x16xf32> to vector<16xf32>
        %parallel_loop3A_803 = arith.addf %parallel_loop3A_796, %parallel_loop3A_802 : vector<16xf32>
        %parallel_loop3A_804 = arith.constant 14 : i32
        %parallel_loop3A_805 = arith.addi %parallel_loop3A_282, %parallel_loop3A_804 : i32
        %parallel_loop3A_806 = arith.index_cast %parallel_loop3A_805 : i32 to index
        %parallel_loop3A_807 = arith.constant 48 : index
        %parallel_loop3A_808 = tpu.vector_load %arg7[%parallel_loop3A_806, %parallel_loop3A_807] {strides = array<i32>} : memref<320x128xf32, #tpu.memory_space<vmem>>, vector<1x16xf32>,
        %parallel_loop3A_809 = vector.shape_cast %parallel_loop3A_808 : vector<1x16xf32> to vector<16xf32>
        %parallel_loop3A_810 = arith.addf %parallel_loop3A_803, %parallel_loop3A_809 : vector<16xf32>
        %parallel_loop3A_811 = arith.constant 15 : i32
        %parallel_loop3A_812 = arith.addi %parallel_loop3A_282, %parallel_loop3A_811 : i32
        %parallel_loop3A_813 = arith.index_cast %parallel_loop3A_812 : i32 to index
        %parallel_loop3A_814 = arith.constant 48 : index
        %parallel_loop3A_815 = tpu.vector_load %arg7[%parallel_loop3A_813, %parallel_loop3A_814] {strides = array<i32>} : memref<320x128xf32, #tpu.memory_space<vmem>>, vector<1x16xf32>,
        %parallel_loop3A_816 = vector.shape_cast %parallel_loop3A_815 : vector<1x16xf32> to vector<16xf32>
        %parallel_loop3A_817 = arith.addf %parallel_loop3A_810, %parallel_loop3A_816 : vector<16xf32>
        %parallel_loop3A_818 = arith.constant 16 : i32
        %parallel_loop3A_819 = arith.addi %parallel_loop3A_282, %parallel_loop3A_818 : i32
        %parallel_loop3A_820 = arith.index_cast %parallel_loop3A_819 : i32 to index
        %parallel_loop3A_821 = arith.constant 48 : index
        %parallel_loop3A_822 = tpu.vector_load %arg7[%parallel_loop3A_820, %parallel_loop3A_821] {strides = array<i32>} : memref<320x128xf32, #tpu.memory_space<vmem>>, vector<1x16xf32>,
        %parallel_loop3A_823 = vector.shape_cast %parallel_loop3A_822 : vector<1x16xf32> to vector<16xf32>
        %parallel_loop3A_824 = arith.addf %parallel_loop3A_817, %parallel_loop3A_823 : vector<16xf32>
        %parallel_loop3A_825 = arith.constant 17 : i32
        %parallel_loop3A_826 = arith.addi %parallel_loop3A_282, %parallel_loop3A_825 : i32
        %parallel_loop3A_827 = arith.index_cast %parallel_loop3A_826 : i32 to index
        %parallel_loop3A_828 = arith.constant 48 : index
        %parallel_loop3A_829 = tpu.vector_load %arg7[%parallel_loop3A_827, %parallel_loop3A_828] {strides = array<i32>} : memref<320x128xf32, #tpu.memory_space<vmem>>, vector<1x16xf32>,
        %parallel_loop3A_830 = vector.shape_cast %parallel_loop3A_829 : vector<1x16xf32> to vector<16xf32>
        %parallel_loop3A_831 = arith.addf %parallel_loop3A_824, %parallel_loop3A_830 : vector<16xf32>
        %parallel_loop3A_832 = arith.constant 18 : i32
        %parallel_loop3A_833 = arith.addi %parallel_loop3A_282, %parallel_loop3A_832 : i32
        %parallel_loop3A_834 = arith.index_cast %parallel_loop3A_833 : i32 to index
        %parallel_loop3A_835 = arith.constant 48 : index
        %parallel_loop3A_836 = tpu.vector_load %arg7[%parallel_loop3A_834, %parallel_loop3A_835] {strides = array<i32>} : memref<320x128xf32, #tpu.memory_space<vmem>>, vector<1x16xf32>,
        %parallel_loop3A_837 = vector.shape_cast %parallel_loop3A_836 : vector<1x16xf32> to vector<16xf32>
        %parallel_loop3A_838 = arith.addf %parallel_loop3A_831, %parallel_loop3A_837 : vector<16xf32>
        %parallel_loop3A_839 = arith.constant 19 : i32
        %parallel_loop3A_840 = arith.addi %parallel_loop3A_282, %parallel_loop3A_839 : i32
        %parallel_loop3A_841 = arith.index_cast %parallel_loop3A_840 : i32 to index
        %parallel_loop3A_842 = arith.constant 48 : index
        %parallel_loop3A_843 = tpu.vector_load %arg7[%parallel_loop3A_841, %parallel_loop3A_842] {strides = array<i32>} : memref<320x128xf32, #tpu.memory_space<vmem>>, vector<1x16xf32>,
        %parallel_loop3A_844 = vector.shape_cast %parallel_loop3A_843 : vector<1x16xf32> to vector<16xf32>
        %parallel_loop3A_845 = arith.addf %parallel_loop3A_838, %parallel_loop3A_844 : vector<16xf32>
        %parallel_loop3A_846 = arith.index_cast %parallel_loop3A_280 : i32 to index
        %parallel_loop3A_847 = arith.constant 48 : index
        %parallel_loop3A_848 = tpu.vector_load %arg9[%parallel_loop3A_846, %parallel_loop3A_847] {strides = array<i32>} : memref<16x128xf32, #tpu.memory_space<vmem>>, vector<1x16xf32>,
        %parallel_loop3A_849 = vector.shape_cast %parallel_loop3A_848 : vector<1x16xf32> to vector<16xf32>
        %parallel_loop3A_850 = vector.shape_cast %parallel_loop3A_845 : vector<16xf32> to vector<1x16xf32>
        tpu.vector_store %arg9[%parallel_loop3A_846, %parallel_loop3A_847], %parallel_loop3A_850 {strides = array<i32>} : memref<16x128xf32, #tpu.memory_space<vmem>>, vector<1x16xf32>,
        %parallel_loop3A_851 = arith.index_cast %parallel_loop3A_282 : i32 to index
        %parallel_loop3A_852 = arith.constant 64 : index
        %parallel_loop3A_853 = tpu.vector_load %arg7[%parallel_loop3A_851, %parallel_loop3A_852] {strides = array<i32>} : memref<320x128xf32, #tpu.memory_space<vmem>>, vector<1x16xf32>,
        %parallel_loop3A_854 = vector.shape_cast %parallel_loop3A_853 : vector<1x16xf32> to vector<16xf32>
        %parallel_loop3A_855 = arith.constant 1 : i32
        %parallel_loop3A_856 = arith.addi %parallel_loop3A_282, %parallel_loop3A_855 : i32
        %parallel_loop3A_857 = arith.index_cast %parallel_loop3A_856 : i32 to index
        %parallel_loop3A_858 = arith.constant 64 : index
        %parallel_loop3A_859 = tpu.vector_load %arg7[%parallel_loop3A_857, %parallel_loop3A_858] {strides = array<i32>} : memref<320x128xf32, #tpu.memory_space<vmem>>, vector<1x16xf32>,
        %parallel_loop3A_860 = vector.shape_cast %parallel_loop3A_859 : vector<1x16xf32> to vector<16xf32>
        %parallel_loop3A_861 = arith.addf %parallel_loop3A_854, %parallel_loop3A_860 : vector<16xf32>
        %parallel_loop3A_862 = arith.constant 2 : i32
        %parallel_loop3A_863 = arith.addi %parallel_loop3A_282, %parallel_loop3A_862 : i32
        %parallel_loop3A_864 = arith.index_cast %parallel_loop3A_863 : i32 to index
        %parallel_loop3A_865 = arith.constant 64 : index
        %parallel_loop3A_866 = tpu.vector_load %arg7[%parallel_loop3A_864, %parallel_loop3A_865] {strides = array<i32>} : memref<320x128xf32, #tpu.memory_space<vmem>>, vector<1x16xf32>,
        %parallel_loop3A_867 = vector.shape_cast %parallel_loop3A_866 : vector<1x16xf32> to vector<16xf32>
        %parallel_loop3A_868 = arith.addf %parallel_loop3A_861, %parallel_loop3A_867 : vector<16xf32>
        %parallel_loop3A_869 = arith.constant 3 : i32
        %parallel_loop3A_870 = arith.addi %parallel_loop3A_282, %parallel_loop3A_869 : i32
        %parallel_loop3A_871 = arith.index_cast %parallel_loop3A_870 : i32 to index
        %parallel_loop3A_872 = arith.constant 64 : index
        %parallel_loop3A_873 = tpu.vector_load %arg7[%parallel_loop3A_871, %parallel_loop3A_872] {strides = array<i32>} : memref<320x128xf32, #tpu.memory_space<vmem>>, vector<1x16xf32>,
        %parallel_loop3A_874 = vector.shape_cast %parallel_loop3A_873 : vector<1x16xf32> to vector<16xf32>
        %parallel_loop3A_875 = arith.addf %parallel_loop3A_868, %parallel_loop3A_874 : vector<16xf32>
        %parallel_loop3A_876 = arith.constant 4 : i32
        %parallel_loop3A_877 = arith.addi %parallel_loop3A_282, %parallel_loop3A_876 : i32
        %parallel_loop3A_878 = arith.index_cast %parallel_loop3A_877 : i32 to index
        %parallel_loop3A_879 = arith.constant 64 : index
        %parallel_loop3A_880 = tpu.vector_load %arg7[%parallel_loop3A_878, %parallel_loop3A_879] {strides = array<i32>} : memref<320x128xf32, #tpu.memory_space<vmem>>, vector<1x16xf32>,
        %parallel_loop3A_881 = vector.shape_cast %parallel_loop3A_880 : vector<1x16xf32> to vector<16xf32>
        %parallel_loop3A_882 = arith.addf %parallel_loop3A_875, %parallel_loop3A_881 : vector<16xf32>
        %parallel_loop3A_883 = arith.constant 5 : i32
        %parallel_loop3A_884 = arith.addi %parallel_loop3A_282, %parallel_loop3A_883 : i32
        %parallel_loop3A_885 = arith.index_cast %parallel_loop3A_884 : i32 to index
        %parallel_loop3A_886 = arith.constant 64 : index
        %parallel_loop3A_887 = tpu.vector_load %arg7[%parallel_loop3A_885, %parallel_loop3A_886] {strides = array<i32>} : memref<320x128xf32, #tpu.memory_space<vmem>>, vector<1x16xf32>,
        %parallel_loop3A_888 = vector.shape_cast %parallel_loop3A_887 : vector<1x16xf32> to vector<16xf32>
        %parallel_loop3A_889 = arith.addf %parallel_loop3A_882, %parallel_loop3A_888 : vector<16xf32>
        %parallel_loop3A_890 = arith.constant 6 : i32
        %parallel_loop3A_891 = arith.addi %parallel_loop3A_282, %parallel_loop3A_890 : i32
        %parallel_loop3A_892 = arith.index_cast %parallel_loop3A_891 : i32 to index
        %parallel_loop3A_893 = arith.constant 64 : index
        %parallel_loop3A_894 = tpu.vector_load %arg7[%parallel_loop3A_892, %parallel_loop3A_893] {strides = array<i32>} : memref<320x128xf32, #tpu.memory_space<vmem>>, vector<1x16xf32>,
        %parallel_loop3A_895 = vector.shape_cast %parallel_loop3A_894 : vector<1x16xf32> to vector<16xf32>
        %parallel_loop3A_896 = arith.addf %parallel_loop3A_889, %parallel_loop3A_895 : vector<16xf32>
        %parallel_loop3A_897 = arith.constant 7 : i32
        %parallel_loop3A_898 = arith.addi %parallel_loop3A_282, %parallel_loop3A_897 : i32
        %parallel_loop3A_899 = arith.index_cast %parallel_loop3A_898 : i32 to index
        %parallel_loop3A_900 = arith.constant 64 : index
        %parallel_loop3A_901 = tpu.vector_load %arg7[%parallel_loop3A_899, %parallel_loop3A_900] {strides = array<i32>} : memref<320x128xf32, #tpu.memory_space<vmem>>, vector<1x16xf32>,
        %parallel_loop3A_902 = vector.shape_cast %parallel_loop3A_901 : vector<1x16xf32> to vector<16xf32>
        %parallel_loop3A_903 = arith.addf %parallel_loop3A_896, %parallel_loop3A_902 : vector<16xf32>
        %parallel_loop3A_904 = arith.constant 8 : i32
        %parallel_loop3A_905 = arith.addi %parallel_loop3A_282, %parallel_loop3A_904 : i32
        %parallel_loop3A_906 = arith.index_cast %parallel_loop3A_905 : i32 to index
        %parallel_loop3A_907 = arith.constant 64 : index
        %parallel_loop3A_908 = tpu.vector_load %arg7[%parallel_loop3A_906, %parallel_loop3A_907] {strides = array<i32>} : memref<320x128xf32, #tpu.memory_space<vmem>>, vector<1x16xf32>,
        %parallel_loop3A_909 = vector.shape_cast %parallel_loop3A_908 : vector<1x16xf32> to vector<16xf32>
        %parallel_loop3A_910 = arith.addf %parallel_loop3A_903, %parallel_loop3A_909 : vector<16xf32>
        %parallel_loop3A_911 = arith.constant 9 : i32
        %parallel_loop3A_912 = arith.addi %parallel_loop3A_282, %parallel_loop3A_911 : i32
        %parallel_loop3A_913 = arith.index_cast %parallel_loop3A_912 : i32 to index
        %parallel_loop3A_914 = arith.constant 64 : index
        %parallel_loop3A_915 = tpu.vector_load %arg7[%parallel_loop3A_913, %parallel_loop3A_914] {strides = array<i32>} : memref<320x128xf32, #tpu.memory_space<vmem>>, vector<1x16xf32>,
        %parallel_loop3A_916 = vector.shape_cast %parallel_loop3A_915 : vector<1x16xf32> to vector<16xf32>
        %parallel_loop3A_917 = arith.addf %parallel_loop3A_910, %parallel_loop3A_916 : vector<16xf32>
        %parallel_loop3A_918 = arith.constant 10 : i32
        %parallel_loop3A_919 = arith.addi %parallel_loop3A_282, %parallel_loop3A_918 : i32
        %parallel_loop3A_920 = arith.index_cast %parallel_loop3A_919 : i32 to index
        %parallel_loop3A_921 = arith.constant 64 : index
        %parallel_loop3A_922 = tpu.vector_load %arg7[%parallel_loop3A_920, %parallel_loop3A_921] {strides = array<i32>} : memref<320x128xf32, #tpu.memory_space<vmem>>, vector<1x16xf32>,
        %parallel_loop3A_923 = vector.shape_cast %parallel_loop3A_922 : vector<1x16xf32> to vector<16xf32>
        %parallel_loop3A_924 = arith.addf %parallel_loop3A_917, %parallel_loop3A_923 : vector<16xf32>
        %parallel_loop3A_925 = arith.constant 11 : i32
        %parallel_loop3A_926 = arith.addi %parallel_loop3A_282, %parallel_loop3A_925 : i32
        %parallel_loop3A_927 = arith.index_cast %parallel_loop3A_926 : i32 to index
        %parallel_loop3A_928 = arith.constant 64 : index
        %parallel_loop3A_929 = tpu.vector_load %arg7[%parallel_loop3A_927, %parallel_loop3A_928] {strides = array<i32>} : memref<320x128xf32, #tpu.memory_space<vmem>>, vector<1x16xf32>,
        %parallel_loop3A_930 = vector.shape_cast %parallel_loop3A_929 : vector<1x16xf32> to vector<16xf32>
        %parallel_loop3A_931 = arith.addf %parallel_loop3A_924, %parallel_loop3A_930 : vector<16xf32>
        %parallel_loop3A_932 = arith.constant 12 : i32
        %parallel_loop3A_933 = arith.addi %parallel_loop3A_282, %parallel_loop3A_932 : i32
        %parallel_loop3A_934 = arith.index_cast %parallel_loop3A_933 : i32 to index
        %parallel_loop3A_935 = arith.constant 64 : index
        %parallel_loop3A_936 = tpu.vector_load %arg7[%parallel_loop3A_934, %parallel_loop3A_935] {strides = array<i32>} : memref<320x128xf32, #tpu.memory_space<vmem>>, vector<1x16xf32>,
        %parallel_loop3A_937 = vector.shape_cast %parallel_loop3A_936 : vector<1x16xf32> to vector<16xf32>
        %parallel_loop3A_938 = arith.addf %parallel_loop3A_931, %parallel_loop3A_937 : vector<16xf32>
        %parallel_loop3A_939 = arith.constant 13 : i32
        %parallel_loop3A_940 = arith.addi %parallel_loop3A_282, %parallel_loop3A_939 : i32
        %parallel_loop3A_941 = arith.index_cast %parallel_loop3A_940 : i32 to index
        %parallel_loop3A_942 = arith.constant 64 : index
        %parallel_loop3A_943 = tpu.vector_load %arg7[%parallel_loop3A_941, %parallel_loop3A_942] {strides = array<i32>} : memref<320x128xf32, #tpu.memory_space<vmem>>, vector<1x16xf32>,
        %parallel_loop3A_944 = vector.shape_cast %parallel_loop3A_943 : vector<1x16xf32> to vector<16xf32>
        %parallel_loop3A_945 = arith.addf %parallel_loop3A_938, %parallel_loop3A_944 : vector<16xf32>
        %parallel_loop3A_946 = arith.constant 14 : i32
        %parallel_loop3A_947 = arith.addi %parallel_loop3A_282, %parallel_loop3A_946 : i32
        %parallel_loop3A_948 = arith.index_cast %parallel_loop3A_947 : i32 to index
        %parallel_loop3A_949 = arith.constant 64 : index
        %parallel_loop3A_950 = tpu.vector_load %arg7[%parallel_loop3A_948, %parallel_loop3A_949] {strides = array<i32>} : memref<320x128xf32, #tpu.memory_space<vmem>>, vector<1x16xf32>,
        %parallel_loop3A_951 = vector.shape_cast %parallel_loop3A_950 : vector<1x16xf32> to vector<16xf32>
        %parallel_loop3A_952 = arith.addf %parallel_loop3A_945, %parallel_loop3A_951 : vector<16xf32>
        %parallel_loop3A_953 = arith.constant 15 : i32
        %parallel_loop3A_954 = arith.addi %parallel_loop3A_282, %parallel_loop3A_953 : i32
        %parallel_loop3A_955 = arith.index_cast %parallel_loop3A_954 : i32 to index
        %parallel_loop3A_956 = arith.constant 64 : index
        %parallel_loop3A_957 = tpu.vector_load %arg7[%parallel_loop3A_955, %parallel_loop3A_956] {strides = array<i32>} : memref<320x128xf32, #tpu.memory_space<vmem>>, vector<1x16xf32>,
        %parallel_loop3A_958 = vector.shape_cast %parallel_loop3A_957 : vector<1x16xf32> to vector<16xf32>
        %parallel_loop3A_959 = arith.addf %parallel_loop3A_952, %parallel_loop3A_958 : vector<16xf32>
        %parallel_loop3A_960 = arith.constant 16 : i32
        %parallel_loop3A_961 = arith.addi %parallel_loop3A_282, %parallel_loop3A_960 : i32
        %parallel_loop3A_962 = arith.index_cast %parallel_loop3A_961 : i32 to index
        %parallel_loop3A_963 = arith.constant 64 : index
        %parallel_loop3A_964 = tpu.vector_load %arg7[%parallel_loop3A_962, %parallel_loop3A_963] {strides = array<i32>} : memref<320x128xf32, #tpu.memory_space<vmem>>, vector<1x16xf32>,
        %parallel_loop3A_965 = vector.shape_cast %parallel_loop3A_964 : vector<1x16xf32> to vector<16xf32>
        %parallel_loop3A_966 = arith.addf %parallel_loop3A_959, %parallel_loop3A_965 : vector<16xf32>
        %parallel_loop3A_967 = arith.constant 17 : i32
        %parallel_loop3A_968 = arith.addi %parallel_loop3A_282, %parallel_loop3A_967 : i32
        %parallel_loop3A_969 = arith.index_cast %parallel_loop3A_968 : i32 to index
        %parallel_loop3A_970 = arith.constant 64 : index
        %parallel_loop3A_971 = tpu.vector_load %arg7[%parallel_loop3A_969, %parallel_loop3A_970] {strides = array<i32>} : memref<320x128xf32, #tpu.memory_space<vmem>>, vector<1x16xf32>,
        %parallel_loop3A_972 = vector.shape_cast %parallel_loop3A_971 : vector<1x16xf32> to vector<16xf32>
        %parallel_loop3A_973 = arith.addf %parallel_loop3A_966, %parallel_loop3A_972 : vector<16xf32>
        %parallel_loop3A_974 = arith.constant 18 : i32
        %parallel_loop3A_975 = arith.addi %parallel_loop3A_282, %parallel_loop3A_974 : i32
        %parallel_loop3A_976 = arith.index_cast %parallel_loop3A_975 : i32 to index
        %parallel_loop3A_977 = arith.constant 64 : index
        %parallel_loop3A_978 = tpu.vector_load %arg7[%parallel_loop3A_976, %parallel_loop3A_977] {strides = array<i32>} : memref<320x128xf32, #tpu.memory_space<vmem>>, vector<1x16xf32>,
        %parallel_loop3A_979 = vector.shape_cast %parallel_loop3A_978 : vector<1x16xf32> to vector<16xf32>
        %parallel_loop3A_980 = arith.addf %parallel_loop3A_973, %parallel_loop3A_979 : vector<16xf32>
        %parallel_loop3A_981 = arith.constant 19 : i32
        %parallel_loop3A_982 = arith.addi %parallel_loop3A_282, %parallel_loop3A_981 : i32
        %parallel_loop3A_983 = arith.index_cast %parallel_loop3A_982 : i32 to index
        %parallel_loop3A_984 = arith.constant 64 : index
        %parallel_loop3A_985 = tpu.vector_load %arg7[%parallel_loop3A_983, %parallel_loop3A_984] {strides = array<i32>} : memref<320x128xf32, #tpu.memory_space<vmem>>, vector<1x16xf32>,
        %parallel_loop3A_986 = vector.shape_cast %parallel_loop3A_985 : vector<1x16xf32> to vector<16xf32>
        %parallel_loop3A_987 = arith.addf %parallel_loop3A_980, %parallel_loop3A_986 : vector<16xf32>
        %parallel_loop3A_988 = arith.index_cast %parallel_loop3A_280 : i32 to index
        %parallel_loop3A_989 = arith.constant 64 : index
        %parallel_loop3A_990 = tpu.vector_load %arg9[%parallel_loop3A_988, %parallel_loop3A_989] {strides = array<i32>} : memref<16x128xf32, #tpu.memory_space<vmem>>, vector<1x16xf32>,
        %parallel_loop3A_991 = vector.shape_cast %parallel_loop3A_990 : vector<1x16xf32> to vector<16xf32>
        %parallel_loop3A_992 = vector.shape_cast %parallel_loop3A_987 : vector<16xf32> to vector<1x16xf32>
        tpu.vector_store %arg9[%parallel_loop3A_988, %parallel_loop3A_989], %parallel_loop3A_992 {strides = array<i32>} : memref<16x128xf32, #tpu.memory_space<vmem>>, vector<1x16xf32>,
        %parallel_loop3A_993 = arith.index_cast %parallel_loop3A_282 : i32 to index
        %parallel_loop3A_994 = arith.constant 80 : index
        %parallel_loop3A_995 = tpu.vector_load %arg7[%parallel_loop3A_993, %parallel_loop3A_994] {strides = array<i32>} : memref<320x128xf32, #tpu.memory_space<vmem>>, vector<1x16xf32>,
        %parallel_loop3A_996 = vector.shape_cast %parallel_loop3A_995 : vector<1x16xf32> to vector<16xf32>
        %parallel_loop3A_997 = arith.constant 1 : i32
        %parallel_loop3A_998 = arith.addi %parallel_loop3A_282, %parallel_loop3A_997 : i32
        %parallel_loop3A_999 = arith.index_cast %parallel_loop3A_998 : i32 to index
        %parallel_loop3A_1000 = arith.constant 80 : index
        %parallel_loop3A_1001 = tpu.vector_load %arg7[%parallel_loop3A_999, %parallel_loop3A_1000] {strides = array<i32>} : memref<320x128xf32, #tpu.memory_space<vmem>>, vector<1x16xf32>,
        %parallel_loop3A_1002 = vector.shape_cast %parallel_loop3A_1001 : vector<1x16xf32> to vector<16xf32>
        %parallel_loop3A_1003 = arith.addf %parallel_loop3A_996, %parallel_loop3A_1002 : vector<16xf32>
        %parallel_loop3A_1004 = arith.constant 2 : i32
        %parallel_loop3A_1005 = arith.addi %parallel_loop3A_282, %parallel_loop3A_1004 : i32
        %parallel_loop3A_1006 = arith.index_cast %parallel_loop3A_1005 : i32 to index
        %parallel_loop3A_1007 = arith.constant 80 : index
        %parallel_loop3A_1008 = tpu.vector_load %arg7[%parallel_loop3A_1006, %parallel_loop3A_1007] {strides = array<i32>} : memref<320x128xf32, #tpu.memory_space<vmem>>, vector<1x16xf32>,
        %parallel_loop3A_1009 = vector.shape_cast %parallel_loop3A_1008 : vector<1x16xf32> to vector<16xf32>
        %parallel_loop3A_1010 = arith.addf %parallel_loop3A_1003, %parallel_loop3A_1009 : vector<16xf32>
        %parallel_loop3A_1011 = arith.constant 3 : i32
        %parallel_loop3A_1012 = arith.addi %parallel_loop3A_282, %parallel_loop3A_1011 : i32
        %parallel_loop3A_1013 = arith.index_cast %parallel_loop3A_1012 : i32 to index
        %parallel_loop3A_1014 = arith.constant 80 : index
        %parallel_loop3A_1015 = tpu.vector_load %arg7[%parallel_loop3A_1013, %parallel_loop3A_1014] {strides = array<i32>} : memref<320x128xf32, #tpu.memory_space<vmem>>, vector<1x16xf32>,
        %parallel_loop3A_1016 = vector.shape_cast %parallel_loop3A_1015 : vector<1x16xf32> to vector<16xf32>
        %parallel_loop3A_1017 = arith.addf %parallel_loop3A_1010, %parallel_loop3A_1016 : vector<16xf32>
        %parallel_loop3A_1018 = arith.constant 4 : i32
        %parallel_loop3A_1019 = arith.addi %parallel_loop3A_282, %parallel_loop3A_1018 : i32
        %parallel_loop3A_1020 = arith.index_cast %parallel_loop3A_1019 : i32 to index
        %parallel_loop3A_1021 = arith.constant 80 : index
        %parallel_loop3A_1022 = tpu.vector_load %arg7[%parallel_loop3A_1020, %parallel_loop3A_1021] {strides = array<i32>} : memref<320x128xf32, #tpu.memory_space<vmem>>, vector<1x16xf32>,
        %parallel_loop3A_1023 = vector.shape_cast %parallel_loop3A_1022 : vector<1x16xf32> to vector<16xf32>
        %parallel_loop3A_1024 = arith.addf %parallel_loop3A_1017, %parallel_loop3A_1023 : vector<16xf32>
        %parallel_loop3A_1025 = arith.constant 5 : i32
        %parallel_loop3A_1026 = arith.addi %parallel_loop3A_282, %parallel_loop3A_1025 : i32
        %parallel_loop3A_1027 = arith.index_cast %parallel_loop3A_1026 : i32 to index
        %parallel_loop3A_1028 = arith.constant 80 : index
        %parallel_loop3A_1029 = tpu.vector_load %arg7[%parallel_loop3A_1027, %parallel_loop3A_1028] {strides = array<i32>} : memref<320x128xf32, #tpu.memory_space<vmem>>, vector<1x16xf32>,
        %parallel_loop3A_1030 = vector.shape_cast %parallel_loop3A_1029 : vector<1x16xf32> to vector<16xf32>
        %parallel_loop3A_1031 = arith.addf %parallel_loop3A_1024, %parallel_loop3A_1030 : vector<16xf32>
        %parallel_loop3A_1032 = arith.constant 6 : i32
        %parallel_loop3A_1033 = arith.addi %parallel_loop3A_282, %parallel_loop3A_1032 : i32
        %parallel_loop3A_1034 = arith.index_cast %parallel_loop3A_1033 : i32 to index
        %parallel_loop3A_1035 = arith.constant 80 : index
        %parallel_loop3A_1036 = tpu.vector_load %arg7[%parallel_loop3A_1034, %parallel_loop3A_1035] {strides = array<i32>} : memref<320x128xf32, #tpu.memory_space<vmem>>, vector<1x16xf32>,
        %parallel_loop3A_1037 = vector.shape_cast %parallel_loop3A_1036 : vector<1x16xf32> to vector<16xf32>
        %parallel_loop3A_1038 = arith.addf %parallel_loop3A_1031, %parallel_loop3A_1037 : vector<16xf32>
        %parallel_loop3A_1039 = arith.constant 7 : i32
        %parallel_loop3A_1040 = arith.addi %parallel_loop3A_282, %parallel_loop3A_1039 : i32
        %parallel_loop3A_1041 = arith.index_cast %parallel_loop3A_1040 : i32 to index
        %parallel_loop3A_1042 = arith.constant 80 : index
        %parallel_loop3A_1043 = tpu.vector_load %arg7[%parallel_loop3A_1041, %parallel_loop3A_1042] {strides = array<i32>} : memref<320x128xf32, #tpu.memory_space<vmem>>, vector<1x16xf32>,
        %parallel_loop3A_1044 = vector.shape_cast %parallel_loop3A_1043 : vector<1x16xf32> to vector<16xf32>
        %parallel_loop3A_1045 = arith.addf %parallel_loop3A_1038, %parallel_loop3A_1044 : vector<16xf32>
        %parallel_loop3A_1046 = arith.constant 8 : i32
        %parallel_loop3A_1047 = arith.addi %parallel_loop3A_282, %parallel_loop3A_1046 : i32
        %parallel_loop3A_1048 = arith.index_cast %parallel_loop3A_1047 : i32 to index
        %parallel_loop3A_1049 = arith.constant 80 : index
        %parallel_loop3A_1050 = tpu.vector_load %arg7[%parallel_loop3A_1048, %parallel_loop3A_1049] {strides = array<i32>} : memref<320x128xf32, #tpu.memory_space<vmem>>, vector<1x16xf32>,
        %parallel_loop3A_1051 = vector.shape_cast %parallel_loop3A_1050 : vector<1x16xf32> to vector<16xf32>
        %parallel_loop3A_1052 = arith.addf %parallel_loop3A_1045, %parallel_loop3A_1051 : vector<16xf32>
        %parallel_loop3A_1053 = arith.constant 9 : i32
        %parallel_loop3A_1054 = arith.addi %parallel_loop3A_282, %parallel_loop3A_1053 : i32
        %parallel_loop3A_1055 = arith.index_cast %parallel_loop3A_1054 : i32 to index
        %parallel_loop3A_1056 = arith.constant 80 : index
        %parallel_loop3A_1057 = tpu.vector_load %arg7[%parallel_loop3A_1055, %parallel_loop3A_1056] {strides = array<i32>} : memref<320x128xf32, #tpu.memory_space<vmem>>, vector<1x16xf32>,
        %parallel_loop3A_1058 = vector.shape_cast %parallel_loop3A_1057 : vector<1x16xf32> to vector<16xf32>
        %parallel_loop3A_1059 = arith.addf %parallel_loop3A_1052, %parallel_loop3A_1058 : vector<16xf32>
        %parallel_loop3A_1060 = arith.constant 10 : i32
        %parallel_loop3A_1061 = arith.addi %parallel_loop3A_282, %parallel_loop3A_1060 : i32
        %parallel_loop3A_1062 = arith.index_cast %parallel_loop3A_1061 : i32 to index
        %parallel_loop3A_1063 = arith.constant 80 : index
        %parallel_loop3A_1064 = tpu.vector_load %arg7[%parallel_loop3A_1062, %parallel_loop3A_1063] {strides = array<i32>} : memref<320x128xf32, #tpu.memory_space<vmem>>, vector<1x16xf32>,
        %parallel_loop3A_1065 = vector.shape_cast %parallel_loop3A_1064 : vector<1x16xf32> to vector<16xf32>
        %parallel_loop3A_1066 = arith.addf %parallel_loop3A_1059, %parallel_loop3A_1065 : vector<16xf32>
        %parallel_loop3A_1067 = arith.constant 11 : i32
        %parallel_loop3A_1068 = arith.addi %parallel_loop3A_282, %parallel_loop3A_1067 : i32
        %parallel_loop3A_1069 = arith.index_cast %parallel_loop3A_1068 : i32 to index
        %parallel_loop3A_1070 = arith.constant 80 : index
        %parallel_loop3A_1071 = tpu.vector_load %arg7[%parallel_loop3A_1069, %parallel_loop3A_1070] {strides = array<i32>} : memref<320x128xf32, #tpu.memory_space<vmem>>, vector<1x16xf32>,
        %parallel_loop3A_1072 = vector.shape_cast %parallel_loop3A_1071 : vector<1x16xf32> to vector<16xf32>
        %parallel_loop3A_1073 = arith.addf %parallel_loop3A_1066, %parallel_loop3A_1072 : vector<16xf32>
        %parallel_loop3A_1074 = arith.constant 12 : i32
        %parallel_loop3A_1075 = arith.addi %parallel_loop3A_282, %parallel_loop3A_1074 : i32
        %parallel_loop3A_1076 = arith.index_cast %parallel_loop3A_1075 : i32 to index
        %parallel_loop3A_1077 = arith.constant 80 : index
        %parallel_loop3A_1078 = tpu.vector_load %arg7[%parallel_loop3A_1076, %parallel_loop3A_1077] {strides = array<i32>} : memref<320x128xf32, #tpu.memory_space<vmem>>, vector<1x16xf32>,
        %parallel_loop3A_1079 = vector.shape_cast %parallel_loop3A_1078 : vector<1x16xf32> to vector<16xf32>
        %parallel_loop3A_1080 = arith.addf %parallel_loop3A_1073, %parallel_loop3A_1079 : vector<16xf32>
        %parallel_loop3A_1081 = arith.constant 13 : i32
        %parallel_loop3A_1082 = arith.addi %parallel_loop3A_282, %parallel_loop3A_1081 : i32
        %parallel_loop3A_1083 = arith.index_cast %parallel_loop3A_1082 : i32 to index
        %parallel_loop3A_1084 = arith.constant 80 : index
        %parallel_loop3A_1085 = tpu.vector_load %arg7[%parallel_loop3A_1083, %parallel_loop3A_1084] {strides = array<i32>} : memref<320x128xf32, #tpu.memory_space<vmem>>, vector<1x16xf32>,
        %parallel_loop3A_1086 = vector.shape_cast %parallel_loop3A_1085 : vector<1x16xf32> to vector<16xf32>
        %parallel_loop3A_1087 = arith.addf %parallel_loop3A_1080, %parallel_loop3A_1086 : vector<16xf32>
        %parallel_loop3A_1088 = arith.constant 14 : i32
        %parallel_loop3A_1089 = arith.addi %parallel_loop3A_282, %parallel_loop3A_1088 : i32
        %parallel_loop3A_1090 = arith.index_cast %parallel_loop3A_1089 : i32 to index
        %parallel_loop3A_1091 = arith.constant 80 : index
        %parallel_loop3A_1092 = tpu.vector_load %arg7[%parallel_loop3A_1090, %parallel_loop3A_1091] {strides = array<i32>} : memref<320x128xf32, #tpu.memory_space<vmem>>, vector<1x16xf32>,
        %parallel_loop3A_1093 = vector.shape_cast %parallel_loop3A_1092 : vector<1x16xf32> to vector<16xf32>
        %parallel_loop3A_1094 = arith.addf %parallel_loop3A_1087, %parallel_loop3A_1093 : vector<16xf32>
        %parallel_loop3A_1095 = arith.constant 15 : i32
        %parallel_loop3A_1096 = arith.addi %parallel_loop3A_282, %parallel_loop3A_1095 : i32
        %parallel_loop3A_1097 = arith.index_cast %parallel_loop3A_1096 : i32 to index
        %parallel_loop3A_1098 = arith.constant 80 : index
        %parallel_loop3A_1099 = tpu.vector_load %arg7[%parallel_loop3A_1097, %parallel_loop3A_1098] {strides = array<i32>} : memref<320x128xf32, #tpu.memory_space<vmem>>, vector<1x16xf32>,
        %parallel_loop3A_1100 = vector.shape_cast %parallel_loop3A_1099 : vector<1x16xf32> to vector<16xf32>
        %parallel_loop3A_1101 = arith.addf %parallel_loop3A_1094, %parallel_loop3A_1100 : vector<16xf32>
        %parallel_loop3A_1102 = arith.constant 16 : i32
        %parallel_loop3A_1103 = arith.addi %parallel_loop3A_282, %parallel_loop3A_1102 : i32
        %parallel_loop3A_1104 = arith.index_cast %parallel_loop3A_1103 : i32 to index
        %parallel_loop3A_1105 = arith.constant 80 : index
        %parallel_loop3A_1106 = tpu.vector_load %arg7[%parallel_loop3A_1104, %parallel_loop3A_1105] {strides = array<i32>} : memref<320x128xf32, #tpu.memory_space<vmem>>, vector<1x16xf32>,
        %parallel_loop3A_1107 = vector.shape_cast %parallel_loop3A_1106 : vector<1x16xf32> to vector<16xf32>
        %parallel_loop3A_1108 = arith.addf %parallel_loop3A_1101, %parallel_loop3A_1107 : vector<16xf32>
        %parallel_loop3A_1109 = arith.constant 17 : i32
        %parallel_loop3A_1110 = arith.addi %parallel_loop3A_282, %parallel_loop3A_1109 : i32
        %parallel_loop3A_1111 = arith.index_cast %parallel_loop3A_1110 : i32 to index
        %parallel_loop3A_1112 = arith.constant 80 : index
        %parallel_loop3A_1113 = tpu.vector_load %arg7[%parallel_loop3A_1111, %parallel_loop3A_1112] {strides = array<i32>} : memref<320x128xf32, #tpu.memory_space<vmem>>, vector<1x16xf32>,
        %parallel_loop3A_1114 = vector.shape_cast %parallel_loop3A_1113 : vector<1x16xf32> to vector<16xf32>
        %parallel_loop3A_1115 = arith.addf %parallel_loop3A_1108, %parallel_loop3A_1114 : vector<16xf32>
        %parallel_loop3A_1116 = arith.constant 18 : i32
        %parallel_loop3A_1117 = arith.addi %parallel_loop3A_282, %parallel_loop3A_1116 : i32
        %parallel_loop3A_1118 = arith.index_cast %parallel_loop3A_1117 : i32 to index
        %parallel_loop3A_1119 = arith.constant 80 : index
        %parallel_loop3A_1120 = tpu.vector_load %arg7[%parallel_loop3A_1118, %parallel_loop3A_1119] {strides = array<i32>} : memref<320x128xf32, #tpu.memory_space<vmem>>, vector<1x16xf32>,
        %parallel_loop3A_1121 = vector.shape_cast %parallel_loop3A_1120 : vector<1x16xf32> to vector<16xf32>
        %parallel_loop3A_1122 = arith.addf %parallel_loop3A_1115, %parallel_loop3A_1121 : vector<16xf32>
        %parallel_loop3A_1123 = arith.constant 19 : i32
        %parallel_loop3A_1124 = arith.addi %parallel_loop3A_282, %parallel_loop3A_1123 : i32
        %parallel_loop3A_1125 = arith.index_cast %parallel_loop3A_1124 : i32 to index
        %parallel_loop3A_1126 = arith.constant 80 : index
        %parallel_loop3A_1127 = tpu.vector_load %arg7[%parallel_loop3A_1125, %parallel_loop3A_1126] {strides = array<i32>} : memref<320x128xf32, #tpu.memory_space<vmem>>, vector<1x16xf32>,
        %parallel_loop3A_1128 = vector.shape_cast %parallel_loop3A_1127 : vector<1x16xf32> to vector<16xf32>
        %parallel_loop3A_1129 = arith.addf %parallel_loop3A_1122, %parallel_loop3A_1128 : vector<16xf32>
        %parallel_loop3A_1130 = arith.index_cast %parallel_loop3A_280 : i32 to index
        %parallel_loop3A_1131 = arith.constant 80 : index
        %parallel_loop3A_1132 = tpu.vector_load %arg9[%parallel_loop3A_1130, %parallel_loop3A_1131] {strides = array<i32>} : memref<16x128xf32, #tpu.memory_space<vmem>>, vector<1x16xf32>,
        %parallel_loop3A_1133 = vector.shape_cast %parallel_loop3A_1132 : vector<1x16xf32> to vector<16xf32>
        %parallel_loop3A_1134 = vector.shape_cast %parallel_loop3A_1129 : vector<16xf32> to vector<1x16xf32>
        tpu.vector_store %arg9[%parallel_loop3A_1130, %parallel_loop3A_1131], %parallel_loop3A_1134 {strides = array<i32>} : memref<16x128xf32, #tpu.memory_space<vmem>>, vector<1x16xf32>,
        %parallel_loop3A_1135 = arith.index_cast %parallel_loop3A_282 : i32 to index
        %parallel_loop3A_1136 = arith.constant 96 : index
        %parallel_loop3A_1137 = tpu.vector_load %arg7[%parallel_loop3A_1135, %parallel_loop3A_1136] {strides = array<i32>} : memref<320x128xf32, #tpu.memory_space<vmem>>, vector<1x16xf32>,
        %parallel_loop3A_1138 = vector.shape_cast %parallel_loop3A_1137 : vector<1x16xf32> to vector<16xf32>
        %parallel_loop3A_1139 = arith.constant 1 : i32
        %parallel_loop3A_1140 = arith.addi %parallel_loop3A_282, %parallel_loop3A_1139 : i32
        %parallel_loop3A_1141 = arith.index_cast %parallel_loop3A_1140 : i32 to index
        %parallel_loop3A_1142 = arith.constant 96 : index
        %parallel_loop3A_1143 = tpu.vector_load %arg7[%parallel_loop3A_1141, %parallel_loop3A_1142] {strides = array<i32>} : memref<320x128xf32, #tpu.memory_space<vmem>>, vector<1x16xf32>,
        %parallel_loop3A_1144 = vector.shape_cast %parallel_loop3A_1143 : vector<1x16xf32> to vector<16xf32>
        %parallel_loop3A_1145 = arith.addf %parallel_loop3A_1138, %parallel_loop3A_1144 : vector<16xf32>
        %parallel_loop3A_1146 = arith.constant 2 : i32
        %parallel_loop3A_1147 = arith.addi %parallel_loop3A_282, %parallel_loop3A_1146 : i32
        %parallel_loop3A_1148 = arith.index_cast %parallel_loop3A_1147 : i32 to index
        %parallel_loop3A_1149 = arith.constant 96 : index
        %parallel_loop3A_1150 = tpu.vector_load %arg7[%parallel_loop3A_1148, %parallel_loop3A_1149] {strides = array<i32>} : memref<320x128xf32, #tpu.memory_space<vmem>>, vector<1x16xf32>,
        %parallel_loop3A_1151 = vector.shape_cast %parallel_loop3A_1150 : vector<1x16xf32> to vector<16xf32>
        %parallel_loop3A_1152 = arith.addf %parallel_loop3A_1145, %parallel_loop3A_1151 : vector<16xf32>
        %parallel_loop3A_1153 = arith.constant 3 : i32
        %parallel_loop3A_1154 = arith.addi %parallel_loop3A_282, %parallel_loop3A_1153 : i32
        %parallel_loop3A_1155 = arith.index_cast %parallel_loop3A_1154 : i32 to index
        %parallel_loop3A_1156 = arith.constant 96 : index
        %parallel_loop3A_1157 = tpu.vector_load %arg7[%parallel_loop3A_1155, %parallel_loop3A_1156] {strides = array<i32>} : memref<320x128xf32, #tpu.memory_space<vmem>>, vector<1x16xf32>,
        %parallel_loop3A_1158 = vector.shape_cast %parallel_loop3A_1157 : vector<1x16xf32> to vector<16xf32>
        %parallel_loop3A_1159 = arith.addf %parallel_loop3A_1152, %parallel_loop3A_1158 : vector<16xf32>
        %parallel_loop3A_1160 = arith.constant 4 : i32
        %parallel_loop3A_1161 = arith.addi %parallel_loop3A_282, %parallel_loop3A_1160 : i32
        %parallel_loop3A_1162 = arith.index_cast %parallel_loop3A_1161 : i32 to index
        %parallel_loop3A_1163 = arith.constant 96 : index
        %parallel_loop3A_1164 = tpu.vector_load %arg7[%parallel_loop3A_1162, %parallel_loop3A_1163] {strides = array<i32>} : memref<320x128xf32, #tpu.memory_space<vmem>>, vector<1x16xf32>,
        %parallel_loop3A_1165 = vector.shape_cast %parallel_loop3A_1164 : vector<1x16xf32> to vector<16xf32>
        %parallel_loop3A_1166 = arith.addf %parallel_loop3A_1159, %parallel_loop3A_1165 : vector<16xf32>
        %parallel_loop3A_1167 = arith.constant 5 : i32
        %parallel_loop3A_1168 = arith.addi %parallel_loop3A_282, %parallel_loop3A_1167 : i32
        %parallel_loop3A_1169 = arith.index_cast %parallel_loop3A_1168 : i32 to index
        %parallel_loop3A_1170 = arith.constant 96 : index
        %parallel_loop3A_1171 = tpu.vector_load %arg7[%parallel_loop3A_1169, %parallel_loop3A_1170] {strides = array<i32>} : memref<320x128xf32, #tpu.memory_space<vmem>>, vector<1x16xf32>,
        %parallel_loop3A_1172 = vector.shape_cast %parallel_loop3A_1171 : vector<1x16xf32> to vector<16xf32>
        %parallel_loop3A_1173 = arith.addf %parallel_loop3A_1166, %parallel_loop3A_1172 : vector<16xf32>
        %parallel_loop3A_1174 = arith.constant 6 : i32
        %parallel_loop3A_1175 = arith.addi %parallel_loop3A_282, %parallel_loop3A_1174 : i32
        %parallel_loop3A_1176 = arith.index_cast %parallel_loop3A_1175 : i32 to index
        %parallel_loop3A_1177 = arith.constant 96 : index
        %parallel_loop3A_1178 = tpu.vector_load %arg7[%parallel_loop3A_1176, %parallel_loop3A_1177] {strides = array<i32>} : memref<320x128xf32, #tpu.memory_space<vmem>>, vector<1x16xf32>,
        %parallel_loop3A_1179 = vector.shape_cast %parallel_loop3A_1178 : vector<1x16xf32> to vector<16xf32>
        %parallel_loop3A_1180 = arith.addf %parallel_loop3A_1173, %parallel_loop3A_1179 : vector<16xf32>
        %parallel_loop3A_1181 = arith.constant 7 : i32
        %parallel_loop3A_1182 = arith.addi %parallel_loop3A_282, %parallel_loop3A_1181 : i32
        %parallel_loop3A_1183 = arith.index_cast %parallel_loop3A_1182 : i32 to index
        %parallel_loop3A_1184 = arith.constant 96 : index
        %parallel_loop3A_1185 = tpu.vector_load %arg7[%parallel_loop3A_1183, %parallel_loop3A_1184] {strides = array<i32>} : memref<320x128xf32, #tpu.memory_space<vmem>>, vector<1x16xf32>,
        %parallel_loop3A_1186 = vector.shape_cast %parallel_loop3A_1185 : vector<1x16xf32> to vector<16xf32>
        %parallel_loop3A_1187 = arith.addf %parallel_loop3A_1180, %parallel_loop3A_1186 : vector<16xf32>
        %parallel_loop3A_1188 = arith.constant 8 : i32
        %parallel_loop3A_1189 = arith.addi %parallel_loop3A_282, %parallel_loop3A_1188 : i32
        %parallel_loop3A_1190 = arith.index_cast %parallel_loop3A_1189 : i32 to index
        %parallel_loop3A_1191 = arith.constant 96 : index
        %parallel_loop3A_1192 = tpu.vector_load %arg7[%parallel_loop3A_1190, %parallel_loop3A_1191] {strides = array<i32>} : memref<320x128xf32, #tpu.memory_space<vmem>>, vector<1x16xf32>,
        %parallel_loop3A_1193 = vector.shape_cast %parallel_loop3A_1192 : vector<1x16xf32> to vector<16xf32>
        %parallel_loop3A_1194 = arith.addf %parallel_loop3A_1187, %parallel_loop3A_1193 : vector<16xf32>
        %parallel_loop3A_1195 = arith.constant 9 : i32
        %parallel_loop3A_1196 = arith.addi %parallel_loop3A_282, %parallel_loop3A_1195 : i32
        %parallel_loop3A_1197 = arith.index_cast %parallel_loop3A_1196 : i32 to index
        %parallel_loop3A_1198 = arith.constant 96 : index
        %parallel_loop3A_1199 = tpu.vector_load %arg7[%parallel_loop3A_1197, %parallel_loop3A_1198] {strides = array<i32>} : memref<320x128xf32, #tpu.memory_space<vmem>>, vector<1x16xf32>,
        %parallel_loop3A_1200 = vector.shape_cast %parallel_loop3A_1199 : vector<1x16xf32> to vector<16xf32>
        %parallel_loop3A_1201 = arith.addf %parallel_loop3A_1194, %parallel_loop3A_1200 : vector<16xf32>
        %parallel_loop3A_1202 = arith.constant 10 : i32
        %parallel_loop3A_1203 = arith.addi %parallel_loop3A_282, %parallel_loop3A_1202 : i32
        %parallel_loop3A_1204 = arith.index_cast %parallel_loop3A_1203 : i32 to index
        %parallel_loop3A_1205 = arith.constant 96 : index
        %parallel_loop3A_1206 = tpu.vector_load %arg7[%parallel_loop3A_1204, %parallel_loop3A_1205] {strides = array<i32>} : memref<320x128xf32, #tpu.memory_space<vmem>>, vector<1x16xf32>,
        %parallel_loop3A_1207 = vector.shape_cast %parallel_loop3A_1206 : vector<1x16xf32> to vector<16xf32>
        %parallel_loop3A_1208 = arith.addf %parallel_loop3A_1201, %parallel_loop3A_1207 : vector<16xf32>
        %parallel_loop3A_1209 = arith.constant 11 : i32
        %parallel_loop3A_1210 = arith.addi %parallel_loop3A_282, %parallel_loop3A_1209 : i32
        %parallel_loop3A_1211 = arith.index_cast %parallel_loop3A_1210 : i32 to index
        %parallel_loop3A_1212 = arith.constant 96 : index
        %parallel_loop3A_1213 = tpu.vector_load %arg7[%parallel_loop3A_1211, %parallel_loop3A_1212] {strides = array<i32>} : memref<320x128xf32, #tpu.memory_space<vmem>>, vector<1x16xf32>,
        %parallel_loop3A_1214 = vector.shape_cast %parallel_loop3A_1213 : vector<1x16xf32> to vector<16xf32>
        %parallel_loop3A_1215 = arith.addf %parallel_loop3A_1208, %parallel_loop3A_1214 : vector<16xf32>
        %parallel_loop3A_1216 = arith.constant 12 : i32
        %parallel_loop3A_1217 = arith.addi %parallel_loop3A_282, %parallel_loop3A_1216 : i32
        %parallel_loop3A_1218 = arith.index_cast %parallel_loop3A_1217 : i32 to index
        %parallel_loop3A_1219 = arith.constant 96 : index
        %parallel_loop3A_1220 = tpu.vector_load %arg7[%parallel_loop3A_1218, %parallel_loop3A_1219] {strides = array<i32>} : memref<320x128xf32, #tpu.memory_space<vmem>>, vector<1x16xf32>,
        %parallel_loop3A_1221 = vector.shape_cast %parallel_loop3A_1220 : vector<1x16xf32> to vector<16xf32>
        %parallel_loop3A_1222 = arith.addf %parallel_loop3A_1215, %parallel_loop3A_1221 : vector<16xf32>
        %parallel_loop3A_1223 = arith.constant 13 : i32
        %parallel_loop3A_1224 = arith.addi %parallel_loop3A_282, %parallel_loop3A_1223 : i32
        %parallel_loop3A_1225 = arith.index_cast %parallel_loop3A_1224 : i32 to index
        %parallel_loop3A_1226 = arith.constant 96 : index
        %parallel_loop3A_1227 = tpu.vector_load %arg7[%parallel_loop3A_1225, %parallel_loop3A_1226] {strides = array<i32>} : memref<320x128xf32, #tpu.memory_space<vmem>>, vector<1x16xf32>,
        %parallel_loop3A_1228 = vector.shape_cast %parallel_loop3A_1227 : vector<1x16xf32> to vector<16xf32>
        %parallel_loop3A_1229 = arith.addf %parallel_loop3A_1222, %parallel_loop3A_1228 : vector<16xf32>
        %parallel_loop3A_1230 = arith.constant 14 : i32
        %parallel_loop3A_1231 = arith.addi %parallel_loop3A_282, %parallel_loop3A_1230 : i32
        %parallel_loop3A_1232 = arith.index_cast %parallel_loop3A_1231 : i32 to index
        %parallel_loop3A_1233 = arith.constant 96 : index
        %parallel_loop3A_1234 = tpu.vector_load %arg7[%parallel_loop3A_1232, %parallel_loop3A_1233] {strides = array<i32>} : memref<320x128xf32, #tpu.memory_space<vmem>>, vector<1x16xf32>,
        %parallel_loop3A_1235 = vector.shape_cast %parallel_loop3A_1234 : vector<1x16xf32> to vector<16xf32>
        %parallel_loop3A_1236 = arith.addf %parallel_loop3A_1229, %parallel_loop3A_1235 : vector<16xf32>
        %parallel_loop3A_1237 = arith.constant 15 : i32
        %parallel_loop3A_1238 = arith.addi %parallel_loop3A_282, %parallel_loop3A_1237 : i32
        %parallel_loop3A_1239 = arith.index_cast %parallel_loop3A_1238 : i32 to index
        %parallel_loop3A_1240 = arith.constant 96 : index
        %parallel_loop3A_1241 = tpu.vector_load %arg7[%parallel_loop3A_1239, %parallel_loop3A_1240] {strides = array<i32>} : memref<320x128xf32, #tpu.memory_space<vmem>>, vector<1x16xf32>,
        %parallel_loop3A_1242 = vector.shape_cast %parallel_loop3A_1241 : vector<1x16xf32> to vector<16xf32>
        %parallel_loop3A_1243 = arith.addf %parallel_loop3A_1236, %parallel_loop3A_1242 : vector<16xf32>
        %parallel_loop3A_1244 = arith.constant 16 : i32
        %parallel_loop3A_1245 = arith.addi %parallel_loop3A_282, %parallel_loop3A_1244 : i32
        %parallel_loop3A_1246 = arith.index_cast %parallel_loop3A_1245 : i32 to index
        %parallel_loop3A_1247 = arith.constant 96 : index
        %parallel_loop3A_1248 = tpu.vector_load %arg7[%parallel_loop3A_1246, %parallel_loop3A_1247] {strides = array<i32>} : memref<320x128xf32, #tpu.memory_space<vmem>>, vector<1x16xf32>,
        %parallel_loop3A_1249 = vector.shape_cast %parallel_loop3A_1248 : vector<1x16xf32> to vector<16xf32>
        %parallel_loop3A_1250 = arith.addf %parallel_loop3A_1243, %parallel_loop3A_1249 : vector<16xf32>
        %parallel_loop3A_1251 = arith.constant 17 : i32
        %parallel_loop3A_1252 = arith.addi %parallel_loop3A_282, %parallel_loop3A_1251 : i32
        %parallel_loop3A_1253 = arith.index_cast %parallel_loop3A_1252 : i32 to index
        %parallel_loop3A_1254 = arith.constant 96 : index
        %parallel_loop3A_1255 = tpu.vector_load %arg7[%parallel_loop3A_1253, %parallel_loop3A_1254] {strides = array<i32>} : memref<320x128xf32, #tpu.memory_space<vmem>>, vector<1x16xf32>,
        %parallel_loop3A_1256 = vector.shape_cast %parallel_loop3A_1255 : vector<1x16xf32> to vector<16xf32>
        %parallel_loop3A_1257 = arith.addf %parallel_loop3A_1250, %parallel_loop3A_1256 : vector<16xf32>
        %parallel_loop3A_1258 = arith.constant 18 : i32
        %parallel_loop3A_1259 = arith.addi %parallel_loop3A_282, %parallel_loop3A_1258 : i32
        %parallel_loop3A_1260 = arith.index_cast %parallel_loop3A_1259 : i32 to index
        %parallel_loop3A_1261 = arith.constant 96 : index
        %parallel_loop3A_1262 = tpu.vector_load %arg7[%parallel_loop3A_1260, %parallel_loop3A_1261] {strides = array<i32>} : memref<320x128xf32, #tpu.memory_space<vmem>>, vector<1x16xf32>,
        %parallel_loop3A_1263 = vector.shape_cast %parallel_loop3A_1262 : vector<1x16xf32> to vector<16xf32>
        %parallel_loop3A_1264 = arith.addf %parallel_loop3A_1257, %parallel_loop3A_1263 : vector<16xf32>
        %parallel_loop3A_1265 = arith.constant 19 : i32
        %parallel_loop3A_1266 = arith.addi %parallel_loop3A_282, %parallel_loop3A_1265 : i32
        %parallel_loop3A_1267 = arith.index_cast %parallel_loop3A_1266 : i32 to index
        %parallel_loop3A_1268 = arith.constant 96 : index
        %parallel_loop3A_1269 = tpu.vector_load %arg7[%parallel_loop3A_1267, %parallel_loop3A_1268] {strides = array<i32>} : memref<320x128xf32, #tpu.memory_space<vmem>>, vector<1x16xf32>,
        %parallel_loop3A_1270 = vector.shape_cast %parallel_loop3A_1269 : vector<1x16xf32> to vector<16xf32>
        %parallel_loop3A_1271 = arith.addf %parallel_loop3A_1264, %parallel_loop3A_1270 : vector<16xf32>
        %parallel_loop3A_1272 = arith.index_cast %parallel_loop3A_280 : i32 to index
        %parallel_loop3A_1273 = arith.constant 96 : index
        %parallel_loop3A_1274 = tpu.vector_load %arg9[%parallel_loop3A_1272, %parallel_loop3A_1273] {strides = array<i32>} : memref<16x128xf32, #tpu.memory_space<vmem>>, vector<1x16xf32>,
        %parallel_loop3A_1275 = vector.shape_cast %parallel_loop3A_1274 : vector<1x16xf32> to vector<16xf32>
        %parallel_loop3A_1276 = vector.shape_cast %parallel_loop3A_1271 : vector<16xf32> to vector<1x16xf32>
        tpu.vector_store %arg9[%parallel_loop3A_1272, %parallel_loop3A_1273], %parallel_loop3A_1276 {strides = array<i32>} : memref<16x128xf32, #tpu.memory_space<vmem>>, vector<1x16xf32>,
        %parallel_loop3A_1277 = arith.index_cast %parallel_loop3A_282 : i32 to index
        %parallel_loop3A_1278 = arith.constant 112 : index
        %parallel_loop3A_1279 = tpu.vector_load %arg7[%parallel_loop3A_1277, %parallel_loop3A_1278] {strides = array<i32>} : memref<320x128xf32, #tpu.memory_space<vmem>>, vector<1x16xf32>,
        %parallel_loop3A_1280 = vector.shape_cast %parallel_loop3A_1279 : vector<1x16xf32> to vector<16xf32>
        %parallel_loop3A_1281 = arith.constant 1 : i32
        %parallel_loop3A_1282 = arith.addi %parallel_loop3A_282, %parallel_loop3A_1281 : i32
        %parallel_loop3A_1283 = arith.index_cast %parallel_loop3A_1282 : i32 to index
        %parallel_loop3A_1284 = arith.constant 112 : index
        %parallel_loop3A_1285 = tpu.vector_load %arg7[%parallel_loop3A_1283, %parallel_loop3A_1284] {strides = array<i32>} : memref<320x128xf32, #tpu.memory_space<vmem>>, vector<1x16xf32>,
        %parallel_loop3A_1286 = vector.shape_cast %parallel_loop3A_1285 : vector<1x16xf32> to vector<16xf32>
        %parallel_loop3A_1287 = arith.addf %parallel_loop3A_1280, %parallel_loop3A_1286 : vector<16xf32>
        %parallel_loop3A_1288 = arith.constant 2 : i32
        %parallel_loop3A_1289 = arith.addi %parallel_loop3A_282, %parallel_loop3A_1288 : i32
        %parallel_loop3A_1290 = arith.index_cast %parallel_loop3A_1289 : i32 to index
        %parallel_loop3A_1291 = arith.constant 112 : index
        %parallel_loop3A_1292 = tpu.vector_load %arg7[%parallel_loop3A_1290, %parallel_loop3A_1291] {strides = array<i32>} : memref<320x128xf32, #tpu.memory_space<vmem>>, vector<1x16xf32>,
        %parallel_loop3A_1293 = vector.shape_cast %parallel_loop3A_1292 : vector<1x16xf32> to vector<16xf32>
        %parallel_loop3A_1294 = arith.addf %parallel_loop3A_1287, %parallel_loop3A_1293 : vector<16xf32>
        %parallel_loop3A_1295 = arith.constant 3 : i32
        %parallel_loop3A_1296 = arith.addi %parallel_loop3A_282, %parallel_loop3A_1295 : i32
        %parallel_loop3A_1297 = arith.index_cast %parallel_loop3A_1296 : i32 to index
        %parallel_loop3A_1298 = arith.constant 112 : index
        %parallel_loop3A_1299 = tpu.vector_load %arg7[%parallel_loop3A_1297, %parallel_loop3A_1298] {strides = array<i32>} : memref<320x128xf32, #tpu.memory_space<vmem>>, vector<1x16xf32>,
        %parallel_loop3A_1300 = vector.shape_cast %parallel_loop3A_1299 : vector<1x16xf32> to vector<16xf32>
        %parallel_loop3A_1301 = arith.addf %parallel_loop3A_1294, %parallel_loop3A_1300 : vector<16xf32>
        %parallel_loop3A_1302 = arith.constant 4 : i32
        %parallel_loop3A_1303 = arith.addi %parallel_loop3A_282, %parallel_loop3A_1302 : i32
        %parallel_loop3A_1304 = arith.index_cast %parallel_loop3A_1303 : i32 to index
        %parallel_loop3A_1305 = arith.constant 112 : index
        %parallel_loop3A_1306 = tpu.vector_load %arg7[%parallel_loop3A_1304, %parallel_loop3A_1305] {strides = array<i32>} : memref<320x128xf32, #tpu.memory_space<vmem>>, vector<1x16xf32>,
        %parallel_loop3A_1307 = vector.shape_cast %parallel_loop3A_1306 : vector<1x16xf32> to vector<16xf32>
        %parallel_loop3A_1308 = arith.addf %parallel_loop3A_1301, %parallel_loop3A_1307 : vector<16xf32>
        %parallel_loop3A_1309 = arith.constant 5 : i32
        %parallel_loop3A_1310 = arith.addi %parallel_loop3A_282, %parallel_loop3A_1309 : i32
        %parallel_loop3A_1311 = arith.index_cast %parallel_loop3A_1310 : i32 to index
        %parallel_loop3A_1312 = arith.constant 112 : index
        %parallel_loop3A_1313 = tpu.vector_load %arg7[%parallel_loop3A_1311, %parallel_loop3A_1312] {strides = array<i32>} : memref<320x128xf32, #tpu.memory_space<vmem>>, vector<1x16xf32>,
        %parallel_loop3A_1314 = vector.shape_cast %parallel_loop3A_1313 : vector<1x16xf32> to vector<16xf32>
        %parallel_loop3A_1315 = arith.addf %parallel_loop3A_1308, %parallel_loop3A_1314 : vector<16xf32>
        %parallel_loop3A_1316 = arith.constant 6 : i32
        %parallel_loop3A_1317 = arith.addi %parallel_loop3A_282, %parallel_loop3A_1316 : i32
        %parallel_loop3A_1318 = arith.index_cast %parallel_loop3A_1317 : i32 to index
        %parallel_loop3A_1319 = arith.constant 112 : index
        %parallel_loop3A_1320 = tpu.vector_load %arg7[%parallel_loop3A_1318, %parallel_loop3A_1319] {strides = array<i32>} : memref<320x128xf32, #tpu.memory_space<vmem>>, vector<1x16xf32>,
        %parallel_loop3A_1321 = vector.shape_cast %parallel_loop3A_1320 : vector<1x16xf32> to vector<16xf32>
        %parallel_loop3A_1322 = arith.addf %parallel_loop3A_1315, %parallel_loop3A_1321 : vector<16xf32>
        %parallel_loop3A_1323 = arith.constant 7 : i32
        %parallel_loop3A_1324 = arith.addi %parallel_loop3A_282, %parallel_loop3A_1323 : i32
        %parallel_loop3A_1325 = arith.index_cast %parallel_loop3A_1324 : i32 to index
        %parallel_loop3A_1326 = arith.constant 112 : index
        %parallel_loop3A_1327 = tpu.vector_load %arg7[%parallel_loop3A_1325, %parallel_loop3A_1326] {strides = array<i32>} : memref<320x128xf32, #tpu.memory_space<vmem>>, vector<1x16xf32>,
        %parallel_loop3A_1328 = vector.shape_cast %parallel_loop3A_1327 : vector<1x16xf32> to vector<16xf32>
        %parallel_loop3A_1329 = arith.addf %parallel_loop3A_1322, %parallel_loop3A_1328 : vector<16xf32>
        %parallel_loop3A_1330 = arith.constant 8 : i32
        %parallel_loop3A_1331 = arith.addi %parallel_loop3A_282, %parallel_loop3A_1330 : i32
        %parallel_loop3A_1332 = arith.index_cast %parallel_loop3A_1331 : i32 to index
        %parallel_loop3A_1333 = arith.constant 112 : index
        %parallel_loop3A_1334 = tpu.vector_load %arg7[%parallel_loop3A_1332, %parallel_loop3A_1333] {strides = array<i32>} : memref<320x128xf32, #tpu.memory_space<vmem>>, vector<1x16xf32>,
        %parallel_loop3A_1335 = vector.shape_cast %parallel_loop3A_1334 : vector<1x16xf32> to vector<16xf32>
        %parallel_loop3A_1336 = arith.addf %parallel_loop3A_1329, %parallel_loop3A_1335 : vector<16xf32>
        %parallel_loop3A_1337 = arith.constant 9 : i32
        %parallel_loop3A_1338 = arith.addi %parallel_loop3A_282, %parallel_loop3A_1337 : i32
        %parallel_loop3A_1339 = arith.index_cast %parallel_loop3A_1338 : i32 to index
        %parallel_loop3A_1340 = arith.constant 112 : index
        %parallel_loop3A_1341 = tpu.vector_load %arg7[%parallel_loop3A_1339, %parallel_loop3A_1340] {strides = array<i32>} : memref<320x128xf32, #tpu.memory_space<vmem>>, vector<1x16xf32>,
        %parallel_loop3A_1342 = vector.shape_cast %parallel_loop3A_1341 : vector<1x16xf32> to vector<16xf32>
        %parallel_loop3A_1343 = arith.addf %parallel_loop3A_1336, %parallel_loop3A_1342 : vector<16xf32>
        %parallel_loop3A_1344 = arith.constant 10 : i32
        %parallel_loop3A_1345 = arith.addi %parallel_loop3A_282, %parallel_loop3A_1344 : i32
        %parallel_loop3A_1346 = arith.index_cast %parallel_loop3A_1345 : i32 to index
        %parallel_loop3A_1347 = arith.constant 112 : index
        %parallel_loop3A_1348 = tpu.vector_load %arg7[%parallel_loop3A_1346, %parallel_loop3A_1347] {strides = array<i32>} : memref<320x128xf32, #tpu.memory_space<vmem>>, vector<1x16xf32>,
        %parallel_loop3A_1349 = vector.shape_cast %parallel_loop3A_1348 : vector<1x16xf32> to vector<16xf32>
        %parallel_loop3A_1350 = arith.addf %parallel_loop3A_1343, %parallel_loop3A_1349 : vector<16xf32>
        %parallel_loop3A_1351 = arith.constant 11 : i32
        %parallel_loop3A_1352 = arith.addi %parallel_loop3A_282, %parallel_loop3A_1351 : i32
        %parallel_loop3A_1353 = arith.index_cast %parallel_loop3A_1352 : i32 to index
        %parallel_loop3A_1354 = arith.constant 112 : index
        %parallel_loop3A_1355 = tpu.vector_load %arg7[%parallel_loop3A_1353, %parallel_loop3A_1354] {strides = array<i32>} : memref<320x128xf32, #tpu.memory_space<vmem>>, vector<1x16xf32>,
        %parallel_loop3A_1356 = vector.shape_cast %parallel_loop3A_1355 : vector<1x16xf32> to vector<16xf32>
        %parallel_loop3A_1357 = arith.addf %parallel_loop3A_1350, %parallel_loop3A_1356 : vector<16xf32>
        %parallel_loop3A_1358 = arith.constant 12 : i32
        %parallel_loop3A_1359 = arith.addi %parallel_loop3A_282, %parallel_loop3A_1358 : i32
        %parallel_loop3A_1360 = arith.index_cast %parallel_loop3A_1359 : i32 to index
        %parallel_loop3A_1361 = arith.constant 112 : index
        %parallel_loop3A_1362 = tpu.vector_load %arg7[%parallel_loop3A_1360, %parallel_loop3A_1361] {strides = array<i32>} : memref<320x128xf32, #tpu.memory_space<vmem>>, vector<1x16xf32>,
        %parallel_loop3A_1363 = vector.shape_cast %parallel_loop3A_1362 : vector<1x16xf32> to vector<16xf32>
        %parallel_loop3A_1364 = arith.addf %parallel_loop3A_1357, %parallel_loop3A_1363 : vector<16xf32>
        %parallel_loop3A_1365 = arith.constant 13 : i32
        %parallel_loop3A_1366 = arith.addi %parallel_loop3A_282, %parallel_loop3A_1365 : i32
        %parallel_loop3A_1367 = arith.index_cast %parallel_loop3A_1366 : i32 to index
        %parallel_loop3A_1368 = arith.constant 112 : index
        %parallel_loop3A_1369 = tpu.vector_load %arg7[%parallel_loop3A_1367, %parallel_loop3A_1368] {strides = array<i32>} : memref<320x128xf32, #tpu.memory_space<vmem>>, vector<1x16xf32>,
        %parallel_loop3A_1370 = vector.shape_cast %parallel_loop3A_1369 : vector<1x16xf32> to vector<16xf32>
        %parallel_loop3A_1371 = arith.addf %parallel_loop3A_1364, %parallel_loop3A_1370 : vector<16xf32>
        %parallel_loop3A_1372 = arith.constant 14 : i32
        %parallel_loop3A_1373 = arith.addi %parallel_loop3A_282, %parallel_loop3A_1372 : i32
        %parallel_loop3A_1374 = arith.index_cast %parallel_loop3A_1373 : i32 to index
        %parallel_loop3A_1375 = arith.constant 112 : index
        %parallel_loop3A_1376 = tpu.vector_load %arg7[%parallel_loop3A_1374, %parallel_loop3A_1375] {strides = array<i32>} : memref<320x128xf32, #tpu.memory_space<vmem>>, vector<1x16xf32>,
        %parallel_loop3A_1377 = vector.shape_cast %parallel_loop3A_1376 : vector<1x16xf32> to vector<16xf32>
        %parallel_loop3A_1378 = arith.addf %parallel_loop3A_1371, %parallel_loop3A_1377 : vector<16xf32>
        %parallel_loop3A_1379 = arith.constant 15 : i32
        %parallel_loop3A_1380 = arith.addi %parallel_loop3A_282, %parallel_loop3A_1379 : i32
        %parallel_loop3A_1381 = arith.index_cast %parallel_loop3A_1380 : i32 to index
        %parallel_loop3A_1382 = arith.constant 112 : index
        %parallel_loop3A_1383 = tpu.vector_load %arg7[%parallel_loop3A_1381, %parallel_loop3A_1382] {strides = array<i32>} : memref<320x128xf32, #tpu.memory_space<vmem>>, vector<1x16xf32>,
        %parallel_loop3A_1384 = vector.shape_cast %parallel_loop3A_1383 : vector<1x16xf32> to vector<16xf32>
        %parallel_loop3A_1385 = arith.addf %parallel_loop3A_1378, %parallel_loop3A_1384 : vector<16xf32>
        %parallel_loop3A_1386 = arith.constant 16 : i32
        %parallel_loop3A_1387 = arith.addi %parallel_loop3A_282, %parallel_loop3A_1386 : i32
        %parallel_loop3A_1388 = arith.index_cast %parallel_loop3A_1387 : i32 to index
        %parallel_loop3A_1389 = arith.constant 112 : index
        %parallel_loop3A_1390 = tpu.vector_load %arg7[%parallel_loop3A_1388, %parallel_loop3A_1389] {strides = array<i32>} : memref<320x128xf32, #tpu.memory_space<vmem>>, vector<1x16xf32>,
        %parallel_loop3A_1391 = vector.shape_cast %parallel_loop3A_1390 : vector<1x16xf32> to vector<16xf32>
        %parallel_loop3A_1392 = arith.addf %parallel_loop3A_1385, %parallel_loop3A_1391 : vector<16xf32>
        %parallel_loop3A_1393 = arith.constant 17 : i32
        %parallel_loop3A_1394 = arith.addi %parallel_loop3A_282, %parallel_loop3A_1393 : i32
        %parallel_loop3A_1395 = arith.index_cast %parallel_loop3A_1394 : i32 to index
        %parallel_loop3A_1396 = arith.constant 112 : index
        %parallel_loop3A_1397 = tpu.vector_load %arg7[%parallel_loop3A_1395, %parallel_loop3A_1396] {strides = array<i32>} : memref<320x128xf32, #tpu.memory_space<vmem>>, vector<1x16xf32>,
        %parallel_loop3A_1398 = vector.shape_cast %parallel_loop3A_1397 : vector<1x16xf32> to vector<16xf32>
        %parallel_loop3A_1399 = arith.addf %parallel_loop3A_1392, %parallel_loop3A_1398 : vector<16xf32>
        %parallel_loop3A_1400 = arith.constant 18 : i32
        %parallel_loop3A_1401 = arith.addi %parallel_loop3A_282, %parallel_loop3A_1400 : i32
        %parallel_loop3A_1402 = arith.index_cast %parallel_loop3A_1401 : i32 to index
        %parallel_loop3A_1403 = arith.constant 112 : index
        %parallel_loop3A_1404 = tpu.vector_load %arg7[%parallel_loop3A_1402, %parallel_loop3A_1403] {strides = array<i32>} : memref<320x128xf32, #tpu.memory_space<vmem>>, vector<1x16xf32>,
        %parallel_loop3A_1405 = vector.shape_cast %parallel_loop3A_1404 : vector<1x16xf32> to vector<16xf32>
        %parallel_loop3A_1406 = arith.addf %parallel_loop3A_1399, %parallel_loop3A_1405 : vector<16xf32>
        %parallel_loop3A_1407 = arith.constant 19 : i32
        %parallel_loop3A_1408 = arith.addi %parallel_loop3A_282, %parallel_loop3A_1407 : i32
        %parallel_loop3A_1409 = arith.index_cast %parallel_loop3A_1408 : i32 to index
        %parallel_loop3A_1410 = arith.constant 112 : index
        %parallel_loop3A_1411 = tpu.vector_load %arg7[%parallel_loop3A_1409, %parallel_loop3A_1410] {strides = array<i32>} : memref<320x128xf32, #tpu.memory_space<vmem>>, vector<1x16xf32>,
        %parallel_loop3A_1412 = vector.shape_cast %parallel_loop3A_1411 : vector<1x16xf32> to vector<16xf32>
        %parallel_loop3A_1413 = arith.addf %parallel_loop3A_1406, %parallel_loop3A_1412 : vector<16xf32>
        %parallel_loop3A_1414 = arith.index_cast %parallel_loop3A_280 : i32 to index
        %parallel_loop3A_1415 = arith.constant 112 : index
        %parallel_loop3A_1416 = tpu.vector_load %arg9[%parallel_loop3A_1414, %parallel_loop3A_1415] {strides = array<i32>} : memref<16x128xf32, #tpu.memory_space<vmem>>, vector<1x16xf32>,
        %parallel_loop3A_1417 = vector.shape_cast %parallel_loop3A_1416 : vector<1x16xf32> to vector<16xf32>
        %parallel_loop3A_1418 = vector.shape_cast %parallel_loop3A_1413 : vector<16xf32> to vector<1x16xf32>
        tpu.vector_store %arg9[%parallel_loop3A_1414, %parallel_loop3A_1415], %parallel_loop3A_1418 {strides = array<i32>} : memref<16x128xf32, #tpu.memory_space<vmem>>, vector<1x16xf32>,
      } {sc.loop_unroll_factor = 1 : i64, sc.parallel_access}
      %mul3A_268 = arith.constant 16 : i32
      %mul3A_269 = arith.muli %add3A_259, %mul3A_268 : i32
      %add3A_270 = arith.addi %mul3A_2, %mul3A_269 : i32
      %dma_start3A_271 = arith.constant 0 : i32
      %dma_start3A_272 = tpu.memref_slice %arg4[%add3A_270, %dma_start3A_271] : memref<16384x128xf32, #tpu.memory_space<hbm>> -> memref<16x128xf32, #tpu.memory_space<hbm>>
      %dma_start3A_273 = arith.constant 0 : i32
      %dma_start3A_274 = tpu.memref_slice %arg4[%add3A_270, %dma_start3A_273] : memref<16384x128xf32, #tpu.memory_space<hbm>> -> memref<16x128xf32, #tpu.memory_space<hbm>>
      tpu.enqueue_dma source(%arg9 : memref<16x128xf32, #tpu.memory_space<vmem>>) target(%dma_start3A_274 : memref<16x128xf32, #tpu.memory_space<hbm>>) target_semaphore(%arg13 : memref<!tpu.dma_semaphore, #tpu.memory_space<semaphore_mem>>)
      %lt3A_275 = arith.constant 15 : i32
      %lt3A_276 = arith.cmpi slt, %scan3A_120, %lt3A_275 : i32
      %convert_element_type3A_277 = arith.extui %lt3A_276 : i1 to i32
      %cond3A_278 = arith.constant 0 : i32
      %cond3A_279 = arith.cmpi ne, %convert_element_type3A_277, %cond3A_278 : i32
      scf.if %cond3A_279 {
        %add3A_280 = arith.constant 3 : i32
        %add3A_281 = arith.addi %mul3A_122, %add3A_280 : i32
        %mul3A_282 = arith.constant 5 : i32
        %mul3A_283 = arith.muli %add3A_281, %mul3A_282 : i32
        %add3A_284 = arith.constant 0 : i32
        %add3A_285 = arith.addi %mul3A_283, %add3A_284 : i32
        %dma_start3A_286 = arith.constant 0 : i32
        %dma_start3A_287 = arith.constant 0 : i32
        %dma_start3A_288 = tpu.memref_slice %arg7[%dma_start3A_286, %dma_start3A_287] : memref<320x128xf32, #tpu.memory_space<vmem>> -> memref<64x128xf32, #tpu.memory_space<vmem>>
        %dma_start3A_289 = arith.constant 0 : i32
        %dma_start3A_290 = tpu.memref_slice %arg5[%add3A_285, %dma_start3A_289] : memref<160x64xi32, #tpu.memory_space<vmem>> -> memref<1x64xi32, #tpu.memory_space<vmem>>
        %dma_start3A_291 = tpu.memref_squeeze %dma_start3A_290 : memref<1x64xi32, #tpu.memory_space<vmem>> -> memref<64xi32, #tpu.memory_space<vmem>>
        %dma_start3A_292 = arith.constant 0 : i32
        %dma_start3A_293 = arith.constant 0 : i32
        %dma_start3A_294 = tpu.memref_slice %arg3[%dma_start3A_292, %dma_start3A_293] : memref<100000x128xf32, #tpu.memory_space<hbm>> -> memref<100000x128xf32, #tpu.memory_space<hbm>>
        tpu.enqueue_indirect_dma source(%dma_start3A_294 : memref<100000x128xf32, #tpu.memory_space<hbm>>) target(%dma_start3A_288 : memref<64x128xf32, #tpu.memory_space<vmem>>) offsets(%dma_start3A_291 : memref<64xi32, #tpu.memory_space<vmem>>) semaphore(%arg11 : memref<!tpu.dma_semaphore, #tpu.memory_space<semaphore_mem>>)
        %mul3A_295 = arith.constant 5 : i32
        %mul3A_296 = arith.muli %add3A_281, %mul3A_295 : i32
        %add3A_297 = arith.constant 1 : i32
        %add3A_298 = arith.addi %mul3A_296, %add3A_297 : i32
        %dma_start3A_299 = arith.constant 64 : i32
        %dma_start3A_300 = arith.constant 0 : i32
        %dma_start3A_301 = tpu.memref_slice %arg7[%dma_start3A_299, %dma_start3A_300] : memref<320x128xf32, #tpu.memory_space<vmem>> -> memref<64x128xf32, #tpu.memory_space<vmem>>
        %dma_start3A_302 = arith.constant 0 : i32
        %dma_start3A_303 = tpu.memref_slice %arg5[%add3A_298, %dma_start3A_302] : memref<160x64xi32, #tpu.memory_space<vmem>> -> memref<1x64xi32, #tpu.memory_space<vmem>>
        %dma_start3A_304 = tpu.memref_squeeze %dma_start3A_303 : memref<1x64xi32, #tpu.memory_space<vmem>> -> memref<64xi32, #tpu.memory_space<vmem>>
        %dma_start3A_305 = arith.constant 0 : i32
        %dma_start3A_306 = arith.constant 0 : i32
        %dma_start3A_307 = tpu.memref_slice %arg3[%dma_start3A_305, %dma_start3A_306] : memref<100000x128xf32, #tpu.memory_space<hbm>> -> memref<100000x128xf32, #tpu.memory_space<hbm>>
        tpu.enqueue_indirect_dma source(%dma_start3A_307 : memref<100000x128xf32, #tpu.memory_space<hbm>>) target(%dma_start3A_301 : memref<64x128xf32, #tpu.memory_space<vmem>>) offsets(%dma_start3A_304 : memref<64xi32, #tpu.memory_space<vmem>>) semaphore(%arg11 : memref<!tpu.dma_semaphore, #tpu.memory_space<semaphore_mem>>)
        %mul3A_308 = arith.constant 5 : i32
        %mul3A_309 = arith.muli %add3A_281, %mul3A_308 : i32
        %add3A_310 = arith.constant 2 : i32
        %add3A_311 = arith.addi %mul3A_309, %add3A_310 : i32
        %dma_start3A_312 = arith.constant 128 : i32
        %dma_start3A_313 = arith.constant 0 : i32
        %dma_start3A_314 = tpu.memref_slice %arg7[%dma_start3A_312, %dma_start3A_313] : memref<320x128xf32, #tpu.memory_space<vmem>> -> memref<64x128xf32, #tpu.memory_space<vmem>>
        %dma_start3A_315 = arith.constant 0 : i32
        %dma_start3A_316 = tpu.memref_slice %arg5[%add3A_311, %dma_start3A_315] : memref<160x64xi32, #tpu.memory_space<vmem>> -> memref<1x64xi32, #tpu.memory_space<vmem>>
        %dma_start3A_317 = tpu.memref_squeeze %dma_start3A_316 : memref<1x64xi32, #tpu.memory_space<vmem>> -> memref<64xi32, #tpu.memory_space<vmem>>
        %dma_start3A_318 = arith.constant 0 : i32
        %dma_start3A_319 = arith.constant 0 : i32
        %dma_start3A_320 = tpu.memref_slice %arg3[%dma_start3A_318, %dma_start3A_319] : memref<100000x128xf32, #tpu.memory_space<hbm>> -> memref<100000x128xf32, #tpu.memory_space<hbm>>
        tpu.enqueue_indirect_dma source(%dma_start3A_320 : memref<100000x128xf32, #tpu.memory_space<hbm>>) target(%dma_start3A_314 : memref<64x128xf32, #tpu.memory_space<vmem>>) offsets(%dma_start3A_317 : memref<64xi32, #tpu.memory_space<vmem>>) semaphore(%arg11 : memref<!tpu.dma_semaphore, #tpu.memory_space<semaphore_mem>>)
        %mul3A_321 = arith.constant 5 : i32
        %mul3A_322 = arith.muli %add3A_281, %mul3A_321 : i32
        %add3A_323 = arith.constant 3 : i32
        %add3A_324 = arith.addi %mul3A_322, %add3A_323 : i32
        %dma_start3A_325 = arith.constant 192 : i32
        %dma_start3A_326 = arith.constant 0 : i32
        %dma_start3A_327 = tpu.memref_slice %arg7[%dma_start3A_325, %dma_start3A_326] : memref<320x128xf32, #tpu.memory_space<vmem>> -> memref<64x128xf32, #tpu.memory_space<vmem>>
        %dma_start3A_328 = arith.constant 0 : i32
        %dma_start3A_329 = tpu.memref_slice %arg5[%add3A_324, %dma_start3A_328] : memref<160x64xi32, #tpu.memory_space<vmem>> -> memref<1x64xi32, #tpu.memory_space<vmem>>
        %dma_start3A_330 = tpu.memref_squeeze %dma_start3A_329 : memref<1x64xi32, #tpu.memory_space<vmem>> -> memref<64xi32, #tpu.memory_space<vmem>>
        %dma_start3A_331 = arith.constant 0 : i32
        %dma_start3A_332 = arith.constant 0 : i32
        %dma_start3A_333 = tpu.memref_slice %arg3[%dma_start3A_331, %dma_start3A_332] : memref<100000x128xf32, #tpu.memory_space<hbm>> -> memref<100000x128xf32, #tpu.memory_space<hbm>>
        tpu.enqueue_indirect_dma source(%dma_start3A_333 : memref<100000x128xf32, #tpu.memory_space<hbm>>) target(%dma_start3A_327 : memref<64x128xf32, #tpu.memory_space<vmem>>) offsets(%dma_start3A_330 : memref<64xi32, #tpu.memory_space<vmem>>) semaphore(%arg11 : memref<!tpu.dma_semaphore, #tpu.memory_space<semaphore_mem>>)
        %mul3A_334 = arith.constant 5 : i32
        %mul3A_335 = arith.muli %add3A_281, %mul3A_334 : i32
        %add3A_336 = arith.constant 4 : i32
        %add3A_337 = arith.addi %mul3A_335, %add3A_336 : i32
        %dma_start3A_338 = arith.constant 256 : i32
        %dma_start3A_339 = arith.constant 0 : i32
        %dma_start3A_340 = tpu.memref_slice %arg7[%dma_start3A_338, %dma_start3A_339] : memref<320x128xf32, #tpu.memory_space<vmem>> -> memref<64x128xf32, #tpu.memory_space<vmem>>
        %dma_start3A_341 = arith.constant 0 : i32
        %dma_start3A_342 = tpu.memref_slice %arg5[%add3A_337, %dma_start3A_341] : memref<160x64xi32, #tpu.memory_space<vmem>> -> memref<1x64xi32, #tpu.memory_space<vmem>>
        %dma_start3A_343 = tpu.memref_squeeze %dma_start3A_342 : memref<1x64xi32, #tpu.memory_space<vmem>> -> memref<64xi32, #tpu.memory_space<vmem>>
        %dma_start3A_344 = arith.constant 0 : i32
        %dma_start3A_345 = arith.constant 0 : i32
        %dma_start3A_346 = tpu.memref_slice %arg3[%dma_start3A_344, %dma_start3A_345] : memref<100000x128xf32, #tpu.memory_space<hbm>> -> memref<100000x128xf32, #tpu.memory_space<hbm>>
        tpu.enqueue_indirect_dma source(%dma_start3A_346 : memref<100000x128xf32, #tpu.memory_space<hbm>>) target(%dma_start3A_340 : memref<64x128xf32, #tpu.memory_space<vmem>>) offsets(%dma_start3A_343 : memref<64xi32, #tpu.memory_space<vmem>>) semaphore(%arg11 : memref<!tpu.dma_semaphore, #tpu.memory_space<semaphore_mem>>)
      } else {
      }
    }
    %scan3A_108 = arith.constant 16 : i32
    %dma_wait3A = arith.constant 0 : i32
    %dma_wait3A_109 = arith.constant 0 : i32
    %dma_wait3A_110 = tpu.memref_slice %arg4[%dma_wait3A, %dma_wait3A_109] : memref<16384x128xf32, #tpu.memory_space<hbm>> -> memref<16x128xf32, #tpu.memory_space<hbm>>
    %dma_wait3A_111 = arith.constant 0 : i32
    %dma_wait3A_112 = arith.constant 0 : i32
    %dma_wait3A_113 = tpu.memref_slice %arg4[%dma_wait3A_111, %dma_wait3A_112] : memref<16384x128xf32, #tpu.memory_space<hbm>> -> memref<16x128xf32, #tpu.memory_space<hbm>>
    tpu.wait_dma2 semaphore(%arg12 : memref<!tpu.dma_semaphore, #tpu.memory_space<semaphore_mem>>) src(%arg8 : memref<16x128xf32, #tpu.memory_space<vmem>>) dst(%dma_wait3A_113 : memref<16x128xf32, #tpu.memory_space<hbm>>)
    %dma_wait3A_114 = arith.constant 0 : i32
    %dma_wait3A_115 = arith.constant 0 : i32
    %dma_wait3A_116 = tpu.memref_slice %arg4[%dma_wait3A_114, %dma_wait3A_115] : memref<16384x128xf32, #tpu.memory_space<hbm>> -> memref<16x128xf32, #tpu.memory_space<hbm>>
    %dma_wait3A_117 = arith.constant 0 : i32
    %dma_wait3A_118 = arith.constant 0 : i32
    %dma_wait3A_119 = tpu.memref_slice %arg4[%dma_wait3A_117, %dma_wait3A_118] : memref<16384x128xf32, #tpu.memory_space<hbm>> -> memref<16x128xf32, #tpu.memory_space<hbm>>
    tpu.wait_dma2 semaphore(%arg13 : memref<!tpu.dma_semaphore, #tpu.memory_space<semaphore_mem>>) src(%arg9 : memref<16x128xf32, #tpu.memory_space<vmem>>) dst(%dma_wait3A_119 : memref<16x128xf32, #tpu.memory_space<hbm>>)
    return
  }
}

module attributes {stable_mosaic.version = 14 : i64} {
  func.func @_mlp_body(%arg0: i32, %arg1: memref<512x128xf32, #tpu.memory_space<vmem>>, %arg2: memref<1024x128xbf16, #tpu.memory_space<vmem>>, %arg3: memref<1024x1xf32, #tpu.memory_space<vmem>>, %arg4: memref<1000x1024xbf16, #tpu.memory_space<vmem>>, %arg5: memref<1000x1xf32, #tpu.memory_space<vmem>>, %arg6: memref<1000x512xf32, #tpu.memory_space<vmem>>) attributes {dimension_semantics = [#tpu.dimension_semantics<arbitrary>], iteration_bounds = array<i64: 32>, scalar_prefetch = 0 : i64, scratch_operands = 0 : i64, tpu.core_type = #tpu.core_type<tc>, window_params = [{transform_indices = @transform_0, window_bounds = array<i64: 512, 128>}, {pipeline_mode = #tpu.pipeline_mode<synchronous>, transform_indices = @transform_1, window_bounds = array<i64: 1024, 128>}, {pipeline_mode = #tpu.pipeline_mode<synchronous>, transform_indices = @transform_2, window_bounds = array<i64: 1024, 1>}, {pipeline_mode = #tpu.pipeline_mode<synchronous>, transform_indices = @transform_3, window_bounds = array<i64: 1000, 1024>}, {pipeline_mode = #tpu.pipeline_mode<synchronous>, transform_indices = @transform_4, window_bounds = array<i64: 1000, 1>}, {transform_indices = @transform_5, window_bounds = array<i64: 1000, 512>}]} {
    %get3A = arith.constant 0 : index
    %get3A_0 = arith.constant 0 : index
    %get3A_1 = vector.load %arg1[%get3A, %get3A_0] : memref<512x128xf32, #tpu.memory_space<vmem>>, vector<512x128xf32>
    %convert_element_type3A = arith.truncf %get3A_1 : vector<512x128xf32> to vector<512x128xbf16>
    %get3A_2 = arith.constant 0 : index
    %get3A_3 = arith.constant 0 : index
    %get3A_4 = vector.load %arg2[%get3A_2, %get3A_3] : memref<1024x128xbf16, #tpu.memory_space<vmem>>, vector<1024x128xbf16>
    %dot_general3A = arith.constant dense<0.000000e+00> : vector<1024x512xf32>
    %dot_general3A_5 = tpu.matmul %get3A_4, %convert_element_type3A, %dot_general3A {dimension_numbers = #tpu.dot_dimension_numbers<[1], [1], [0], [0], [0, 0, 1, 0], [], []>, transpose_lhs_hint = false} : vector<1024x128xbf16>, vector<512x128xbf16>, vector<1024x512xf32> -> vector<1024x512xf32>
    %get3A_6 = arith.constant 0 : index
    %get3A_7 = arith.constant 0 : index
    %get3A_8 = vector.load %arg3[%get3A_6, %get3A_7] : memref<1024x1xf32, #tpu.memory_space<vmem>>, vector<1024x1xf32>
    %add3A = vector.broadcast %get3A_8 : vector<1024x1xf32> to vector<1024x512xf32>
    %add3A_9 = arith.addf %dot_general3A_5, %add3A : vector<1024x512xf32>
    %max3A = arith.constant 0.000000e+00 : f32
    %max3A_10 = vector.broadcast %max3A : f32 to vector<1024x512xf32>
    %max3A_11 = arith.maximumf %add3A_9, %max3A_10 : vector<1024x512xf32>
    %convert_element_type3A_12 = arith.truncf %max3A_11 : vector<1024x512xf32> to vector<1024x512xbf16>
    %get3A_13 = arith.constant 0 : index
    %get3A_14 = arith.constant 0 : index
    %get3A_15 = vector.load %arg4[%get3A_13, %get3A_14] : memref<1000x1024xbf16, #tpu.memory_space<vmem>>, vector<1000x1024xbf16>
    %dot_general3A_16 = arith.constant dense<0.000000e+00> : vector<1000x512xf32>
    %dot_general3A_17 = tpu.matmul %get3A_15, %convert_element_type3A_12, %dot_general3A_16 {dimension_numbers = #tpu.dot_dimension_numbers<[1], [0], [0], [1], [0, 0, 1, 1], [], []>, transpose_lhs_hint = false} : vector<1000x1024xbf16>, vector<1024x512xbf16>, vector<1000x512xf32> -> vector<1000x512xf32>
    %get3A_18 = arith.constant 0 : index
    %get3A_19 = arith.constant 0 : index
    %get3A_20 = vector.load %arg5[%get3A_18, %get3A_19] : memref<1000x1xf32, #tpu.memory_space<vmem>>, vector<1000x1xf32>
    %add3A_21 = vector.broadcast %get3A_20 : vector<1000x1xf32> to vector<1000x512xf32>
    %add3A_22 = arith.addf %dot_general3A_17, %add3A_21 : vector<1000x512xf32>
    %exp3A = math.exp %add3A_22 : vector<1000x512xf32>
    %reduce_sum3A = arith.constant dense<0.000000e+00> : vector<512xf32>
    %reduce_sum3A_23 = vector.multi_reduction <add>, %exp3A, %reduce_sum3A [0] : vector<1000x512xf32> to vector<512xf32>
    %broadcast_in_dim3A = vector.shape_cast %reduce_sum3A_23 : vector<512xf32> to vector<1x512xf32>
    %div3A = arith.constant 1.000000e+00 : f32
    %div3A_24 = vector.broadcast %div3A : f32 to vector<1x512xf32>
    %div3A_25 = arith.divf %div3A_24, %broadcast_in_dim3A : vector<1x512xf32>
    %mul3A = vector.broadcast %div3A_25 : vector<1x512xf32> to vector<1000x512xf32>
    %mul3A_26 = arith.mulf %exp3A, %mul3A : vector<1000x512xf32>
    %swap3A = arith.constant 0 : index
    %swap3A_27 = arith.constant 0 : index
    %swap3A_28 = vector.load %arg6[%swap3A, %swap3A_27] : memref<1000x512xf32, #tpu.memory_space<vmem>>, vector<1000x512xf32>
    tpu.vector_store %arg6[%swap3A, %swap3A_27], %mul3A_26 {strides = array<i32>} : memref<1000x512xf32, #tpu.memory_space<vmem>>, vector<1000x512xf32>,
    return
  }
  func.func @transform_0(%arg0: i32) -> (i32, i32) {
    %c0_i32 = arith.constant 0 : i32
    %c0_i32_0 = arith.constant 0 : i32
    return %arg0, %c0_i32 : i32, i32
  }
  func.func @transform_1(%arg0: i32) -> (i32, i32) {
    %c0_i32 = arith.constant 0 : i32
    %c0_i32_0 = arith.constant 0 : i32
    %c0_i32_1 = arith.constant 0 : i32
    return %c0_i32, %c0_i32_0 : i32, i32
  }
  func.func @transform_2(%arg0: i32) -> (i32, i32) {
    %c0_i32 = arith.constant 0 : i32
    %c0_i32_0 = arith.constant 0 : i32
    %c0_i32_1 = arith.constant 0 : i32
    return %c0_i32, %c0_i32_0 : i32, i32
  }
  func.func @transform_3(%arg0: i32) -> (i32, i32) {
    %c0_i32 = arith.constant 0 : i32
    %c0_i32_0 = arith.constant 0 : i32
    %c0_i32_1 = arith.constant 0 : i32
    return %c0_i32, %c0_i32_0 : i32, i32
  }
  func.func @transform_4(%arg0: i32) -> (i32, i32) {
    %c0_i32 = arith.constant 0 : i32
    %c0_i32_0 = arith.constant 0 : i32
    %c0_i32_1 = arith.constant 0 : i32
    return %c0_i32, %c0_i32_0 : i32, i32
  }
  func.func @transform_5(%arg0: i32) -> (i32, i32) {
    %c0_i32 = arith.constant 0 : i32
    %c0_i32_0 = arith.constant 0 : i32
    return %c0_i32, %arg0 : i32, i32
  }
}

</mosaic_0001>

<sc_bundles>
// kernel: kernel.4.cloned.1.call-start
scs
__scs_entry_jumppad:
0x0: {  	(pc) =	sbr.rel $0x88, $3  }
0x1: {  	(tag) =	ssettag $0x0;
	lr =	simm.s32 $0x1  }
0x2: {  	[smem:$0x3F9B] =	sst lr;
	_ =	strace $0xD0000000  }
0x3: {  	_ = 	snop  }
0x4: {  	_ = 	snop  }
0x5: {  	_ = 	snop  }
0x6: {  	_ = 	snop  }
0x7: {  	_ = 	snop  }
__scs_overlays_trampoline_lowered:
0x8: {  	[smem:$0x3FAA] =	sst s0  }
0x9: {  	[smem:$0x3FAB] =	sst s1  }
0xa: {  	[smem:$0x3FAC] =	sst s2  }
0xb: {  	[smem:$0x3FAD] =	sst s3  }
0xc: {  	[smem:$0x3FAE] =	sst s4  }
0xd: {  	[smem:$0x3FAF] =	sst s5  }
0xe: {  	[smem:$0x3FB0] =	sst s6  }
0xf: {  	[smem:$0x3FB1] =	sst s7  }
0x10: {  	[smem:$0x3FB2] =	sst s8  }
0x11: {  	[smem:$0x3FB3] =	sst s9;
	s0 =	simm.s32 @!p0 $0x0  }
0x12: {  	s1 =	sld [smem:$0x3F99];
	s0 =	simm.s32 @p0 $0x1  }
0x13: {  	[smem:$0x3FB4] =	sst s0;
	s0 =	simm.s32 @!p1 $0x0  }
0x14: {  	s2 =	sld [smem:$0x3F98];
	s0 =	simm.s32 @p1 $0x1  }
0x15: {  	[smem:$0x3FB5] =	sst s0;
	s0 =	simm.s32 @!p2 $0x0  }
0x16: {  	s3 =	sld [smem:$0x3FDB];
	s0 =	simm.s32 @p2 $0x1  }
0x17: {  	s4 =	simm.s32 $0x1BF5;
	[smem:$0x3FB7] =	sst s0  }
0x18: {  	s0 =	sld [smem:$0x3F9A];
	_ =	swait.ge [sflag:s4], $0x0  }
0x19: {  	s7 =	sld [smem:$0x3F9B]  }
0x1a: {  	s8 =	sadd.s32 $0xFFFFE003, lr  }
0x1b: {  	s9 =	sadd.s32 $0xFFFFFEF7, lr;
	s5 =	simm.s32 $0xFFFFFFFF;
	p2 =	slt.u32 s8, $0xFFFFF086  }
0x1c: {  	p1 =	slt.u32 s9, $0xF7A;
	s5 =	simm.s32 @!p2 $0x0  }
0x1d: {  	s5 =	simm.s32 @p1 $0x1;
	p0 =	seq.s32 s7, s2  }
0x1e: {  	s7 =	smul.u32 @!p0 $0xF7A, s2;
	p2 =	seq.s32 @!p0 s5, $0x0  }
0x1f: {  	s9 =	smul.u32 $0xF7A, s1;
	s8 =	simm.s32 @!p0 $0x1BF5;
	p2 =	por !p2, p0  }
0x20: {  	[sflag:s8] =	ssyncset.s32 @!p0 $0xFFFFF086;
	s6 =	sadd.s32 @!p0 s3, s7;
	s7 =	simm.s32 @!p0 $0x108  }
0x21: {  	s3 =	sadd.s32 s3, s9;
	s6 =	sadd.s32 @!p0 $0x88, s6;
	s7 =	simm.s32 @p2 $0x1082  }
0x22: {  	[simem:s7], [sflag:s8] =	dma.local @!p0 [hbm:s6], $0xF7A  }
0x23: {  	s9 =	sor.u32 $0xD0000000, s2;
	s6 =	simm.s32 $0x108;
	_ =	swait.ge @!p0 [sflag:s8], $0x0  }
0x24: {  	s3 =	sadd.s32 $0x88, s3;
	s6 =	simm.s32 @!p1 $0x1082;
	[sflag:s4] =	ssyncset.s32 $0xFFFFF086  }
0x25: {  	[simem:s6], [sflag:s4] =	dma.local [hbm:s3], $0xF7A  }
0x26: {  	[smem:$0x3F9B] =	sst s1;
	(tag) =	ssettag s2;
	_ =	strace s9  }
0x27: {  	s1 =	sld [smem:$0x3FAB]  }
0x28: {  	s2 =	sld [smem:$0x3FAC]  }
0x29: {  	s4 =	sld [smem:$0x3FAE]  }
0x2a: {  	p0 =	seq.s32 s5, $0x0;
	s5 =	sld [smem:$0x3FAF]  }
0x2b: {  	s6 =	sld [smem:$0x3FB0]  }
0x2c: {  	s7 =	sld [smem:$0x3FB1]  }
0x2d: {  	s3 =	simm.s32 $0x108;
	s8 =	sld [smem:$0x3FB2]  }
0x2e: {  	s3 =	simm.s32 @!p0 $0x1082;
	s9 =	sld [smem:$0x3FB3]  }
0x2f: {  	lr =	sadd.s32 s0, s3;
	s0 =	sld [smem:$0x3FAA]  }
0x30: {  	s3 =	sld [smem:$0x3FAD]  }
0x31: {  	[smem:$0x3FB6] =	sst s10  }
0x32: {  	s10 =	sld [smem:$0x3FB4];
	_ =	sdelay $0x3  }
0x33: {  	p0 =	seq.s32 s10, $0x1;
	s10 =	sld [smem:$0x3FB6];
	_ =	sdelay $0x3  }
0x34: {  	[smem:$0x3FB6] =	sst s10  }
0x35: {  	s10 =	sld [smem:$0x3FB5];
	_ =	sdelay $0x3  }
0x36: {  	p1 =	seq.s32 s10, $0x1;
	s10 =	sld [smem:$0x3FB6];
	_ =	sdelay $0x3  }
0x37: {  	[smem:$0x3FB6] =	sst s10  }
0x38: {  	s10 =	sld [smem:$0x3FB7]  }
0x39: {  	_ = 	snop;
	(pc) =	sbr.ind lr, $3  }
0x3a: {  	_ = 	snop  }
0x3b: {  	_ = 	snop  }
0x3c: {  	p2 =	seq.s32 s10, $0x1;
	s10 =	sld [smem:$0x3FB6]  }
0x3d: {  	_ =	shalt  }
0x3e: {  	_ =	shalt  }
0x3f: {  	_ =	shalt  }
0x40: {  	_ =	shalt  }
0x41: {  	_ =	shalt  }
0x42: {  	_ =	shalt  }
0x43: {  	_ =	shalt  }
0x44: {  	_ =	shalt  }
0x45: {  	_ =	shalt  }
0x46: {  	_ =	shalt  }
0x47: {  	_ =	shalt  }
0x48: {  	_ =	shalt  }
0x49: {  	_ =	shalt  }
0x4a: {  	_ =	shalt  }
0x4b: {  	_ =	shalt  }
0x4c: {  	_ =	shalt  }
0x4d: {  	_ =	shalt  }
0x4e: {  	_ =	shalt  }
0x4f: {  	_ =	shalt  }
0x50: {  	_ =	shalt  }
0x51: {  	_ =	shalt  }
0x52: {  	_ =	shalt  }
0x53: {  	_ =	shalt  }
0x54: {  	_ =	shalt  }
0x55: {  	_ =	shalt  }
0x56: {  	_ =	shalt  }
0x57: {  	_ =	shalt  }
0x58: {  	_ =	shalt  }
0x59: {  	_ =	shalt  }
0x5a: {  	_ =	shalt  }
0x5b: {  	_ =	shalt  }
0x5c: {  	_ =	shalt  }
0x5d: {  	_ =	shalt  }
0x5e: {  	_ =	shalt  }
0x5f: {  	_ =	shalt  }
0x60: {  	_ =	shalt  }
0x61: {  	_ =	shalt  }
0x62: {  	_ =	shalt  }
0x63: {  	_ =	shalt  }
0x64: {  	_ =	shalt  }
0x65: {  	_ =	shalt  }
0x66: {  	_ =	shalt  }
0x67: {  	_ =	shalt  }
0x68: {  	_ =	shalt  }
0x69: {  	_ =	shalt  }
0x6a: {  	_ =	shalt  }
0x6b: {  	_ =	shalt  }
0x6c: {  	_ =	shalt  }
0x6d: {  	_ =	shalt  }
0x6e: {  	_ =	shalt  }
0x6f: {  	_ =	shalt  }
0x70: {  	_ =	shalt  }
0x71: {  	_ =	shalt  }
0x72: {  	_ =	shalt  }
0x73: {  	_ =	shalt  }
0x74: {  	_ =	shalt  }
0x75: {  	_ =	shalt  }
0x76: {  	_ =	shalt  }
0x77: {  	_ =	shalt  }
0x78: {  	_ =	shalt  }
0x79: {  	_ =	shalt  }
0x7a: {  	_ =	shalt  }
0x7b: {  	_ =	shalt  }
0x7c: {  	_ =	shalt  }
0x7d: {  	_ =	shalt  }
0x7e: {  	_ =	shalt  }
0x7f: {  	_ =	shalt  }
0x80: {  	_ =	shalt  }
0x81: {  	_ =	shalt  }
0x82: {  	_ =	shalt  }
0x83: {  	_ =	shalt  }
0x84: {  	_ =	shalt  }
0x85: {  	_ =	shalt  }
0x86: {  	_ =	shalt  }
0x87: {  	_ =	shalt  }
.Lfunc_end0:
.L_simem_size_0:
called_computation_lowered:
.L_overlay_start_0:
0x88: {  	s2 =	sld [smem:$0x3FD9]  }
0x89: {  	s3 =	sld [smem:$0x3FFE];
	_ =	sdelay $0x1  }
0x8a: {  	s1 =	srdreg.scid  }
0x8b: {  	s0 =	sand.u32 $0x1, s1  }
0x8c: {  	s17 =	sshll.u32 s0, $0xA;
	s2 =	sadd.s32 s3, s2  }
0x8d: {  	s2 =	sadd.s32 s2, s17  }
0x8e: {  	[smem:$0x3FC2] =	sst s2  }
0x8f: {  	_ = 	snop  }
0x90: {  	s2 =	sld [smem:$0x3FC8]  }
0x91: {  	s18 =	sld [smem:$0x3FD0];
	(tm) =	ssettm $0x1  }
0x92: {  	s4 =	sld [smem:$0x3FFB];
	_ =	sdelay $0x3  }
0x93: {  	_ =	strace s4  }
0x94: {  	s4 =	sld [smem:$0x3FFC];
	_ =	sdelay $0x3  }
0x95: {  	_ =	strace s4  }
0x96: {  	s4 =	sld [smem:$0x3FFD];
	_ =	sdelay $0x3  }
0x97: {  	_ =	strace s4  }
0x98: {  	_ =	strace $0x8FFFFFFF  }
0x99: {  	s19 =	sld [smem:$0x3FDB];
	_ =	sdelay $0x1  }
0x9a: {  	s5 =	simm.s32 $_scs_section_size  }
0x9b: {  	s6 =	simm.s32 $_size__tile_overlayer_lowered;
	s7 =	simm.s32 $_tile_overlayer_lowered  }
0x9c: {  	s22 =	simm.s32 $0x1BFF;
	s21 =	sshll.u32 s7, $0x1;
	s4 =	sadd.s32 s5, s19  }
0x9d: {  	s8 =	simm.s32 $0x0;
	s20 =	sshll.u32 s6, $0x1;
	s6 =	sadd.s32 s21, s4  }
0x9e: {  	[timem:s8], [sflag:s22] =	dma.local [hbm:s6], s20  }
0x9f: {  	_ =	swait.ge [sflag:s22], s20  }
0xa0: {  	s5 =	ssub.s32 $0x0, s20;
	[sflag:s22] =	ssyncset.done $0x0  }
0xa1: {  	[sflag:s22] =	ssyncadd.s32 s5;
	_ =	sdelay $0x1  }
0xa2: {  	s23 =	simm.s32 $0x1B8B  }
0xa3: {  	_ =	swait.ge [sflag:s23], $0x1  }
0xa4: {  	[sflag:s23] =	ssyncset.done $0x0  }
0xa5: {  	s25 =	simm.s32 $0x1B8E;
	s24 =	sld [smem:$0x3FFE];
	[sflag:s23] =	ssyncadd.s32 $0xFFFFFFFF  }
0xa6: {  	s26 =	simm.s32 $execute0_lowered;
	[smem:$0x3FD2] =	sst s25  }
0xa7: {  	s6 =	sshll.u32 s26, $0x1;
	_ =	strace $0x80000046;
	[dreg:$0x1] =	wrdreg $0xFFFFFFFF  }
0xa8: {  	s28 =	simm.s32 $_size_execute0_lowered;
	s4 =	sadd.s32 s4, s6;
	[dreg:$0x0] =	wrdreg $0x0  }
0xa9: {  	s6 =	sshll.u32 s28, $0x1;
	[dreg:$0x2] =	wrdreg s4  }
0xaa: {  	[dreg:$0x3] =	wrdreg s6  }
0xab: {  	[dreg:$0x4] =	wrdreg $0xC0  }
0xac: {  	_ =	task [dreg:s8], $0x5FFFF  }
0xad: {  	[dreg:$0x1] =	wrdreg $0xFFFFFFFF  }
0xae: {  	[dreg:$0x0] =	wrdreg $0x60  }
0xaf: {  	[dreg:$0x2] =	wrdreg s24  }
0xb0: {  	[dreg:$0x3] =	wrdreg s2  }
0xb1: {  	[dreg:$0x4] =	wrdreg s18  }
0xb2: {  	[dreg:$0x5] =	wrdreg $0x9  }
0xb3: {  	_ =	task.clear_ibuf [dreg:s8], $0x6FFFF;
	_ =	strace $0x90000046  }
0xb4: {  	s29 =	simm.s32 $0x9;
	_ =	strace $0x80000048  }
0xb5: {  	_ =	swait.ge [sflag:s29], $0x1  }
0xb6: {  	[sflag:s29] =	ssyncadd.s32 $0xFFFFFFFF  }
0xb7: {  	_ =	strace $0x90000048  }
0xb8: {  	_ =	sfence  }
0xb9: {  	s30 =	sld [smem:$0x0];
	_ =	sdelay $0x2  }
0xba: {  	s31 =	sshll.u32 s1, $0xD;
	s1 =	sshrl.u32 s1, $0x2  }
0xbb: {  	s3 =	sand.u32 $0x4000, s31;
	s1 =	sadd.s32 s1, s30  }
0xbc: {  	s0 =	sor.u32 s3, s0;
	s1 =	sshll.u32 s1, $0x11  }
0xbd: {  	s0 =	sor.u32 s1, s0  }
0xbe: {  	s0 =	sadd.s32 $0x8F2B, s0  }
0xbf: {  	[sflag:s0] =	ssyncadd.remote.s32 $0x1  }
0xc0: {  	_ =	sfence.sel $0xFFFF  }
0xc1: {  	[dreg:$0x0] =	wrdreg $0xFFFFFFFF;
	(pc) =	sbr.abs _section_cstart, $3  }
0xc2: {  	[dreg:$0x1] =	wrdreg $0xFFFFFFFF  }
0xc3: {  	_ =	task.clear_ibuf [dreg:s8], $0x2FFFF;
	_ =	strace $0x9FFFFFFF  }
0xc4: {  	(tm) =	ssettm $0x7FFFFFFF  }
0xc5: {  	_ =	shalt  }
tec
execute0_lowered:
.L_overlay_start_1:
0x0: {  	(tag) =	ssettag $0x1  }
0x1: {  	s0 =	rddreg [dreg:$0x0];
	s1 =	srdreg.scid  }
0x2: {  	s3 =	stileid.u32;
	s2 =	rddreg [dreg:$0x1]  }
0x3: {  	s5 =	rddreg [dreg:$0x2];
	s7 =	simm.s32 $0x5;
	s8 =	simm.s32 $0x40  }
0x4: {  	s19 =	simm.s32 $0xF000;
	s21 =	simm.s32 $0x11000;
	s23 =	simm.s32 $0x13000  }
0x5: {  	s24 =	simm.s32 $0x400;
	s28 =	simm.s32 $0x17000;
	s29 =	simm.s32 $0x1  }
0x6: {  	s30 =	simm.s32 $0x19000;
	s1 =	sand.u32 $0x1, s1;
	s3 =	sshll.u32 s3, $0x1  }
0x7: {  	s31 =	simm.s32 $0x2;
	s9 =	simm.s32 $0x4;
	s4 =	sor.u32 s1, s3  }
0x8: {  	s10 =	simm.s32 $0x0;
	s3 =	simm.s32 $0x0;
	s6 =	smul.u32 $0xA00, s4  }
.Ltmp0:
0x9: {  	s1 =	ssub.s32 $0x2, s1;
	[smem:$0x7FF] =	sst s3;
	(pc) =	sbr.rel .LBB2_1-.Ltmp0, $4  }
0xa: {  	s25 =	sshrl.u32 s1, $0x1;
	s26 =	sshll.u32 s4, $0xD;
	_ =	strace $0x80000047  }
0xb: {  	s1 =	ssub.s32 s1, s25;
	s5 =	sadd.s32 s5, s26;
	s25 =	simm.s32 $0x15000  }
0xc: {  	s26 =	simm.s32 $0x480;
	s0 =	sadd.s32 s6, s0;
	s6 =	smax.u32 s1, $0x1  }
0xd: {  	s1 =	simm.s32 $0x19800;
	s4 =	sadd.s32 $0xE00, s0;
	s0 =	simm.s32 $0x3  }
.LBB2_8:
0xe: {  	s10 =	sadd.s32 $0x1, s10  }
0xf: {  	_ =	swait.ge [sflag:s0], $0x800;
	p0 =	sne.s32 s10, s6  }
.Ltmp1:
0x10: {  	[sflag:s0] =	ssyncset.done $0x0;
	(pc) =	sbr.rel @!p0 .LBB2_9-.Ltmp1, $4  }
0x11: {  	[sflag:s0] =	ssyncadd.s32 $0xFFFFF800  }
0x12: {  	_ =	swait.ge [sflag:s9], $0x800  }
0x13: {  	[sflag:s9] =	ssyncset.done $0x0  }
0x14: {  	[sflag:s9] =	ssyncadd.s32 $0xFFFFF800  }
.LBB2_1:
0x15: {  	[tilespmem:s3], [sflag:$0x5] =	stream.linear.gather [hbm4b:s4+s3], $0x5000, $0x38;
	[tilespmem:$0x1A000] =	vst v63  }
0x16: {  	_ =	swait.ge [sflag:s7], $0x5000  }
0x17: {  	[sflag:s7] =	ssyncset.done $0x0  }
0x18: {  	s11 =	simm.s32 $0x5000;
	[sflag:s7] =	ssyncadd.s32 $0xFFFFB000  }
0x19: {  	[tilespmem:s11], [sflag:$0x1] =	stream.indirect.gather [hbm4b:s2+s8], $0x80, s3, s8, $0xb8;
	[tilespmem:$0x1A000] =	vst v63  }
0x1a: {  	s22 =	simm.s32 $0x80;
	s12 =	simm.s32 $0x7000  }
0x1b: {  	[tilespmem:s12], [sflag:$0x1] =	stream.indirect.gather [hbm4b:s2+s8], $0x80, s22, s8, $0xb8;
	[tilespmem:$0x1A000] =	vst v63  }
0x1c: {  	s13 =	simm.s32 $0x9000;
	s12 =	simm.s32 $0x100  }
0x1d: {  	[tilespmem:s13], [sflag:$0x1] =	stream.indirect.gather [hbm4b:s2+s8], $0x80, s12, s8, $0xb8;
	[tilespmem:$0x1A000] =	vst v63  }
0x1e: {  	s14 =	simm.s32 $0x180;
	s15 =	simm.s32 $0xB000  }
0x1f: {  	[tilespmem:s15], [sflag:$0x1] =	stream.indirect.gather [hbm4b:s2+s8], $0x80, s14, s8, $0xb8;
	[tilespmem:$0x1A000] =	vst v63  }
0x20: {  	s16 =	simm.s32 $0x200;
	s17 =	simm.s32 $0xD000  }
0x21: {  	[tilespmem:s17], [sflag:$0x1] =	stream.indirect.gather [hbm4b:s2+s8], $0x80, s16, s8, $0xb8;
	[tilespmem:$0x1A000] =	vst v63  }
0x22: {  	s18 =	simm.s32 $0x280  }
0x23: {  	[tilespmem:s19], [sflag:$0x2] =	stream.indirect.gather [hbm4b:s2+s8], $0x80, s18, s8, $0xb8;
	[tilespmem:$0x1A000] =	vst v63  }
0x24: {  	s20 =	simm.s32 $0x300  }
0x25: {  	[tilespmem:s21], [sflag:$0x2] =	stream.indirect.gather [hbm4b:s2+s8], $0x80, s20, s8, $0xb8;
	[tilespmem:$0x1A000] =	vst v63  }
0x26: {  	s22 =	simm.s32 $0x380  }
0x27: {  	[tilespmem:s23], [sflag:$0x2] =	stream.indirect.gather [hbm4b:s2+s8], $0x80, s22, s8, $0xb8;
	[tilespmem:$0x1A000] =	vst v63  }
0x28: {  	_ = 	snop  }
0x29: {  	[tilespmem:s25], [sflag:$0x2] =	stream.indirect.gather [hbm4b:s2+s8], $0x80, s24, s8, $0xb8;
	[tilespmem:$0x1A000] =	vst v63  }
0x2a: {  	s11 =	simm.s32 $0x0  }
0x2b: {  	[tilespmem:s28], [sflag:$0x2] =	stream.indirect.gather [hbm4b:s2+s8], $0x80, s26, s8, $0xb8;
	[tilespmem:$0x1A000] =	vst v63  }
.LBB2_2:
0x2c: {  	_ =	swait.ge [sflag:s29], $0x2000  }
0x2d: {  	[sflag:s29] =	ssyncset.done $0x0  }
0x2e: {  	[sflag:s29] =	ssyncadd.s32 $0xFFFFE000  }
0x2f: {  	_ =	swait.ge [sflag:s29], $0x2000  }
0x30: {  	[sflag:s29] =	ssyncset.done $0x0  }
0x31: {  	[sflag:s29] =	ssyncadd.s32 $0xFFFFE000  }
0x32: {  	_ =	swait.ge [sflag:s29], $0x2000  }
0x33: {  	[sflag:s29] =	ssyncset.done $0x0  }
0x34: {  	[sflag:s29] =	ssyncadd.s32 $0xFFFFE000  }
0x35: {  	_ =	swait.ge [sflag:s29], $0x2000  }
0x36: {  	[sflag:s29] =	ssyncset.done $0x0  }
0x37: {  	[sflag:s29] =	ssyncadd.s32 $0xFFFFE000  }
0x38: {  	_ =	swait.ge [sflag:s29], $0x2000  }
0x39: {  	p0 =	seq.s32 s11, $0x0;
	[sflag:s29] =	ssyncset.done $0x0  }
0x3a: {  	s12 =	simm.s32 @!p0 $0x3;
	[sflag:s29] =	ssyncadd.s32 $0xFFFFE000  }
0x3b: {  	_ =	swait.ge @!p0 [sflag:s12], $0x800  }
0x3c: {  	[sflag:s12] =	ssyncset.done @!p0 $0x0  }
0x3d: {  	s13 =	simm.s32 $0x5500;
	[sflag:s12] =	ssyncadd.s32 @!p0 $0xFFFFF800  }
0x3e: {  	v0 =	vld [tilespmem:s13+$0xFFFFFB00]  }
0x3f: {  	v1 =	vld [tilespmem:s13+$0xFFFFFB80];
	_ =	sdelay $0x1  }
0x40: {  	v2 =	vld [tilespmem:s13+$0xFFFFFC00];
	_ =	sdelay $0x1  }
0x41: {  	v3 =	vld [tilespmem:s13+$0xFFFFFC80]  }
0x42: {  	v0 =	vadd.f32 v1, v0  }
0x43: {  	v1 =	vld [tilespmem:s13+$0xFFFFFD00]  }
0x44: {  	v0 =	vadd.f32 v2, v0  }
0x45: {  	v2 =	vld [tilespmem:s13+$0xFFFFFD80]  }
0x46: {  	v0 =	vadd.f32 v3, v0  }
0x47: {  	v3 =	vld [tilespmem:s13+$0xFFFFFE00]  }
0x48: {  	v0 =	vadd.f32 v1, v0  }
0x49: {  	v1 =	vld [tilespmem:s13+$0xFFFFFE80]  }
0x4a: {  	v0 =	vadd.f32 v2, v0  }
0x4b: {  	v2 =	vld [tilespmem:s13+$0xFFFFFF00]  }
0x4c: {  	v0 =	vadd.f32 v3, v0  }
0x4d: {  	v3 =	vld [tilespmem:s13+$0xFFFFFF80]  }
0x4e: {  	v0 =	vadd.f32 v1, v0  }
0x4f: {  	v1 =	vld [tilespmem:s13+$0x0]  }
0x50: {  	v0 =	vadd.f32 v2, v0  }
0x51: {  	v2 =	vld [tilespmem:s13+$0x80]  }
0x52: {  	v0 =	vadd.f32 v3, v0  }
0x53: {  	v3 =	vld [tilespmem:s13+$0x100]  }
0x54: {  	v0 =	vadd.f32 v1, v0  }
0x55: {  	v1 =	vld [tilespmem:s13+$0x180]  }
0x56: {  	v0 =	vadd.f32 v2, v0  }
0x57: {  	v2 =	vld [tilespmem:s13+$0x200]  }
0x58: {  	v0 =	vadd.f32 v3, v0  }
0x59: {  	v3 =	vld [tilespmem:s13+$0x280]  }
0x5a: {  	v0 =	vadd.f32 v1, v0  }
0x5b: {  	v1 =	vld [tilespmem:s13+$0x300]  }
0x5c: {  	v0 =	vadd.f32 v2, v0  }
0x5d: {  	v2 =	vld [tilespmem:s13+$0x380]  }
0x5e: {  	v0 =	vadd.f32 v3, v0  }
0x5f: {  	v3 =	vld [tilespmem:s13+$0x400]  }
0x60: {  	v0 =	vadd.f32 v1, v0  }
0x61: {  	v1 =	vld [tilespmem:s13+$0x480]  }
0x62: {  	v0 =	vadd.f32 v2, v0;
	_ =	sdelay $0x1  }
0x63: {  	v0 =	vadd.f32 v3, v0;
	_ =	sdelay $0x1  }
0x64: {  	v0 =	vadd.f32 v1, v0  }
0x65: {  	s12 =	simm.s32 $0x0  }
0x66: {  	[tilespmem:s12+$0x19000] =	vst v0  }
0x67: {  	v0 =	vld [tilespmem:s13+$0xFFFFFB10]  }
0x68: {  	v1 =	vld [tilespmem:s13+$0xFFFFFB90];
	_ =	sdelay $0x1  }
0x69: {  	v2 =	vld [tilespmem:s13+$0xFFFFFC10];
	_ =	sdelay $0x1  }
0x6a: {  	v3 =	vld [tilespmem:s13+$0xFFFFFC90]  }
0x6b: {  	v0 =	vadd.f32 v1, v0  }
0x6c: {  	v1 =	vld [tilespmem:s13+$0xFFFFFD10]  }
0x6d: {  	v0 =	vadd.f32 v2, v0  }
0x6e: {  	v2 =	vld [tilespmem:s13+$0xFFFFFD90]  }
0x6f: {  	v0 =	vadd.f32 v3, v0  }
0x70: {  	v3 =	vld [tilespmem:s13+$0xFFFFFE10]  }
0x71: {  	v0 =	vadd.f32 v1, v0  }
0x72: {  	v1 =	vld [tilespmem:s13+$0xFFFFFE90]  }
0x73: {  	v0 =	vadd.f32 v2, v0  }
0x74: {  	v2 =	vld [tilespmem:s13+$0xFFFFFF10]  }
0x75: {  	v0 =	vadd.f32 v3, v0  }
0x76: {  	v3 =	vld [tilespmem:s13+$0xFFFFFF90]  }
0x77: {  	v0 =	vadd.f32 v1, v0  }
0x78: {  	v1 =	vld [tilespmem:s13+$0x10]  }
0x79: {  	v0 =	vadd.f32 v2, v0  }
0x7a: {  	v2 =	vld [tilespmem:s13+$0x90]  }
0x7b: {  	v0 =	vadd.f32 v3, v0  }
0x7c: {  	v3 =	vld [tilespmem:s13+$0x110]  }
0x7d: {  	v0 =	vadd.f32 v1, v0  }
0x7e: {  	v1 =	vld [tilespmem:s13+$0x190]  }
0x7f: {  	v0 =	vadd.f32 v2, v0  }
0x80: {  	v2 =	vld [tilespmem:s13+$0x210]  }
0x81: {  	v0 =	vadd.f32 v3, v0  }
0x82: {  	v3 =	vld [tilespmem:s13+$0x290]  }
0x83: {  	v0 =	vadd.f32 v1, v0  }
0x84: {  	v1 =	vld [tilespmem:s13+$0x310]  }
0x85: {  	v0 =	vadd.f32 v2, v0  }
0x86: {  	v2 =	vld [tilespmem:s13+$0x390]  }
0x87: {  	v0 =	vadd.f32 v3, v0  }
0x88: {  	v3 =	vld [tilespmem:s13+$0x410]  }
0x89: {  	v0 =	vadd.f32 v1, v0  }
0x8a: {  	v1 =	vld [tilespmem:s13+$0x490]  }
0x8b: {  	v0 =	vadd.f32 v2, v0;
	_ =	sdelay $0x1  }
0x8c: {  	v0 =	vadd.f32 v3, v0;
	_ =	sdelay $0x1  }
0x8d: {  	v0 =	vadd.f32 v1, v0;
	_ =	sdelay $0x1  }
0x8e: {  	[tilespmem:s12+$0x19010] =	vst v0  }
0x8f: {  	v0 =	vld [tilespmem:s13+$0xFFFFFB20]  }
0x90: {  	v1 =	vld [tilespmem:s13+$0xFFFFFBA0];
	_ =	sdelay $0x1  }
0x91: {  	v2 =	vld [tilespmem:s13+$0xFFFFFC20];
	_ =	sdelay $0x1  }
0x92: {  	v3 =	vld [tilespmem:s13+$0xFFFFFCA0]  }
0x93: {  	v0 =	vadd.f32 v1, v0  }
0x94: {  	v1 =	vld [tilespmem:s13+$0xFFFFFD20]  }
0x95: {  	v0 =	vadd.f32 v2, v0  }
0x96: {  	v2 =	vld [tilespmem:s13+$0xFFFFFDA0]  }
0x97: {  	v0 =	vadd.f32 v3, v0  }
0x98: {  	v3 =	vld [tilespmem:s13+$0xFFFFFE20]  }
0x99: {  	v0 =	vadd.f32 v1, v0  }
0x9a: {  	v1 =	vld [tilespmem:s13+$0xFFFFFEA0]  }
0x9b: {  	v0 =	vadd.f32 v2, v0  }
0x9c: {  	v2 =	vld [tilespmem:s13+$0xFFFFFF20]  }
0x9d: {  	v0 =	vadd.f32 v3, v0  }
0x9e: {  	v3 =	vld [tilespmem:s13+$0xFFFFFFA0]  }
0x9f: {  	v0 =	vadd.f32 v1, v0  }
0xa0: {  	v1 =	vld [tilespmem:s13+$0x20]  }
0xa1: {  	v0 =	vadd.f32 v2, v0  }
0xa2: {  	v2 =	vld [tilespmem:s13+$0xA0]  }
0xa3: {  	v0 =	vadd.f32 v3, v0  }
0xa4: {  	v3 =	vld [tilespmem:s13+$0x120]  }
0xa5: {  	v0 =	vadd.f32 v1, v0  }
0xa6: {  	v1 =	vld [tilespmem:s13+$0x1A0]  }
0xa7: {  	v0 =	vadd.f32 v2, v0  }
0xa8: {  	v2 =	vld [tilespmem:s13+$0x220]  }
0xa9: {  	v0 =	vadd.f32 v3, v0  }
0xaa: {  	v3 =	vld [tilespmem:s13+$0x2A0]  }
0xab: {  	v0 =	vadd.f32 v1, v0  }
0xac: {  	v1 =	vld [tilespmem:s13+$0x320]  }
0xad: {  	v0 =	vadd.f32 v2, v0  }
0xae: {  	v2 =	vld [tilespmem:s13+$0x3A0]  }
0xaf: {  	v0 =	vadd.f32 v3, v0  }
0xb0: {  	v3 =	vld [tilespmem:s13+$0x420]  }
0xb1: {  	v0 =	vadd.f32 v1, v0  }
0xb2: {  	v1 =	vld [tilespmem:s13+$0x4A0]  }
0xb3: {  	v0 =	vadd.f32 v2, v0;
	_ =	sdelay $0x1  }
0xb4: {  	v0 =	vadd.f32 v3, v0;
	_ =	sdelay $0x1  }
0xb5: {  	v0 =	vadd.f32 v1, v0;
	_ =	sdelay $0x1  }
0xb6: {  	[tilespmem:s12+$0x19020] =	vst v0  }
0xb7: {  	v0 =	vld [tilespmem:s13+$0xFFFFFB30]  }
0xb8: {  	v1 =	vld [tilespmem:s13+$0xFFFFFBB0];
	_ =	sdelay $0x1  }
0xb9: {  	v2 =	vld [tilespmem:s13+$0xFFFFFC30];
	_ =	sdelay $0x1  }
0xba: {  	v3 =	vld [tilespmem:s13+$0xFFFFFCB0]  }
0xbb: {  	v0 =	vadd.f32 v1, v0  }
0xbc: {  	v1 =	vld [tilespmem:s13+$0xFFFFFD30]  }
0xbd: {  	v0 =	vadd.f32 v2, v0  }
0xbe: {  	v2 =	vld [tilespmem:s13+$0xFFFFFDB0]  }
0xbf: {  	v0 =	vadd.f32 v3, v0  }
0xc0: {  	v3 =	vld [tilespmem:s13+$0xFFFFFE30]  }
0xc1: {  	v0 =	vadd.f32 v1, v0  }
0xc2: {  	v1 =	vld [tilespmem:s13+$0xFFFFFEB0]  }
0xc3: {  	v0 =	vadd.f32 v2, v0  }
0xc4: {  	s14 =	simm.s32 $0x5F00;
	v2 =	vld [tilespmem:s13+$0xFFFFFF30]  }
0xc5: {  	v4 =	vld [tilespmem:s14+$0xFFFFFB00];
	v0 =	vadd.f32 v3, v0  }
0xc6: {  	v3 =	vld [tilespmem:s13+$0xFFFFFFB0]  }
0xc7: {  	v5 =	vld [tilespmem:s14+$0xFFFFFB80];
	v0 =	vadd.f32 v1, v0  }
0xc8: {  	v1 =	vld [tilespmem:s13+$0x30]  }
0xc9: {  	v6 =	vld [tilespmem:s14+$0xFFFFFC00];
	v0 =	vadd.f32 v2, v0  }
0xca: {  	v2 =	vld [tilespmem:s13+$0xB0]  }
0xcb: {  	v7 =	vld [tilespmem:s14+$0xFFFFFC80];
	v0 =	vadd.f32 v3, v0  }
0xcc: {  	v3 =	vld [tilespmem:s13+$0x130]  }
0xcd: {  	v8 =	vld [tilespmem:s14+$0xFFFFFD00];
	v0 =	vadd.f32 v1, v0;
	v1 =	vadd.f32 v5, v4  }
0xce: {  	v4 =	vld [tilespmem:s13+$0x1B0]  }
0xcf: {  	v5 =	vld [tilespmem:s14+$0xFFFFFD80];
	v0 =	vadd.f32 v2, v0;
	v1 =	vadd.f32 v6, v1  }
0xd0: {  	v2 =	vld [tilespmem:s13+$0x230]  }
0xd1: {  	v6 =	vld [tilespmem:s14+$0xFFFFFE00];
	v0 =	vadd.f32 v3, v0;
	v1 =	vadd.f32 v7, v1  }
0xd2: {  	v3 =	vld [tilespmem:s13+$0x2B0]  }
0xd3: {  	v7 =	vld [tilespmem:s14+$0xFFFFFE80];
	v0 =	vadd.f32 v4, v0;
	v1 =	vadd.f32 v8, v1  }
0xd4: {  	v4 =	vld [tilespmem:s13+$0x330]  }
0xd5: {  	v8 =	vld [tilespmem:s14+$0xFFFFFF00];
	v0 =	vadd.f32 v2, v0;
	v1 =	vadd.f32 v5, v1  }
0xd6: {  	v2 =	vld [tilespmem:s13+$0x3B0]  }
0xd7: {  	v5 =	vld [tilespmem:s14+$0xFFFFFF80];
	v0 =	vadd.f32 v3, v0;
	v1 =	vadd.f32 v6, v1  }
0xd8: {  	v3 =	vld [tilespmem:s13+$0x430]  }
0xd9: {  	v6 =	vld [tilespmem:s14+$0x0];
	v0 =	vadd.f32 v4, v0;
	v1 =	vadd.f32 v7, v1  }
0xda: {  	v4 =	vld [tilespmem:s13+$0x4B0]  }
0xdb: {  	v0 =	vadd.f32 v2, v0;
	v1 =	vadd.f32 v8, v1  }
0xdc: {  	v2 =	vld [tilespmem:s14+$0x80]  }
0xdd: {  	v0 =	vadd.f32 v3, v0;
	v1 =	vadd.f32 v5, v1  }
0xde: {  	v3 =	vld [tilespmem:s14+$0x100]  }
0xdf: {  	v0 =	vadd.f32 v4, v0;
	v1 =	vadd.f32 v6, v1  }
0xe0: {  	v4 =	vld [tilespmem:s14+$0x180]  }
0xe1: {  	v5 =	vld [tilespmem:s14+$0x200];
	[tilespmem:s12+$0x19030] =	vst v0;
	v0 =	vadd.f32 v2, v1  }
0xe2: {  	v1 =	vld [tilespmem:s13+$0xFFFFFB40]  }
0xe3: {  	v2 =	vld [tilespmem:s13+$0xFFFFFBC0];
	v0 =	vadd.f32 v3, v0  }
0xe4: {  	v3 =	vld [tilespmem:s14+$0x280]  }
0xe5: {  	v0 =	vadd.f32 v4, v0;
	v4 =	vld [tilespmem:s13+$0xFFFFFC40]  }
0xe6: {  	v6 =	vld [tilespmem:s14+$0x300]  }
0xe7: {  	v0 =	vadd.f32 v5, v0;
	v5 =	vld [tilespmem:s13+$0xFFFFFCC0]  }
0xe8: {  	v7 =	vld [tilespmem:s14+$0x380];
	v1 =	vadd.f32 v2, v1  }
0xe9: {  	v2 =	vld [tilespmem:s13+$0xFFFFFD40];
	v0 =	vadd.f32 v3, v0  }
0xea: {  	v3 =	vld [tilespmem:s14+$0x400];
	v1 =	vadd.f32 v4, v1  }
0xeb: {  	v4 =	vld [tilespmem:s13+$0xFFFFFDC0];
	v0 =	vadd.f32 v6, v0  }
0xec: {  	v6 =	vld [tilespmem:s14+$0x480];
	v1 =	vadd.f32 v5, v1  }
0xed: {  	v5 =	vld [tilespmem:s13+$0xFFFFFE40];
	v0 =	vadd.f32 v7, v0  }
0xee: {  	v1 =	vadd.f32 v2, v1  }
0xef: {  	s16 =	simm.s32 $0x6900;
	v2 =	vadd.f32 v3, v0;
	v3 =	vld [tilespmem:s13+$0xFFFFFEC0]  }
0xf0: {  	v22 =	vld [tilespmem:s16+$0xFFFFFC00];
	v4 =	vadd.f32 v4, v1  }
0xf1: {  	v2 =	vadd.f32 v6, v2;
	v6 =	vld [tilespmem:s13+$0xFFFFFF40]  }
0xf2: {  	s15 =	simm.s32 $0x80;
	v61 =	vld [tilespmem:s16+$0xFFFFFB80];
	v4 =	vadd.f32 v5, v4  }
0xf3: {  	[tilespmem:s15+$0x19000] =	vst v2;
	v2 =	vld [tilespmem:s13+$0xFFFFFFC0]  }
0xf4: {  	v5 =	vld [tilespmem:s14+$0xFFFFFB10];
	v3 =	vadd.f32 v3, v4  }
0xf5: {  	v4 =	vld [tilespmem:s13+$0x40]  }
0xf6: {  	v7 =	vld [tilespmem:s14+$0xFFFFFB90];
	v3 =	vadd.f32 v6, v3  }
0xf7: {  	v6 =	vld [tilespmem:s13+$0xC0]  }
0xf8: {  	v8 =	vld [tilespmem:s14+$0xFFFFFC10];
	v2 =	vadd.f32 v2, v3  }
0xf9: {  	v3 =	vld [tilespmem:s13+$0x140]  }
0xfa: {  	v9 =	vld [tilespmem:s14+$0xFFFFFC90];
	v2 =	vadd.f32 v4, v2  }
0xfb: {  	v4 =	vld [tilespmem:s13+$0x1C0]  }
0xfc: {  	v5 =	vadd.f32 v7, v5;
	v7 =	vld [tilespmem:s14+$0xFFFFFD10];
	v2 =	vadd.f32 v6, v2  }
0xfd: {  	v6 =	vld [tilespmem:s13+$0x240]  }
0xfe: {  	v5 =	vadd.f32 v8, v5;
	v8 =	vld [tilespmem:s14+$0xFFFFFD90];
	v2 =	vadd.f32 v3, v2  }
0xff: {  	v3 =	vld [tilespmem:s13+$0x2C0]  }
0x100: {  	v5 =	vadd.f32 v9, v5;
	v9 =	vld [tilespmem:s14+$0xFFFFFE10];
	v2 =	vadd.f32 v4, v2  }
0x101: {  	v4 =	vld [tilespmem:s13+$0x340]  }
0x102: {  	v5 =	vadd.f32 v7, v5;
	v7 =	vld [tilespmem:s14+$0xFFFFFE90];
	v2 =	vadd.f32 v6, v2  }
0x103: {  	v6 =	vld [tilespmem:s13+$0x3C0]  }
0x104: {  	v10 =	vld [tilespmem:s13+$0x440];
	v5 =	vadd.f32 v8, v5;
	v2 =	vadd.f32 v3, v2  }
0x105: {  	v8 =	vld [tilespmem:s14+$0xFFFFFF10]  }
0x106: {  	v3 =	vadd.f32 v9, v5;
	v5 =	vld [tilespmem:s14+$0xFFFFFF90];
	v4 =	vadd.f32 v4, v2  }
0x107: {  	v9 =	vld [tilespmem:s13+$0x4C0]  }
0x108: {  	v0 =	vld [tilespmem:s16+$0x480];
	v7 =	vadd.f32 v7, v3;
	v4 =	vadd.f32 v6, v4  }
0x109: {  	v6 =	vld [tilespmem:s14+$0x10]  }
0x10a: {  	v1 =	vld [tilespmem:s16+$0x400];
	v7 =	vadd.f32 v8, v7;
	v8 =	vadd.f32 v10, v4  }
0x10b: {  	v10 =	vld [tilespmem:s14+$0x90]  }
0x10c: {  	v11 =	vld [tilespmem:s14+$0x290];
	v5 =	vadd.f32 v5, v7;
	v7 =	vadd.f32 v9, v8  }
0x10d: {  	v8 =	vld [tilespmem:s14+$0x110]  }
0x10e: {  	v5 =	vadd.f32 v6, v5;
	v6 =	vld [tilespmem:s14+$0x190];
	[tilespmem:s12+$0x19040] =	vst v7  }
0x10f: {  	v7 =	vld [tilespmem:s13+$0xFFFFFB50]  }
0x110: {  	v5 =	vadd.f32 v10, v5;
	v9 =	vld [tilespmem:s13+$0xFFFFFBD0]  }
0x111: {  	v10 =	vld [tilespmem:s14+$0x210]  }
0x112: {  	v5 =	vadd.f32 v8, v5;
	v8 =	vld [tilespmem:s13+$0xFFFFFC50]  }
0x113: {  	v12 =	vld [tilespmem:s14+$0x310]  }
0x114: {  	v5 =	vadd.f32 v6, v5;
	v6 =	vld [tilespmem:s13+$0xFFFFFCD0]  }
0x115: {  	v2 =	vld [tilespmem:s16+$0x380];
	v7 =	vadd.f32 v9, v7  }
0x116: {  	v9 =	vld [tilespmem:s13+$0xFFFFFD50];
	v5 =	vadd.f32 v10, v5  }
0x117: {  	v10 =	vld [tilespmem:s14+$0x390];
	v7 =	vadd.f32 v8, v7  }
0x118: {  	v8 =	vld [tilespmem:s13+$0xFFFFFDD0];
	v5 =	vadd.f32 v11, v5  }
0x119: {  	v11 =	vld [tilespmem:s14+$0x410];
	v6 =	vadd.f32 v6, v7  }
0x11a: {  	v7 =	vld [tilespmem:s13+$0xFFFFFE50];
	v5 =	vadd.f32 v12, v5  }
0x11b: {  	v12 =	vld [tilespmem:s14+$0x490];
	v6 =	vadd.f32 v9, v6  }
0x11c: {  	v13 =	vld [tilespmem:s13+$0xFFFFFED0];
	v9 =	vadd.f32 v10, v5  }
0x11d: {  	v3 =	vld [tilespmem:s16+$0x300];
	v8 =	vadd.f32 v8, v6  }
0x11e: {  	v9 =	vadd.f32 v11, v9;
	v11 =	vld [tilespmem:s13+$0xFFFFFF50]  }
0x11f: {  	v4 =	vld [tilespmem:s16+$0x280];
	v7 =	vadd.f32 v7, v8  }
0x120: {  	v8 =	vadd.f32 v12, v9;
	v9 =	vld [tilespmem:s13+$0xFFFFFFD0]  }
0x121: {  	v5 =	vld [tilespmem:s16+$0x200];
	v7 =	vadd.f32 v13, v7  }
0x122: {  	[tilespmem:s15+$0x19010] =	vst v8;
	v8 =	vld [tilespmem:s13+$0x50]  }
0x123: {  	v12 =	vld [tilespmem:s14+$0xFFFFFB20];
	v7 =	vadd.f32 v11, v7  }
0x124: {  	v11 =	vld [tilespmem:s13+$0xD0]  }
0x125: {  	v13 =	vld [tilespmem:s14+$0xFFFFFBA0];
	v7 =	vadd.f32 v9, v7  }
0x126: {  	v9 =	vld [tilespmem:s13+$0x150]  }
0x127: {  	v14 =	vld [tilespmem:s14+$0xFFFFFC20];
	v7 =	vadd.f32 v8, v7  }
0x128: {  	v8 =	vld [tilespmem:s13+$0x1D0]  }
0x129: {  	v15 =	vld [tilespmem:s14+$0xFFFFFCA0];
	v7 =	vadd.f32 v11, v7  }
0x12a: {  	v11 =	vld [tilespmem:s13+$0x250]  }
0x12b: {  	v12 =	vadd.f32 v13, v12;
	v13 =	vld [tilespmem:s14+$0xFFFFFD20];
	v7 =	vadd.f32 v9, v7  }
0x12c: {  	v9 =	vld [tilespmem:s13+$0x2D0]  }
0x12d: {  	v12 =	vadd.f32 v14, v12;
	v14 =	vld [tilespmem:s14+$0xFFFFFDA0];
	v7 =	vadd.f32 v8, v7  }
0x12e: {  	v8 =	vld [tilespmem:s13+$0x350]  }
0x12f: {  	v12 =	vadd.f32 v15, v12;
	v15 =	vld [tilespmem:s14+$0xFFFFFE20];
	v7 =	vadd.f32 v11, v7  }
0x130: {  	v11 =	vld [tilespmem:s13+$0x3D0]  }
0x131: {  	v16 =	vld [tilespmem:s14+$0xFFFFFEA0];
	v12 =	vadd.f32 v13, v12;
	v7 =	vadd.f32 v9, v7  }
0x132: {  	v9 =	vld [tilespmem:s13+$0x450]  }
0x133: {  	v17 =	vld [tilespmem:s14+$0xFFFFFF20];
	v13 =	vadd.f32 v14, v12;
	v7 =	vadd.f32 v8, v7  }
0x134: {  	v8 =	vld [tilespmem:s13+$0x4D0]  }
0x135: {  	v10 =	vld [tilespmem:s16+$0xFFFFFF80];
	v14 =	vadd.f32 v15, v13;
	v7 =	vadd.f32 v11, v7  }
0x136: {  	v11 =	vld [tilespmem:s14+$0xFFFFFFA0]  }
0x137: {  	v6 =	vld [tilespmem:s16+$0x0];
	v15 =	vadd.f32 v16, v14;
	v7 =	vadd.f32 v9, v7  }
0x138: {  	v9 =	vld [tilespmem:s14+$0x20]  }
0x139: {  	v18 =	vld [tilespmem:s14+$0x2A0];
	v15 =	vadd.f32 v17, v15;
	v7 =	vadd.f32 v8, v7  }
0x13a: {  	v8 =	vld [tilespmem:s14+$0xA0]  }
0x13b: {  	v11 =	vadd.f32 v11, v15;
	v15 =	vld [tilespmem:s14+$0x120];
	[tilespmem:s12+$0x19050] =	vst v7  }
0x13c: {  	v7 =	vld [tilespmem:s13+$0xFFFFFB60]  }
0x13d: {  	v9 =	vadd.f32 v9, v11;
	v11 =	vld [tilespmem:s13+$0xFFFFFBE0]  }
0x13e: {  	v16 =	vld [tilespmem:s14+$0x1A0]  }
0x13f: {  	v8 =	vadd.f32 v8, v9;
	v9 =	vld [tilespmem:s13+$0xFFFFFC60]  }
0x140: {  	v17 =	vld [tilespmem:s14+$0x220]  }
0x141: {  	v8 =	vadd.f32 v15, v8;
	v15 =	vld [tilespmem:s13+$0xFFFFFCE0]  }
0x142: {  	v12 =	vld [tilespmem:s16+$0xFFFFFF00];
	v7 =	vadd.f32 v11, v7  }
0x143: {  	v11 =	vld [tilespmem:s13+$0xFFFFFD60];
	v8 =	vadd.f32 v16, v8  }
0x144: {  	v16 =	vld [tilespmem:s14+$0x320];
	v7 =	vadd.f32 v9, v7  }
0x145: {  	v9 =	vld [tilespmem:s13+$0xFFFFFDE0];
	v8 =	vadd.f32 v17, v8  }
0x146: {  	v17 =	vld [tilespmem:s14+$0x3A0];
	v7 =	vadd.f32 v15, v7  }
0x147: {  	v15 =	vld [tilespmem:s13+$0xFFFFFE60];
	v8 =	vadd.f32 v18, v8  }
0x148: {  	v18 =	vld [tilespmem:s14+$0x420];
	v7 =	vadd.f32 v11, v7  }
0x149: {  	v11 =	vld [tilespmem:s13+$0xFFFFFEE0];
	v8 =	vadd.f32 v16, v8  }
0x14a: {  	v16 =	vld [tilespmem:s14+$0x4A0];
	v7 =	vadd.f32 v9, v7  }
0x14b: {  	v9 =	vld [tilespmem:s13+$0xFFFFFF60];
	v8 =	vadd.f32 v17, v8  }
0x14c: {  	v13 =	vld [tilespmem:s16+$0xFFFFFE80];
	v7 =	vadd.f32 v15, v7  }
0x14d: {  	v15 =	vld [tilespmem:s13+$0xFFFFFFE0];
	v8 =	vadd.f32 v18, v8  }
0x14e: {  	v14 =	vld [tilespmem:s16+$0xFFFFFE00];
	v7 =	vadd.f32 v11, v7  }
0x14f: {  	v11 =	vld [tilespmem:s13+$0x60];
	v8 =	vadd.f32 v16, v8  }
0x150: {  	v17 =	vld [tilespmem:s16+$0xFFFFFD80];
	v7 =	vadd.f32 v9, v7  }
0x151: {  	[tilespmem:s15+$0x19020] =	vst v8;
	v8 =	vld [tilespmem:s13+$0xE0]  }
0x152: {  	v9 =	vld [tilespmem:s14+$0xFFFFFB30];
	v7 =	vadd.f32 v15, v7  }
0x153: {  	v15 =	vld [tilespmem:s13+$0x160]  }
0x154: {  	v19 =	vld [tilespmem:s14+$0xFFFFFBB0];
	v7 =	vadd.f32 v11, v7  }
0x155: {  	v11 =	vld [tilespmem:s13+$0x1E0]  }
0x156: {  	v20 =	vld [tilespmem:s14+$0xFFFFFC30];
	v7 =	vadd.f32 v8, v7  }
0x157: {  	v8 =	vld [tilespmem:s13+$0x260]  }
0x158: {  	v21 =	vld [tilespmem:s14+$0xFFFFFCB0];
	v7 =	vadd.f32 v15, v7  }
0x159: {  	v15 =	vld [tilespmem:s13+$0x2E0]  }
0x15a: {  	v9 =	vadd.f32 v19, v9;
	v19 =	vld [tilespmem:s14+$0xFFFFFD30];
	v7 =	vadd.f32 v11, v7  }
0x15b: {  	v11 =	vld [tilespmem:s13+$0x360]  }
0x15c: {  	v9 =	vadd.f32 v20, v9;
	v20 =	vld [tilespmem:s14+$0xFFFFFDB0];
	v7 =	vadd.f32 v8, v7  }
0x15d: {  	v8 =	vld [tilespmem:s13+$0x3E0]  }
0x15e: {  	v60 =	vld [tilespmem:s14+$0xFFFFFE30];
	v9 =	vadd.f32 v21, v9;
	v7 =	vadd.f32 v15, v7  }
0x15f: {  	v15 =	vld [tilespmem:s13+$0x460]  }
0x160: {  	v9 =	vadd.f32 v19, v9;
	v19 =	vld [tilespmem:s14+$0xFFFFFEB0];
	v7 =	vadd.f32 v11, v7  }
0x161: {  	v11 =	vld [tilespmem:s13+$0x4E0]  }
0x162: {  	v18 =	vld [tilespmem:s16+$0xFFFFFD00];
	v9 =	vadd.f32 v20, v9;
	v7 =	vadd.f32 v8, v7  }
0x163: {  	v8 =	vld [tilespmem:s14+$0xFFFFFF30]  }
0x164: {  	v16 =	vld [tilespmem:s16+$0xFFFFFC80];
	v9 =	vadd.f32 v60, v9;
	v7 =	vadd.f32 v15, v7  }
0x165: {  	v15 =	vld [tilespmem:s14+$0xFFFFFFB0]  }
0x166: {  	v20 =	vld [tilespmem:s16+$0xFFFFFB00];
	v9 =	vadd.f32 v19, v9;
	v7 =	vadd.f32 v11, v7  }
0x167: {  	v11 =	vld [tilespmem:s14+$0x30]  }
0x168: {  	v8 =	vadd.f32 v8, v9;
	v9 =	vld [tilespmem:s14+$0xB0];
	[tilespmem:s12+$0x19060] =	vst v7  }
0x169: {  	v7 =	vld [tilespmem:s13+$0xFFFFFB70]  }
0x16a: {  	v8 =	vadd.f32 v15, v8;
	v15 =	vld [tilespmem:s13+$0xFFFFFBF0]  }
0x16b: {  	v19 =	vld [tilespmem:s14+$0x130]  }
0x16c: {  	v8 =	vadd.f32 v11, v8;
	v11 =	vld [tilespmem:s13+$0xFFFFFC70]  }
0x16d: {  	v62 =	vld [tilespmem:s14+$0x1B0];
	v20 =	vadd.f32 v61, v20  }
0x16e: {  	v8 =	vadd.f32 v9, v8;
	v9 =	vld [tilespmem:s13+$0xFFFFFCF0]  }
0x16f: {  	v63 =	vld [tilespmem:s14+$0x230];
	v20 =	vadd.f32 v22, v20;
	v7 =	vadd.f32 v15, v7  }
0x170: {  	v8 =	vadd.f32 v19, v8;
	v19 =	vld [tilespmem:s13+$0xFFFFFD70]  }
0x171: {  	v15 =	vadd.f32 v16, v20;
	v20 =	vld [tilespmem:s14+$0x2B0];
	v11 =	vadd.f32 v11, v7  }
0x172: {  	v7 =	vld [tilespmem:s13+$0xFFFFFDF0];
	v8 =	vadd.f32 v62, v8  }
0x173: {  	v16 =	vadd.f32 v18, v15;
	v15 =	vld [tilespmem:s14+$0x330];
	v9 =	vadd.f32 v9, v11  }
0x174: {  	v18 =	vadd.f32 v63, v8;
	v8 =	vld [tilespmem:s13+$0xFFFFFE70]  }
0x175: {  	v17 =	vadd.f32 v17, v16;
	v16 =	vld [tilespmem:s14+$0x3B0];
	v11 =	vadd.f32 v19, v9  }
0x176: {  	s17 =	simm.s32 $0x400;
	s18 =	simm.s32 $0x600;
	v9 =	vld [tilespmem:s13+$0xFFFFFEF0];
	v18 =	vadd.f32 v20, v18  }
.LBB2_3:
0x177: {  	p1 =	sne.s32 s18, $0x1E00;
	v14 =	vadd.f32 v14, v17;
	v17 =	vld [tilespmem:s14+$0x430];
	v7 =	vadd.f32 v7, v11  }
0x178: {  	v11 =	vadd.f32 v15, v18;
	v15 =	vld [tilespmem:s13+$0xFFFFFF70]  }
0x179: {  	v13 =	vadd.f32 v13, v14;
	v14 =	vld [tilespmem:s14+$0x4B0];
	v7 =	vadd.f32 v8, v7  }
0x17a: {  	v8 =	vadd.f32 v16, v11;
	v11 =	vld [tilespmem:s13+$0xFFFFFFF0]  }
0x17b: {  	v12 =	vadd.f32 v12, v13;
	v13 =	vld [tilespmem:s16+$0x80];
	v7 =	vadd.f32 v9, v7  }
0x17c: {  	v8 =	vadd.f32 v17, v8;
	v9 =	vld [tilespmem:s13+$0x70]  }
0x17d: {  	v10 =	vadd.f32 v10, v12;
	v12 =	vld [tilespmem:s16+$0x100];
	v7 =	vadd.f32 v15, v7  }
0x17e: {  	v8 =	vadd.f32 v14, v8;
	v14 =	vld [tilespmem:s13+$0xF0]  }
0x17f: {  	v6 =	vadd.f32 v6, v10;
	v10 =	vld [tilespmem:s16+$0x180];
	v7 =	vadd.f32 v11, v7  }
0x180: {  	[tilespmem:s15+$0x19030] =	vst v8;
	v8 =	vld [tilespmem:s13+$0x170]  }
0x181: {  	v6 =	vadd.f32 v13, v6;
	v11 =	vld [tilespmem:s14+$0xFFFFFB40];
	v7 =	vadd.f32 v9, v7  }
0x182: {  	v9 =	vld [tilespmem:s13+$0x1F0]  }
0x183: {  	v6 =	vadd.f32 v12, v6;
	v12 =	vld [tilespmem:s14+$0xFFFFFBC0];
	v7 =	vadd.f32 v14, v7  }
0x184: {  	v13 =	vld [tilespmem:s13+$0x270]  }
0x185: {  	v6 =	vadd.f32 v10, v6;
	v10 =	vld [tilespmem:s14+$0xFFFFFC40];
	v7 =	vadd.f32 v8, v7  }
0x186: {  	v8 =	vld [tilespmem:s13+$0x2F0]  }
0x187: {  	v5 =	vadd.f32 v5, v6;
	v6 =	vld [tilespmem:s14+$0xFFFFFCC0];
	v7 =	vadd.f32 v9, v7  }
0x188: {  	v9 =	vadd.f32 v12, v11;
	v11 =	vld [tilespmem:s13+$0x370]  }
0x189: {  	v4 =	vadd.f32 v4, v5;
	v5 =	vld [tilespmem:s14+$0xFFFFFD40];
	v7 =	vadd.f32 v13, v7  }
0x18a: {  	v9 =	vadd.f32 v10, v9;
	v10 =	vld [tilespmem:s13+$0x3F0]  }
0x18b: {  	v3 =	vadd.f32 v3, v4;
	v4 =	vld [tilespmem:s14+$0xFFFFFDC0];
	v7 =	vadd.f32 v8, v7  }
0x18c: {  	v6 =	vadd.f32 v6, v9;
	v8 =	vld [tilespmem:s13+$0x470]  }
0x18d: {  	v2 =	vadd.f32 v2, v3;
	v3 =	vld [tilespmem:s14+$0xFFFFFE40];
	v7 =	vadd.f32 v11, v7  }
0x18e: {  	v5 =	vadd.f32 v5, v6;
	v6 =	vld [tilespmem:s13+$0x4F0];
	s13 =	smov.u32 s14;
	s14 =	smov.u32 s16  }
0x18f: {  	s16 =	sadd.s32 $0xA00, s16;
	v1 =	vadd.f32 v1, v2;
	v2 =	vld [tilespmem:s13+$0xFFFFFEC0];
	v7 =	vadd.f32 v10, v7  }
0x190: {  	v9 =	vld [tilespmem:s16+$0x480];
	v4 =	vadd.f32 v4, v5  }
0x191: {  	v0 =	vadd.f32 v0, v1;
	v5 =	vld [tilespmem:s13+$0xFFFFFF40];
	v7 =	vadd.f32 v8, v7  }
0x192: {  	s20 =	sshra.s32 s17, $0x2;
	s17 =	smov.u32 s18;
	v1 =	vld [tilespmem:s16+$0x400];
	v3 =	vadd.f32 v3, v4  }
0x193: {  	[tilespmem:s20+$0x19000] =	vst v0;
	v4 =	vld [tilespmem:s13+$0xFFFFFFC0];
	v7 =	vadd.f32 v6, v7  }
0x194: {  	v6 =	vld [tilespmem:s14+$0xFFFFFB10];
	v2 =	vadd.f32 v2, v3  }
0x195: {  	v3 =	vld [tilespmem:s13+$0x40];
	[tilespmem:s12+$0x19070] =	vst v7;
	v0 =	vmov v9;
	s12 =	smov.u32 s15;
	s15 =	smov.u32 s20  }
0x196: {  	v7 =	vld [tilespmem:s14+$0xFFFFFB90];
	v2 =	vadd.f32 v5, v2  }
0x197: {  	v5 =	vld [tilespmem:s13+$0xC0]  }
0x198: {  	v8 =	vld [tilespmem:s14+$0xFFFFFC10];
	v2 =	vadd.f32 v4, v2  }
0x199: {  	v4 =	vld [tilespmem:s13+$0x140]  }
0x19a: {  	v9 =	vld [tilespmem:s14+$0xFFFFFC90];
	v2 =	vadd.f32 v3, v2  }
0x19b: {  	v3 =	vld [tilespmem:s13+$0x1C0]  }
0x19c: {  	v6 =	vadd.f32 v7, v6;
	v7 =	vld [tilespmem:s14+$0xFFFFFD10];
	v2 =	vadd.f32 v5, v2  }
0x19d: {  	v5 =	vld [tilespmem:s13+$0x240]  }
0x19e: {  	v6 =	vadd.f32 v8, v6;
	v8 =	vld [tilespmem:s14+$0xFFFFFD90];
	v2 =	vadd.f32 v4, v2  }
0x19f: {  	v4 =	vld [tilespmem:s13+$0x2C0]  }
0x1a0: {  	v6 =	vadd.f32 v9, v6;
	v9 =	vld [tilespmem:s14+$0xFFFFFE10];
	v2 =	vadd.f32 v3, v2  }
0x1a1: {  	v3 =	vld [tilespmem:s13+$0x340]  }
0x1a2: {  	v6 =	vadd.f32 v7, v6;
	v7 =	vld [tilespmem:s14+$0xFFFFFE90];
	v2 =	vadd.f32 v5, v2  }
0x1a3: {  	v5 =	vld [tilespmem:s13+$0x3C0]  }
0x1a4: {  	v6 =	vadd.f32 v8, v6;
	v8 =	vld [tilespmem:s14+$0xFFFFFF10];
	v2 =	vadd.f32 v4, v2  }
0x1a5: {  	v4 =	vld [tilespmem:s13+$0x440]  }
0x1a6: {  	v6 =	vadd.f32 v9, v6;
	v9 =	vld [tilespmem:s14+$0xFFFFFF90];
	v3 =	vadd.f32 v3, v2  }
0x1a7: {  	v10 =	vld [tilespmem:s13+$0x4C0]  }
0x1a8: {  	v6 =	vadd.f32 v7, v6;
	v2 =	vld [tilespmem:s16+$0x380];
	v5 =	vadd.f32 v5, v3  }
0x1a9: {  	v7 =	vld [tilespmem:s14+$0x10]  }
0x1aa: {  	v6 =	vadd.f32 v8, v6;
	v3 =	vld [tilespmem:s16+$0x300];
	v5 =	vadd.f32 v4, v5  }
0x1ab: {  	v8 =	vld [tilespmem:s14+$0x90]  }
0x1ac: {  	v6 =	vadd.f32 v9, v6;
	v4 =	vld [tilespmem:s16+$0x280];
	v5 =	vadd.f32 v10, v5  }
0x1ad: {  	v9 =	vld [tilespmem:s14+$0x110]  }
0x1ae: {  	v6 =	vadd.f32 v7, v6;
	v7 =	vld [tilespmem:s14+$0x190];
	[tilespmem:s12+$0x19040] =	vst v5  }
0x1af: {  	v5 =	vld [tilespmem:s13+$0xFFFFFB50]  }
0x1b0: {  	v6 =	vadd.f32 v8, v6;
	v8 =	vld [tilespmem:s13+$0xFFFFFBD0]  }
0x1b1: {  	v10 =	vld [tilespmem:s14+$0x210]  }
0x1b2: {  	v6 =	vadd.f32 v9, v6;
	v9 =	vld [tilespmem:s13+$0xFFFFFC50]  }
0x1b3: {  	v11 =	vld [tilespmem:s14+$0x290]  }
0x1b4: {  	v6 =	vadd.f32 v7, v6;
	v7 =	vld [tilespmem:s13+$0xFFFFFCD0]  }
0x1b5: {  	v12 =	vld [tilespmem:s14+$0x310];
	v5 =	vadd.f32 v8, v5  }
0x1b6: {  	v6 =	vadd.f32 v10, v6;
	v8 =	vld [tilespmem:s13+$0xFFFFFD50]  }
0x1b7: {  	v10 =	vld [tilespmem:s14+$0x390];
	v5 =	vadd.f32 v9, v5  }
0x1b8: {  	v6 =	vadd.f32 v11, v6;
	v9 =	vld [tilespmem:s13+$0xFFFFFDD0]  }
0x1b9: {  	v11 =	vld [tilespmem:s14+$0x410];
	v5 =	vadd.f32 v7, v5  }
0x1ba: {  	v6 =	vadd.f32 v12, v6;
	v7 =	vld [tilespmem:s13+$0xFFFFFE50]  }
0x1bb: {  	v12 =	vld [tilespmem:s14+$0x490];
	v8 =	vadd.f32 v8, v5  }
0x1bc: {  	v6 =	vadd.f32 v10, v6;
	v13 =	vld [tilespmem:s13+$0xFFFFFED0]  }
0x1bd: {  	v5 =	vld [tilespmem:s16+$0x200];
	v8 =	vadd.f32 v9, v8  }
0x1be: {  	v9 =	vadd.f32 v11, v6;
	v11 =	vld [tilespmem:s13+$0xFFFFFF50]  }
0x1bf: {  	v6 =	vld [tilespmem:s16+$0x0];
	v7 =	vadd.f32 v7, v8  }
0x1c0: {  	v8 =	vadd.f32 v12, v9;
	v9 =	vld [tilespmem:s13+$0xFFFFFFD0]  }
0x1c1: {  	v10 =	vld [tilespmem:s16+$0xFFFFFF80];
	v7 =	vadd.f32 v13, v7  }
0x1c2: {  	[tilespmem:s15+$0x19010] =	vst v8;
	v8 =	vld [tilespmem:s13+$0x50]  }
0x1c3: {  	v12 =	vld [tilespmem:s14+$0xFFFFFB20];
	v7 =	vadd.f32 v11, v7  }
0x1c4: {  	v11 =	vld [tilespmem:s13+$0xD0]  }
0x1c5: {  	v13 =	vld [tilespmem:s14+$0xFFFFFBA0];
	v7 =	vadd.f32 v9, v7  }
0x1c6: {  	v9 =	vld [tilespmem:s13+$0x150]  }
0x1c7: {  	v14 =	vld [tilespmem:s14+$0xFFFFFC20];
	v7 =	vadd.f32 v8, v7  }
0x1c8: {  	v8 =	vld [tilespmem:s13+$0x1D0]  }
0x1c9: {  	v15 =	vld [tilespmem:s14+$0xFFFFFCA0];
	v7 =	vadd.f32 v11, v7  }
0x1ca: {  	v11 =	vld [tilespmem:s13+$0x250]  }
0x1cb: {  	v12 =	vadd.f32 v13, v12;
	v13 =	vld [tilespmem:s14+$0xFFFFFD20];
	v7 =	vadd.f32 v9, v7  }
0x1cc: {  	v9 =	vld [tilespmem:s13+$0x2D0]  }
0x1cd: {  	v12 =	vadd.f32 v14, v12;
	v14 =	vld [tilespmem:s14+$0xFFFFFDA0];
	v7 =	vadd.f32 v8, v7  }
0x1ce: {  	v8 =	vld [tilespmem:s13+$0x350]  }
0x1cf: {  	v12 =	vadd.f32 v15, v12;
	v15 =	vld [tilespmem:s14+$0xFFFFFE20];
	v7 =	vadd.f32 v11, v7  }
0x1d0: {  	v11 =	vld [tilespmem:s13+$0x3D0]  }
0x1d1: {  	v12 =	vadd.f32 v13, v12;
	v16 =	vld [tilespmem:s14+$0xFFFFFEA0];
	v7 =	vadd.f32 v9, v7  }
0x1d2: {  	v9 =	vld [tilespmem:s13+$0x450]  }
0x1d3: {  	v13 =	vadd.f32 v14, v12;
	v17 =	vld [tilespmem:s14+$0xFFFFFF20];
	v7 =	vadd.f32 v8, v7  }
0x1d4: {  	v8 =	vld [tilespmem:s13+$0x4D0]  }
0x1d5: {  	v14 =	vadd.f32 v15, v13;
	v12 =	vld [tilespmem:s16+$0xFFFFFF00];
	v7 =	vadd.f32 v11, v7  }
0x1d6: {  	v11 =	vld [tilespmem:s14+$0xFFFFFFA0]  }
0x1d7: {  	v15 =	vadd.f32 v16, v14;
	v13 =	vld [tilespmem:s16+$0xFFFFFE80];
	v7 =	vadd.f32 v9, v7  }
0x1d8: {  	v9 =	vld [tilespmem:s14+$0x20]  }
0x1d9: {  	v15 =	vadd.f32 v17, v15;
	v14 =	vld [tilespmem:s16+$0xFFFFFE00];
	v7 =	vadd.f32 v8, v7  }
0x1da: {  	v8 =	vld [tilespmem:s14+$0xA0]  }
0x1db: {  	v11 =	vadd.f32 v11, v15;
	v15 =	vld [tilespmem:s14+$0x120];
	[tilespmem:s12+$0x19050] =	vst v7  }
0x1dc: {  	v7 =	vld [tilespmem:s13+$0xFFFFFB60]  }
0x1dd: {  	v9 =	vadd.f32 v9, v11;
	v11 =	vld [tilespmem:s13+$0xFFFFFBE0]  }
0x1de: {  	v16 =	vld [tilespmem:s14+$0x1A0]  }
0x1df: {  	v8 =	vadd.f32 v8, v9;
	v9 =	vld [tilespmem:s13+$0xFFFFFC60]  }
0x1e0: {  	v17 =	vld [tilespmem:s14+$0x220]  }
0x1e1: {  	v8 =	vadd.f32 v15, v8;
	v15 =	vld [tilespmem:s13+$0xFFFFFCE0]  }
0x1e2: {  	v18 =	vld [tilespmem:s14+$0x2A0];
	v7 =	vadd.f32 v11, v7  }
0x1e3: {  	v8 =	vadd.f32 v16, v8;
	v11 =	vld [tilespmem:s13+$0xFFFFFD60]  }
0x1e4: {  	v16 =	vld [tilespmem:s14+$0x320];
	v7 =	vadd.f32 v9, v7  }
0x1e5: {  	v8 =	vadd.f32 v17, v8;
	v9 =	vld [tilespmem:s13+$0xFFFFFDE0]  }
0x1e6: {  	v17 =	vld [tilespmem:s14+$0x3A0];
	v7 =	vadd.f32 v15, v7  }
0x1e7: {  	v8 =	vadd.f32 v18, v8;
	v15 =	vld [tilespmem:s13+$0xFFFFFE60]  }
0x1e8: {  	v18 =	vld [tilespmem:s14+$0x420];
	v7 =	vadd.f32 v11, v7  }
0x1e9: {  	v8 =	vadd.f32 v16, v8;
	v11 =	vld [tilespmem:s13+$0xFFFFFEE0]  }
0x1ea: {  	v16 =	vld [tilespmem:s14+$0x4A0];
	v7 =	vadd.f32 v9, v7  }
0x1eb: {  	v8 =	vadd.f32 v17, v8;
	v9 =	vld [tilespmem:s13+$0xFFFFFF60]  }
0x1ec: {  	v17 =	vld [tilespmem:s16+$0xFFFFFD80];
	v7 =	vadd.f32 v15, v7  }
0x1ed: {  	v8 =	vadd.f32 v18, v8;
	v15 =	vld [tilespmem:s13+$0xFFFFFFE0]  }
0x1ee: {  	v18 =	vld [tilespmem:s16+$0xFFFFFD00];
	v7 =	vadd.f32 v11, v7  }
0x1ef: {  	v8 =	vadd.f32 v16, v8;
	v11 =	vld [tilespmem:s13+$0x60]  }
0x1f0: {  	v16 =	vld [tilespmem:s16+$0xFFFFFC80];
	v7 =	vadd.f32 v9, v7  }
0x1f1: {  	[tilespmem:s15+$0x19020] =	vst v8;
	v8 =	vld [tilespmem:s13+$0xE0]  }
0x1f2: {  	v9 =	vld [tilespmem:s14+$0xFFFFFB30];
	v7 =	vadd.f32 v15, v7  }
0x1f3: {  	v15 =	vld [tilespmem:s13+$0x160]  }
0x1f4: {  	v19 =	vld [tilespmem:s14+$0xFFFFFBB0];
	v7 =	vadd.f32 v11, v7  }
0x1f5: {  	v11 =	vld [tilespmem:s13+$0x1E0]  }
0x1f6: {  	v20 =	vld [tilespmem:s14+$0xFFFFFC30];
	v7 =	vadd.f32 v8, v7  }
0x1f7: {  	v8 =	vld [tilespmem:s13+$0x260]  }
0x1f8: {  	v21 =	vld [tilespmem:s14+$0xFFFFFCB0];
	v7 =	vadd.f32 v15, v7  }
0x1f9: {  	v15 =	vld [tilespmem:s13+$0x2E0]  }
0x1fa: {  	v9 =	vadd.f32 v19, v9;
	v19 =	vld [tilespmem:s14+$0xFFFFFD30];
	v7 =	vadd.f32 v11, v7  }
0x1fb: {  	v11 =	vld [tilespmem:s13+$0x360]  }
0x1fc: {  	v9 =	vadd.f32 v20, v9;
	v20 =	vld [tilespmem:s14+$0xFFFFFDB0];
	v7 =	vadd.f32 v8, v7  }
0x1fd: {  	v8 =	vld [tilespmem:s13+$0x3E0]  }
0x1fe: {  	v9 =	vadd.f32 v21, v9;
	v21 =	vld [tilespmem:s14+$0xFFFFFE30];
	v7 =	vadd.f32 v15, v7  }
0x1ff: {  	v15 =	vld [tilespmem:s13+$0x460]  }
0x200: {  	v9 =	vadd.f32 v19, v9;
	v19 =	vld [tilespmem:s14+$0xFFFFFEB0];
	v7 =	vadd.f32 v11, v7  }
0x201: {  	v11 =	vld [tilespmem:s13+$0x4E0]  }
0x202: {  	v9 =	vadd.f32 v20, v9;
	v22 =	vld [tilespmem:s16+$0xFFFFFC00];
	v7 =	vadd.f32 v8, v7  }
0x203: {  	v8 =	vld [tilespmem:s14+$0xFFFFFF30]  }
0x204: {  	v9 =	vadd.f32 v21, v9;
	v20 =	vld [tilespmem:s16+$0xFFFFFB00];
	v7 =	vadd.f32 v15, v7  }
0x205: {  	v15 =	vld [tilespmem:s14+$0xFFFFFFB0]  }
0x206: {  	v9 =	vadd.f32 v19, v9;
	v21 =	vld [tilespmem:s16+$0xFFFFFB80];
	v7 =	vadd.f32 v11, v7  }
0x207: {  	v11 =	vld [tilespmem:s14+$0x30]  }
0x208: {  	v8 =	vadd.f32 v8, v9;
	v9 =	vld [tilespmem:s14+$0xB0];
	[tilespmem:s12+$0x19060] =	vst v7  }
0x209: {  	v7 =	vld [tilespmem:s13+$0xFFFFFB70]  }
0x20a: {  	v8 =	vadd.f32 v15, v8;
	v15 =	vld [tilespmem:s13+$0xFFFFFBF0]  }
0x20b: {  	v19 =	vld [tilespmem:s14+$0x130]  }
0x20c: {  	v8 =	vadd.f32 v11, v8;
	v11 =	vld [tilespmem:s13+$0xFFFFFC70]  }
0x20d: {  	v20 =	vadd.f32 v21, v20;
	v21 =	vld [tilespmem:s14+$0x1B0]  }
0x20e: {  	v8 =	vadd.f32 v9, v8;
	v9 =	vld [tilespmem:s13+$0xFFFFFCF0]  }
0x20f: {  	v20 =	vadd.f32 v22, v20;
	v22 =	vld [tilespmem:s14+$0x230];
	v7 =	vadd.f32 v15, v7  }
0x210: {  	v8 =	vadd.f32 v19, v8;
	v19 =	vld [tilespmem:s13+$0xFFFFFD70]  }
0x211: {  	v15 =	vadd.f32 v16, v20;
	v20 =	vld [tilespmem:s14+$0x2B0];
	v11 =	vadd.f32 v11, v7  }
.Ltmp2:
0x212: {  	v8 =	vadd.f32 v21, v8;
	v7 =	vld [tilespmem:s13+$0xFFFFFDF0];
	(pc) =	sbr.rel @p1 .LBB2_3-.Ltmp2, $4  }
0x213: {  	v16 =	vadd.f32 v18, v15;
	v15 =	vld [tilespmem:s14+$0x330];
	v9 =	vadd.f32 v9, v11  }
0x214: {  	v18 =	vadd.f32 v22, v8;
	v8 =	vld [tilespmem:s13+$0xFFFFFE70]  }
0x215: {  	v17 =	vadd.f32 v17, v16;
	v16 =	vld [tilespmem:s14+$0x3B0];
	v11 =	vadd.f32 v19, v9  }
0x216: {  	s18 =	sadd.s32 $0x200, s18;
	v18 =	vadd.f32 v20, v18;
	v9 =	vld [tilespmem:s13+$0xFFFFFEF0]  }
0x217: {  	v14 =	vadd.f32 v14, v17;
	_ =	sdelay $0x1  }
0x218: {  	v13 =	vadd.f32 v13, v14;
	_ =	sdelay $0x1  }
0x219: {  	v12 =	vadd.f32 v12, v13  }
0x21a: {  	v13 =	vld [tilespmem:s16+$0x80]  }
0x21b: {  	v17 =	vld [tilespmem:s14+$0x430];
	v10 =	vadd.f32 v10, v12  }
0x21c: {  	v12 =	vadd.f32 v15, v18;
	v15 =	vld [tilespmem:s16+$0x100]  }
0x21d: {  	v18 =	vld [tilespmem:s14+$0x4B0];
	v6 =	vadd.f32 v6, v10  }
0x21e: {  	v10 =	vadd.f32 v16, v12;
	v16 =	vld [tilespmem:s16+$0x180]  }
0x21f: {  	v6 =	vadd.f32 v13, v6;
	_ =	sdelay $0x1  }
0x220: {  	v14 =	vld [tilespmem:s13+$0xFFFFFF70];
	v10 =	vadd.f32 v17, v10;
	v6 =	vadd.f32 v15, v6  }
0x221: {  	v12 =	vld [tilespmem:s13+$0x70]  }
0x222: {  	v13 =	vld [tilespmem:s13+$0xFFFFFFF0];
	v15 =	vadd.f32 v18, v10;
	v16 =	vadd.f32 v16, v6  }
0x223: {  	v10 =	vld [tilespmem:s13+$0xF0]  }
0x224: {  	[tilespmem:s15+$0x19030] =	vst v15;
	v6 =	vld [tilespmem:s13+$0x170];
	v16 =	vadd.f32 v5, v16  }
0x225: {  	v15 =	vld [tilespmem:s14+$0xFFFFFB40]  }
0x226: {  	v17 =	vld [tilespmem:s14+$0xFFFFFBC0];
	v16 =	vadd.f32 v4, v16  }
0x227: {  	v19 =	vld [tilespmem:s14+$0xFFFFFC40]  }
0x228: {  	v20 =	vld [tilespmem:s14+$0xFFFFFCC0];
	v16 =	vadd.f32 v3, v16  }
0x229: {  	v18 =	vld [tilespmem:s14+$0xFFFFFD40]  }
0x22a: {  	v5 =	vld [tilespmem:s13+$0x1F0];
	v16 =	vadd.f32 v2, v16  }
0x22b: {  	v4 =	vld [tilespmem:s13+$0x270]  }
0x22c: {  	v3 =	vld [tilespmem:s13+$0x2F0];
	v21 =	vadd.f32 v1, v16  }
0x22d: {  	v2 =	vld [tilespmem:s13+$0x370]  }
0x22e: {  	v1 =	vld [tilespmem:s13+$0x3F0];
	v21 =	vadd.f32 v0, v21  }
0x22f: {  	s17 =	sshra.s32 s17, $0x2;
	v16 =	vld [tilespmem:s14+$0xFFFFFDC0]  }
0x230: {  	v0 =	vld [tilespmem:s13+$0x470];
	[tilespmem:s17+$0x19000] =	vst v21  }
0x231: {  	v21 =	vld [tilespmem:s16+$0xFFFFFB10]  }
0x232: {  	v22 =	vld [tilespmem:s16+$0xFFFFFB90];
	_ =	sdelay $0x1  }
0x233: {  	v23 =	vld [tilespmem:s16+$0xFFFFFC10];
	_ =	sdelay $0x1  }
0x234: {  	v24 =	vld [tilespmem:s16+$0xFFFFFC90]  }
0x235: {  	v21 =	vadd.f32 v22, v21  }
0x236: {  	v42 =	vld [tilespmem:s16+$0xFFFFFD10]  }
0x237: {  	v21 =	vadd.f32 v23, v21  }
0x238: {  	v43 =	vld [tilespmem:s16+$0xFFFFFD90]  }
0x239: {  	v21 =	vadd.f32 v24, v21  }
0x23a: {  	v44 =	vld [tilespmem:s16+$0xFFFFFE10]  }
0x23b: {  	v21 =	vadd.f32 v42, v21  }
0x23c: {  	v45 =	vld [tilespmem:s16+$0xFFFFFE90]  }
0x23d: {  	v21 =	vadd.f32 v43, v21  }
0x23e: {  	v46 =	vld [tilespmem:s16+$0xFFFFFF10]  }
0x23f: {  	v21 =	vadd.f32 v44, v21  }
0x240: {  	v47 =	vld [tilespmem:s16+$0xFFFFFF90]  }
0x241: {  	v21 =	vadd.f32 v45, v21  }
0x242: {  	v48 =	vld [tilespmem:s16+$0x10]  }
0x243: {  	v21 =	vadd.f32 v46, v21  }
0x244: {  	v49 =	vld [tilespmem:s16+$0x90]  }
0x245: {  	v21 =	vadd.f32 v47, v21  }
0x246: {  	v50 =	vld [tilespmem:s16+$0x110]  }
0x247: {  	v21 =	vadd.f32 v48, v21  }
0x248: {  	v51 =	vld [tilespmem:s16+$0x190]  }
0x249: {  	v21 =	vadd.f32 v49, v21  }
0x24a: {  	v52 =	vld [tilespmem:s16+$0x210]  }
0x24b: {  	v21 =	vadd.f32 v50, v21  }
0x24c: {  	v53 =	vld [tilespmem:s16+$0x290]  }
0x24d: {  	v21 =	vadd.f32 v51, v21  }
0x24e: {  	v54 =	vld [tilespmem:s16+$0x310]  }
0x24f: {  	v21 =	vadd.f32 v52, v21  }
0x250: {  	v55 =	vld [tilespmem:s16+$0x390]  }
0x251: {  	v21 =	vadd.f32 v53, v21  }
0x252: {  	v56 =	vld [tilespmem:s16+$0x410]  }
0x253: {  	v21 =	vadd.f32 v54, v21  }
0x254: {  	v57 =	vld [tilespmem:s16+$0x490]  }
0x255: {  	v21 =	vadd.f32 v55, v21;
	_ =	sdelay $0x1  }
0x256: {  	v21 =	vadd.f32 v56, v21;
	_ =	sdelay $0x1  }
0x257: {  	v21 =	vadd.f32 v57, v21;
	_ =	sdelay $0x1  }
0x258: {  	[tilespmem:s17+$0x19010] =	vst v21  }
0x259: {  	v21 =	vld [tilespmem:s16+$0xFFFFFB20]  }
0x25a: {  	v58 =	vld [tilespmem:s16+$0xFFFFFBA0];
	_ =	sdelay $0x1  }
0x25b: {  	v59 =	vld [tilespmem:s16+$0xFFFFFC20];
	_ =	sdelay $0x1  }
0x25c: {  	v60 =	vld [tilespmem:s16+$0xFFFFFCA0]  }
0x25d: {  	v21 =	vadd.f32 v58, v21  }
0x25e: {  	v61 =	vld [tilespmem:s16+$0xFFFFFD20]  }
0x25f: {  	v21 =	vadd.f32 v59, v21  }
0x260: {  	v62 =	vld [tilespmem:s16+$0xFFFFFDA0]  }
0x261: {  	v21 =	vadd.f32 v60, v21  }
0x262: {  	v63 =	vld [tilespmem:s16+$0xFFFFFE20]  }
0x263: {  	v21 =	vadd.f32 v61, v21  }
0x264: {  	v28 =	vld [tilespmem:s16+$0xFFFFFEA0]  }
0x265: {  	v21 =	vadd.f32 v62, v21  }
0x266: {  	v29 =	vld [tilespmem:s16+$0xFFFFFF20]  }
0x267: {  	v21 =	vadd.f32 v63, v21  }
0x268: {  	v30 =	vld [tilespmem:s16+$0xFFFFFFA0]  }
0x269: {  	v21 =	vadd.f32 v28, v21  }
0x26a: {  	v31 =	vld [tilespmem:s16+$0x20]  }
0x26b: {  	v21 =	vadd.f32 v29, v21  }
0x26c: {  	v32 =	vld [tilespmem:s16+$0xA0]  }
0x26d: {  	v21 =	vadd.f32 v30, v21  }
0x26e: {  	v33 =	vld [tilespmem:s16+$0x120]  }
0x26f: {  	v21 =	vadd.f32 v31, v21  }
0x270: {  	v34 =	vld [tilespmem:s16+$0x1A0]  }
0x271: {  	v21 =	vadd.f32 v32, v21  }
0x272: {  	v35 =	vld [tilespmem:s16+$0x220]  }
0x273: {  	v21 =	vadd.f32 v33, v21  }
0x274: {  	v36 =	vld [tilespmem:s16+$0x2A0]  }
0x275: {  	v21 =	vadd.f32 v34, v21  }
0x276: {  	v37 =	vld [tilespmem:s16+$0x320]  }
0x277: {  	v21 =	vadd.f32 v35, v21  }
0x278: {  	v38 =	vld [tilespmem:s16+$0x3A0]  }
0x279: {  	v21 =	vadd.f32 v36, v21  }
0x27a: {  	v39 =	vld [tilespmem:s16+$0x420]  }
0x27b: {  	v21 =	vadd.f32 v37, v21  }
0x27c: {  	v40 =	vld [tilespmem:s16+$0x4A0]  }
0x27d: {  	v21 =	vadd.f32 v38, v21;
	_ =	sdelay $0x1  }
0x27e: {  	v21 =	vadd.f32 v39, v21;
	_ =	sdelay $0x1  }
0x27f: {  	v21 =	vadd.f32 v40, v21;
	_ =	sdelay $0x1  }
0x280: {  	[tilespmem:s17+$0x19020] =	vst v21  }
0x281: {  	v21 =	vld [tilespmem:s16+$0xFFFFFB30]  }
0x282: {  	v41 =	vld [tilespmem:s16+$0xFFFFFBB0];
	_ =	sdelay $0x1  }
0x283: {  	v42 =	vld [tilespmem:s16+$0xFFFFFC30];
	_ =	sdelay $0x1  }
0x284: {  	v43 =	vld [tilespmem:s16+$0xFFFFFCB0]  }
0x285: {  	v21 =	vadd.f32 v41, v21  }
0x286: {  	v44 =	vld [tilespmem:s16+$0xFFFFFD30]  }
0x287: {  	v21 =	vadd.f32 v42, v21  }
0x288: {  	v45 =	vld [tilespmem:s16+$0xFFFFFDB0]  }
0x289: {  	v21 =	vadd.f32 v43, v21  }
0x28a: {  	v46 =	vld [tilespmem:s16+$0xFFFFFE30]  }
0x28b: {  	v21 =	vadd.f32 v44, v21  }
0x28c: {  	v47 =	vld [tilespmem:s16+$0xFFFFFEB0]  }
0x28d: {  	v21 =	vadd.f32 v45, v21  }
0x28e: {  	v48 =	vld [tilespmem:s16+$0xFFFFFF30]  }
0x28f: {  	v21 =	vadd.f32 v46, v21  }
0x290: {  	v49 =	vld [tilespmem:s16+$0xFFFFFFB0]  }
0x291: {  	v21 =	vadd.f32 v47, v21  }
0x292: {  	v50 =	vld [tilespmem:s16+$0x30]  }
0x293: {  	v21 =	vadd.f32 v48, v21  }
0x294: {  	v51 =	vld [tilespmem:s16+$0xB0]  }
0x295: {  	v21 =	vadd.f32 v49, v21  }
0x296: {  	v52 =	vld [tilespmem:s16+$0x130]  }
0x297: {  	v21 =	vadd.f32 v50, v21  }
0x298: {  	v53 =	vld [tilespmem:s16+$0x1B0]  }
0x299: {  	v21 =	vadd.f32 v51, v21  }
0x29a: {  	v54 =	vld [tilespmem:s16+$0x230]  }
0x29b: {  	v21 =	vadd.f32 v52, v21  }
0x29c: {  	v55 =	vld [tilespmem:s16+$0x2B0]  }
0x29d: {  	v21 =	vadd.f32 v53, v21  }
0x29e: {  	v56 =	vld [tilespmem:s16+$0x330]  }
0x29f: {  	v21 =	vadd.f32 v54, v21  }
0x2a0: {  	v57 =	vld [tilespmem:s16+$0x3B0]  }
0x2a1: {  	v21 =	vadd.f32 v55, v21  }
0x2a2: {  	v58 =	vld [tilespmem:s16+$0x430]  }
0x2a3: {  	v21 =	vadd.f32 v56, v21  }
0x2a4: {  	v59 =	vld [tilespmem:s16+$0x4B0]  }
0x2a5: {  	v21 =	vadd.f32 v57, v21;
	_ =	sdelay $0x1  }
0x2a6: {  	v21 =	vadd.f32 v58, v21;
	_ =	sdelay $0x1  }
0x2a7: {  	v21 =	vadd.f32 v59, v21;
	_ =	sdelay $0x1  }
0x2a8: {  	[tilespmem:s17+$0x19030] =	vst v21  }
0x2a9: {  	v21 =	vld [tilespmem:s16+$0xFFFFFB40]  }
0x2aa: {  	v60 =	vld [tilespmem:s16+$0xFFFFFBC0];
	_ =	sdelay $0x1  }
0x2ab: {  	v15 =	vadd.f32 v17, v15;
	v17 =	vld [tilespmem:s16+$0xFFFFFC40];
	_ =	sdelay $0x1  }
0x2ac: {  	v15 =	vadd.f32 v19, v15;
	v19 =	vld [tilespmem:s16+$0xFFFFFCC0]  }
0x2ad: {  	v21 =	vadd.f32 v60, v21  }
0x2ae: {  	v15 =	vadd.f32 v20, v15;
	v20 =	vld [tilespmem:s16+$0xFFFFFD40]  }
0x2af: {  	v61 =	vld [tilespmem:s14+$0xFFFFFE40];
	v17 =	vadd.f32 v17, v21  }
0x2b0: {  	v15 =	vadd.f32 v18, v15;
	v18 =	vld [tilespmem:s16+$0xFFFFFDC0]  }
0x2b1: {  	v62 =	vld [tilespmem:s14+$0xFFFFFEC0];
	v17 =	vadd.f32 v19, v17  }
0x2b2: {  	v15 =	vadd.f32 v16, v15;
	v16 =	vld [tilespmem:s16+$0xFFFFFE40]  }
0x2b3: {  	v19 =	vld [tilespmem:s14+$0xFFFFFF40];
	v17 =	vadd.f32 v20, v17  }
0x2b4: {  	v15 =	vadd.f32 v61, v15;
	v20 =	vld [tilespmem:s16+$0xFFFFFEC0]  }
0x2b5: {  	v63 =	vld [tilespmem:s14+$0xFFFFFFC0];
	v17 =	vadd.f32 v18, v17  }
0x2b6: {  	v15 =	vadd.f32 v62, v15;
	v18 =	vld [tilespmem:s16+$0xFFFFFF40]  }
0x2b7: {  	v24 =	vld [tilespmem:s14+$0x40];
	v16 =	vadd.f32 v16, v17  }
0x2b8: {  	v15 =	vadd.f32 v19, v15;
	v17 =	vld [tilespmem:s16+$0xFFFFFFC0]  }
0x2b9: {  	v19 =	vld [tilespmem:s14+$0xC0];
	v16 =	vadd.f32 v20, v16  }
0x2ba: {  	v15 =	vadd.f32 v63, v15;
	v20 =	vld [tilespmem:s16+$0x40]  }
0x2bb: {  	v25 =	vld [tilespmem:s14+$0x140];
	v16 =	vadd.f32 v18, v16  }
0x2bc: {  	v15 =	vadd.f32 v24, v15;
	v18 =	vld [tilespmem:s16+$0xC0]  }
0x2bd: {  	v26 =	vld [tilespmem:s14+$0x1C0];
	v16 =	vadd.f32 v17, v16  }
0x2be: {  	v15 =	vadd.f32 v19, v15;
	v17 =	vld [tilespmem:s16+$0x140]  }
0x2bf: {  	v19 =	vld [tilespmem:s14+$0x240];
	v16 =	vadd.f32 v20, v16  }
0x2c0: {  	v15 =	vadd.f32 v25, v15;
	v20 =	vld [tilespmem:s16+$0x1C0]  }
0x2c1: {  	v27 =	vld [tilespmem:s14+$0x2C0];
	v16 =	vadd.f32 v18, v16  }
0x2c2: {  	v15 =	vadd.f32 v26, v15;
	v18 =	vld [tilespmem:s16+$0x240]  }
0x2c3: {  	v28 =	vld [tilespmem:s14+$0x340];
	v16 =	vadd.f32 v17, v16  }
0x2c4: {  	v15 =	vadd.f32 v19, v15;
	v17 =	vld [tilespmem:s16+$0x2C0]  }
0x2c5: {  	v19 =	vld [tilespmem:s14+$0x3C0];
	v16 =	vadd.f32 v20, v16  }
0x2c6: {  	v15 =	vadd.f32 v27, v15;
	v20 =	vld [tilespmem:s16+$0x340]  }
0x2c7: {  	v29 =	vld [tilespmem:s14+$0x440];
	v16 =	vadd.f32 v18, v16  }
0x2c8: {  	v15 =	vadd.f32 v28, v15;
	v18 =	vld [tilespmem:s16+$0x3C0]  }
0x2c9: {  	v30 =	vld [tilespmem:s14+$0x4C0];
	v16 =	vadd.f32 v17, v16  }
0x2ca: {  	v15 =	vadd.f32 v19, v15;
	v17 =	vld [tilespmem:s16+$0x440]  }
0x2cb: {  	v16 =	vadd.f32 v20, v16  }
0x2cc: {  	v19 =	vld [tilespmem:s16+$0x4C0];
	v15 =	vadd.f32 v29, v15  }
0x2cd: {  	v16 =	vadd.f32 v18, v16  }
0x2ce: {  	v15 =	vadd.f32 v30, v15  }
0x2cf: {  	v16 =	vadd.f32 v17, v16  }
0x2d0: {  	[tilespmem:s15+$0x19040] =	vst v15  }
0x2d1: {  	v15 =	vld [tilespmem:s14+$0xFFFFFB50];
	v16 =	vadd.f32 v19, v16  }
0x2d2: {  	v17 =	vld [tilespmem:s14+$0xFFFFFBD0]  }
0x2d3: {  	v18 =	vld [tilespmem:s14+$0xFFFFFC50];
	[tilespmem:s17+$0x19040] =	vst v16  }
0x2d4: {  	v16 =	vld [tilespmem:s16+$0xFFFFFB50]  }
0x2d5: {  	v19 =	vld [tilespmem:s16+$0xFFFFFBD0]  }
0x2d6: {  	v20 =	vld [tilespmem:s14+$0xFFFFFCD0]  }
0x2d7: {  	v15 =	vadd.f32 v17, v15;
	v17 =	vld [tilespmem:s16+$0xFFFFFC50]  }
0x2d8: {  	v31 =	vld [tilespmem:s14+$0xFFFFFD50]  }
0x2d9: {  	v15 =	vadd.f32 v18, v15;
	v18 =	vld [tilespmem:s16+$0xFFFFFCD0]  }
0x2da: {  	v32 =	vld [tilespmem:s14+$0xFFFFFDD0];
	v16 =	vadd.f32 v19, v16  }
0x2db: {  	v15 =	vadd.f32 v20, v15;
	v19 =	vld [tilespmem:s16+$0xFFFFFD50]  }
0x2dc: {  	v20 =	vld [tilespmem:s14+$0xFFFFFE50];
	v16 =	vadd.f32 v17, v16  }
0x2dd: {  	v15 =	vadd.f32 v31, v15;
	v17 =	vld [tilespmem:s16+$0xFFFFFDD0]  }
0x2de: {  	v33 =	vld [tilespmem:s14+$0xFFFFFED0];
	v16 =	vadd.f32 v18, v16  }
0x2df: {  	v15 =	vadd.f32 v32, v15;
	v18 =	vld [tilespmem:s16+$0xFFFFFE50]  }
0x2e0: {  	v34 =	vld [tilespmem:s14+$0xFFFFFF50];
	v16 =	vadd.f32 v19, v16  }
0x2e1: {  	v15 =	vadd.f32 v20, v15;
	v19 =	vld [tilespmem:s16+$0xFFFFFED0]  }
0x2e2: {  	v20 =	vld [tilespmem:s14+$0xFFFFFFD0];
	v16 =	vadd.f32 v17, v16  }
0x2e3: {  	v15 =	vadd.f32 v33, v15;
	v17 =	vld [tilespmem:s16+$0xFFFFFF50]  }
0x2e4: {  	v35 =	vld [tilespmem:s14+$0x50];
	v16 =	vadd.f32 v18, v16  }
0x2e5: {  	v15 =	vadd.f32 v34, v15;
	v18 =	vld [tilespmem:s16+$0xFFFFFFD0]  }
0x2e6: {  	v36 =	vld [tilespmem:s14+$0xD0];
	v16 =	vadd.f32 v19, v16  }
0x2e7: {  	v15 =	vadd.f32 v20, v15;
	v19 =	vld [tilespmem:s16+$0x50]  }
0x2e8: {  	v20 =	vld [tilespmem:s14+$0x150];
	v16 =	vadd.f32 v17, v16  }
0x2e9: {  	v15 =	vadd.f32 v35, v15;
	v17 =	vld [tilespmem:s16+$0xD0]  }
0x2ea: {  	v37 =	vld [tilespmem:s14+$0x1D0];
	v16 =	vadd.f32 v18, v16  }
0x2eb: {  	v15 =	vadd.f32 v36, v15;
	v18 =	vld [tilespmem:s16+$0x150]  }
0x2ec: {  	v38 =	vld [tilespmem:s14+$0x250];
	v16 =	vadd.f32 v19, v16  }
0x2ed: {  	v15 =	vadd.f32 v20, v15;
	v19 =	vld [tilespmem:s16+$0x1D0]  }
0x2ee: {  	v20 =	vld [tilespmem:s14+$0x2D0];
	v16 =	vadd.f32 v17, v16  }
0x2ef: {  	v15 =	vadd.f32 v37, v15;
	v17 =	vld [tilespmem:s16+$0x250]  }
0x2f0: {  	v39 =	vld [tilespmem:s14+$0x350];
	v16 =	vadd.f32 v18, v16  }
0x2f1: {  	v15 =	vadd.f32 v38, v15;
	v18 =	vld [tilespmem:s16+$0x2D0]  }
0x2f2: {  	v40 =	vld [tilespmem:s14+$0x3D0];
	v16 =	vadd.f32 v19, v16  }
0x2f3: {  	v15 =	vadd.f32 v20, v15;
	v19 =	vld [tilespmem:s16+$0x350]  }
0x2f4: {  	v20 =	vld [tilespmem:s14+$0x450];
	v16 =	vadd.f32 v17, v16  }
0x2f5: {  	v15 =	vadd.f32 v39, v15;
	v17 =	vld [tilespmem:s16+$0x3D0]  }
0x2f6: {  	v41 =	vld [tilespmem:s14+$0x4D0];
	v16 =	vadd.f32 v18, v16  }
0x2f7: {  	v15 =	vadd.f32 v40, v15;
	v18 =	vld [tilespmem:s16+$0x450]  }
0x2f8: {  	v16 =	vadd.f32 v19, v16  }
0x2f9: {  	v15 =	vadd.f32 v20, v15;
	v19 =	vld [tilespmem:s16+$0x4D0]  }
0x2fa: {  	v16 =	vadd.f32 v17, v16  }
0x2fb: {  	v15 =	vadd.f32 v41, v15  }
0x2fc: {  	v16 =	vadd.f32 v18, v16  }
0x2fd: {  	[tilespmem:s15+$0x19050] =	vst v15  }
0x2fe: {  	v15 =	vld [tilespmem:s14+$0xFFFFFB60];
	v16 =	vadd.f32 v19, v16  }
0x2ff: {  	v17 =	vld [tilespmem:s14+$0xFFFFFBE0]  }
0x300: {  	v18 =	vld [tilespmem:s14+$0xFFFFFC60];
	[tilespmem:s17+$0x19050] =	vst v16  }
0x301: {  	v16 =	vld [tilespmem:s16+$0xFFFFFB60]  }
0x302: {  	v19 =	vld [tilespmem:s16+$0xFFFFFBE0]  }
0x303: {  	v20 =	vld [tilespmem:s14+$0xFFFFFCE0]  }
0x304: {  	v42 =	vld [tilespmem:s16+$0xFFFFFC60]  }
0x305: {  	v15 =	vadd.f32 v17, v15;
	v17 =	vld [tilespmem:s14+$0xFFFFFD60]  }
0x306: {  	v43 =	vld [tilespmem:s16+$0xFFFFFCE0]  }
0x307: {  	v15 =	vadd.f32 v18, v15;
	v18 =	vld [tilespmem:s14+$0xFFFFFDE0];
	v16 =	vadd.f32 v19, v16  }
0x308: {  	v19 =	vld [tilespmem:s16+$0xFFFFFD60]  }
0x309: {  	v44 =	vld [tilespmem:s16+$0xFFFFFDE0];
	v15 =	vadd.f32 v20, v15;
	v16 =	vadd.f32 v42, v16  }
0x30a: {  	v20 =	vld [tilespmem:s14+$0xFFFFFE60]  }
0x30b: {  	v45 =	vld [tilespmem:s16+$0xFFFFFE60];
	v15 =	vadd.f32 v17, v15;
	v16 =	vadd.f32 v43, v16  }
0x30c: {  	v17 =	vld [tilespmem:s14+$0xFFFFFEE0]  }
0x30d: {  	v15 =	vadd.f32 v18, v15;
	v18 =	vld [tilespmem:s14+$0xFFFFFF60];
	v16 =	vadd.f32 v19, v16  }
0x30e: {  	v19 =	vld [tilespmem:s16+$0xFFFFFEE0]  }
0x30f: {  	v46 =	vld [tilespmem:s16+$0xFFFFFF60];
	v15 =	vadd.f32 v20, v15;
	v16 =	vadd.f32 v44, v16  }
0x310: {  	v20 =	vld [tilespmem:s14+$0xFFFFFFE0]  }
0x311: {  	v47 =	vld [tilespmem:s16+$0xFFFFFFE0];
	v15 =	vadd.f32 v17, v15;
	v16 =	vadd.f32 v45, v16  }
0x312: {  	v17 =	vld [tilespmem:s14+$0x60]  }
0x313: {  	v15 =	vadd.f32 v18, v15;
	v18 =	vld [tilespmem:s14+$0xE0];
	v16 =	vadd.f32 v19, v16  }
0x314: {  	v19 =	vld [tilespmem:s16+$0x60]  }
0x315: {  	v48 =	vld [tilespmem:s16+$0xE0];
	v15 =	vadd.f32 v20, v15;
	v16 =	vadd.f32 v46, v16  }
0x316: {  	v20 =	vld [tilespmem:s14+$0x160]  }
0x317: {  	v49 =	vld [tilespmem:s16+$0x160];
	v15 =	vadd.f32 v17, v15;
	v16 =	vadd.f32 v47, v16  }
0x318: {  	v17 =	vld [tilespmem:s14+$0x1E0]  }
0x319: {  	v15 =	vadd.f32 v18, v15;
	v18 =	vld [tilespmem:s14+$0x260];
	v16 =	vadd.f32 v19, v16  }
0x31a: {  	v19 =	vld [tilespmem:s16+$0x1E0]  }
0x31b: {  	v50 =	vld [tilespmem:s16+$0x260];
	v15 =	vadd.f32 v20, v15;
	v16 =	vadd.f32 v48, v16  }
0x31c: {  	v20 =	vld [tilespmem:s14+$0x2E0]  }
0x31d: {  	v51 =	vld [tilespmem:s16+$0x2E0];
	v15 =	vadd.f32 v17, v15;
	v16 =	vadd.f32 v49, v16  }
0x31e: {  	v17 =	vld [tilespmem:s14+$0x360]  }
0x31f: {  	v15 =	vadd.f32 v18, v15;
	v18 =	vld [tilespmem:s14+$0x3E0];
	v16 =	vadd.f32 v19, v16  }
0x320: {  	v19 =	vld [tilespmem:s16+$0x360]  }
0x321: {  	v52 =	vld [tilespmem:s16+$0x3E0];
	v15 =	vadd.f32 v20, v15;
	v16 =	vadd.f32 v50, v16  }
0x322: {  	v20 =	vld [tilespmem:s14+$0x460]  }
0x323: {  	v53 =	vld [tilespmem:s16+$0x460];
	v15 =	vadd.f32 v17, v15;
	v16 =	vadd.f32 v51, v16  }
0x324: {  	v17 =	vld [tilespmem:s14+$0x4E0]  }
0x325: {  	v15 =	vadd.f32 v18, v15;
	v16 =	vadd.f32 v19, v16  }
0x326: {  	v18 =	vld [tilespmem:s16+$0x4E0]  }
0x327: {  	v15 =	vadd.f32 v20, v15;
	v16 =	vadd.f32 v52, v16;
	_ =	sdelay $0x1  }
0x328: {  	v15 =	vadd.f32 v17, v15;
	v16 =	vadd.f32 v53, v16;
	_ =	sdelay $0x1  }
0x329: {  	v17 =	vld [tilespmem:s13+$0x4F0];
	[tilespmem:s15+$0x19060] =	vst v15;
	v15 =	vadd.f32 v18, v16  }
0x32a: {  	v16 =	vld [tilespmem:s14+$0xFFFFFB70]  }
0x32b: {  	v18 =	vld [tilespmem:s14+$0xFFFFFBF0];
	[tilespmem:s17+$0x19060] =	vst v15  }
0x32c: {  	v15 =	vld [tilespmem:s16+$0xFFFFFB70]  }
0x32d: {  	v19 =	vld [tilespmem:s16+$0xFFFFFBF0]  }
0x32e: {  	v20 =	vld [tilespmem:s14+$0xFFFFFC70]  }
0x32f: {  	v54 =	vld [tilespmem:s16+$0xFFFFFC70]  }
0x330: {  	v55 =	vld [tilespmem:s14+$0xFFFFFCF0]  }
0x331: {  	v16 =	vadd.f32 v18, v16;
	v18 =	vld [tilespmem:s16+$0xFFFFFCF0]  }
0x332: {  	v15 =	vadd.f32 v19, v15;
	v19 =	vld [tilespmem:s14+$0xFFFFFD70]  }
0x333: {  	v16 =	vadd.f32 v20, v16;
	v20 =	vld [tilespmem:s16+$0xFFFFFD70]  }
0x334: {  	v56 =	vld [tilespmem:s14+$0xFFFFFDF0];
	v15 =	vadd.f32 v54, v15  }
0x335: {  	v57 =	vld [tilespmem:s16+$0xFFFFFDF0];
	v16 =	vadd.f32 v55, v16  }
0x336: {  	v15 =	vadd.f32 v18, v15;
	v18 =	vld [tilespmem:s14+$0xFFFFFE70]  }
0x337: {  	v16 =	vadd.f32 v19, v16;
	v19 =	vld [tilespmem:s16+$0xFFFFFE70]  }
0x338: {  	v7 =	vadd.f32 v7, v11;
	v11 =	vld [tilespmem:s14+$0xFFFFFEF0];
	v15 =	vadd.f32 v20, v15  }
0x339: {  	v20 =	vld [tilespmem:s16+$0xFFFFFEF0];
	v16 =	vadd.f32 v56, v16  }
0x33a: {  	v7 =	vadd.f32 v8, v7;
	v8 =	vld [tilespmem:s14+$0xFFFFFF70];
	v15 =	vadd.f32 v57, v15  }
0x33b: {  	v16 =	vadd.f32 v18, v16;
	v18 =	vld [tilespmem:s16+$0xFFFFFF70]  }
0x33c: {  	v7 =	vadd.f32 v9, v7;
	v9 =	vld [tilespmem:s14+$0xFFFFFFF0];
	v15 =	vadd.f32 v19, v15  }
0x33d: {  	v11 =	vadd.f32 v11, v16;
	v16 =	vld [tilespmem:s16+$0xFFFFFFF0]  }
0x33e: {  	v7 =	vadd.f32 v14, v7;
	v14 =	vld [tilespmem:s14+$0x70];
	v15 =	vadd.f32 v20, v15  }
0x33f: {  	v8 =	vadd.f32 v8, v11;
	v11 =	vld [tilespmem:s16+$0x70]  }
0x340: {  	v7 =	vadd.f32 v13, v7;
	v13 =	vld [tilespmem:s14+$0xF0];
	v15 =	vadd.f32 v18, v15  }
0x341: {  	v8 =	vadd.f32 v9, v8;
	v9 =	vld [tilespmem:s16+$0xF0]  }
0x342: {  	v7 =	vadd.f32 v12, v7;
	v12 =	vld [tilespmem:s14+$0x170];
	v15 =	vadd.f32 v16, v15  }
0x343: {  	v8 =	vadd.f32 v14, v8;
	v14 =	vld [tilespmem:s16+$0x170]  }
0x344: {  	v7 =	vadd.f32 v10, v7;
	v10 =	vld [tilespmem:s14+$0x1F0];
	v11 =	vadd.f32 v11, v15  }
0x345: {  	v8 =	vadd.f32 v13, v8;
	v13 =	vld [tilespmem:s16+$0x1F0]  }
0x346: {  	v6 =	vadd.f32 v6, v7;
	v7 =	vld [tilespmem:s14+$0x270];
	v9 =	vadd.f32 v9, v11  }
0x347: {  	v11 =	vld [tilespmem:s16+$0x270];
	v8 =	vadd.f32 v12, v8  }
0x348: {  	v5 =	vadd.f32 v5, v6;
	v6 =	vld [tilespmem:s14+$0x2F0];
	v9 =	vadd.f32 v14, v9  }
0x349: {  	v8 =	vadd.f32 v10, v8;
	v10 =	vld [tilespmem:s16+$0x2F0]  }
0x34a: {  	v4 =	vadd.f32 v4, v5;
	v5 =	vld [tilespmem:s14+$0x370];
	v9 =	vadd.f32 v13, v9  }
0x34b: {  	v7 =	vadd.f32 v7, v8;
	v8 =	vld [tilespmem:s16+$0x370]  }
0x34c: {  	v3 =	vadd.f32 v3, v4;
	v4 =	vld [tilespmem:s14+$0x3F0];
	v9 =	vadd.f32 v11, v9  }
0x34d: {  	v6 =	vadd.f32 v6, v7;
	v7 =	vld [tilespmem:s16+$0x3F0]  }
0x34e: {  	v2 =	vadd.f32 v2, v3;
	v3 =	vld [tilespmem:s14+$0x470];
	v9 =	vadd.f32 v10, v9  }
0x34f: {  	v5 =	vadd.f32 v5, v6;
	v6 =	vld [tilespmem:s16+$0x470]  }
0x350: {  	v1 =	vadd.f32 v1, v2;
	v2 =	vld [tilespmem:s14+$0x4F0];
	v8 =	vadd.f32 v8, v9  }
0x351: {  	v4 =	vadd.f32 v4, v5;
	v5 =	vld [tilespmem:s16+$0x4F0]  }
0x352: {  	v0 =	vadd.f32 v0, v1;
	v1 =	vadd.f32 v7, v8  }
0x353: {  	v3 =	vadd.f32 v3, v4  }
0x354: {  	v0 =	vadd.f32 v17, v0;
	v1 =	vadd.f32 v6, v1  }
0x355: {  	p1 =	seq.s32 s11, $0xF;
	v2 =	vadd.f32 v2, v3  }
0x356: {  	s13 =	smul.u32 @!p1 $0x1400, s11;
	[tilespmem:s12+$0x19070] =	vst v0;
	v0 =	vadd.f32 v5, v1  }
0x357: {  	s22 =	sshll.u32 s11, $0x9;
	[tilespmem:s15+$0x19070] =	vst v2  }
0x358: {  	s13 =	sshra.s32 @!p1 s13, $0x2;
	s12 =	sadd.s32 s22, s5;
	[tilespmem:s17+$0x19070] =	vst v0  }
0x359: {  	[hbm4b:s12+s3] =	stream.linear.scatter [tilespmem:s30], [sflag:$0x3], $0x800, $0x38;
	[tilespmem:$0x1A000] =	vst v63  }
0x35a: {  	s14 =	sadd.s32 @!p1 $0x500, s13;
	s16 =	simm.s32 @!p1 $0x5000;
	s15 =	simm.s32 @!p1 $0x40  }
0x35b: {  	[tilespmem:s16], [sflag:$0x1] =	stream.indirect.gather @!p1 [hbm4b:s2+s15], $0x80, s14, s15, $0xb8;
	[tilespmem:$0x1A000] =	vst v63  }
0x35c: {  	s14 =	sadd.s32 @!p1 $0x580, s13;
	s16 =	simm.s32 @!p1 $0x7000  }
0x35d: {  	[tilespmem:s16], [sflag:$0x1] =	stream.indirect.gather @!p1 [hbm4b:s2+s15], $0x80, s14, s15, $0xb8;
	[tilespmem:$0x1A000] =	vst v63  }
0x35e: {  	s14 =	sadd.s32 @!p1 $0x600, s13;
	s16 =	simm.s32 @!p1 $0x9000  }
0x35f: {  	[tilespmem:s16], [sflag:$0x1] =	stream.indirect.gather @!p1 [hbm4b:s2+s15], $0x80, s14, s15, $0xb8;
	[tilespmem:$0x1A000] =	vst v63  }
0x360: {  	s14 =	sadd.s32 @!p1 $0x680, s13;
	s16 =	simm.s32 @!p1 $0xB000  }
0x361: {  	[tilespmem:s16], [sflag:$0x1] =	stream.indirect.gather @!p1 [hbm4b:s2+s15], $0x80, s14, s15, $0xb8;
	[tilespmem:$0x1A000] =	vst v63  }
0x362: {  	s13 =	sadd.s32 @!p1 $0x700, s13;
	s14 =	simm.s32 @!p1 $0xD000  }
0x363: {  	[tilespmem:s14], [sflag:$0x1] =	stream.indirect.gather @!p1 [hbm4b:s2+s15], $0x80, s13, s15, $0xb8;
	[tilespmem:$0x1A000] =	vst v63  }
0x364: {  	_ =	swait.ge [sflag:s31], $0x2000  }
0x365: {  	[sflag:s31] =	ssyncset.done $0x0  }
0x366: {  	[sflag:s31] =	ssyncadd.s32 $0xFFFFE000  }
0x367: {  	_ =	swait.ge [sflag:s31], $0x2000  }
0x368: {  	[sflag:s31] =	ssyncset.done $0x0  }
0x369: {  	[sflag:s31] =	ssyncadd.s32 $0xFFFFE000  }
0x36a: {  	_ =	swait.ge [sflag:s31], $0x2000  }
0x36b: {  	[sflag:s31] =	ssyncset.done $0x0  }
0x36c: {  	[sflag:s31] =	ssyncadd.s32 $0xFFFFE000  }
0x36d: {  	_ =	swait.ge [sflag:s31], $0x2000  }
0x36e: {  	[sflag:s31] =	ssyncset.done $0x0  }
0x36f: {  	[sflag:s31] =	ssyncadd.s32 $0xFFFFE000  }
0x370: {  	_ =	swait.ge [sflag:s31], $0x2000  }
0x371: {  	[sflag:s31] =	ssyncset.done $0x0  }
0x372: {  	s13 =	simm.s32 @!p0 $0x4;
	[sflag:s31] =	ssyncadd.s32 $0xFFFFE000  }
0x373: {  	_ =	swait.ge @!p0 [sflag:s13], $0x800  }
0x374: {  	[sflag:s13] =	ssyncset.done @!p0 $0x0  }
0x375: {  	s14 =	simm.s32 $0xF500;
	[sflag:s13] =	ssyncadd.s32 @!p0 $0xFFFFF800  }
0x376: {  	v0 =	vld [tilespmem:s14+$0xFFFFFB00]  }
0x377: {  	v1 =	vld [tilespmem:s14+$0xFFFFFB80];
	_ =	sdelay $0x1  }
0x378: {  	v2 =	vld [tilespmem:s14+$0xFFFFFC00];
	_ =	sdelay $0x1  }
0x379: {  	v3 =	vld [tilespmem:s14+$0xFFFFFC80]  }
0x37a: {  	v0 =	vadd.f32 v1, v0  }
0x37b: {  	v1 =	vld [tilespmem:s14+$0xFFFFFD00]  }
0x37c: {  	v0 =	vadd.f32 v2, v0  }
0x37d: {  	v2 =	vld [tilespmem:s14+$0xFFFFFD80]  }
0x37e: {  	v0 =	vadd.f32 v3, v0  }
0x37f: {  	v3 =	vld [tilespmem:s14+$0xFFFFFE00]  }
0x380: {  	v0 =	vadd.f32 v1, v0  }
0x381: {  	v1 =	vld [tilespmem:s14+$0xFFFFFE80]  }
0x382: {  	v0 =	vadd.f32 v2, v0  }
0x383: {  	v2 =	vld [tilespmem:s14+$0xFFFFFF00]  }
0x384: {  	v0 =	vadd.f32 v3, v0  }
0x385: {  	v3 =	vld [tilespmem:s14+$0xFFFFFF80]  }
0x386: {  	v0 =	vadd.f32 v1, v0  }
0x387: {  	v1 =	vld [tilespmem:s14+$0x0]  }
0x388: {  	v0 =	vadd.f32 v2, v0  }
0x389: {  	v2 =	vld [tilespmem:s14+$0x80]  }
0x38a: {  	v0 =	vadd.f32 v3, v0  }
0x38b: {  	v3 =	vld [tilespmem:s14+$0x100]  }
0x38c: {  	v0 =	vadd.f32 v1, v0  }
0x38d: {  	v1 =	vld [tilespmem:s14+$0x180]  }
0x38e: {  	v0 =	vadd.f32 v2, v0  }
0x38f: {  	v2 =	vld [tilespmem:s14+$0x200]  }
0x390: {  	v0 =	vadd.f32 v3, v0  }
0x391: {  	v3 =	vld [tilespmem:s14+$0x280]  }
0x392: {  	v0 =	vadd.f32 v1, v0  }
0x393: {  	v1 =	vld [tilespmem:s14+$0x300]  }
0x394: {  	v0 =	vadd.f32 v2, v0  }
0x395: {  	v2 =	vld [tilespmem:s14+$0x380]  }
0x396: {  	v0 =	vadd.f32 v3, v0  }
0x397: {  	v3 =	vld [tilespmem:s14+$0x400]  }
0x398: {  	v0 =	vadd.f32 v1, v0  }
0x399: {  	v1 =	vld [tilespmem:s14+$0x480]  }
0x39a: {  	v0 =	vadd.f32 v2, v0;
	_ =	sdelay $0x1  }
0x39b: {  	v0 =	vadd.f32 v3, v0;
	_ =	sdelay $0x1  }
0x39c: {  	v0 =	vadd.f32 v1, v0  }
0x39d: {  	s13 =	simm.s32 $0x0  }
0x39e: {  	[tilespmem:s13+$0x19800] =	vst v0  }
0x39f: {  	v0 =	vld [tilespmem:s14+$0xFFFFFB10]  }
0x3a0: {  	v1 =	vld [tilespmem:s14+$0xFFFFFB90];
	_ =	sdelay $0x1  }
0x3a1: {  	v2 =	vld [tilespmem:s14+$0xFFFFFC10];
	_ =	sdelay $0x1  }
0x3a2: {  	v3 =	vld [tilespmem:s14+$0xFFFFFC90]  }
0x3a3: {  	v0 =	vadd.f32 v1, v0  }
0x3a4: {  	v1 =	vld [tilespmem:s14+$0xFFFFFD10]  }
0x3a5: {  	v0 =	vadd.f32 v2, v0  }
0x3a6: {  	v2 =	vld [tilespmem:s14+$0xFFFFFD90]  }
0x3a7: {  	v0 =	vadd.f32 v3, v0  }
0x3a8: {  	v3 =	vld [tilespmem:s14+$0xFFFFFE10]  }
0x3a9: {  	v0 =	vadd.f32 v1, v0  }
0x3aa: {  	v1 =	vld [tilespmem:s14+$0xFFFFFE90]  }
0x3ab: {  	v0 =	vadd.f32 v2, v0  }
0x3ac: {  	v2 =	vld [tilespmem:s14+$0xFFFFFF10]  }
0x3ad: {  	v0 =	vadd.f32 v3, v0  }
0x3ae: {  	v3 =	vld [tilespmem:s14+$0xFFFFFF90]  }
0x3af: {  	v0 =	vadd.f32 v1, v0  }
0x3b0: {  	v1 =	vld [tilespmem:s14+$0x10]  }
0x3b1: {  	v0 =	vadd.f32 v2, v0  }
0x3b2: {  	v2 =	vld [tilespmem:s14+$0x90]  }
0x3b3: {  	v0 =	vadd.f32 v3, v0  }
0x3b4: {  	v3 =	vld [tilespmem:s14+$0x110]  }
0x3b5: {  	v0 =	vadd.f32 v1, v0  }
0x3b6: {  	v1 =	vld [tilespmem:s14+$0x190]  }
0x3b7: {  	v0 =	vadd.f32 v2, v0  }
0x3b8: {  	v2 =	vld [tilespmem:s14+$0x210]  }
0x3b9: {  	v0 =	vadd.f32 v3, v0  }
0x3ba: {  	v3 =	vld [tilespmem:s14+$0x290]  }
0x3bb: {  	v0 =	vadd.f32 v1, v0  }
0x3bc: {  	v1 =	vld [tilespmem:s14+$0x310]  }
0x3bd: {  	v0 =	vadd.f32 v2, v0  }
0x3be: {  	v2 =	vld [tilespmem:s14+$0x390]  }
0x3bf: {  	v0 =	vadd.f32 v3, v0  }
0x3c0: {  	v3 =	vld [tilespmem:s14+$0x410]  }
0x3c1: {  	v0 =	vadd.f32 v1, v0  }
0x3c2: {  	v1 =	vld [tilespmem:s14+$0x490]  }
0x3c3: {  	v0 =	vadd.f32 v2, v0;
	_ =	sdelay $0x1  }
0x3c4: {  	v0 =	vadd.f32 v3, v0;
	_ =	sdelay $0x1  }
0x3c5: {  	v0 =	vadd.f32 v1, v0;
	_ =	sdelay $0x1  }
0x3c6: {  	[tilespmem:s13+$0x19810] =	vst v0  }
0x3c7: {  	v0 =	vld [tilespmem:s14+$0xFFFFFB20]  }
0x3c8: {  	v1 =	vld [tilespmem:s14+$0xFFFFFBA0];
	_ =	sdelay $0x1  }
0x3c9: {  	v2 =	vld [tilespmem:s14+$0xFFFFFC20];
	_ =	sdelay $0x1  }
0x3ca: {  	v3 =	vld [tilespmem:s14+$0xFFFFFCA0]  }
0x3cb: {  	v0 =	vadd.f32 v1, v0  }
0x3cc: {  	v1 =	vld [tilespmem:s14+$0xFFFFFD20]  }
0x3cd: {  	v0 =	vadd.f32 v2, v0  }
0x3ce: {  	v2 =	vld [tilespmem:s14+$0xFFFFFDA0]  }
0x3cf: {  	v0 =	vadd.f32 v3, v0  }
0x3d0: {  	v3 =	vld [tilespmem:s14+$0xFFFFFE20]  }
0x3d1: {  	v0 =	vadd.f32 v1, v0  }
0x3d2: {  	v1 =	vld [tilespmem:s14+$0xFFFFFEA0]  }
0x3d3: {  	v0 =	vadd.f32 v2, v0  }
0x3d4: {  	v2 =	vld [tilespmem:s14+$0xFFFFFF20]  }
0x3d5: {  	v0 =	vadd.f32 v3, v0  }
0x3d6: {  	v3 =	vld [tilespmem:s14+$0xFFFFFFA0]  }
0x3d7: {  	v0 =	vadd.f32 v1, v0  }
0x3d8: {  	v1 =	vld [tilespmem:s14+$0x20]  }
0x3d9: {  	v0 =	vadd.f32 v2, v0  }
0x3da: {  	v2 =	vld [tilespmem:s14+$0xA0]  }
0x3db: {  	v0 =	vadd.f32 v3, v0  }
0x3dc: {  	v3 =	vld [tilespmem:s14+$0x120]  }
0x3dd: {  	v0 =	vadd.f32 v1, v0  }
0x3de: {  	v1 =	vld [tilespmem:s14+$0x1A0]  }
0x3df: {  	v0 =	vadd.f32 v2, v0  }
0x3e0: {  	v2 =	vld [tilespmem:s14+$0x220]  }
0x3e1: {  	v0 =	vadd.f32 v3, v0  }
0x3e2: {  	v3 =	vld [tilespmem:s14+$0x2A0]  }
0x3e3: {  	v0 =	vadd.f32 v1, v0  }
0x3e4: {  	v1 =	vld [tilespmem:s14+$0x320]  }
0x3e5: {  	v0 =	vadd.f32 v2, v0  }
0x3e6: {  	v2 =	vld [tilespmem:s14+$0x3A0]  }
0x3e7: {  	v0 =	vadd.f32 v3, v0  }
0x3e8: {  	v3 =	vld [tilespmem:s14+$0x420]  }
0x3e9: {  	v0 =	vadd.f32 v1, v0  }
0x3ea: {  	v1 =	vld [tilespmem:s14+$0x4A0]  }
0x3eb: {  	v0 =	vadd.f32 v2, v0;
	_ =	sdelay $0x1  }
0x3ec: {  	v0 =	vadd.f32 v3, v0;
	_ =	sdelay $0x1  }
0x3ed: {  	v0 =	vadd.f32 v1, v0;
	_ =	sdelay $0x1  }
0x3ee: {  	[tilespmem:s13+$0x19820] =	vst v0  }
0x3ef: {  	v0 =	vld [tilespmem:s14+$0xFFFFFB30]  }
0x3f0: {  	v1 =	vld [tilespmem:s14+$0xFFFFFBB0];
	_ =	sdelay $0x1  }
0x3f1: {  	v2 =	vld [tilespmem:s14+$0xFFFFFC30];
	_ =	sdelay $0x1  }
0x3f2: {  	v3 =	vld [tilespmem:s14+$0xFFFFFCB0]  }
0x3f3: {  	v0 =	vadd.f32 v1, v0  }
0x3f4: {  	v1 =	vld [tilespmem:s14+$0xFFFFFD30]  }
0x3f5: {  	v0 =	vadd.f32 v2, v0  }
0x3f6: {  	v2 =	vld [tilespmem:s14+$0xFFFFFDB0]  }
0x3f7: {  	v0 =	vadd.f32 v3, v0  }
0x3f8: {  	v3 =	vld [tilespmem:s14+$0xFFFFFE30]  }
0x3f9: {  	v0 =	vadd.f32 v1, v0  }
0x3fa: {  	v1 =	vld [tilespmem:s14+$0xFFFFFEB0]  }
0x3fb: {  	v0 =	vadd.f32 v2, v0  }
0x3fc: {  	s15 =	simm.s32 $0xFF00;
	v2 =	vld [tilespmem:s14+$0xFFFFFF30]  }
0x3fd: {  	v4 =	vld [tilespmem:s15+$0xFFFFFB00];
	v0 =	vadd.f32 v3, v0  }
0x3fe: {  	v3 =	vld [tilespmem:s14+$0xFFFFFFB0]  }
0x3ff: {  	v5 =	vld [tilespmem:s15+$0xFFFFFB80];
	v0 =	vadd.f32 v1, v0  }
0x400: {  	v1 =	vld [tilespmem:s14+$0x30]  }
0x401: {  	v6 =	vld [tilespmem:s15+$0xFFFFFC00];
	v0 =	vadd.f32 v2, v0  }
0x402: {  	v2 =	vld [tilespmem:s14+$0xB0]  }
0x403: {  	v7 =	vld [tilespmem:s15+$0xFFFFFC80];
	v0 =	vadd.f32 v3, v0  }
0x404: {  	v3 =	vld [tilespmem:s14+$0x130]  }
0x405: {  	v8 =	vld [tilespmem:s15+$0xFFFFFD00];
	v0 =	vadd.f32 v1, v0;
	v1 =	vadd.f32 v5, v4  }
0x406: {  	v4 =	vld [tilespmem:s14+$0x1B0]  }
0x407: {  	v5 =	vld [tilespmem:s15+$0xFFFFFD80];
	v0 =	vadd.f32 v2, v0;
	v1 =	vadd.f32 v6, v1  }
0x408: {  	v2 =	vld [tilespmem:s14+$0x230]  }
0x409: {  	v6 =	vld [tilespmem:s15+$0xFFFFFE00];
	v0 =	vadd.f32 v3, v0;
	v1 =	vadd.f32 v7, v1  }
0x40a: {  	v3 =	vld [tilespmem:s14+$0x2B0]  }
0x40b: {  	v7 =	vld [tilespmem:s15+$0xFFFFFE80];
	v0 =	vadd.f32 v4, v0;
	v1 =	vadd.f32 v8, v1  }
0x40c: {  	v4 =	vld [tilespmem:s14+$0x330]  }
0x40d: {  	v8 =	vld [tilespmem:s15+$0xFFFFFF00];
	v0 =	vadd.f32 v2, v0;
	v1 =	vadd.f32 v5, v1  }
0x40e: {  	v2 =	vld [tilespmem:s14+$0x3B0]  }
0x40f: {  	v5 =	vld [tilespmem:s15+$0xFFFFFF80];
	v0 =	vadd.f32 v3, v0;
	v1 =	vadd.f32 v6, v1  }
0x410: {  	v3 =	vld [tilespmem:s14+$0x430]  }
0x411: {  	v6 =	vld [tilespmem:s15+$0x0];
	v0 =	vadd.f32 v4, v0;
	v1 =	vadd.f32 v7, v1  }
0x412: {  	v4 =	vld [tilespmem:s14+$0x4B0]  }
0x413: {  	v0 =	vadd.f32 v2, v0;
	v1 =	vadd.f32 v8, v1  }
0x414: {  	v2 =	vld [tilespmem:s15+$0x80]  }
0x415: {  	v0 =	vadd.f32 v3, v0;
	v1 =	vadd.f32 v5, v1  }
0x416: {  	v3 =	vld [tilespmem:s15+$0x100]  }
0x417: {  	v0 =	vadd.f32 v4, v0;
	v1 =	vadd.f32 v6, v1  }
0x418: {  	v4 =	vld [tilespmem:s15+$0x180]  }
0x419: {  	v5 =	vld [tilespmem:s15+$0x200];
	[tilespmem:s13+$0x19830] =	vst v0;
	v0 =	vadd.f32 v2, v1  }
0x41a: {  	v1 =	vld [tilespmem:s14+$0xFFFFFB40]  }
0x41b: {  	v2 =	vld [tilespmem:s14+$0xFFFFFBC0];
	v0 =	vadd.f32 v3, v0  }
0x41c: {  	v3 =	vld [tilespmem:s15+$0x280]  }
0x41d: {  	v0 =	vadd.f32 v4, v0;
	v4 =	vld [tilespmem:s14+$0xFFFFFC40]  }
0x41e: {  	v6 =	vld [tilespmem:s15+$0x300]  }
0x41f: {  	v0 =	vadd.f32 v5, v0;
	v5 =	vld [tilespmem:s14+$0xFFFFFCC0]  }
0x420: {  	v7 =	vld [tilespmem:s15+$0x380];
	v1 =	vadd.f32 v2, v1  }
0x421: {  	v2 =	vld [tilespmem:s14+$0xFFFFFD40];
	v0 =	vadd.f32 v3, v0  }
0x422: {  	v3 =	vld [tilespmem:s15+$0x400];
	v1 =	vadd.f32 v4, v1  }
0x423: {  	v4 =	vld [tilespmem:s14+$0xFFFFFDC0];
	v0 =	vadd.f32 v6, v0  }
0x424: {  	v6 =	vld [tilespmem:s15+$0x480];
	v1 =	vadd.f32 v5, v1  }
0x425: {  	v5 =	vld [tilespmem:s14+$0xFFFFFE40];
	v0 =	vadd.f32 v7, v0  }
0x426: {  	v2 =	vadd.f32 v2, v1  }
0x427: {  	s17 =	simm.s32 $0x10900;
	v0 =	vadd.f32 v3, v0;
	v3 =	vld [tilespmem:s14+$0xFFFFFEC0]  }
0x428: {  	v60 =	vld [tilespmem:s17+$0xFFFFFC00];
	v2 =	vadd.f32 v4, v2  }
0x429: {  	v4 =	vadd.f32 v6, v0;
	v6 =	vld [tilespmem:s14+$0xFFFFFF40]  }
0x42a: {  	s16 =	simm.s32 $0x80;
	v61 =	vld [tilespmem:s17+$0xFFFFFB80];
	v2 =	vadd.f32 v5, v2  }
0x42b: {  	[tilespmem:s16+$0x19800] =	vst v4;
	v4 =	vld [tilespmem:s14+$0xFFFFFFC0]  }
0x42c: {  	v5 =	vld [tilespmem:s15+$0xFFFFFB10];
	v2 =	vadd.f32 v3, v2  }
0x42d: {  	v3 =	vld [tilespmem:s14+$0x40]  }
0x42e: {  	v7 =	vld [tilespmem:s15+$0xFFFFFB90];
	v2 =	vadd.f32 v6, v2  }
0x42f: {  	v6 =	vld [tilespmem:s14+$0xC0]  }
0x430: {  	v8 =	vld [tilespmem:s15+$0xFFFFFC10];
	v2 =	vadd.f32 v4, v2  }
0x431: {  	v4 =	vld [tilespmem:s14+$0x140]  }
0x432: {  	v9 =	vld [tilespmem:s15+$0xFFFFFC90];
	v2 =	vadd.f32 v3, v2  }
0x433: {  	v3 =	vld [tilespmem:s14+$0x1C0]  }
0x434: {  	v5 =	vadd.f32 v7, v5;
	v7 =	vld [tilespmem:s15+$0xFFFFFD10];
	v2 =	vadd.f32 v6, v2  }
0x435: {  	v6 =	vld [tilespmem:s14+$0x240]  }
0x436: {  	v5 =	vadd.f32 v8, v5;
	v8 =	vld [tilespmem:s15+$0xFFFFFD90];
	v2 =	vadd.f32 v4, v2  }
0x437: {  	v4 =	vld [tilespmem:s14+$0x2C0]  }
0x438: {  	v5 =	vadd.f32 v9, v5;
	v9 =	vld [tilespmem:s15+$0xFFFFFE10];
	v2 =	vadd.f32 v3, v2  }
0x439: {  	v3 =	vld [tilespmem:s14+$0x340]  }
0x43a: {  	v5 =	vadd.f32 v7, v5;
	v7 =	vld [tilespmem:s15+$0xFFFFFE90];
	v2 =	vadd.f32 v6, v2  }
0x43b: {  	v6 =	vld [tilespmem:s14+$0x3C0]  }
0x43c: {  	v5 =	vadd.f32 v8, v5;
	v8 =	vld [tilespmem:s15+$0xFFFFFF10];
	v2 =	vadd.f32 v4, v2  }
0x43d: {  	v4 =	vld [tilespmem:s14+$0x440]  }
0x43e: {  	v10 =	vld [tilespmem:s14+$0x4C0];
	v5 =	vadd.f32 v9, v5;
	v3 =	vadd.f32 v3, v2  }
0x43f: {  	v9 =	vld [tilespmem:s15+$0xFFFFFF90]  }
0x440: {  	v1 =	vld [tilespmem:s17+$0x480];
	v5 =	vadd.f32 v7, v5;
	v6 =	vadd.f32 v6, v3  }
0x441: {  	v7 =	vld [tilespmem:s15+$0x10]  }
0x442: {  	v0 =	vld [tilespmem:s17+$0x400];
	v5 =	vadd.f32 v8, v5;
	v6 =	vadd.f32 v4, v6  }
0x443: {  	v8 =	vld [tilespmem:s15+$0x90]  }
0x444: {  	v11 =	vld [tilespmem:s15+$0x290];
	v5 =	vadd.f32 v9, v5;
	v6 =	vadd.f32 v10, v6  }
0x445: {  	v9 =	vld [tilespmem:s15+$0x110]  }
0x446: {  	v5 =	vadd.f32 v7, v5;
	v7 =	vld [tilespmem:s15+$0x190];
	[tilespmem:s13+$0x19840] =	vst v6  }
0x447: {  	v6 =	vld [tilespmem:s14+$0xFFFFFB50]  }
0x448: {  	v5 =	vadd.f32 v8, v5;
	v8 =	vld [tilespmem:s14+$0xFFFFFBD0]  }
0x449: {  	v10 =	vld [tilespmem:s15+$0x210]  }
0x44a: {  	v5 =	vadd.f32 v9, v5;
	v9 =	vld [tilespmem:s14+$0xFFFFFC50]  }
0x44b: {  	v12 =	vld [tilespmem:s15+$0x310]  }
0x44c: {  	v5 =	vadd.f32 v7, v5;
	v7 =	vld [tilespmem:s14+$0xFFFFFCD0]  }
0x44d: {  	v2 =	vld [tilespmem:s17+$0x380];
	v6 =	vadd.f32 v8, v6  }
0x44e: {  	v5 =	vadd.f32 v10, v5;
	v8 =	vld [tilespmem:s14+$0xFFFFFD50]  }
0x44f: {  	v10 =	vld [tilespmem:s15+$0x390];
	v6 =	vadd.f32 v9, v6  }
0x450: {  	v5 =	vadd.f32 v11, v5;
	v9 =	vld [tilespmem:s14+$0xFFFFFDD0]  }
0x451: {  	v11 =	vld [tilespmem:s15+$0x410];
	v6 =	vadd.f32 v7, v6  }
0x452: {  	v5 =	vadd.f32 v12, v5;
	v7 =	vld [tilespmem:s14+$0xFFFFFE50]  }
0x453: {  	v12 =	vld [tilespmem:s15+$0x490];
	v6 =	vadd.f32 v8, v6  }
0x454: {  	v13 =	vld [tilespmem:s14+$0xFFFFFED0];
	v8 =	vadd.f32 v10, v5  }
0x455: {  	v3 =	vld [tilespmem:s17+$0x300];
	v9 =	vadd.f32 v9, v6  }
0x456: {  	v8 =	vadd.f32 v11, v8;
	v11 =	vld [tilespmem:s14+$0xFFFFFF50]  }
0x457: {  	v4 =	vld [tilespmem:s17+$0x280];
	v7 =	vadd.f32 v7, v9  }
0x458: {  	v8 =	vadd.f32 v12, v8;
	v9 =	vld [tilespmem:s14+$0xFFFFFFD0]  }
0x459: {  	v5 =	vld [tilespmem:s17+$0x200];
	v7 =	vadd.f32 v13, v7  }
0x45a: {  	[tilespmem:s16+$0x19810] =	vst v8;
	v8 =	vld [tilespmem:s14+$0x50]  }
0x45b: {  	v12 =	vld [tilespmem:s15+$0xFFFFFB20];
	v7 =	vadd.f32 v11, v7  }
0x45c: {  	v11 =	vld [tilespmem:s14+$0xD0]  }
0x45d: {  	v13 =	vld [tilespmem:s15+$0xFFFFFBA0];
	v7 =	vadd.f32 v9, v7  }
0x45e: {  	v9 =	vld [tilespmem:s14+$0x150]  }
0x45f: {  	v14 =	vld [tilespmem:s15+$0xFFFFFC20];
	v7 =	vadd.f32 v8, v7  }
0x460: {  	v8 =	vld [tilespmem:s14+$0x1D0]  }
0x461: {  	v15 =	vld [tilespmem:s15+$0xFFFFFCA0];
	v7 =	vadd.f32 v11, v7  }
0x462: {  	v11 =	vld [tilespmem:s14+$0x250]  }
0x463: {  	v12 =	vadd.f32 v13, v12;
	v13 =	vld [tilespmem:s15+$0xFFFFFD20];
	v7 =	vadd.f32 v9, v7  }
0x464: {  	v9 =	vld [tilespmem:s14+$0x2D0]  }
0x465: {  	v12 =	vadd.f32 v14, v12;
	v14 =	vld [tilespmem:s15+$0xFFFFFDA0];
	v7 =	vadd.f32 v8, v7  }
0x466: {  	v8 =	vld [tilespmem:s14+$0x350]  }
0x467: {  	v12 =	vadd.f32 v15, v12;
	v15 =	vld [tilespmem:s15+$0xFFFFFE20];
	v7 =	vadd.f32 v11, v7  }
0x468: {  	v11 =	vld [tilespmem:s14+$0x3D0]  }
0x469: {  	v16 =	vld [tilespmem:s15+$0xFFFFFEA0];
	v12 =	vadd.f32 v13, v12;
	v7 =	vadd.f32 v9, v7  }
0x46a: {  	v9 =	vld [tilespmem:s14+$0x450]  }
0x46b: {  	v17 =	vld [tilespmem:s15+$0xFFFFFF20];
	v13 =	vadd.f32 v14, v12;
	v7 =	vadd.f32 v8, v7  }
0x46c: {  	v8 =	vld [tilespmem:s14+$0x4D0]  }
0x46d: {  	v10 =	vld [tilespmem:s17+$0xFFFFFF80];
	v14 =	vadd.f32 v15, v13;
	v7 =	vadd.f32 v11, v7  }
0x46e: {  	v11 =	vld [tilespmem:s15+$0xFFFFFFA0]  }
0x46f: {  	v6 =	vld [tilespmem:s17+$0x0];
	v15 =	vadd.f32 v16, v14;
	v7 =	vadd.f32 v9, v7  }
0x470: {  	v9 =	vld [tilespmem:s15+$0x20]  }
0x471: {  	v18 =	vld [tilespmem:s15+$0x2A0];
	v15 =	vadd.f32 v17, v15;
	v7 =	vadd.f32 v8, v7  }
0x472: {  	v8 =	vld [tilespmem:s15+$0xA0]  }
0x473: {  	v11 =	vadd.f32 v11, v15;
	v15 =	vld [tilespmem:s15+$0x120];
	[tilespmem:s13+$0x19850] =	vst v7  }
0x474: {  	v7 =	vld [tilespmem:s14+$0xFFFFFB60]  }
0x475: {  	v9 =	vadd.f32 v9, v11;
	v11 =	vld [tilespmem:s14+$0xFFFFFBE0]  }
0x476: {  	v16 =	vld [tilespmem:s15+$0x1A0]  }
0x477: {  	v8 =	vadd.f32 v8, v9;
	v9 =	vld [tilespmem:s14+$0xFFFFFC60]  }
0x478: {  	v17 =	vld [tilespmem:s15+$0x220]  }
0x479: {  	v8 =	vadd.f32 v15, v8;
	v15 =	vld [tilespmem:s14+$0xFFFFFCE0]  }
0x47a: {  	v12 =	vld [tilespmem:s17+$0xFFFFFF00];
	v7 =	vadd.f32 v11, v7  }
0x47b: {  	v11 =	vld [tilespmem:s14+$0xFFFFFD60];
	v8 =	vadd.f32 v16, v8  }
0x47c: {  	v16 =	vld [tilespmem:s15+$0x320];
	v7 =	vadd.f32 v9, v7  }
0x47d: {  	v9 =	vld [tilespmem:s14+$0xFFFFFDE0];
	v8 =	vadd.f32 v17, v8  }
0x47e: {  	v17 =	vld [tilespmem:s15+$0x3A0];
	v7 =	vadd.f32 v15, v7  }
0x47f: {  	v15 =	vld [tilespmem:s14+$0xFFFFFE60];
	v8 =	vadd.f32 v18, v8  }
0x480: {  	v18 =	vld [tilespmem:s15+$0x420];
	v7 =	vadd.f32 v11, v7  }
0x481: {  	v11 =	vld [tilespmem:s14+$0xFFFFFEE0];
	v8 =	vadd.f32 v16, v8  }
0x482: {  	v16 =	vld [tilespmem:s15+$0x4A0];
	v7 =	vadd.f32 v9, v7  }
0x483: {  	v9 =	vld [tilespmem:s14+$0xFFFFFF60];
	v8 =	vadd.f32 v17, v8  }
0x484: {  	v13 =	vld [tilespmem:s17+$0xFFFFFE80];
	v7 =	vadd.f32 v15, v7  }
0x485: {  	v15 =	vld [tilespmem:s14+$0xFFFFFFE0];
	v8 =	vadd.f32 v18, v8  }
0x486: {  	v14 =	vld [tilespmem:s17+$0xFFFFFE00];
	v7 =	vadd.f32 v11, v7  }
0x487: {  	v11 =	vld [tilespmem:s14+$0x60];
	v8 =	vadd.f32 v16, v8  }
0x488: {  	v17 =	vld [tilespmem:s17+$0xFFFFFD80];
	v7 =	vadd.f32 v9, v7  }
0x489: {  	[tilespmem:s16+$0x19820] =	vst v8;
	v8 =	vld [tilespmem:s14+$0xE0]  }
0x48a: {  	v9 =	vld [tilespmem:s15+$0xFFFFFB30];
	v7 =	vadd.f32 v15, v7  }
0x48b: {  	v15 =	vld [tilespmem:s14+$0x160]  }
0x48c: {  	v19 =	vld [tilespmem:s15+$0xFFFFFBB0];
	v7 =	vadd.f32 v11, v7  }
0x48d: {  	v11 =	vld [tilespmem:s14+$0x1E0]  }
0x48e: {  	v20 =	vld [tilespmem:s15+$0xFFFFFC30];
	v7 =	vadd.f32 v8, v7  }
0x48f: {  	v8 =	vld [tilespmem:s14+$0x260]  }
0x490: {  	v58 =	vld [tilespmem:s15+$0xFFFFFCB0];
	v7 =	vadd.f32 v15, v7  }
0x491: {  	v15 =	vld [tilespmem:s14+$0x2E0]  }
0x492: {  	v9 =	vadd.f32 v19, v9;
	v19 =	vld [tilespmem:s15+$0xFFFFFD30];
	v7 =	vadd.f32 v11, v7  }
0x493: {  	v11 =	vld [tilespmem:s14+$0x360]  }
0x494: {  	v9 =	vadd.f32 v20, v9;
	v20 =	vld [tilespmem:s15+$0xFFFFFDB0];
	v7 =	vadd.f32 v8, v7  }
0x495: {  	v8 =	vld [tilespmem:s14+$0x3E0]  }
0x496: {  	v59 =	vld [tilespmem:s15+$0xFFFFFE30];
	v9 =	vadd.f32 v58, v9;
	v7 =	vadd.f32 v15, v7  }
0x497: {  	v15 =	vld [tilespmem:s14+$0x460]  }
0x498: {  	v9 =	vadd.f32 v19, v9;
	v19 =	vld [tilespmem:s15+$0xFFFFFEB0];
	v7 =	vadd.f32 v11, v7  }
0x499: {  	v11 =	vld [tilespmem:s14+$0x4E0]  }
0x49a: {  	v18 =	vld [tilespmem:s17+$0xFFFFFD00];
	v9 =	vadd.f32 v20, v9;
	v7 =	vadd.f32 v8, v7  }
0x49b: {  	v8 =	vld [tilespmem:s15+$0xFFFFFF30]  }
0x49c: {  	v16 =	vld [tilespmem:s17+$0xFFFFFC80];
	v9 =	vadd.f32 v59, v9;
	v7 =	vadd.f32 v15, v7  }
0x49d: {  	v15 =	vld [tilespmem:s15+$0xFFFFFFB0]  }
0x49e: {  	v20 =	vld [tilespmem:s17+$0xFFFFFB00];
	v9 =	vadd.f32 v19, v9;
	v7 =	vadd.f32 v11, v7  }
0x49f: {  	v11 =	vld [tilespmem:s15+$0x30]  }
0x4a0: {  	v8 =	vadd.f32 v8, v9;
	v9 =	vld [tilespmem:s15+$0xB0];
	[tilespmem:s13+$0x19860] =	vst v7  }
0x4a1: {  	v7 =	vld [tilespmem:s14+$0xFFFFFB70]  }
0x4a2: {  	v8 =	vadd.f32 v15, v8;
	v15 =	vld [tilespmem:s14+$0xFFFFFBF0]  }
0x4a3: {  	v19 =	vld [tilespmem:s15+$0x130]  }
0x4a4: {  	v8 =	vadd.f32 v11, v8;
	v11 =	vld [tilespmem:s14+$0xFFFFFC70]  }
0x4a5: {  	v62 =	vld [tilespmem:s15+$0x1B0];
	v20 =	vadd.f32 v61, v20  }
0x4a6: {  	v8 =	vadd.f32 v9, v8;
	v9 =	vld [tilespmem:s14+$0xFFFFFCF0]  }
0x4a7: {  	v63 =	vld [tilespmem:s15+$0x230];
	v20 =	vadd.f32 v60, v20;
	v7 =	vadd.f32 v15, v7  }
0x4a8: {  	v8 =	vadd.f32 v19, v8;
	v19 =	vld [tilespmem:s14+$0xFFFFFD70]  }
0x4a9: {  	v15 =	vadd.f32 v16, v20;
	v20 =	vld [tilespmem:s15+$0x2B0];
	v11 =	vadd.f32 v11, v7  }
0x4aa: {  	v7 =	vld [tilespmem:s14+$0xFFFFFDF0];
	v8 =	vadd.f32 v62, v8  }
0x4ab: {  	v16 =	vadd.f32 v18, v15;
	v15 =	vld [tilespmem:s15+$0x330];
	v9 =	vadd.f32 v9, v11  }
0x4ac: {  	v21 =	vadd.f32 v63, v8;
	v8 =	vld [tilespmem:s14+$0xFFFFFE70]  }
0x4ad: {  	v18 =	vadd.f32 v17, v16;
	v16 =	vld [tilespmem:s15+$0x3B0];
	v11 =	vadd.f32 v19, v9  }
0x4ae: {  	s18 =	simm.s32 $0x400;
	s20 =	simm.s32 $0x600;
	v9 =	vld [tilespmem:s14+$0xFFFFFEF0];
	v17 =	vadd.f32 v20, v21  }
.LBB2_5:
0x4af: {  	p0 =	sne.s32 s20, $0x1E00;
	v14 =	vadd.f32 v14, v18;
	v18 =	vld [tilespmem:s15+$0x430];
	v7 =	vadd.f32 v7, v11  }
0x4b0: {  	v11 =	vadd.f32 v15, v17;
	v15 =	vld [tilespmem:s14+$0xFFFFFF70]  }
0x4b1: {  	v13 =	vadd.f32 v13, v14;
	v14 =	vld [tilespmem:s15+$0x4B0];
	v7 =	vadd.f32 v8, v7  }
0x4b2: {  	v8 =	vadd.f32 v16, v11;
	v11 =	vld [tilespmem:s14+$0xFFFFFFF0]  }
0x4b3: {  	v12 =	vadd.f32 v12, v13;
	v13 =	vld [tilespmem:s17+$0x80];
	v7 =	vadd.f32 v9, v7  }
0x4b4: {  	v8 =	vadd.f32 v18, v8;
	v9 =	vld [tilespmem:s14+$0x70]  }
0x4b5: {  	v10 =	vadd.f32 v10, v12;
	v12 =	vld [tilespmem:s17+$0x100];
	v7 =	vadd.f32 v15, v7  }
0x4b6: {  	v8 =	vadd.f32 v14, v8;
	v14 =	vld [tilespmem:s14+$0xF0]  }
0x4b7: {  	v6 =	vadd.f32 v6, v10;
	v10 =	vld [tilespmem:s17+$0x180];
	v7 =	vadd.f32 v11, v7  }
0x4b8: {  	[tilespmem:s16+$0x19830] =	vst v8;
	v8 =	vld [tilespmem:s14+$0x170]  }
0x4b9: {  	v6 =	vadd.f32 v13, v6;
	v11 =	vld [tilespmem:s15+$0xFFFFFB40];
	v7 =	vadd.f32 v9, v7  }
0x4ba: {  	v9 =	vld [tilespmem:s14+$0x1F0]  }
0x4bb: {  	v6 =	vadd.f32 v12, v6;
	v12 =	vld [tilespmem:s15+$0xFFFFFBC0];
	v7 =	vadd.f32 v14, v7  }
0x4bc: {  	v13 =	vld [tilespmem:s14+$0x270]  }
0x4bd: {  	v6 =	vadd.f32 v10, v6;
	v10 =	vld [tilespmem:s15+$0xFFFFFC40];
	v7 =	vadd.f32 v8, v7  }
0x4be: {  	v8 =	vld [tilespmem:s14+$0x2F0]  }
0x4bf: {  	v5 =	vadd.f32 v5, v6;
	v6 =	vld [tilespmem:s15+$0xFFFFFCC0];
	v7 =	vadd.f32 v9, v7  }
0x4c0: {  	v9 =	vadd.f32 v12, v11;
	v11 =	vld [tilespmem:s14+$0x370]  }
0x4c1: {  	v4 =	vadd.f32 v4, v5;
	v5 =	vld [tilespmem:s15+$0xFFFFFD40];
	v7 =	vadd.f32 v13, v7  }
0x4c2: {  	v9 =	vadd.f32 v10, v9;
	v10 =	vld [tilespmem:s14+$0x3F0]  }
0x4c3: {  	v3 =	vadd.f32 v3, v4;
	v4 =	vld [tilespmem:s15+$0xFFFFFDC0];
	v7 =	vadd.f32 v8, v7  }
0x4c4: {  	v6 =	vadd.f32 v6, v9;
	v8 =	vld [tilespmem:s14+$0x470]  }
0x4c5: {  	v2 =	vadd.f32 v2, v3;
	v3 =	vld [tilespmem:s15+$0xFFFFFE40];
	v7 =	vadd.f32 v11, v7  }
0x4c6: {  	v5 =	vadd.f32 v5, v6;
	v6 =	vld [tilespmem:s14+$0x4F0];
	s14 =	smov.u32 s15;
	s15 =	smov.u32 s17  }
0x4c7: {  	s17 =	sadd.s32 $0xA00, s17;
	v0 =	vadd.f32 v0, v2;
	v2 =	vld [tilespmem:s14+$0xFFFFFEC0];
	v7 =	vadd.f32 v10, v7  }
0x4c8: {  	v9 =	vld [tilespmem:s17+$0x480];
	v4 =	vadd.f32 v4, v5  }
0x4c9: {  	v1 =	vadd.f32 v1, v0;
	v5 =	vld [tilespmem:s14+$0xFFFFFF40];
	v7 =	vadd.f32 v8, v7  }
0x4ca: {  	s22 =	sshra.s32 s18, $0x2;
	s18 =	smov.u32 s20;
	v0 =	vld [tilespmem:s17+$0x400];
	v3 =	vadd.f32 v3, v4  }
0x4cb: {  	[tilespmem:s22+$0x19800] =	vst v1;
	v4 =	vld [tilespmem:s14+$0xFFFFFFC0];
	v7 =	vadd.f32 v6, v7  }
0x4cc: {  	v6 =	vld [tilespmem:s15+$0xFFFFFB10];
	v2 =	vadd.f32 v2, v3  }
0x4cd: {  	v3 =	vld [tilespmem:s14+$0x40];
	[tilespmem:s13+$0x19870] =	vst v7;
	v1 =	vmov v9;
	s13 =	smov.u32 s16;
	s16 =	smov.u32 s22  }
0x4ce: {  	v7 =	vld [tilespmem:s15+$0xFFFFFB90];
	v2 =	vadd.f32 v5, v2  }
0x4cf: {  	v5 =	vld [tilespmem:s14+$0xC0]  }
0x4d0: {  	v8 =	vld [tilespmem:s15+$0xFFFFFC10];
	v2 =	vadd.f32 v4, v2  }
0x4d1: {  	v4 =	vld [tilespmem:s14+$0x140]  }
0x4d2: {  	v9 =	vld [tilespmem:s15+$0xFFFFFC90];
	v2 =	vadd.f32 v3, v2  }
0x4d3: {  	v3 =	vld [tilespmem:s14+$0x1C0]  }
0x4d4: {  	v6 =	vadd.f32 v7, v6;
	v7 =	vld [tilespmem:s15+$0xFFFFFD10];
	v2 =	vadd.f32 v5, v2  }
0x4d5: {  	v5 =	vld [tilespmem:s14+$0x240]  }
0x4d6: {  	v6 =	vadd.f32 v8, v6;
	v8 =	vld [tilespmem:s15+$0xFFFFFD90];
	v2 =	vadd.f32 v4, v2  }
0x4d7: {  	v4 =	vld [tilespmem:s14+$0x2C0]  }
0x4d8: {  	v6 =	vadd.f32 v9, v6;
	v9 =	vld [tilespmem:s15+$0xFFFFFE10];
	v2 =	vadd.f32 v3, v2  }
0x4d9: {  	v3 =	vld [tilespmem:s14+$0x340]  }
0x4da: {  	v6 =	vadd.f32 v7, v6;
	v7 =	vld [tilespmem:s15+$0xFFFFFE90];
	v2 =	vadd.f32 v5, v2  }
0x4db: {  	v5 =	vld [tilespmem:s14+$0x3C0]  }
0x4dc: {  	v6 =	vadd.f32 v8, v6;
	v8 =	vld [tilespmem:s15+$0xFFFFFF10];
	v2 =	vadd.f32 v4, v2  }
0x4dd: {  	v4 =	vld [tilespmem:s14+$0x440]  }
0x4de: {  	v6 =	vadd.f32 v9, v6;
	v9 =	vld [tilespmem:s15+$0xFFFFFF90];
	v3 =	vadd.f32 v3, v2  }
0x4df: {  	v10 =	vld [tilespmem:s14+$0x4C0]  }
0x4e0: {  	v6 =	vadd.f32 v7, v6;
	v2 =	vld [tilespmem:s17+$0x380];
	v5 =	vadd.f32 v5, v3  }
0x4e1: {  	v7 =	vld [tilespmem:s15+$0x10]  }
0x4e2: {  	v6 =	vadd.f32 v8, v6;
	v3 =	vld [tilespmem:s17+$0x300];
	v5 =	vadd.f32 v4, v5  }
0x4e3: {  	v8 =	vld [tilespmem:s15+$0x90]  }
0x4e4: {  	v6 =	vadd.f32 v9, v6;
	v4 =	vld [tilespmem:s17+$0x280];
	v5 =	vadd.f32 v10, v5  }
0x4e5: {  	v9 =	vld [tilespmem:s15+$0x110]  }
0x4e6: {  	v6 =	vadd.f32 v7, v6;
	v7 =	vld [tilespmem:s15+$0x190];
	[tilespmem:s13+$0x19840] =	vst v5  }
0x4e7: {  	v5 =	vld [tilespmem:s14+$0xFFFFFB50]  }
0x4e8: {  	v6 =	vadd.f32 v8, v6;
	v8 =	vld [tilespmem:s14+$0xFFFFFBD0]  }
0x4e9: {  	v10 =	vld [tilespmem:s15+$0x210]  }
0x4ea: {  	v6 =	vadd.f32 v9, v6;
	v9 =	vld [tilespmem:s14+$0xFFFFFC50]  }
0x4eb: {  	v11 =	vld [tilespmem:s15+$0x290]  }
0x4ec: {  	v6 =	vadd.f32 v7, v6;
	v7 =	vld [tilespmem:s14+$0xFFFFFCD0]  }
0x4ed: {  	v12 =	vld [tilespmem:s15+$0x310];
	v5 =	vadd.f32 v8, v5  }
0x4ee: {  	v6 =	vadd.f32 v10, v6;
	v8 =	vld [tilespmem:s14+$0xFFFFFD50]  }
0x4ef: {  	v10 =	vld [tilespmem:s15+$0x390];
	v5 =	vadd.f32 v9, v5  }
0x4f0: {  	v6 =	vadd.f32 v11, v6;
	v9 =	vld [tilespmem:s14+$0xFFFFFDD0]  }
0x4f1: {  	v11 =	vld [tilespmem:s15+$0x410];
	v5 =	vadd.f32 v7, v5  }
0x4f2: {  	v6 =	vadd.f32 v12, v6;
	v7 =	vld [tilespmem:s14+$0xFFFFFE50]  }
0x4f3: {  	v12 =	vld [tilespmem:s15+$0x490];
	v8 =	vadd.f32 v8, v5  }
0x4f4: {  	v6 =	vadd.f32 v10, v6;
	v13 =	vld [tilespmem:s14+$0xFFFFFED0]  }
0x4f5: {  	v5 =	vld [tilespmem:s17+$0x200];
	v8 =	vadd.f32 v9, v8  }
0x4f6: {  	v9 =	vadd.f32 v11, v6;
	v11 =	vld [tilespmem:s14+$0xFFFFFF50]  }
0x4f7: {  	v6 =	vld [tilespmem:s17+$0x0];
	v7 =	vadd.f32 v7, v8  }
0x4f8: {  	v8 =	vadd.f32 v12, v9;
	v9 =	vld [tilespmem:s14+$0xFFFFFFD0]  }
0x4f9: {  	v10 =	vld [tilespmem:s17+$0xFFFFFF80];
	v7 =	vadd.f32 v13, v7  }
0x4fa: {  	[tilespmem:s16+$0x19810] =	vst v8;
	v8 =	vld [tilespmem:s14+$0x50]  }
0x4fb: {  	v12 =	vld [tilespmem:s15+$0xFFFFFB20];
	v7 =	vadd.f32 v11, v7  }
0x4fc: {  	v11 =	vld [tilespmem:s14+$0xD0]  }
0x4fd: {  	v13 =	vld [tilespmem:s15+$0xFFFFFBA0];
	v7 =	vadd.f32 v9, v7  }
0x4fe: {  	v9 =	vld [tilespmem:s14+$0x150]  }
0x4ff: {  	v14 =	vld [tilespmem:s15+$0xFFFFFC20];
	v7 =	vadd.f32 v8, v7  }
0x500: {  	v8 =	vld [tilespmem:s14+$0x1D0]  }
0x501: {  	v15 =	vld [tilespmem:s15+$0xFFFFFCA0];
	v7 =	vadd.f32 v11, v7  }
0x502: {  	v11 =	vld [tilespmem:s14+$0x250]  }
0x503: {  	v12 =	vadd.f32 v13, v12;
	v13 =	vld [tilespmem:s15+$0xFFFFFD20];
	v7 =	vadd.f32 v9, v7  }
0x504: {  	v9 =	vld [tilespmem:s14+$0x2D0]  }
0x505: {  	v12 =	vadd.f32 v14, v12;
	v14 =	vld [tilespmem:s15+$0xFFFFFDA0];
	v7 =	vadd.f32 v8, v7  }
0x506: {  	v8 =	vld [tilespmem:s14+$0x350]  }
0x507: {  	v12 =	vadd.f32 v15, v12;
	v15 =	vld [tilespmem:s15+$0xFFFFFE20];
	v7 =	vadd.f32 v11, v7  }
0x508: {  	v11 =	vld [tilespmem:s14+$0x3D0]  }
0x509: {  	v12 =	vadd.f32 v13, v12;
	v16 =	vld [tilespmem:s15+$0xFFFFFEA0];
	v7 =	vadd.f32 v9, v7  }
0x50a: {  	v9 =	vld [tilespmem:s14+$0x450]  }
0x50b: {  	v13 =	vadd.f32 v14, v12;
	v17 =	vld [tilespmem:s15+$0xFFFFFF20];
	v7 =	vadd.f32 v8, v7  }
0x50c: {  	v8 =	vld [tilespmem:s14+$0x4D0]  }
0x50d: {  	v14 =	vadd.f32 v15, v13;
	v12 =	vld [tilespmem:s17+$0xFFFFFF00];
	v7 =	vadd.f32 v11, v7  }
0x50e: {  	v11 =	vld [tilespmem:s15+$0xFFFFFFA0]  }
0x50f: {  	v15 =	vadd.f32 v16, v14;
	v13 =	vld [tilespmem:s17+$0xFFFFFE80];
	v7 =	vadd.f32 v9, v7  }
0x510: {  	v9 =	vld [tilespmem:s15+$0x20]  }
0x511: {  	v15 =	vadd.f32 v17, v15;
	v14 =	vld [tilespmem:s17+$0xFFFFFE00];
	v7 =	vadd.f32 v8, v7  }
0x512: {  	v8 =	vld [tilespmem:s15+$0xA0]  }
0x513: {  	v11 =	vadd.f32 v11, v15;
	v15 =	vld [tilespmem:s15+$0x120];
	[tilespmem:s13+$0x19850] =	vst v7  }
0x514: {  	v7 =	vld [tilespmem:s14+$0xFFFFFB60]  }
0x515: {  	v9 =	vadd.f32 v9, v11;
	v11 =	vld [tilespmem:s14+$0xFFFFFBE0]  }
0x516: {  	v16 =	vld [tilespmem:s15+$0x1A0]  }
0x517: {  	v8 =	vadd.f32 v8, v9;
	v9 =	vld [tilespmem:s14+$0xFFFFFC60]  }
0x518: {  	v17 =	vld [tilespmem:s15+$0x220]  }
0x519: {  	v8 =	vadd.f32 v15, v8;
	v15 =	vld [tilespmem:s14+$0xFFFFFCE0]  }
0x51a: {  	v18 =	vld [tilespmem:s15+$0x2A0];
	v7 =	vadd.f32 v11, v7  }
0x51b: {  	v8 =	vadd.f32 v16, v8;
	v11 =	vld [tilespmem:s14+$0xFFFFFD60]  }
0x51c: {  	v16 =	vld [tilespmem:s15+$0x320];
	v7 =	vadd.f32 v9, v7  }
0x51d: {  	v8 =	vadd.f32 v17, v8;
	v9 =	vld [tilespmem:s14+$0xFFFFFDE0]  }
0x51e: {  	v17 =	vld [tilespmem:s15+$0x3A0];
	v7 =	vadd.f32 v15, v7  }
0x51f: {  	v8 =	vadd.f32 v18, v8;
	v15 =	vld [tilespmem:s14+$0xFFFFFE60]  }
0x520: {  	v18 =	vld [tilespmem:s15+$0x420];
	v7 =	vadd.f32 v11, v7  }
0x521: {  	v8 =	vadd.f32 v16, v8;
	v11 =	vld [tilespmem:s14+$0xFFFFFEE0]  }
0x522: {  	v16 =	vld [tilespmem:s15+$0x4A0];
	v7 =	vadd.f32 v9, v7  }
0x523: {  	v8 =	vadd.f32 v17, v8;
	v9 =	vld [tilespmem:s14+$0xFFFFFF60]  }
0x524: {  	v17 =	vld [tilespmem:s17+$0xFFFFFD80];
	v7 =	vadd.f32 v15, v7  }
0x525: {  	v8 =	vadd.f32 v18, v8;
	v15 =	vld [tilespmem:s14+$0xFFFFFFE0]  }
0x526: {  	v18 =	vld [tilespmem:s17+$0xFFFFFD00];
	v7 =	vadd.f32 v11, v7  }
0x527: {  	v8 =	vadd.f32 v16, v8;
	v11 =	vld [tilespmem:s14+$0x60]  }
0x528: {  	v16 =	vld [tilespmem:s17+$0xFFFFFC80];
	v7 =	vadd.f32 v9, v7  }
0x529: {  	[tilespmem:s16+$0x19820] =	vst v8;
	v8 =	vld [tilespmem:s14+$0xE0]  }
0x52a: {  	v9 =	vld [tilespmem:s15+$0xFFFFFB30];
	v7 =	vadd.f32 v15, v7  }
0x52b: {  	v15 =	vld [tilespmem:s14+$0x160]  }
0x52c: {  	v19 =	vld [tilespmem:s15+$0xFFFFFBB0];
	v7 =	vadd.f32 v11, v7  }
0x52d: {  	v11 =	vld [tilespmem:s14+$0x1E0]  }
0x52e: {  	v20 =	vld [tilespmem:s15+$0xFFFFFC30];
	v7 =	vadd.f32 v8, v7  }
0x52f: {  	v8 =	vld [tilespmem:s14+$0x260]  }
0x530: {  	v21 =	vld [tilespmem:s15+$0xFFFFFCB0];
	v7 =	vadd.f32 v15, v7  }
0x531: {  	v15 =	vld [tilespmem:s14+$0x2E0]  }
0x532: {  	v9 =	vadd.f32 v19, v9;
	v19 =	vld [tilespmem:s15+$0xFFFFFD30];
	v7 =	vadd.f32 v11, v7  }
0x533: {  	v11 =	vld [tilespmem:s14+$0x360]  }
0x534: {  	v9 =	vadd.f32 v20, v9;
	v20 =	vld [tilespmem:s15+$0xFFFFFDB0];
	v7 =	vadd.f32 v8, v7  }
0x535: {  	v8 =	vld [tilespmem:s14+$0x3E0]  }
0x536: {  	v9 =	vadd.f32 v21, v9;
	v21 =	vld [tilespmem:s15+$0xFFFFFE30];
	v7 =	vadd.f32 v15, v7  }
0x537: {  	v15 =	vld [tilespmem:s14+$0x460]  }
0x538: {  	v9 =	vadd.f32 v19, v9;
	v19 =	vld [tilespmem:s15+$0xFFFFFEB0];
	v7 =	vadd.f32 v11, v7  }
0x539: {  	v11 =	vld [tilespmem:s14+$0x4E0]  }
0x53a: {  	v9 =	vadd.f32 v20, v9;
	v22 =	vld [tilespmem:s17+$0xFFFFFC00];
	v7 =	vadd.f32 v8, v7  }
0x53b: {  	v8 =	vld [tilespmem:s15+$0xFFFFFF30]  }
0x53c: {  	v9 =	vadd.f32 v21, v9;
	v20 =	vld [tilespmem:s17+$0xFFFFFB00];
	v7 =	vadd.f32 v15, v7  }
0x53d: {  	v15 =	vld [tilespmem:s15+$0xFFFFFFB0]  }
0x53e: {  	v9 =	vadd.f32 v19, v9;
	v21 =	vld [tilespmem:s17+$0xFFFFFB80];
	v7 =	vadd.f32 v11, v7  }
0x53f: {  	v11 =	vld [tilespmem:s15+$0x30]  }
0x540: {  	v8 =	vadd.f32 v8, v9;
	v9 =	vld [tilespmem:s15+$0xB0];
	[tilespmem:s13+$0x19860] =	vst v7  }
0x541: {  	v7 =	vld [tilespmem:s14+$0xFFFFFB70]  }
0x542: {  	v8 =	vadd.f32 v15, v8;
	v15 =	vld [tilespmem:s14+$0xFFFFFBF0]  }
0x543: {  	v19 =	vld [tilespmem:s15+$0x130]  }
0x544: {  	v8 =	vadd.f32 v11, v8;
	v11 =	vld [tilespmem:s14+$0xFFFFFC70]  }
0x545: {  	v20 =	vadd.f32 v21, v20;
	v21 =	vld [tilespmem:s15+$0x1B0]  }
0x546: {  	v8 =	vadd.f32 v9, v8;
	v9 =	vld [tilespmem:s14+$0xFFFFFCF0]  }
0x547: {  	v20 =	vadd.f32 v22, v20;
	v22 =	vld [tilespmem:s15+$0x230];
	v7 =	vadd.f32 v15, v7  }
0x548: {  	v8 =	vadd.f32 v19, v8;
	v19 =	vld [tilespmem:s14+$0xFFFFFD70]  }
0x549: {  	v15 =	vadd.f32 v16, v20;
	v20 =	vld [tilespmem:s15+$0x2B0];
	v11 =	vadd.f32 v11, v7  }
.Ltmp3:
0x54a: {  	v8 =	vadd.f32 v21, v8;
	v7 =	vld [tilespmem:s14+$0xFFFFFDF0];
	(pc) =	sbr.rel @p0 .LBB2_5-.Ltmp3, $4  }
0x54b: {  	v16 =	vadd.f32 v18, v15;
	v15 =	vld [tilespmem:s15+$0x330];
	v9 =	vadd.f32 v9, v11  }
0x54c: {  	v21 =	vadd.f32 v22, v8;
	v8 =	vld [tilespmem:s14+$0xFFFFFE70]  }
0x54d: {  	v18 =	vadd.f32 v17, v16;
	v16 =	vld [tilespmem:s15+$0x3B0];
	v11 =	vadd.f32 v19, v9  }
0x54e: {  	s20 =	sadd.s32 $0x200, s20;
	v17 =	vadd.f32 v20, v21;
	v9 =	vld [tilespmem:s14+$0xFFFFFEF0]  }
0x54f: {  	v14 =	vadd.f32 v14, v18;
	_ =	sdelay $0x1  }
0x550: {  	v13 =	vadd.f32 v13, v14;
	_ =	sdelay $0x1  }
0x551: {  	v12 =	vadd.f32 v12, v13  }
0x552: {  	v36 =	vld [tilespmem:s17+$0x80]  }
0x553: {  	v10 =	vadd.f32 v10, v12  }
0x554: {  	v37 =	vld [tilespmem:s17+$0x100]  }
0x555: {  	v6 =	vadd.f32 v6, v10  }
0x556: {  	v38 =	vld [tilespmem:s17+$0x180]  }
0x557: {  	v6 =	vadd.f32 v36, v6;
	_ =	sdelay $0x1  }
0x558: {  	v6 =	vadd.f32 v37, v6;
	_ =	sdelay $0x1  }
0x559: {  	v6 =	vadd.f32 v38, v6;
	_ =	sdelay $0x1  }
0x55a: {  	v5 =	vadd.f32 v5, v6;
	_ =	sdelay $0x1  }
0x55b: {  	v4 =	vadd.f32 v4, v5;
	_ =	sdelay $0x1  }
0x55c: {  	v3 =	vadd.f32 v3, v4;
	_ =	sdelay $0x1  }
0x55d: {  	v2 =	vadd.f32 v2, v3;
	_ =	sdelay $0x1  }
0x55e: {  	v0 =	vadd.f32 v0, v2;
	_ =	sdelay $0x1  }
0x55f: {  	v0 =	vadd.f32 v1, v0  }
0x560: {  	s18 =	sshra.s32 s18, $0x2  }
0x561: {  	[tilespmem:s18+$0x19800] =	vst v0  }
0x562: {  	v0 =	vld [tilespmem:s17+$0xFFFFFB10]  }
0x563: {  	v39 =	vld [tilespmem:s17+$0xFFFFFB90];
	_ =	sdelay $0x1  }
0x564: {  	v40 =	vld [tilespmem:s17+$0xFFFFFC10];
	_ =	sdelay $0x1  }
0x565: {  	v41 =	vld [tilespmem:s17+$0xFFFFFC90]  }
0x566: {  	v0 =	vadd.f32 v39, v0  }
0x567: {  	v42 =	vld [tilespmem:s17+$0xFFFFFD10]  }
0x568: {  	v0 =	vadd.f32 v40, v0  }
0x569: {  	v43 =	vld [tilespmem:s17+$0xFFFFFD90]  }
0x56a: {  	v0 =	vadd.f32 v41, v0  }
0x56b: {  	v44 =	vld [tilespmem:s17+$0xFFFFFE10]  }
0x56c: {  	v0 =	vadd.f32 v42, v0  }
0x56d: {  	v45 =	vld [tilespmem:s17+$0xFFFFFE90]  }
0x56e: {  	v0 =	vadd.f32 v43, v0  }
0x56f: {  	v46 =	vld [tilespmem:s17+$0xFFFFFF10]  }
0x570: {  	v0 =	vadd.f32 v44, v0  }
0x571: {  	v47 =	vld [tilespmem:s17+$0xFFFFFF90]  }
0x572: {  	v0 =	vadd.f32 v45, v0  }
0x573: {  	v48 =	vld [tilespmem:s17+$0x10]  }
0x574: {  	v0 =	vadd.f32 v46, v0  }
0x575: {  	v49 =	vld [tilespmem:s17+$0x90]  }
0x576: {  	v0 =	vadd.f32 v47, v0  }
0x577: {  	v50 =	vld [tilespmem:s17+$0x110]  }
0x578: {  	v0 =	vadd.f32 v48, v0  }
0x579: {  	v51 =	vld [tilespmem:s17+$0x190]  }
0x57a: {  	v0 =	vadd.f32 v49, v0  }
0x57b: {  	v52 =	vld [tilespmem:s17+$0x210]  }
0x57c: {  	v0 =	vadd.f32 v50, v0  }
0x57d: {  	v53 =	vld [tilespmem:s17+$0x290]  }
0x57e: {  	v0 =	vadd.f32 v51, v0  }
0x57f: {  	v54 =	vld [tilespmem:s17+$0x310]  }
0x580: {  	v0 =	vadd.f32 v52, v0  }
0x581: {  	v55 =	vld [tilespmem:s17+$0x390]  }
0x582: {  	v0 =	vadd.f32 v53, v0  }
0x583: {  	v56 =	vld [tilespmem:s17+$0x410]  }
0x584: {  	v0 =	vadd.f32 v54, v0  }
0x585: {  	v57 =	vld [tilespmem:s17+$0x490]  }
0x586: {  	v0 =	vadd.f32 v55, v0;
	_ =	sdelay $0x1  }
0x587: {  	v0 =	vadd.f32 v56, v0;
	_ =	sdelay $0x1  }
0x588: {  	v0 =	vadd.f32 v57, v0;
	_ =	sdelay $0x1  }
0x589: {  	[tilespmem:s18+$0x19810] =	vst v0  }
0x58a: {  	v0 =	vld [tilespmem:s17+$0xFFFFFB20]  }
0x58b: {  	v58 =	vld [tilespmem:s17+$0xFFFFFBA0];
	_ =	sdelay $0x1  }
0x58c: {  	v59 =	vld [tilespmem:s17+$0xFFFFFC20];
	_ =	sdelay $0x1  }
0x58d: {  	v60 =	vld [tilespmem:s17+$0xFFFFFCA0]  }
0x58e: {  	v0 =	vadd.f32 v58, v0  }
0x58f: {  	v61 =	vld [tilespmem:s17+$0xFFFFFD20]  }
0x590: {  	v0 =	vadd.f32 v59, v0  }
0x591: {  	v62 =	vld [tilespmem:s17+$0xFFFFFDA0]  }
0x592: {  	v0 =	vadd.f32 v60, v0  }
0x593: {  	v63 =	vld [tilespmem:s17+$0xFFFFFE20]  }
0x594: {  	v0 =	vadd.f32 v61, v0  }
0x595: {  	v6 =	vld [tilespmem:s17+$0xFFFFFEA0]  }
0x596: {  	v0 =	vadd.f32 v62, v0  }
0x597: {  	v10 =	vld [tilespmem:s17+$0xFFFFFF20]  }
0x598: {  	v0 =	vadd.f32 v63, v0  }
0x599: {  	v12 =	vld [tilespmem:s17+$0xFFFFFFA0]  }
0x59a: {  	v0 =	vadd.f32 v6, v0  }
0x59b: {  	v13 =	vld [tilespmem:s17+$0x20]  }
0x59c: {  	v0 =	vadd.f32 v10, v0  }
0x59d: {  	v14 =	vld [tilespmem:s17+$0xA0]  }
0x59e: {  	v0 =	vadd.f32 v12, v0  }
0x59f: {  	v18 =	vld [tilespmem:s17+$0x120]  }
0x5a0: {  	v0 =	vadd.f32 v13, v0  }
0x5a1: {  	v19 =	vld [tilespmem:s17+$0x1A0]  }
0x5a2: {  	v0 =	vadd.f32 v14, v0  }
0x5a3: {  	v20 =	vld [tilespmem:s17+$0x220]  }
0x5a4: {  	v0 =	vadd.f32 v18, v0  }
0x5a5: {  	v21 =	vld [tilespmem:s17+$0x2A0]  }
0x5a6: {  	v0 =	vadd.f32 v19, v0  }
0x5a7: {  	v22 =	vld [tilespmem:s17+$0x320]  }
0x5a8: {  	v0 =	vadd.f32 v20, v0  }
0x5a9: {  	v23 =	vld [tilespmem:s17+$0x3A0]  }
0x5aa: {  	v0 =	vadd.f32 v21, v0  }
0x5ab: {  	v24 =	vld [tilespmem:s17+$0x420]  }
0x5ac: {  	v0 =	vadd.f32 v22, v0  }
0x5ad: {  	v25 =	vld [tilespmem:s17+$0x4A0]  }
0x5ae: {  	v0 =	vadd.f32 v23, v0;
	_ =	sdelay $0x1  }
0x5af: {  	v0 =	vadd.f32 v24, v0;
	_ =	sdelay $0x1  }
0x5b0: {  	v0 =	vadd.f32 v25, v0;
	_ =	sdelay $0x1  }
0x5b1: {  	[tilespmem:s18+$0x19820] =	vst v0  }
0x5b2: {  	v0 =	vld [tilespmem:s17+$0xFFFFFB30]  }
0x5b3: {  	v26 =	vld [tilespmem:s17+$0xFFFFFBB0];
	_ =	sdelay $0x1  }
0x5b4: {  	v27 =	vld [tilespmem:s17+$0xFFFFFC30];
	_ =	sdelay $0x1  }
0x5b5: {  	v28 =	vld [tilespmem:s17+$0xFFFFFCB0]  }
0x5b6: {  	v0 =	vadd.f32 v26, v0  }
0x5b7: {  	v29 =	vld [tilespmem:s17+$0xFFFFFD30]  }
0x5b8: {  	v0 =	vadd.f32 v27, v0  }
0x5b9: {  	v30 =	vld [tilespmem:s17+$0xFFFFFDB0]  }
0x5ba: {  	v0 =	vadd.f32 v28, v0  }
0x5bb: {  	v31 =	vld [tilespmem:s17+$0xFFFFFE30]  }
0x5bc: {  	v0 =	vadd.f32 v29, v0  }
0x5bd: {  	v32 =	vld [tilespmem:s17+$0xFFFFFEB0]  }
0x5be: {  	v0 =	vadd.f32 v30, v0  }
0x5bf: {  	v33 =	vld [tilespmem:s17+$0xFFFFFF30]  }
0x5c0: {  	v0 =	vadd.f32 v31, v0  }
0x5c1: {  	v34 =	vld [tilespmem:s17+$0xFFFFFFB0]  }
0x5c2: {  	v0 =	vadd.f32 v32, v0  }
0x5c3: {  	v35 =	vld [tilespmem:s17+$0x30]  }
0x5c4: {  	v0 =	vadd.f32 v33, v0  }
0x5c5: {  	v36 =	vld [tilespmem:s17+$0xB0]  }
0x5c6: {  	v0 =	vadd.f32 v34, v0  }
0x5c7: {  	v37 =	vld [tilespmem:s17+$0x130]  }
0x5c8: {  	v0 =	vadd.f32 v35, v0  }
0x5c9: {  	v38 =	vld [tilespmem:s17+$0x1B0]  }
0x5ca: {  	v0 =	vadd.f32 v36, v0  }
0x5cb: {  	v39 =	vld [tilespmem:s17+$0x230]  }
0x5cc: {  	v0 =	vadd.f32 v37, v0  }
0x5cd: {  	v40 =	vld [tilespmem:s17+$0x2B0]  }
0x5ce: {  	v42 =	vld [tilespmem:s15+$0x430];
	v0 =	vadd.f32 v38, v0  }
0x5cf: {  	v43 =	vadd.f32 v15, v17;
	v41 =	vld [tilespmem:s17+$0x330]  }
0x5d0: {  	v45 =	vld [tilespmem:s15+$0x4B0];
	v0 =	vadd.f32 v39, v0  }
0x5d1: {  	v2 =	vadd.f32 v16, v43;
	v44 =	vld [tilespmem:s17+$0x3B0]  }
0x5d2: {  	v0 =	vadd.f32 v40, v0  }
0x5d3: {  	v47 =	vadd.f32 v42, v2;
	v46 =	vld [tilespmem:s17+$0x430]  }
0x5d4: {  	v0 =	vadd.f32 v41, v0  }
0x5d5: {  	v1 =	vadd.f32 v45, v47;
	v48 =	vld [tilespmem:s17+$0x4B0]  }
0x5d6: {  	v0 =	vadd.f32 v44, v0  }
0x5d7: {  	[tilespmem:s16+$0x19830] =	vst v1  }
0x5d8: {  	v1 =	vld [tilespmem:s15+$0xFFFFFB40];
	v0 =	vadd.f32 v46, v0  }
0x5d9: {  	v49 =	vld [tilespmem:s15+$0xFFFFFBC0]  }
0x5da: {  	v0 =	vadd.f32 v48, v0  }
0x5db: {  	v50 =	vld [tilespmem:s15+$0xFFFFFC40]  }
0x5dc: {  	v52 =	vld [tilespmem:s15+$0xFFFFFCC0];
	[tilespmem:s18+$0x19830] =	vst v0  }
0x5dd: {  	v0 =	vld [tilespmem:s17+$0xFFFFFB40]  }
0x5de: {  	v1 =	vadd.f32 v49, v1;
	v51 =	vld [tilespmem:s17+$0xFFFFFBC0]  }
0x5df: {  	v54 =	vld [tilespmem:s15+$0xFFFFFD40]  }
0x5e0: {  	v1 =	vadd.f32 v50, v1;
	v53 =	vld [tilespmem:s17+$0xFFFFFC40]  }
0x5e1: {  	v56 =	vld [tilespmem:s15+$0xFFFFFDC0]  }
0x5e2: {  	v1 =	vadd.f32 v52, v1;
	v55 =	vld [tilespmem:s17+$0xFFFFFCC0]  }
0x5e3: {  	v58 =	vld [tilespmem:s15+$0xFFFFFE40];
	v0 =	vadd.f32 v51, v0  }
0x5e4: {  	v1 =	vadd.f32 v54, v1;
	v57 =	vld [tilespmem:s17+$0xFFFFFD40]  }
0x5e5: {  	v60 =	vld [tilespmem:s15+$0xFFFFFEC0];
	v0 =	vadd.f32 v53, v0  }
0x5e6: {  	v1 =	vadd.f32 v56, v1;
	v59 =	vld [tilespmem:s17+$0xFFFFFDC0]  }
0x5e7: {  	v62 =	vld [tilespmem:s15+$0xFFFFFF40];
	v0 =	vadd.f32 v55, v0  }
0x5e8: {  	v1 =	vadd.f32 v58, v1;
	v61 =	vld [tilespmem:s17+$0xFFFFFE40]  }
0x5e9: {  	v12 =	vld [tilespmem:s15+$0xFFFFFFC0];
	v0 =	vadd.f32 v57, v0  }
0x5ea: {  	v1 =	vadd.f32 v60, v1;
	v63 =	vld [tilespmem:s17+$0xFFFFFEC0]  }
0x5eb: {  	v14 =	vld [tilespmem:s15+$0x40];
	v0 =	vadd.f32 v59, v0  }
0x5ec: {  	v1 =	vadd.f32 v62, v1;
	v13 =	vld [tilespmem:s17+$0xFFFFFF40]  }
0x5ed: {  	v16 =	vld [tilespmem:s15+$0xC0];
	v0 =	vadd.f32 v61, v0  }
0x5ee: {  	v1 =	vadd.f32 v12, v1;
	v15 =	vld [tilespmem:s17+$0xFFFFFFC0]  }
0x5ef: {  	v18 =	vld [tilespmem:s15+$0x140];
	v0 =	vadd.f32 v63, v0  }
0x5f0: {  	v1 =	vadd.f32 v14, v1;
	v17 =	vld [tilespmem:s17+$0x40]  }
0x5f1: {  	v20 =	vld [tilespmem:s15+$0x1C0];
	v0 =	vadd.f32 v13, v0  }
0x5f2: {  	v1 =	vadd.f32 v16, v1;
	v19 =	vld [tilespmem:s17+$0xC0]  }
0x5f3: {  	v22 =	vld [tilespmem:s15+$0x240];
	v0 =	vadd.f32 v15, v0  }
0x5f4: {  	v1 =	vadd.f32 v18, v1;
	v21 =	vld [tilespmem:s17+$0x140]  }
0x5f5: {  	v24 =	vld [tilespmem:s15+$0x2C0];
	v0 =	vadd.f32 v17, v0  }
0x5f6: {  	v1 =	vadd.f32 v20, v1;
	v23 =	vld [tilespmem:s17+$0x1C0]  }
0x5f7: {  	v26 =	vld [tilespmem:s15+$0x340];
	v0 =	vadd.f32 v19, v0  }
0x5f8: {  	v1 =	vadd.f32 v22, v1;
	v25 =	vld [tilespmem:s17+$0x240]  }
0x5f9: {  	v28 =	vld [tilespmem:s15+$0x3C0];
	v0 =	vadd.f32 v21, v0  }
0x5fa: {  	v1 =	vadd.f32 v24, v1;
	v27 =	vld [tilespmem:s17+$0x2C0]  }
0x5fb: {  	v30 =	vld [tilespmem:s15+$0x440];
	v0 =	vadd.f32 v23, v0  }
0x5fc: {  	v1 =	vadd.f32 v26, v1;
	v29 =	vld [tilespmem:s17+$0x340]  }
0x5fd: {  	v32 =	vld [tilespmem:s15+$0x4C0];
	v0 =	vadd.f32 v25, v0  }
0x5fe: {  	v1 =	vadd.f32 v28, v1;
	v31 =	vld [tilespmem:s17+$0x3C0]  }
0x5ff: {  	v0 =	vadd.f32 v27, v0  }
0x600: {  	v1 =	vadd.f32 v30, v1;
	v33 =	vld [tilespmem:s17+$0x440]  }
0x601: {  	v0 =	vadd.f32 v29, v0  }
0x602: {  	v1 =	vadd.f32 v32, v1;
	v34 =	vld [tilespmem:s17+$0x4C0]  }
0x603: {  	v0 =	vadd.f32 v31, v0  }
0x604: {  	[tilespmem:s16+$0x19840] =	vst v1  }
0x605: {  	v1 =	vld [tilespmem:s15+$0xFFFFFB50];
	v2 =	vadd.f32 v33, v0  }
0x606: {  	v35 =	vld [tilespmem:s15+$0xFFFFFBD0]  }
0x607: {  	v2 =	vadd.f32 v34, v2  }
0x608: {  	v36 =	vld [tilespmem:s15+$0xFFFFFC50]  }
0x609: {  	v38 =	vld [tilespmem:s15+$0xFFFFFCD0];
	[tilespmem:s18+$0x19840] =	vst v2  }
0x60a: {  	v2 =	vld [tilespmem:s17+$0xFFFFFB50]  }
0x60b: {  	v1 =	vadd.f32 v35, v1;
	v37 =	vld [tilespmem:s17+$0xFFFFFBD0]  }
0x60c: {  	v40 =	vld [tilespmem:s15+$0xFFFFFD50]  }
0x60d: {  	v1 =	vadd.f32 v36, v1;
	v39 =	vld [tilespmem:s17+$0xFFFFFC50]  }
0x60e: {  	v42 =	vld [tilespmem:s15+$0xFFFFFDD0]  }
0x60f: {  	v1 =	vadd.f32 v38, v1;
	v41 =	vld [tilespmem:s17+$0xFFFFFCD0]  }
0x610: {  	v44 =	vld [tilespmem:s15+$0xFFFFFE50];
	v2 =	vadd.f32 v37, v2  }
0x611: {  	v1 =	vadd.f32 v40, v1;
	v43 =	vld [tilespmem:s17+$0xFFFFFD50]  }
0x612: {  	v46 =	vld [tilespmem:s15+$0xFFFFFED0];
	v2 =	vadd.f32 v39, v2  }
0x613: {  	v1 =	vadd.f32 v42, v1;
	v45 =	vld [tilespmem:s17+$0xFFFFFDD0]  }
0x614: {  	v48 =	vld [tilespmem:s15+$0xFFFFFF50];
	v2 =	vadd.f32 v41, v2  }
0x615: {  	v1 =	vadd.f32 v44, v1;
	v47 =	vld [tilespmem:s17+$0xFFFFFE50]  }
0x616: {  	v50 =	vld [tilespmem:s15+$0xFFFFFFD0];
	v2 =	vadd.f32 v43, v2  }
0x617: {  	v1 =	vadd.f32 v46, v1;
	v49 =	vld [tilespmem:s17+$0xFFFFFED0]  }
0x618: {  	v52 =	vld [tilespmem:s15+$0x50];
	v2 =	vadd.f32 v45, v2  }
0x619: {  	v1 =	vadd.f32 v48, v1;
	v51 =	vld [tilespmem:s17+$0xFFFFFF50]  }
0x61a: {  	v54 =	vld [tilespmem:s15+$0xD0];
	v2 =	vadd.f32 v47, v2  }
0x61b: {  	v1 =	vadd.f32 v50, v1;
	v53 =	vld [tilespmem:s17+$0xFFFFFFD0]  }
0x61c: {  	v56 =	vld [tilespmem:s15+$0x150];
	v2 =	vadd.f32 v49, v2  }
0x61d: {  	v1 =	vadd.f32 v52, v1;
	v55 =	vld [tilespmem:s17+$0x50]  }
0x61e: {  	v58 =	vld [tilespmem:s15+$0x1D0];
	v2 =	vadd.f32 v51, v2  }
0x61f: {  	v1 =	vadd.f32 v54, v1;
	v57 =	vld [tilespmem:s17+$0xD0]  }
0x620: {  	v60 =	vld [tilespmem:s15+$0x250];
	v2 =	vadd.f32 v53, v2  }
0x621: {  	v1 =	vadd.f32 v56, v1;
	v59 =	vld [tilespmem:s17+$0x150]  }
0x622: {  	v62 =	vld [tilespmem:s15+$0x2D0];
	v2 =	vadd.f32 v55, v2  }
0x623: {  	v1 =	vadd.f32 v58, v1;
	v61 =	vld [tilespmem:s17+$0x1D0]  }
0x624: {  	v16 =	vld [tilespmem:s15+$0x350];
	v2 =	vadd.f32 v57, v2  }
0x625: {  	v1 =	vadd.f32 v60, v1;
	v63 =	vld [tilespmem:s17+$0x250]  }
0x626: {  	v18 =	vld [tilespmem:s15+$0x3D0];
	v2 =	vadd.f32 v59, v2  }
0x627: {  	v1 =	vadd.f32 v62, v1;
	v17 =	vld [tilespmem:s17+$0x2D0]  }
0x628: {  	v20 =	vld [tilespmem:s15+$0x450];
	v2 =	vadd.f32 v61, v2  }
0x629: {  	v1 =	vadd.f32 v16, v1;
	v19 =	vld [tilespmem:s17+$0x350]  }
0x62a: {  	v22 =	vld [tilespmem:s15+$0x4D0];
	v2 =	vadd.f32 v63, v2  }
0x62b: {  	v1 =	vadd.f32 v18, v1;
	v21 =	vld [tilespmem:s17+$0x3D0]  }
0x62c: {  	v5 =	vld [tilespmem:s14+$0xFFFFFFF0];
	v2 =	vadd.f32 v17, v2  }
0x62d: {  	v1 =	vadd.f32 v20, v1;
	v23 =	vld [tilespmem:s17+$0x450]  }
0x62e: {  	v4 =	vld [tilespmem:s14+$0x70];
	v2 =	vadd.f32 v19, v2  }
0x62f: {  	v10 =	vadd.f32 v22, v1;
	v24 =	vld [tilespmem:s17+$0x4D0]  }
0x630: {  	v3 =	vld [tilespmem:s14+$0xF0];
	v25 =	vadd.f32 v21, v2  }
0x631: {  	v1 =	vld [tilespmem:s14+$0x1F0];
	[tilespmem:s16+$0x19850] =	vst v10  }
0x632: {  	v10 =	vld [tilespmem:s15+$0xFFFFFB60];
	v12 =	vadd.f32 v23, v25  }
0x633: {  	v26 =	vld [tilespmem:s15+$0xFFFFFBE0]  }
0x634: {  	v35 =	vld [tilespmem:s15+$0xFFFFFE60];
	v6 =	vadd.f32 v24, v12  }
0x635: {  	v27 =	vld [tilespmem:s15+$0xFFFFFC60]  }
0x636: {  	v29 =	vld [tilespmem:s15+$0xFFFFFCE0];
	[tilespmem:s18+$0x19850] =	vst v6  }
0x637: {  	v6 =	vld [tilespmem:s17+$0xFFFFFB60]  }
0x638: {  	v10 =	vadd.f32 v26, v10;
	v28 =	vld [tilespmem:s17+$0xFFFFFBE0]  }
0x639: {  	v31 =	vld [tilespmem:s15+$0xFFFFFD60]  }
0x63a: {  	v10 =	vadd.f32 v27, v10;
	v30 =	vld [tilespmem:s17+$0xFFFFFC60]  }
0x63b: {  	v33 =	vld [tilespmem:s15+$0xFFFFFDE0]  }
0x63c: {  	v10 =	vadd.f32 v29, v10;
	v32 =	vld [tilespmem:s17+$0xFFFFFCE0]  }
0x63d: {  	v26 =	vld [tilespmem:s14+$0x3F0];
	v6 =	vadd.f32 v28, v6  }
0x63e: {  	v10 =	vadd.f32 v31, v10;
	v34 =	vld [tilespmem:s17+$0xFFFFFD60]  }
0x63f: {  	v37 =	vld [tilespmem:s15+$0xFFFFFEE0];
	v6 =	vadd.f32 v30, v6  }
0x640: {  	v10 =	vadd.f32 v33, v10;
	v36 =	vld [tilespmem:s17+$0xFFFFFDE0]  }
0x641: {  	v39 =	vld [tilespmem:s15+$0xFFFFFF60];
	v6 =	vadd.f32 v32, v6  }
0x642: {  	v10 =	vadd.f32 v35, v10;
	v38 =	vld [tilespmem:s17+$0xFFFFFE60]  }
0x643: {  	v41 =	vld [tilespmem:s15+$0xFFFFFFE0];
	v6 =	vadd.f32 v34, v6  }
0x644: {  	v10 =	vadd.f32 v37, v10;
	v40 =	vld [tilespmem:s17+$0xFFFFFEE0]  }
0x645: {  	v43 =	vld [tilespmem:s15+$0x60];
	v6 =	vadd.f32 v36, v6  }
0x646: {  	v10 =	vadd.f32 v39, v10;
	v42 =	vld [tilespmem:s17+$0xFFFFFF60]  }
0x647: {  	v45 =	vld [tilespmem:s15+$0xE0];
	v6 =	vadd.f32 v38, v6  }
0x648: {  	v10 =	vadd.f32 v41, v10;
	v44 =	vld [tilespmem:s17+$0xFFFFFFE0]  }
0x649: {  	v47 =	vld [tilespmem:s15+$0x160];
	v6 =	vadd.f32 v40, v6  }
0x64a: {  	v10 =	vadd.f32 v43, v10;
	v46 =	vld [tilespmem:s17+$0x60]  }
0x64b: {  	v49 =	vld [tilespmem:s15+$0x1E0];
	v6 =	vadd.f32 v42, v6  }
0x64c: {  	v10 =	vadd.f32 v45, v10;
	v48 =	vld [tilespmem:s17+$0xE0]  }
0x64d: {  	v51 =	vld [tilespmem:s15+$0x260];
	v6 =	vadd.f32 v44, v6  }
0x64e: {  	v10 =	vadd.f32 v47, v10;
	v50 =	vld [tilespmem:s17+$0x160]  }
0x64f: {  	v53 =	vld [tilespmem:s15+$0x2E0];
	v6 =	vadd.f32 v46, v6  }
0x650: {  	v10 =	vadd.f32 v49, v10;
	v52 =	vld [tilespmem:s17+$0x1E0]  }
0x651: {  	v55 =	vld [tilespmem:s15+$0x360];
	v6 =	vadd.f32 v48, v6  }
0x652: {  	v10 =	vadd.f32 v51, v10;
	v54 =	vld [tilespmem:s17+$0x260]  }
0x653: {  	v57 =	vld [tilespmem:s15+$0x3E0];
	v6 =	vadd.f32 v50, v6  }
0x654: {  	v10 =	vadd.f32 v53, v10;
	v56 =	vld [tilespmem:s17+$0x2E0]  }
0x655: {  	v59 =	vld [tilespmem:s15+$0x460];
	v6 =	vadd.f32 v52, v6  }
0x656: {  	v10 =	vadd.f32 v55, v10;
	v58 =	vld [tilespmem:s17+$0x360]  }
0x657: {  	v61 =	vld [tilespmem:s15+$0x4E0];
	v6 =	vadd.f32 v54, v6  }
0x658: {  	v10 =	vadd.f32 v57, v10;
	v60 =	vld [tilespmem:s17+$0x3E0]  }
0x659: {  	v27 =	vld [tilespmem:s14+$0x470];
	v6 =	vadd.f32 v56, v6  }
0x65a: {  	v10 =	vadd.f32 v59, v10;
	v62 =	vld [tilespmem:s17+$0x460]  }
0x65b: {  	v0 =	vld [tilespmem:s14+$0xFFFFFF70];
	v6 =	vadd.f32 v58, v6  }
0x65c: {  	v10 =	vadd.f32 v61, v10;
	v23 =	vld [tilespmem:s17+$0x4E0]  }
0x65d: {  	v63 =	vld [tilespmem:s14+$0x270];
	v6 =	vadd.f32 v60, v6  }
0x65e: {  	[tilespmem:s16+$0x19860] =	vst v10;
	v2 =	vld [tilespmem:s14+$0x170]  }
0x65f: {  	v10 =	vld [tilespmem:s15+$0xFFFFFB70];
	v6 =	vadd.f32 v62, v6  }
0x660: {  	v29 =	vld [tilespmem:s15+$0xFFFFFBF0]  }
0x661: {  	v20 =	vld [tilespmem:s15+$0xFFFFFC70];
	v6 =	vadd.f32 v23, v6  }
0x662: {  	v22 =	vld [tilespmem:s15+$0xFFFFFCF0]  }
0x663: {  	v31 =	vld [tilespmem:s15+$0xFFFFFD70];
	[tilespmem:s18+$0x19860] =	vst v6  }
0x664: {  	v6 =	vld [tilespmem:s17+$0xFFFFFB70]  }
0x665: {  	v19 =	vld [tilespmem:s17+$0xFFFFFBF0]  }
0x666: {  	v33 =	vld [tilespmem:s15+$0xFFFFFDF0]  }
0x667: {  	v21 =	vld [tilespmem:s17+$0xFFFFFC70]  }
0x668: {  	v35 =	vld [tilespmem:s15+$0xFFFFFE70]  }
0x669: {  	v10 =	vadd.f32 v29, v10;
	v30 =	vld [tilespmem:s17+$0xFFFFFCF0]  }
0x66a: {  	v37 =	vld [tilespmem:s15+$0xFFFFFEF0];
	v6 =	vadd.f32 v19, v6  }
0x66b: {  	v10 =	vadd.f32 v20, v10;
	v32 =	vld [tilespmem:s17+$0xFFFFFD70]  }
0x66c: {  	v39 =	vld [tilespmem:s15+$0xFFFFFF70];
	v6 =	vadd.f32 v21, v6  }
0x66d: {  	v10 =	vadd.f32 v22, v10;
	v34 =	vld [tilespmem:s17+$0xFFFFFDF0]  }
0x66e: {  	v41 =	vld [tilespmem:s15+$0xFFFFFFF0];
	v6 =	vadd.f32 v30, v6  }
0x66f: {  	v10 =	vadd.f32 v31, v10;
	v36 =	vld [tilespmem:s17+$0xFFFFFE70]  }
0x670: {  	v7 =	vadd.f32 v7, v11;
	v43 =	vld [tilespmem:s15+$0x70];
	v6 =	vadd.f32 v32, v6  }
0x671: {  	v10 =	vadd.f32 v33, v10;
	v38 =	vld [tilespmem:s17+$0xFFFFFEF0]  }
0x672: {  	v7 =	vadd.f32 v8, v7;
	v45 =	vld [tilespmem:s15+$0xF0];
	v6 =	vadd.f32 v34, v6  }
0x673: {  	v10 =	vadd.f32 v35, v10;
	v40 =	vld [tilespmem:s17+$0xFFFFFF70]  }
0x674: {  	v7 =	vadd.f32 v9, v7;
	v47 =	vld [tilespmem:s15+$0x170];
	v6 =	vadd.f32 v36, v6  }
0x675: {  	v10 =	vadd.f32 v37, v10;
	v42 =	vld [tilespmem:s17+$0xFFFFFFF0]  }
0x676: {  	v0 =	vadd.f32 v0, v7;
	v49 =	vld [tilespmem:s15+$0x1F0];
	v6 =	vadd.f32 v38, v6  }
0x677: {  	v8 =	vadd.f32 v39, v10;
	v44 =	vld [tilespmem:s17+$0x70]  }
0x678: {  	v0 =	vadd.f32 v5, v0;
	v51 =	vld [tilespmem:s15+$0x270];
	v6 =	vadd.f32 v40, v6  }
0x679: {  	v8 =	vadd.f32 v41, v8;
	v46 =	vld [tilespmem:s17+$0xF0]  }
0x67a: {  	v0 =	vadd.f32 v4, v0;
	v53 =	vld [tilespmem:s15+$0x2F0];
	v6 =	vadd.f32 v42, v6  }
0x67b: {  	v7 =	vadd.f32 v43, v8;
	v48 =	vld [tilespmem:s17+$0x170]  }
0x67c: {  	v0 =	vadd.f32 v3, v0;
	v55 =	vld [tilespmem:s15+$0x370];
	v6 =	vadd.f32 v44, v6  }
0x67d: {  	v5 =	vadd.f32 v45, v7;
	v50 =	vld [tilespmem:s17+$0x1F0]  }
0x67e: {  	v24 =	vld [tilespmem:s14+$0x2F0];
	v0 =	vadd.f32 v2, v0;
	v6 =	vadd.f32 v46, v6  }
0x67f: {  	v4 =	vadd.f32 v47, v5;
	v52 =	vld [tilespmem:s17+$0x270]  }
0x680: {  	v25 =	vld [tilespmem:s14+$0x370];
	v0 =	vadd.f32 v1, v0;
	v6 =	vadd.f32 v48, v6  }
0x681: {  	v3 =	vadd.f32 v49, v4;
	v54 =	vld [tilespmem:s17+$0x2F0]  }
0x682: {  	v57 =	vld [tilespmem:s15+$0x3F0];
	v0 =	vadd.f32 v63, v0;
	v6 =	vadd.f32 v50, v6  }
0x683: {  	v2 =	vadd.f32 v51, v3;
	v56 =	vld [tilespmem:s17+$0x370]  }
0x684: {  	v59 =	vld [tilespmem:s15+$0x470];
	v0 =	vadd.f32 v24, v0;
	v5 =	vadd.f32 v52, v6  }
0x685: {  	v1 =	vadd.f32 v53, v2;
	v58 =	vld [tilespmem:s17+$0x3F0]  }
0x686: {  	v28 =	vld [tilespmem:s14+$0x4F0];
	v0 =	vadd.f32 v25, v0;
	v4 =	vadd.f32 v54, v5  }
0x687: {  	v1 =	vadd.f32 v55, v1;
	v60 =	vld [tilespmem:s17+$0x470]  }
0x688: {  	v61 =	vld [tilespmem:s15+$0x4F0];
	v0 =	vadd.f32 v26, v0;
	v3 =	vadd.f32 v56, v4  }
0x689: {  	v1 =	vadd.f32 v57, v1;
	v62 =	vld [tilespmem:s17+$0x4F0]  }
0x68a: {  	v0 =	vadd.f32 v27, v0;
	v2 =	vadd.f32 v58, v3  }
0x68b: {  	v1 =	vadd.f32 v59, v1  }
0x68c: {  	v0 =	vadd.f32 v28, v0;
	v2 =	vadd.f32 v60, v2  }
.Ltmp4:
0x68d: {  	v1 =	vadd.f32 v61, v1;
	(pc) =	sbr.rel @p1 .LBB2_8-.Ltmp4, $4  }
0x68e: {  	[tilespmem:s13+$0x19870] =	vst v0;
	v63 =	vadd.f32 v62, v2  }
0x68f: {  	[tilespmem:s16+$0x19870] =	vst v1  }
0x690: {  	s12 =	sadd.s32 $0x100, s12;
	[tilespmem:s18+$0x19870] =	vst v63  }
0x691: {  	[hbm4b:s12+s3] =	stream.linear.scatter [tilespmem:s1], [sflag:$0x4], $0x800, $0x38;
	[tilespmem:$0x1A000] =	vst v63  }
0x692: {  	s12 =	smul.u32 $0x1400, s11;
	_ =	sdelay $0x1  }
0x693: {  	s12 =	sshra.s32 s12, $0x2  }
0x694: {  	s13 =	sadd.s32 $0x780, s12  }
0x695: {  	[tilespmem:s19], [sflag:$0x2] =	stream.indirect.gather [hbm4b:s2+s8], $0x80, s13, s8, $0xb8;
	[tilespmem:$0x1A000] =	vst v63  }
0x696: {  	s18 =	sadd.s32 $0x800, s12  }
0x697: {  	[tilespmem:s21], [sflag:$0x2] =	stream.indirect.gather [hbm4b:s2+s8], $0x80, s18, s8, $0xb8;
	[tilespmem:$0x1A000] =	vst v63  }
0x698: {  	s20 =	sadd.s32 $0x880, s12  }
0x699: {  	[tilespmem:s23], [sflag:$0x2] =	stream.indirect.gather [hbm4b:s2+s8], $0x80, s20, s8, $0xb8;
	[tilespmem:$0x1A000] =	vst v63  }
.Ltmp5:
0x69a: {  	_ = 	snop;
	(pc) =	sbr.rel .LBB2_2-.Ltmp5, $4  }
0x69b: {  	s22 =	sadd.s32 $0x900, s12  }
0x69c: {  	[tilespmem:s25], [sflag:$0x2] =	stream.indirect.gather [hbm4b:s2+s8], $0x80, s22, s8, $0xb8;
	[tilespmem:$0x1A000] =	vst v63  }
0x69d: {  	s11 =	sadd.s32 $0x1, s11;
	s12 =	sadd.s32 $0x980, s12  }
0x69e: {  	[tilespmem:s28], [sflag:$0x2] =	stream.indirect.gather [hbm4b:s2+s8], $0x80, s12, s8, $0xb8;
	[tilespmem:$0x1A000] =	vst v63  }
.LBB2_9:
0x69f: {  	_ =	sfence.sel $0x180000  }
0x6a0: {  	[bflag:$0x0] =	sbarrier.arrive $0xFFFF  }
0x6a1: {  	_ =	strace $0x90000047  }
0x6a2: {  	s0 =	stileid.u32;
	[bflag:$0x2] =	sbarrier.arrive $0xFFFF  }
0x6a3: {  	p0 =	sne.s32 s0, $0x0;
	s0 =	rddreg [dreg:$0x3]  }
0x6a4: {  	s0 =	sadd.s32 @!p0 $0x100000, s0  }
0x6a5: {  	[sflag:s0] =	ssyncadd.tile.s32 @!p0 $0x1;
	_ =	shalt  }
.Lfunc_end2:
_tile_overlayer_lowered:
.L_overlay_start_2:
0x6a6: {  	(tag) =	ssettag $0x2  }
0x6a7: {  	s0 =	rddreg [dreg:$0x0];
	s2 =	stileid.u32  }
0x6a8: {  	s1 =	rddreg [dreg:$0x1];
	p0 =	sne.s32 s2, $0x0  }
0x6a9: {  	s3 =	rddreg [dreg:$0x2];
	[bflag:$0x3] =	sbarrier.arrive $0xFFFF;
	s2 =	simm.s32 @!p0 $0x1C05  }
0x6aa: {  	[timem:s3], [sflag:s2] =	dma.local @!p0 [hbm:s0], s1  }
0x6ab: {  	s0 =	simm.s32 @!p0 $0x5  }
0x6ac: {  	_ =	swait.ge @!p0 [sflag:s0], s1  }
0x6ad: {  	s1 =	ssub.s32 @!p0 $0x0, s1;
	[sflag:s0] =	ssyncset.done @!p0 $0x0  }
0x6ae: {  	[sflag:s0] =	ssyncadd.s32 @!p0 s1  }
0x6af: {  	[bflag:$0x3] =	sbarrier.arrive $0xFFFF  }
0x6b0: {  	_ =	shalt  }

</sc_bundles>
